<compile_context>
chip_gen: v7x
topology: tpu7x:2x2x1
jax: 0.10.2.dev20260603
libtpu: 0.0.44.dev20260713+nightly
codegen_flags: <defaults>
</compile_context>

<pallas_src>
import functools

import jax
import jax.numpy as jnp
from jax import lax
from jax.experimental import pallas as pl
from jax.experimental.pallas import tpu as pltpu
from jax.experimental.pallas import tpu_sc as plsc

F32 = jnp.float32

E, NS, ND, D, H = 160000, 50000, 10000, 128, 128

NC, NSUB = 2, 16
NW = NC * NSUB

CB = 128
NBLK = E // CB
SPLIT = 640
RB = 80
NRB = ND // RB
RJ = (NRB + NSUB - 1) // NSUB


def _silu(x):
    return x * jax.nn.sigmoid(x)


def _ln(y, g, b):
    m = jnp.mean(y, axis=-1, keepdims=True)
    v = jnp.mean((y - m) ** 2, axis=-1, keepdims=True)
    return (y - m) * lax.rsqrt(v + 1e-5) * g + b



def _srcmlp_body(x_ref, sw1_ref, sb1_ref, sw2_ref, sb2_ref, sg_ref,
                 sbeta_ref, go_ref):
    x = x_ref[...]
    h = _silu(jnp.dot(x, sw1_ref[...], preferred_element_type=F32)
              + sb1_ref[...])
    y = jnp.dot(h, sw2_ref[...], preferred_element_type=F32) + sb2_ref[...]
    go_ref[...] = x + _ln(y, sg_ref[...], sbeta_ref[...])


def _meshproj_body(x_ref, w1c_ref, mp_ref):
    mp_ref[...] = jnp.dot(x_ref[...], w1c_ref[...],
                          preferred_element_type=F32)


def _edge_body(g2m_ref, ga_ref, w1a_ref, b1_ref, w2_ref, b2_ref,
               g_ref, beta_ref, out_ref):
    x = (jnp.dot(g2m_ref[...], w1a_ref[...], preferred_element_type=F32)
         + ga_ref[...] + b1_ref[...])
    h = _silu(x)
    y = jnp.dot(h, w2_ref[...], preferred_element_type=F32) + b2_ref[...]
    out_ref[...] = _ln(y, g_ref[...], beta_ref[...])


def _dst_body(p0_ref, p1_ref, mesh_ref, dw1a_ref, dw1b_ref, db1_ref,
              dw2_ref, db2_ref, dg_ref, dbeta_ref, out_ref):
    p0 = p0_ref[...]
    p1 = p1_ref[...]
    agg = p0[0] + p0[1] + p1[0] + p1[1]
    mesh = mesh_ref[...]
    h = _silu(jnp.dot(agg, dw1a_ref[...], preferred_element_type=F32)
              + jnp.dot(mesh, dw1b_ref[...], preferred_element_type=F32)
              + db1_ref[...])
    y = jnp.dot(h, dw2_ref[...], preferred_element_type=F32) + db2_ref[...]
    out_ref[...] = mesh + _ln(y, dg_ref[...], dbeta_ref[...])


def _full(shape):
    nd = len(shape)
    return pl.BlockSpec(shape, lambda i: (0,) * nd)



def _sc_gather_body(blo, bhi, sidx_hbm, didx_hbm, gp_hbm, mp_hbm,
                    outg_hbm,
                    si0, di0, ga0, gb0, ii0, si1, di1, ga1, gb1, ii1,
                    sh,
                    smi0, smg0, smo0, smi1, smg1, smo1):
    c = lax.axis_index("c")
    s = lax.axis_index("s")
    wid = s * NC + c
    slots = ((si0, di0, ga0, gb0, ii0, smi0, smg0, smo0),
             (si1, di1, ga1, gb1, ii1, smi1, smg1, smo1))
    nblk = bhi - blo
    gj2 = (nblk + 2 * NW - 1) // (2 * NW)

    for sl in (0, 1):
        iiv = slots[sl][4]
        base = (sl * NSUB + s) * CB
        for k in range(CB // 16):
            iiv[pl.ds(k * 16, 16)] = lax.iota(jnp.int32, 16) + (base + 16 * k)

    def shreg(sl):
        return sh.at[pl.ds((sl * NSUB + s) * CB, CB)]

    def blk_of(q, sl):
        return (q * 2 + sl) * NW + wid

    def fire_idx(q, sl):
        siv, div, _, _, _, smi, _, _ = slots[sl]
        blk = blk_of(q, sl)

        @pl.when(blk < nblk)
        def _():
            base = (blo + blk) * CB
            pltpu.async_copy(sidx_hbm.at[pl.ds(base, CB)], siv, smi)
            pltpu.async_copy(didx_hbm.at[pl.ds(base, CB)], div, smi)

    fire_idx(0, 0)
    fire_idx(0, 1)

    def body(q, carry):
        for sl in (0, 1):
            siv, div, gav, gbv, iiv, smi, smg, smo = slots[sl]
            blk = blk_of(q, sl)
            prev = blk - 2 * NW

            @pl.when(jnp.logical_and(prev >= 0, prev < nblk))
            def _():
                pltpu.make_async_copy(shreg(sl), outg_hbm.at[pl.ds(0, CB)],
                                      smo).wait()

            @pl.when(blk < nblk)
            def _():
                pltpu.make_async_copy(sidx_hbm.at[pl.ds(0, CB)], siv,
                                      smi).wait()
                pltpu.make_async_copy(didx_hbm.at[pl.ds(0, CB)], div,
                                      smi).wait()
                pltpu.async_copy(gp_hbm.at[siv], gav, smg)
                pltpu.async_copy(mp_hbm.at[div], gbv, smg)

        for sl in (0, 1):
            siv, div, gav, gbv, iiv, smi, smg, smo = slots[sl]
            blk = blk_of(q, sl)

            @pl.when(blk < nblk)
            def _():
                base = blk * CB
                pltpu.make_async_copy(gp_hbm.at[siv], gav, smg).wait()
                pltpu.make_async_copy(mp_hbm.at[div], gbv, smg).wait()
                pltpu.sync_copy(gav, shreg(sl))
                pltpu.sync_copy(gbv, sh.at[iiv], add=True)
                pltpu.async_copy(shreg(sl), outg_hbm.at[pl.ds(base, CB)],
                                 smo)

            fire_idx(q + 1, sl)
        return carry

    lax.fori_loop(0, gj2, body, 0)

    for sl in (0, 1):
        siv, div, gav, gbv, iiv, smi, smg, smo = slots[sl]
        blk = blk_of(gj2 - 1, sl)

        @pl.when(blk < nblk)
        def _():
            pltpu.make_async_copy(shreg(sl), outg_hbm.at[pl.ds(0, CB)],
                                  smo).wait()


def _sc_scatter_body(blo, bhi, didx_hbm, ef_hbm, out_hbm,
                     idx0, rows0, idx1, rows1, zbuf_v, acc_sh, smf0, smf1):
    c = lax.axis_index("c")
    s = lax.axis_index("s")
    slots = ((idx0, rows0, smf0), (idx1, rows1, smf1))
    percore = (bhi - blo) // NC
    sj2 = (percore + 2 * NSUB - 1) // (2 * NSUB)

    zero = jnp.zeros((16,), F32)

    def zrow(r, carry):
        for k in range(8):
            zbuf_v[r, pl.ds(k * 16, 16)] = zero
        return carry

    lax.fori_loop(0, RB, zrow, 0)

    def zcopy(q, carry):
        rblk = q * NSUB + s

        @pl.when(rblk < NRB)
        def _():
            pltpu.sync_copy(zbuf_v, acc_sh.at[pl.ds(rblk * RB, RB)])

        return carry

    lax.fori_loop(0, RJ, zcopy, 0)
    plsc.subcore_barrier()

    def blk_of(q, sl):
        return (q * 2 + sl) * NSUB + s

    def fire_fetch(q, sl):
        idxv, rowsv, smf = slots[sl]
        t = blk_of(q, sl)

        @pl.when(t < percore)
        def _():
            local = c * percore + t
            pltpu.async_copy(
                didx_hbm.at[pl.ds((blo + local) * CB, CB)], idxv, smf)
            pltpu.async_copy(ef_hbm.at[pl.ds(local * CB, CB)], rowsv, smf)

    fire_fetch(0, 0)
    fire_fetch(0, 1)

    def body(q, carry):
        for sl in (0, 1):
            idxv, rowsv, smf = slots[sl]
            t = blk_of(q, sl)

            @pl.when(t < percore)
            def _():
                pltpu.make_async_copy(didx_hbm.at[pl.ds(0, CB)], idxv,
                                      smf).wait()
                pltpu.make_async_copy(ef_hbm.at[pl.ds(0, CB)], rowsv,
                                      smf).wait()
                pltpu.sync_copy(rowsv, acc_sh.at[idxv], add=True)

            fire_fetch(q + 1, sl)
        return carry

    lax.fori_loop(0, sj2, body, 0)
    plsc.subcore_barrier()

    def drain(q, carry):
        rblk = q * NSUB + s

        @pl.when(rblk < NRB)
        def _():
            pltpu.sync_copy(acc_sh.at[pl.ds(rblk * RB, RB)],
                            out_hbm.at[c].at[pl.ds(rblk * RB, RB)])

        return carry

    lax.fori_loop(0, RJ, drain, 0)



def kernel(g2m_efeat, grid_nfeat, mesh_nfeat, src_idx, dst_idx,
           edge_W1, edge_b1, edge_W2, edge_b2, edge_g, edge_beta,
           dst_W1, dst_b1, dst_W2, dst_b2, dst_g, dst_beta,
           src_W1, src_b1, src_W2, src_b2, src_g, src_beta):
    W1a, W1b, W1c = edge_W1[:D], edge_W1[D:2 * D], edge_W1[2 * D:]
    dW1a, dW1b = dst_W1[:D], dst_W1[D:]
    r2 = lambda v: v.reshape(1, D)

    GB = 2000
    grid_proj = pl.pallas_call(
        _meshproj_body,
        grid=(NS // GB,),
        in_specs=[pl.BlockSpec((GB, D), lambda i: (i, 0)), _full((D, H))],
        out_specs=pl.BlockSpec((GB, H), lambda i: (i, 0)),
        out_shape=jax.ShapeDtypeStruct((NS, H), F32),
    )(grid_nfeat, W1b)

    MB = 1000
    mesh_proj = pl.pallas_call(
        _meshproj_body,
        grid=(ND // MB,),
        in_specs=[pl.BlockSpec((MB, D), lambda i: (i, 0)), _full((D, H))],
        out_specs=pl.BlockSpec((MB, H), lambda i: (i, 0)),
        out_shape=jax.ShapeDtypeStruct((ND, H), F32),
    )(mesh_nfeat, W1c)

    mesh = plsc.VectorSubcoreMesh(core_axis_name="c", subcore_axis_name="s",
                                  num_cores=NC, num_subcores=NSUB)

    def gather_half(blo, bhi):
        n = (bhi - blo) * CB
        return pl.kernel(
            functools.partial(_sc_gather_body, blo, bhi),
            out_type=jax.ShapeDtypeStruct((n, H), F32),
            mesh=mesh,
            scratch_types=[pltpu.VMEM((CB,), jnp.int32),
                           pltpu.VMEM((CB,), jnp.int32),
                           pltpu.VMEM((CB, H), F32),
                           pltpu.VMEM((CB, H), F32),
                           pltpu.VMEM((CB,), jnp.int32),
                           pltpu.VMEM((CB,), jnp.int32),
                           pltpu.VMEM((CB,), jnp.int32),
                           pltpu.VMEM((CB, H), F32),
                           pltpu.VMEM((CB, H), F32),
                           pltpu.VMEM((CB,), jnp.int32),
                           pltpu.VMEM_SHARED((2 * NSUB * CB, H), F32)]
                          + [pltpu.SemaphoreType.DMA] * 6,
        )(src_idx, dst_idx, grid_proj, mesh_proj)

    EB = 1280

    def edge_half(blo, bhi, ga):
        n = (bhi - blo) * CB
        goff = blo * CB // EB
        return pl.pallas_call(
            _edge_body,
            grid=(n // EB,),
            in_specs=[pl.BlockSpec((EB, D), lambda i: (i + goff, 0)),
                      pl.BlockSpec((EB, H), lambda i: (i, 0)),
                      _full((D, H)), _full((1, H)), _full((H, D)),
                      _full((1, D)), _full((1, D)), _full((1, D))],
            out_specs=pl.BlockSpec((EB, D), lambda i: (i, 0)),
            out_shape=jax.ShapeDtypeStruct((n, D), F32),
        )(g2m_efeat, ga, W1a, r2(edge_b1), edge_W2, r2(edge_b2),
          r2(edge_g), r2(edge_beta))

    def scatter_half(blo, bhi, ef):
        return pl.kernel(
            functools.partial(_sc_scatter_body, blo, bhi),
            out_type=jax.ShapeDtypeStruct((NC, ND, D), F32),
            mesh=mesh,
            scratch_types=[pltpu.VMEM((CB,), jnp.int32),
                           pltpu.VMEM((CB, D), F32),
                           pltpu.VMEM((CB,), jnp.int32),
                           pltpu.VMEM((CB, D), F32),
                           pltpu.VMEM((RB, D), F32),
                           pltpu.VMEM_SHARED((ND, D), F32),
                           pltpu.SemaphoreType.DMA,
                           pltpu.SemaphoreType.DMA],
        )(dst_idx, ef)

    ga0 = gather_half(0, SPLIT)
    ga1 = gather_half(SPLIT, NBLK)
    grid_out = pl.pallas_call(
        _srcmlp_body,
        grid=(NS // GB,),
        in_specs=[pl.BlockSpec((GB, D), lambda i: (i, 0)),
                  _full((D, H)), _full((1, H)), _full((H, D)),
                  _full((1, D)), _full((1, D)), _full((1, D))],
        out_specs=pl.BlockSpec((GB, D), lambda i: (i, 0)),
        out_shape=jax.ShapeDtypeStruct((NS, D), F32),
    )(grid_nfeat, src_W1, r2(src_b1), src_W2, r2(src_b2),
      r2(src_g), r2(src_beta))
    ef0 = edge_half(0, SPLIT, ga0)
    ef1 = edge_half(SPLIT, NBLK, ga1)
    p0 = scatter_half(0, SPLIT, ef0)
    p1 = scatter_half(SPLIT, NBLK, ef1)

    DBK = 1000
    mesh_out = pl.pallas_call(
        _dst_body,
        grid=(ND // DBK,),
        in_specs=[pl.BlockSpec((NC, DBK, D), lambda i: (0, i, 0)),
                  pl.BlockSpec((NC, DBK, D), lambda i: (0, i, 0)),
                  pl.BlockSpec((DBK, D), lambda i: (i, 0)),
                  _full((D, H)), _full((D, H)), _full((1, H)),
                  _full((H, D)), _full((1, D)), _full((1, D)),
                  _full((1, D))],
        out_specs=pl.BlockSpec((DBK, D), lambda i: (i, 0)),
        out_shape=jax.ShapeDtypeStruct((ND, D), F32),
    )(p0, p1, mesh_nfeat, dW1a, dW1b, r2(dst_b1), dst_W2, r2(dst_b2),
      r2(dst_g), r2(dst_beta))

    return (grid_out, mesh_out)

# --- scband reference (transcript-rebuilt; emitter-appended) ---
"""Pipeline reference for scband-mesh-graph-encoder-59820304499050 (READ-ONLY COPY).

The authoritative reference and input builder live on the scoring server;
editing this copy changes nothing except your own understanding.
"""

import jax, jax.numpy as jnp
import numpy as np

E, NS, ND, D, H = 160000, 50000, 10000, 128, 128


def _silu(x):
    return x * jax.nn.sigmoid(x)


def _ln(x, g, b):
    m = jnp.mean(x, axis=-1, keepdims=True)
    v = jnp.var(x, axis=-1, keepdims=True)
    return (x - m) / jnp.sqrt(v + 1e-5) * g + b


def _mlp(x, W1, b1, W2, b2, g, beta):
    h = _silu(x @ W1 + b1)
    return _ln(h @ W2 + b2, g, beta)


def setup_inputs(seed: int = 0):
    key = jax.random.key(seed)
    ks = iter(jax.random.split(key, 30))
    inp = {}
    inp["g2m_efeat"] = jax.random.normal(next(ks), (E, D), dtype=jnp.float32)
    inp["grid_nfeat"] = jax.random.normal(next(ks), (NS, D), dtype=jnp.float32)
    inp["mesh_nfeat"] = jax.random.normal(next(ks), (ND, D), dtype=jnp.float32)
    inp["src_idx"] = jax.random.randint(next(ks), (E,), 0, NS, dtype=jnp.int32)
    inp["dst_idx"] = jax.random.randint(next(ks), (E,), 0, ND, dtype=jnp.int32)
    def lin(k, fi, fo):
        return jax.random.normal(k, (fi, fo), dtype=jnp.float32) / np.sqrt(fi)
    inp["edge_W1"] = lin(next(ks), 3 * D, H)
    inp["edge_b1"] = jnp.zeros((H,), jnp.float32)
    inp["edge_W2"] = lin(next(ks), H, D)
    inp["edge_b2"] = jnp.zeros((D,), jnp.float32)
    inp["edge_g"] = jnp.ones((D,), jnp.float32)
    inp["edge_beta"] = jnp.zeros((D,), jnp.float32)
    inp["dst_W1"] = lin(next(ks), 2 * D, H)
    inp["dst_b1"] = jnp.zeros((H,), jnp.float32)
    inp["dst_W2"] = lin(next(ks), H, D)
    inp["dst_b2"] = jnp.zeros((D,), jnp.float32)
    inp["dst_g"] = jnp.ones((D,), jnp.float32)
    inp["dst_beta"] = jnp.zeros((D,), jnp.float32)
    inp["src_W1"] = lin(next(ks), D, H)
    inp["src_b1"] = jnp.zeros((H,), jnp.float32)
    inp["src_W2"] = lin(next(ks), H, D)
    inp["src_b2"] = jnp.zeros((D,), jnp.float32)
    inp["src_g"] = jnp.ones((D,), jnp.float32)
    inp["src_beta"] = jnp.zeros((D,), jnp.float32)
    return inp


def reference(g2m_efeat, grid_nfeat, mesh_nfeat, src_idx, dst_idx,
              edge_W1, edge_b1, edge_W2, edge_b2, edge_g, edge_beta,
              dst_W1, dst_b1, dst_W2, dst_b2, dst_g, dst_beta,
              src_W1, src_b1, src_W2, src_b2, src_g, src_beta):
    # edge MLP on concat(edge, gathered src-node, gathered dst-node) feats
    e_in = jnp.concatenate([g2m_efeat, grid_nfeat[src_idx], mesh_nfeat[dst_idx]], axis=-1)
    efeat = _mlp(e_in, edge_W1, edge_b1, edge_W2, edge_b2, edge_g, edge_beta)
    # aggregate (scatter-add by dst mesh node) and concat
    agg = jax.ops.segment_sum(efeat, dst_idx, num_segments=ND)
    cat_feat = jnp.concatenate([agg, mesh_nfeat], axis=-1)
    mesh_out = mesh_nfeat + _mlp(cat_feat, dst_W1, dst_b1, dst_W2, dst_b2, dst_g, dst_beta)
    grid_out = grid_nfeat + _mlp(grid_nfeat, src_W1, src_b1, src_W2, src_b2, src_g, src_beta)
    return (grid_out, mesh_out)

if __name__ == "__main__":
    import jax
    _d = setup_inputs()
    print(jax.jit(kernel)(*tuple(_d.values())))

</pallas_src>

<mosaic_0001>
#map = affine_map<(d0, d1) -> (0)>
#map1 = affine_map<(d0, d1) -> (0, 0)>
module attributes {stable_mosaic.version = 14 : i64} {
  func.func @_sc_gather_body(%arg0: i32, %arg1: i32, %arg2: memref<160000xi32, #tpu.memory_space<hbm>>, %arg3: memref<160000xi32, #tpu.memory_space<hbm>>, %arg4: memref<50000x128xf32, #tpu.memory_space<hbm>>, %arg5: memref<10000x128xf32, #tpu.memory_space<hbm>>, %arg6: memref<81920x128xf32, #tpu.memory_space<hbm>>, %arg7: memref<128xi32, #tpu.memory_space<vmem>>, %arg8: memref<128xi32, #tpu.memory_space<vmem>>, %arg9: memref<128x128xf32, #tpu.memory_space<vmem>>, %arg10: memref<128x128xf32, #tpu.memory_space<vmem>>, %arg11: memref<128xi32, #tpu.memory_space<vmem>>, %arg12: memref<128xi32, #tpu.memory_space<vmem>>, %arg13: memref<128xi32, #tpu.memory_space<vmem>>, %arg14: memref<128x128xf32, #tpu.memory_space<vmem>>, %arg15: memref<128x128xf32, #tpu.memory_space<vmem>>, %arg16: memref<128xi32, #tpu.memory_space<vmem>>, %arg17: memref<4096x128xf32, #tpu.memory_space<vmem_shared>>, %arg18: memref<!tpu.dma_semaphore, #tpu.memory_space<semaphore_mem>>, %arg19: memref<!tpu.dma_semaphore, #tpu.memory_space<semaphore_mem>>, %arg20: memref<!tpu.dma_semaphore, #tpu.memory_space<semaphore_mem>>, %arg21: memref<!tpu.dma_semaphore, #tpu.memory_space<semaphore_mem>>, %arg22: memref<!tpu.dma_semaphore, #tpu.memory_space<semaphore_mem>>, %arg23: memref<!tpu.dma_semaphore, #tpu.memory_space<semaphore_mem>>) attributes {dimension_semantics = [#tpu.dimension_semantics<core_parallel>, #tpu.dimension_semantics<subcore_parallel>], iteration_bounds = array<i64: 2, 16>, scalar_prefetch = 0 : i64, scratch_operands = 17 : i64, tpu.core_type = #tpu.core_type<sc_vector_subcore>, window_params = [{transform_indices = #map}, {transform_indices = #map}, {transform_indices = #map1}, {transform_indices = #map1}, {transform_indices = #map1}]} {
    %mul3A = arith.constant 2 : i32
    %mul3A_0 = arith.muli %arg1, %mul3A : i32
    %add3A = arith.addi %mul3A_0, %arg0 : i32
    %add3A_1 = arith.constant 0 : i32
    %add3A_2 = arith.addi %add3A_1, %arg1 : i32
    %mul3A_3 = arith.constant 128 : i32
    %mul3A_4 = arith.muli %add3A_2, %mul3A_3 : i32
    %iota3A = tpu.iota {dimensions = array<i32: 0>} : vector<16xi32>
    %add3A_5 = arith.constant 0 : i32
    %add3A_6 = arith.addi %mul3A_4, %add3A_5 : i32
    %add3A_7 = vector.broadcast %add3A_6 : i32 to vector<16xi32>
    %add3A_8 = arith.addi %iota3A, %add3A_7 : vector<16xi32>
    %swap3A = arith.constant 0 : index
    %swap3A_9 = tpu.vector_load %arg11[%swap3A] {strides = array<i32>} : memref<128xi32, #tpu.memory_space<vmem>>, vector<16xi32>,
    %swap3A_10 = vector.shape_cast %swap3A_9 : vector<16xi32> to vector<16xi32>
    %swap3A_11 = vector.shape_cast %add3A_8 : vector<16xi32> to vector<16xi32>
    tpu.vector_store %arg11[%swap3A], %swap3A_11 {strides = array<i32>} : memref<128xi32, #tpu.memory_space<vmem>>, vector<16xi32>,
    %iota3A_12 = tpu.iota {dimensions = array<i32: 0>} : vector<16xi32>
    %add3A_13 = arith.constant 16 : i32
    %add3A_14 = arith.addi %mul3A_4, %add3A_13 : i32
    %add3A_15 = vector.broadcast %add3A_14 : i32 to vector<16xi32>
    %add3A_16 = arith.addi %iota3A_12, %add3A_15 : vector<16xi32>
    %swap3A_17 = arith.constant 16 : index
    %swap3A_18 = tpu.vector_load %arg11[%swap3A_17] {strides = array<i32>} : memref<128xi32, #tpu.memory_space<vmem>>, vector<16xi32>,
    %swap3A_19 = vector.shape_cast %swap3A_18 : vector<16xi32> to vector<16xi32>
    %swap3A_20 = vector.shape_cast %add3A_16 : vector<16xi32> to vector<16xi32>
    tpu.vector_store %arg11[%swap3A_17], %swap3A_20 {strides = array<i32>} : memref<128xi32, #tpu.memory_space<vmem>>, vector<16xi32>,
    %iota3A_21 = tpu.iota {dimensions = array<i32: 0>} : vector<16xi32>
    %add3A_22 = arith.constant 32 : i32
    %add3A_23 = arith.addi %mul3A_4, %add3A_22 : i32
    %add3A_24 = vector.broadcast %add3A_23 : i32 to vector<16xi32>
    %add3A_25 = arith.addi %iota3A_21, %add3A_24 : vector<16xi32>
    %swap3A_26 = arith.constant 32 : index
    %swap3A_27 = tpu.vector_load %arg11[%swap3A_26] {strides = array<i32>} : memref<128xi32, #tpu.memory_space<vmem>>, vector<16xi32>,
    %swap3A_28 = vector.shape_cast %swap3A_27 : vector<16xi32> to vector<16xi32>
    %swap3A_29 = vector.shape_cast %add3A_25 : vector<16xi32> to vector<16xi32>
    tpu.vector_store %arg11[%swap3A_26], %swap3A_29 {strides = array<i32>} : memref<128xi32, #tpu.memory_space<vmem>>, vector<16xi32>,
    %iota3A_30 = tpu.iota {dimensions = array<i32: 0>} : vector<16xi32>
    %add3A_31 = arith.constant 48 : i32
    %add3A_32 = arith.addi %mul3A_4, %add3A_31 : i32
    %add3A_33 = vector.broadcast %add3A_32 : i32 to vector<16xi32>
    %add3A_34 = arith.addi %iota3A_30, %add3A_33 : vector<16xi32>
    %swap3A_35 = arith.constant 48 : index
    %swap3A_36 = tpu.vector_load %arg11[%swap3A_35] {strides = array<i32>} : memref<128xi32, #tpu.memory_space<vmem>>, vector<16xi32>,
    %swap3A_37 = vector.shape_cast %swap3A_36 : vector<16xi32> to vector<16xi32>
    %swap3A_38 = vector.shape_cast %add3A_34 : vector<16xi32> to vector<16xi32>
    tpu.vector_store %arg11[%swap3A_35], %swap3A_38 {strides = array<i32>} : memref<128xi32, #tpu.memory_space<vmem>>, vector<16xi32>,
    %iota3A_39 = tpu.iota {dimensions = array<i32: 0>} : vector<16xi32>
    %add3A_40 = arith.constant 64 : i32
    %add3A_41 = arith.addi %mul3A_4, %add3A_40 : i32
    %add3A_42 = vector.broadcast %add3A_41 : i32 to vector<16xi32>
    %add3A_43 = arith.addi %iota3A_39, %add3A_42 : vector<16xi32>
    %swap3A_44 = arith.constant 64 : index
    %swap3A_45 = tpu.vector_load %arg11[%swap3A_44] {strides = array<i32>} : memref<128xi32, #tpu.memory_space<vmem>>, vector<16xi32>,
    %swap3A_46 = vector.shape_cast %swap3A_45 : vector<16xi32> to vector<16xi32>
    %swap3A_47 = vector.shape_cast %add3A_43 : vector<16xi32> to vector<16xi32>
    tpu.vector_store %arg11[%swap3A_44], %swap3A_47 {strides = array<i32>} : memref<128xi32, #tpu.memory_space<vmem>>, vector<16xi32>,
    %iota3A_48 = tpu.iota {dimensions = array<i32: 0>} : vector<16xi32>
    %add3A_49 = arith.constant 80 : i32
    %add3A_50 = arith.addi %mul3A_4, %add3A_49 : i32
    %add3A_51 = vector.broadcast %add3A_50 : i32 to vector<16xi32>
    %add3A_52 = arith.addi %iota3A_48, %add3A_51 : vector<16xi32>
    %swap3A_53 = arith.constant 80 : index
    %swap3A_54 = tpu.vector_load %arg11[%swap3A_53] {strides = array<i32>} : memref<128xi32, #tpu.memory_space<vmem>>, vector<16xi32>,
    %swap3A_55 = vector.shape_cast %swap3A_54 : vector<16xi32> to vector<16xi32>
    %swap3A_56 = vector.shape_cast %add3A_52 : vector<16xi32> to vector<16xi32>
    tpu.vector_store %arg11[%swap3A_53], %swap3A_56 {strides = array<i32>} : memref<128xi32, #tpu.memory_space<vmem>>, vector<16xi32>,
    %iota3A_57 = tpu.iota {dimensions = array<i32: 0>} : vector<16xi32>
    %add3A_58 = arith.constant 96 : i32
    %add3A_59 = arith.addi %mul3A_4, %add3A_58 : i32
    %add3A_60 = vector.broadcast %add3A_59 : i32 to vector<16xi32>
    %add3A_61 = arith.addi %iota3A_57, %add3A_60 : vector<16xi32>
    %swap3A_62 = arith.constant 96 : index
    %swap3A_63 = tpu.vector_load %arg11[%swap3A_62] {strides = array<i32>} : memref<128xi32, #tpu.memory_space<vmem>>, vector<16xi32>,
    %swap3A_64 = vector.shape_cast %swap3A_63 : vector<16xi32> to vector<16xi32>
    %swap3A_65 = vector.shape_cast %add3A_61 : vector<16xi32> to vector<16xi32>
    tpu.vector_store %arg11[%swap3A_62], %swap3A_65 {strides = array<i32>} : memref<128xi32, #tpu.memory_space<vmem>>, vector<16xi32>,
    %iota3A_66 = tpu.iota {dimensions = array<i32: 0>} : vector<16xi32>
    %add3A_67 = arith.constant 112 : i32
    %add3A_68 = arith.addi %mul3A_4, %add3A_67 : i32
    %add3A_69 = vector.broadcast %add3A_68 : i32 to vector<16xi32>
    %add3A_70 = arith.addi %iota3A_66, %add3A_69 : vector<16xi32>
    %swap3A_71 = arith.constant 112 : index
    %swap3A_72 = tpu.vector_load %arg11[%swap3A_71] {strides = array<i32>} : memref<128xi32, #tpu.memory_space<vmem>>, vector<16xi32>,
    %swap3A_73 = vector.shape_cast %swap3A_72 : vector<16xi32> to vector<16xi32>
    %swap3A_74 = vector.shape_cast %add3A_70 : vector<16xi32> to vector<16xi32>
    tpu.vector_store %arg11[%swap3A_71], %swap3A_74 {strides = array<i32>} : memref<128xi32, #tpu.memory_space<vmem>>, vector<16xi32>,
    %add3A_75 = arith.constant 16 : i32
    %add3A_76 = arith.addi %add3A_75, %arg1 : i32
    %mul3A_77 = arith.constant 128 : i32
    %mul3A_78 = arith.muli %add3A_76, %mul3A_77 : i32
    %iota3A_79 = tpu.iota {dimensions = array<i32: 0>} : vector<16xi32>
    %add3A_80 = arith.constant 0 : i32
    %add3A_81 = arith.addi %mul3A_78, %add3A_80 : i32
    %add3A_82 = vector.broadcast %add3A_81 : i32 to vector<16xi32>
    %add3A_83 = arith.addi %iota3A_79, %add3A_82 : vector<16xi32>
    %swap3A_84 = arith.constant 0 : index
    %swap3A_85 = tpu.vector_load %arg16[%swap3A_84] {strides = array<i32>} : memref<128xi32, #tpu.memory_space<vmem>>, vector<16xi32>,
    %swap3A_86 = vector.shape_cast %swap3A_85 : vector<16xi32> to vector<16xi32>
    %swap3A_87 = vector.shape_cast %add3A_83 : vector<16xi32> to vector<16xi32>
    tpu.vector_store %arg16[%swap3A_84], %swap3A_87 {strides = array<i32>} : memref<128xi32, #tpu.memory_space<vmem>>, vector<16xi32>,
    %iota3A_88 = tpu.iota {dimensions = array<i32: 0>} : vector<16xi32>
    %add3A_89 = arith.constant 16 : i32
    %add3A_90 = arith.addi %mul3A_78, %add3A_89 : i32
    %add3A_91 = vector.broadcast %add3A_90 : i32 to vector<16xi32>
    %add3A_92 = arith.addi %iota3A_88, %add3A_91 : vector<16xi32>
    %swap3A_93 = arith.constant 16 : index
    %swap3A_94 = tpu.vector_load %arg16[%swap3A_93] {strides = array<i32>} : memref<128xi32, #tpu.memory_space<vmem>>, vector<16xi32>,
    %swap3A_95 = vector.shape_cast %swap3A_94 : vector<16xi32> to vector<16xi32>
    %swap3A_96 = vector.shape_cast %add3A_92 : vector<16xi32> to vector<16xi32>
    tpu.vector_store %arg16[%swap3A_93], %swap3A_96 {strides = array<i32>} : memref<128xi32, #tpu.memory_space<vmem>>, vector<16xi32>,
    %iota3A_97 = tpu.iota {dimensions = array<i32: 0>} : vector<16xi32>
    %add3A_98 = arith.constant 32 : i32
    %add3A_99 = arith.addi %mul3A_78, %add3A_98 : i32
    %add3A_100 = vector.broadcast %add3A_99 : i32 to vector<16xi32>
    %add3A_101 = arith.addi %iota3A_97, %add3A_100 : vector<16xi32>
    %swap3A_102 = arith.constant 32 : index
    %swap3A_103 = tpu.vector_load %arg16[%swap3A_102] {strides = array<i32>} : memref<128xi32, #tpu.memory_space<vmem>>, vector<16xi32>,
    %swap3A_104 = vector.shape_cast %swap3A_103 : vector<16xi32> to vector<16xi32>
    %swap3A_105 = vector.shape_cast %add3A_101 : vector<16xi32> to vector<16xi32>
    tpu.vector_store %arg16[%swap3A_102], %swap3A_105 {strides = array<i32>} : memref<128xi32, #tpu.memory_space<vmem>>, vector<16xi32>,
    %iota3A_106 = tpu.iota {dimensions = array<i32: 0>} : vector<16xi32>
    %add3A_107 = arith.constant 48 : i32
    %add3A_108 = arith.addi %mul3A_78, %add3A_107 : i32
    %add3A_109 = vector.broadcast %add3A_108 : i32 to vector<16xi32>
    %add3A_110 = arith.addi %iota3A_106, %add3A_109 : vector<16xi32>
    %swap3A_111 = arith.constant 48 : index
    %swap3A_112 = tpu.vector_load %arg16[%swap3A_111] {strides = array<i32>} : memref<128xi32, #tpu.memory_space<vmem>>, vector<16xi32>,
    %swap3A_113 = vector.shape_cast %swap3A_112 : vector<16xi32> to vector<16xi32>
    %swap3A_114 = vector.shape_cast %add3A_110 : vector<16xi32> to vector<16xi32>
    tpu.vector_store %arg16[%swap3A_111], %swap3A_114 {strides = array<i32>} : memref<128xi32, #tpu.memory_space<vmem>>, vector<16xi32>,
    %iota3A_115 = tpu.iota {dimensions = array<i32: 0>} : vector<16xi32>
    %add3A_116 = arith.constant 64 : i32
    %add3A_117 = arith.addi %mul3A_78, %add3A_116 : i32
    %add3A_118 = vector.broadcast %add3A_117 : i32 to vector<16xi32>
    %add3A_119 = arith.addi %iota3A_115, %add3A_118 : vector<16xi32>
    %swap3A_120 = arith.constant 64 : index
    %swap3A_121 = tpu.vector_load %arg16[%swap3A_120] {strides = array<i32>} : memref<128xi32, #tpu.memory_space<vmem>>, vector<16xi32>,
    %swap3A_122 = vector.shape_cast %swap3A_121 : vector<16xi32> to vector<16xi32>
    %swap3A_123 = vector.shape_cast %add3A_119 : vector<16xi32> to vector<16xi32>
    tpu.vector_store %arg16[%swap3A_120], %swap3A_123 {strides = array<i32>} : memref<128xi32, #tpu.memory_space<vmem>>, vector<16xi32>,
    %iota3A_124 = tpu.iota {dimensions = array<i32: 0>} : vector<16xi32>
    %add3A_125 = arith.constant 80 : i32
    %add3A_126 = arith.addi %mul3A_78, %add3A_125 : i32
    %add3A_127 = vector.broadcast %add3A_126 : i32 to vector<16xi32>
    %add3A_128 = arith.addi %iota3A_124, %add3A_127 : vector<16xi32>
    %swap3A_129 = arith.constant 80 : index
    %swap3A_130 = tpu.vector_load %arg16[%swap3A_129] {strides = array<i32>} : memref<128xi32, #tpu.memory_space<vmem>>, vector<16xi32>,
    %swap3A_131 = vector.shape_cast %swap3A_130 : vector<16xi32> to vector<16xi32>
    %swap3A_132 = vector.shape_cast %add3A_128 : vector<16xi32> to vector<16xi32>
    tpu.vector_store %arg16[%swap3A_129], %swap3A_132 {strides = array<i32>} : memref<128xi32, #tpu.memory_space<vmem>>, vector<16xi32>,
    %iota3A_133 = tpu.iota {dimensions = array<i32: 0>} : vector<16xi32>
    %add3A_134 = arith.constant 96 : i32
    %add3A_135 = arith.addi %mul3A_78, %add3A_134 : i32
    %add3A_136 = vector.broadcast %add3A_135 : i32 to vector<16xi32>
    %add3A_137 = arith.addi %iota3A_133, %add3A_136 : vector<16xi32>
    %swap3A_138 = arith.constant 96 : index
    %swap3A_139 = tpu.vector_load %arg16[%swap3A_138] {strides = array<i32>} : memref<128xi32, #tpu.memory_space<vmem>>, vector<16xi32>,
    %swap3A_140 = vector.shape_cast %swap3A_139 : vector<16xi32> to vector<16xi32>
    %swap3A_141 = vector.shape_cast %add3A_137 : vector<16xi32> to vector<16xi32>
    tpu.vector_store %arg16[%swap3A_138], %swap3A_141 {strides = array<i32>} : memref<128xi32, #tpu.memory_space<vmem>>, vector<16xi32>,
    %iota3A_142 = tpu.iota {dimensions = array<i32: 0>} : vector<16xi32>
    %add3A_143 = arith.constant 112 : i32
    %add3A_144 = arith.addi %mul3A_78, %add3A_143 : i32
    %add3A_145 = vector.broadcast %add3A_144 : i32 to vector<16xi32>
    %add3A_146 = arith.addi %iota3A_142, %add3A_145 : vector<16xi32>
    %swap3A_147 = arith.constant 112 : index
    %swap3A_148 = tpu.vector_load %arg16[%swap3A_147] {strides = array<i32>} : memref<128xi32, #tpu.memory_space<vmem>>, vector<16xi32>,
    %swap3A_149 = vector.shape_cast %swap3A_148 : vector<16xi32> to vector<16xi32>
    %swap3A_150 = vector.shape_cast %add3A_146 : vector<16xi32> to vector<16xi32>
    tpu.vector_store %arg16[%swap3A_147], %swap3A_150 {strides = array<i32>} : memref<128xi32, #tpu.memory_space<vmem>>, vector<16xi32>,
    %add3A_151 = arith.constant 0 : i32
    %add3A_152 = arith.addi %add3A_151, %add3A : i32
    %lt3A = arith.constant 640 : i32
    %lt3A_153 = arith.cmpi slt, %add3A_152, %lt3A : i32
    %convert_element_type3A = arith.extui %lt3A_153 : i1 to i32
    %cond3A = arith.constant 0 : i32
    %cond3A_154 = arith.cmpi ne, %convert_element_type3A, %cond3A : i32
    scf.if %cond3A_154 {
      %add3A_181 = arith.constant 0 : i32
      %add3A_182 = arith.addi %add3A_181, %add3A_152 : i32
      %mul3A_183 = arith.constant 128 : i32
      %mul3A_184 = arith.muli %add3A_182, %mul3A_183 : i32
      %dma_start3A = tpu.memref_slice %arg2[%mul3A_184] : memref<160000xi32, #tpu.memory_space<hbm>> -> memref<128xi32, #tpu.memory_space<hbm>>
      %dma_start3A_185 = tpu.memref_slice %arg2[%mul3A_184] : memref<160000xi32, #tpu.memory_space<hbm>> -> memref<128xi32, #tpu.memory_space<hbm>>
      tpu.enqueue_dma source(%dma_start3A_185 : memref<128xi32, #tpu.memory_space<hbm>>) target(%arg7 : memref<128xi32, #tpu.memory_space<vmem>>) target_semaphore(%arg18 : memref<!tpu.dma_semaphore, #tpu.memory_space<semaphore_mem>>)
      %dma_start3A_186 = tpu.memref_slice %arg3[%mul3A_184] : memref<160000xi32, #tpu.memory_space<hbm>> -> memref<128xi32, #tpu.memory_space<hbm>>
      %dma_start3A_187 = tpu.memref_slice %arg3[%mul3A_184] : memref<160000xi32, #tpu.memory_space<hbm>> -> memref<128xi32, #tpu.memory_space<hbm>>
      tpu.enqueue_dma source(%dma_start3A_187 : memref<128xi32, #tpu.memory_space<hbm>>) target(%arg8 : memref<128xi32, #tpu.memory_space<vmem>>) target_semaphore(%arg18 : memref<!tpu.dma_semaphore, #tpu.memory_space<semaphore_mem>>)
    } else {
    }
    %add3A_155 = arith.constant 32 : i32
    %add3A_156 = arith.addi %add3A_155, %add3A : i32
    %lt3A_157 = arith.constant 640 : i32
    %lt3A_158 = arith.cmpi slt, %add3A_156, %lt3A_157 : i32
    %convert_element_type3A_159 = arith.extui %lt3A_158 : i1 to i32
    %cond3A_160 = arith.constant 0 : i32
    %cond3A_161 = arith.cmpi ne, %convert_element_type3A_159, %cond3A_160 : i32
    scf.if %cond3A_161 {
      %add3A_181 = arith.constant 0 : i32
      %add3A_182 = arith.addi %add3A_181, %add3A_156 : i32
      %mul3A_183 = arith.constant 128 : i32
      %mul3A_184 = arith.muli %add3A_182, %mul3A_183 : i32
      %dma_start3A = tpu.memref_slice %arg2[%mul3A_184] : memref<160000xi32, #tpu.memory_space<hbm>> -> memref<128xi32, #tpu.memory_space<hbm>>
      %dma_start3A_185 = tpu.memref_slice %arg2[%mul3A_184] : memref<160000xi32, #tpu.memory_space<hbm>> -> memref<128xi32, #tpu.memory_space<hbm>>
      tpu.enqueue_dma source(%dma_start3A_185 : memref<128xi32, #tpu.memory_space<hbm>>) target(%arg12 : memref<128xi32, #tpu.memory_space<vmem>>) target_semaphore(%arg21 : memref<!tpu.dma_semaphore, #tpu.memory_space<semaphore_mem>>)
      %dma_start3A_186 = tpu.memref_slice %arg3[%mul3A_184] : memref<160000xi32, #tpu.memory_space<hbm>> -> memref<128xi32, #tpu.memory_space<hbm>>
      %dma_start3A_187 = tpu.memref_slice %arg3[%mul3A_184] : memref<160000xi32, #tpu.memory_space<hbm>> -> memref<128xi32, #tpu.memory_space<hbm>>
      tpu.enqueue_dma source(%dma_start3A_187 : memref<128xi32, #tpu.memory_space<hbm>>) target(%arg13 : memref<128xi32, #tpu.memory_space<vmem>>) target_semaphore(%arg21 : memref<!tpu.dma_semaphore, #tpu.memory_space<semaphore_mem>>)
    } else {
    }
    %scan3A = arith.constant 0 : i32
    %scan3A_162 = arith.constant 0 : i32
    %scan3A_163 = arith.constant 10 : i32
    %scan3A_164 = arith.addi %scan3A_162, %scan3A_163 : i32
    %scan3A_165 = arith.constant 1 : i32
    scf.for %scan3A_181 = %scan3A_162 to %scan3A_164 step %scan3A_165  : i32 {
      %mul3A_182 = arith.constant 2 : i32
      %mul3A_183 = arith.muli %scan3A_181, %mul3A_182 : i32
      %add3A_184 = arith.constant 0 : i32
      %add3A_185 = arith.addi %mul3A_183, %add3A_184 : i32
      %mul3A_186 = arith.constant 32 : i32
      %mul3A_187 = arith.muli %add3A_185, %mul3A_186 : i32
      %add3A_188 = arith.addi %mul3A_187, %add3A : i32
      %sub3A = arith.constant 64 : i32
      %sub3A_189 = arith.subi %add3A_188, %sub3A : i32
      %ge3A = arith.constant 0 : i32
      %ge3A_190 = arith.cmpi sge, %sub3A_189, %ge3A : i32
      %lt3A_191 = arith.constant 640 : i32
      %lt3A_192 = arith.cmpi slt, %sub3A_189, %lt3A_191 : i32
      %and3A = arith.andi %ge3A_190, %lt3A_192 : i1
      %convert_element_type3A_193 = arith.extui %and3A : i1 to i32
      %cond3A_194 = arith.constant 0 : i32
      %cond3A_195 = arith.cmpi ne, %convert_element_type3A_193, %cond3A_194 : i32
      scf.if %cond3A_195 {
        %add3A_275 = arith.constant 0 : i32
        %add3A_276 = arith.addi %add3A_275, %arg1 : i32
        %mul3A_277 = arith.constant 128 : i32
        %mul3A_278 = arith.muli %add3A_276, %mul3A_277 : i32
        %dma_wait3A = arith.constant 0 : i32
        %dma_wait3A_279 = arith.constant 0 : i32
        %dma_wait3A_280 = tpu.memref_slice %arg6[%dma_wait3A, %dma_wait3A_279] : memref<81920x128xf32, #tpu.memory_space<hbm>> -> memref<128x128xf32, #tpu.memory_space<hbm>>
        %dma_wait3A_281 = arith.constant 0 : i32
        %dma_wait3A_282 = tpu.memref_slice %arg17[%mul3A_278, %dma_wait3A_281] : memref<4096x128xf32, #tpu.memory_space<vmem_shared>> -> memref<128x128xf32, #tpu.memory_space<vmem_shared>>
        tpu.wait_dma2 semaphore(%arg20 : memref<!tpu.dma_semaphore, #tpu.memory_space<semaphore_mem>>) src(%dma_wait3A_282 : memref<128x128xf32, #tpu.memory_space<vmem_shared>>) dst(%dma_wait3A_280 : memref<128x128xf32, #tpu.memory_space<hbm>>)
      } else {
      }
      %lt3A_196 = arith.constant 640 : i32
      %lt3A_197 = arith.cmpi slt, %add3A_188, %lt3A_196 : i32
      %convert_element_type3A_198 = arith.extui %lt3A_197 : i1 to i32
      %cond3A_199 = arith.constant 0 : i32
      %cond3A_200 = arith.cmpi ne, %convert_element_type3A_198, %cond3A_199 : i32
      scf.if %cond3A_200 {
        %dma_wait3A = arith.constant 0 : i32
        %dma_wait3A_275 = tpu.memref_slice %arg2[%dma_wait3A] : memref<160000xi32, #tpu.memory_space<hbm>> -> memref<128xi32, #tpu.memory_space<hbm>>
        %dma_wait3A_276 = arith.constant 0 : i32
        %dma_wait3A_277 = tpu.memref_slice %arg2[%dma_wait3A_276] : memref<160000xi32, #tpu.memory_space<hbm>> -> memref<128xi32, #tpu.memory_space<hbm>>
        tpu.wait_dma2 semaphore(%arg18 : memref<!tpu.dma_semaphore, #tpu.memory_space<semaphore_mem>>) src(%dma_wait3A_277 : memref<128xi32, #tpu.memory_space<hbm>>) dst(%arg7 : memref<128xi32, #tpu.memory_space<vmem>>)
        %dma_wait3A_278 = arith.constant 0 : i32
        %dma_wait3A_279 = tpu.memref_slice %arg3[%dma_wait3A_278] : memref<160000xi32, #tpu.memory_space<hbm>> -> memref<128xi32, #tpu.memory_space<hbm>>
        %dma_wait3A_280 = arith.constant 0 : i32
        %dma_wait3A_281 = tpu.memref_slice %arg3[%dma_wait3A_280] : memref<160000xi32, #tpu.memory_space<hbm>> -> memref<128xi32, #tpu.memory_space<hbm>>
        tpu.wait_dma2 semaphore(%arg18 : memref<!tpu.dma_semaphore, #tpu.memory_space<semaphore_mem>>) src(%dma_wait3A_281 : memref<128xi32, #tpu.memory_space<hbm>>) dst(%arg8 : memref<128xi32, #tpu.memory_space<vmem>>)
        %dma_start3A = arith.constant 0 : i32
        %dma_start3A_282 = arith.constant 0 : i32
        %dma_start3A_283 = tpu.memref_slice %arg4[%dma_start3A, %dma_start3A_282] : memref<50000x128xf32, #tpu.memory_space<hbm>> -> memref<50000x128xf32, #tpu.memory_space<hbm>>
        tpu.enqueue_indirect_dma source(%dma_start3A_283 : memref<50000x128xf32, #tpu.memory_space<hbm>>) target(%arg9 : memref<128x128xf32, #tpu.memory_space<vmem>>) offsets(%arg7 : memref<128xi32, #tpu.memory_space<vmem>>) semaphore(%arg19 : memref<!tpu.dma_semaphore, #tpu.memory_space<semaphore_mem>>)
        %dma_start3A_284 = arith.constant 0 : i32
        %dma_start3A_285 = arith.constant 0 : i32
        %dma_start3A_286 = tpu.memref_slice %arg5[%dma_start3A_284, %dma_start3A_285] : memref<10000x128xf32, #tpu.memory_space<hbm>> -> memref<10000x128xf32, #tpu.memory_space<hbm>>
        tpu.enqueue_indirect_dma source(%dma_start3A_286 : memref<10000x128xf32, #tpu.memory_space<hbm>>) target(%arg10 : memref<128x128xf32, #tpu.memory_space<vmem>>) offsets(%arg8 : memref<128xi32, #tpu.memory_space<vmem>>) semaphore(%arg19 : memref<!tpu.dma_semaphore, #tpu.memory_space<semaphore_mem>>)
      } else {
      }
      %mul3A_201 = arith.constant 2 : i32
      %mul3A_202 = arith.muli %scan3A_181, %mul3A_201 : i32
      %add3A_203 = arith.constant 1 : i32
      %add3A_204 = arith.addi %mul3A_202, %add3A_203 : i32
      %mul3A_205 = arith.constant 32 : i32
      %mul3A_206 = arith.muli %add3A_204, %mul3A_205 : i32
      %add3A_207 = arith.addi %mul3A_206, %add3A : i32
      %sub3A_208 = arith.constant 64 : i32
      %sub3A_209 = arith.subi %add3A_207, %sub3A_208 : i32
      %ge3A_210 = arith.constant 0 : i32
      %ge3A_211 = arith.cmpi sge, %sub3A_209, %ge3A_210 : i32
      %lt3A_212 = arith.constant 640 : i32
      %lt3A_213 = arith.cmpi slt, %sub3A_209, %lt3A_212 : i32
      %and3A_214 = arith.andi %ge3A_211, %lt3A_213 : i1
      %convert_element_type3A_215 = arith.extui %and3A_214 : i1 to i32
      %cond3A_216 = arith.constant 0 : i32
      %cond3A_217 = arith.cmpi ne, %convert_element_type3A_215, %cond3A_216 : i32
      scf.if %cond3A_217 {
        %add3A_275 = arith.constant 16 : i32
        %add3A_276 = arith.addi %add3A_275, %arg1 : i32
        %mul3A_277 = arith.constant 128 : i32
        %mul3A_278 = arith.muli %add3A_276, %mul3A_277 : i32
        %dma_wait3A = arith.constant 0 : i32
        %dma_wait3A_279 = arith.constant 0 : i32
        %dma_wait3A_280 = tpu.memref_slice %arg6[%dma_wait3A, %dma_wait3A_279] : memref<81920x128xf32, #tpu.memory_space<hbm>> -> memref<128x128xf32, #tpu.memory_space<hbm>>
        %dma_wait3A_281 = arith.constant 0 : i32
        %dma_wait3A_282 = tpu.memref_slice %arg17[%mul3A_278, %dma_wait3A_281] : memref<4096x128xf32, #tpu.memory_space<vmem_shared>> -> memref<128x128xf32, #tpu.memory_space<vmem_shared>>
        tpu.wait_dma2 semaphore(%arg23 : memref<!tpu.dma_semaphore, #tpu.memory_space<semaphore_mem>>) src(%dma_wait3A_282 : memref<128x128xf32, #tpu.memory_space<vmem_shared>>) dst(%dma_wait3A_280 : memref<128x128xf32, #tpu.memory_space<hbm>>)
      } else {
      }
      %lt3A_218 = arith.constant 640 : i32
      %lt3A_219 = arith.cmpi slt, %add3A_207, %lt3A_218 : i32
      %convert_element_type3A_220 = arith.extui %lt3A_219 : i1 to i32
      %cond3A_221 = arith.constant 0 : i32
      %cond3A_222 = arith.cmpi ne, %convert_element_type3A_220, %cond3A_221 : i32
      scf.if %cond3A_222 {
        %dma_wait3A = arith.constant 0 : i32
        %dma_wait3A_275 = tpu.memref_slice %arg2[%dma_wait3A] : memref<160000xi32, #tpu.memory_space<hbm>> -> memref<128xi32, #tpu.memory_space<hbm>>
        %dma_wait3A_276 = arith.constant 0 : i32
        %dma_wait3A_277 = tpu.memref_slice %arg2[%dma_wait3A_276] : memref<160000xi32, #tpu.memory_space<hbm>> -> memref<128xi32, #tpu.memory_space<hbm>>
        tpu.wait_dma2 semaphore(%arg21 : memref<!tpu.dma_semaphore, #tpu.memory_space<semaphore_mem>>) src(%dma_wait3A_277 : memref<128xi32, #tpu.memory_space<hbm>>) dst(%arg12 : memref<128xi32, #tpu.memory_space<vmem>>)
        %dma_wait3A_278 = arith.constant 0 : i32
        %dma_wait3A_279 = tpu.memref_slice %arg3[%dma_wait3A_278] : memref<160000xi32, #tpu.memory_space<hbm>> -> memref<128xi32, #tpu.memory_space<hbm>>
        %dma_wait3A_280 = arith.constant 0 : i32
        %dma_wait3A_281 = tpu.memref_slice %arg3[%dma_wait3A_280] : memref<160000xi32, #tpu.memory_space<hbm>> -> memref<128xi32, #tpu.memory_space<hbm>>
        tpu.wait_dma2 semaphore(%arg21 : memref<!tpu.dma_semaphore, #tpu.memory_space<semaphore_mem>>) src(%dma_wait3A_281 : memref<128xi32, #tpu.memory_space<hbm>>) dst(%arg13 : memref<128xi32, #tpu.memory_space<vmem>>)
        %dma_start3A = arith.constant 0 : i32
        %dma_start3A_282 = arith.constant 0 : i32
        %dma_start3A_283 = tpu.memref_slice %arg4[%dma_start3A, %dma_start3A_282] : memref<50000x128xf32, #tpu.memory_space<hbm>> -> memref<50000x128xf32, #tpu.memory_space<hbm>>
        tpu.enqueue_indirect_dma source(%dma_start3A_283 : memref<50000x128xf32, #tpu.memory_space<hbm>>) target(%arg14 : memref<128x128xf32, #tpu.memory_space<vmem>>) offsets(%arg12 : memref<128xi32, #tpu.memory_space<vmem>>) semaphore(%arg22 : memref<!tpu.dma_semaphore, #tpu.memory_space<semaphore_mem>>)
        %dma_start3A_284 = arith.constant 0 : i32
        %dma_start3A_285 = arith.constant 0 : i32
        %dma_start3A_286 = tpu.memref_slice %arg5[%dma_start3A_284, %dma_start3A_285] : memref<10000x128xf32, #tpu.memory_space<hbm>> -> memref<10000x128xf32, #tpu.memory_space<hbm>>
        tpu.enqueue_indirect_dma source(%dma_start3A_286 : memref<10000x128xf32, #tpu.memory_space<hbm>>) target(%arg15 : memref<128x128xf32, #tpu.memory_space<vmem>>) offsets(%arg13 : memref<128xi32, #tpu.memory_space<vmem>>) semaphore(%arg22 : memref<!tpu.dma_semaphore, #tpu.memory_space<semaphore_mem>>)
      } else {
      }
      %mul3A_223 = arith.constant 2 : i32
      %mul3A_224 = arith.muli %scan3A_181, %mul3A_223 : i32
      %add3A_225 = arith.constant 0 : i32
      %add3A_226 = arith.addi %mul3A_224, %add3A_225 : i32
      %mul3A_227 = arith.constant 32 : i32
      %mul3A_228 = arith.muli %add3A_226, %mul3A_227 : i32
      %add3A_229 = arith.addi %mul3A_228, %add3A : i32
      %lt3A_230 = arith.constant 640 : i32
      %lt3A_231 = arith.cmpi slt, %add3A_229, %lt3A_230 : i32
      %convert_element_type3A_232 = arith.extui %lt3A_231 : i1 to i32
      %cond3A_233 = arith.constant 0 : i32
      %cond3A_234 = arith.cmpi ne, %convert_element_type3A_232, %cond3A_233 : i32
      scf.if %cond3A_234 {
        %mul3A_275 = arith.constant 128 : i32
        %mul3A_276 = arith.muli %add3A_229, %mul3A_275 : i32
        %dma_wait3A = arith.constant 0 : i32
        %dma_wait3A_277 = arith.constant 0 : i32
        %dma_wait3A_278 = tpu.memref_slice %arg4[%dma_wait3A, %dma_wait3A_277] : memref<50000x128xf32, #tpu.memory_space<hbm>> -> memref<50000x128xf32, #tpu.memory_space<hbm>>
        tpu.wait_indirect_dma semaphore(%arg19 : memref<!tpu.dma_semaphore, #tpu.memory_space<semaphore_mem>>) src(%dma_wait3A_278 : memref<50000x128xf32, #tpu.memory_space<hbm>>) dst(%arg9 : memref<128x128xf32, #tpu.memory_space<vmem>>)
        %dma_wait3A_279 = arith.constant 0 : i32
        %dma_wait3A_280 = arith.constant 0 : i32
        %dma_wait3A_281 = tpu.memref_slice %arg5[%dma_wait3A_279, %dma_wait3A_280] : memref<10000x128xf32, #tpu.memory_space<hbm>> -> memref<10000x128xf32, #tpu.memory_space<hbm>>
        tpu.wait_indirect_dma semaphore(%arg19 : memref<!tpu.dma_semaphore, #tpu.memory_space<semaphore_mem>>) src(%dma_wait3A_281 : memref<10000x128xf32, #tpu.memory_space<hbm>>) dst(%arg10 : memref<128x128xf32, #tpu.memory_space<vmem>>)
        %add3A_282 = arith.constant 0 : i32
        %add3A_283 = arith.addi %add3A_282, %arg1 : i32
        %mul3A_284 = arith.constant 128 : i32
        %mul3A_285 = arith.muli %add3A_283, %mul3A_284 : i32
        "tpu.region"() ({
          %run_scoped3A = tpu.sem_alloc : memref<!tpu.dma_semaphore, #tpu.memory_space<semaphore_mem>>
          %dma_start3A_293 = arith.constant 0 : i32
          %dma_start3A_294 = tpu.memref_slice %arg17[%mul3A_285, %dma_start3A_293] : memref<4096x128xf32, #tpu.memory_space<vmem_shared>> -> memref<128x128xf32, #tpu.memory_space<vmem_shared>>
          %dma_start3A_295 = arith.constant 0 : i32
          %dma_start3A_296 = tpu.memref_slice %arg17[%mul3A_285, %dma_start3A_295] : memref<4096x128xf32, #tpu.memory_space<vmem_shared>> -> memref<128x128xf32, #tpu.memory_space<vmem_shared>>
          tpu.enqueue_dma source(%arg9 : memref<128x128xf32, #tpu.memory_space<vmem>>) target(%dma_start3A_296 : memref<128x128xf32, #tpu.memory_space<vmem_shared>>) target_semaphore(%run_scoped3A : memref<!tpu.dma_semaphore, #tpu.memory_space<semaphore_mem>>)
          %dma_wait3A_297 = arith.constant 0 : i32
          %dma_wait3A_298 = tpu.memref_slice %arg17[%mul3A_285, %dma_wait3A_297] : memref<4096x128xf32, #tpu.memory_space<vmem_shared>> -> memref<128x128xf32, #tpu.memory_space<vmem_shared>>
          %dma_wait3A_299 = arith.constant 0 : i32
          %dma_wait3A_300 = tpu.memref_slice %arg17[%mul3A_285, %dma_wait3A_299] : memref<4096x128xf32, #tpu.memory_space<vmem_shared>> -> memref<128x128xf32, #tpu.memory_space<vmem_shared>>
          tpu.wait_dma2 semaphore(%run_scoped3A : memref<!tpu.dma_semaphore, #tpu.memory_space<semaphore_mem>>) src(%arg9 : memref<128x128xf32, #tpu.memory_space<vmem>>) dst(%dma_wait3A_300 : memref<128x128xf32, #tpu.memory_space<vmem_shared>>)
          tpu.yield
        }) : () -> ()
        "tpu.region"() ({
          %run_scoped3A = tpu.sem_alloc : memref<!tpu.dma_semaphore, #tpu.memory_space<semaphore_mem>>
          %dma_start3A_293 = arith.constant 0 : i32
          %dma_start3A_294 = arith.constant 0 : i32
          %dma_start3A_295 = tpu.memref_slice %arg17[%dma_start3A_293, %dma_start3A_294] : memref<4096x128xf32, #tpu.memory_space<vmem_shared>> -> memref<4096x128xf32, #tpu.memory_space<vmem_shared>>
          tpu.enqueue_indirect_dma source(%arg10 : memref<128x128xf32, #tpu.memory_space<vmem>>) target(%dma_start3A_295 : memref<4096x128xf32, #tpu.memory_space<vmem_shared>>) offsets(%arg11 : memref<128xi32, #tpu.memory_space<vmem>>) semaphore(%run_scoped3A : memref<!tpu.dma_semaphore, #tpu.memory_space<semaphore_mem>>) {add = true}
          %dma_wait3A_296 = arith.constant 0 : i32
          %dma_wait3A_297 = arith.constant 0 : i32
          %dma_wait3A_298 = tpu.memref_slice %arg17[%dma_wait3A_296, %dma_wait3A_297] : memref<4096x128xf32, #tpu.memory_space<vmem_shared>> -> memref<4096x128xf32, #tpu.memory_space<vmem_shared>>
          tpu.wait_indirect_dma semaphore(%run_scoped3A : memref<!tpu.dma_semaphore, #tpu.memory_space<semaphore_mem>>) src(%arg10 : memref<128x128xf32, #tpu.memory_space<vmem>>) dst(%dma_wait3A_298 : memref<4096x128xf32, #tpu.memory_space<vmem_shared>>)
          tpu.yield
        }) : () -> ()
        %add3A_286 = arith.constant 0 : i32
        %add3A_287 = arith.addi %add3A_286, %arg1 : i32
        %mul3A_288 = arith.constant 128 : i32
        %mul3A_289 = arith.muli %add3A_287, %mul3A_288 : i32
        %dma_start3A = arith.constant 0 : i32
        %dma_start3A_290 = tpu.memref_slice %arg6[%mul3A_276, %dma_start3A] : memref<81920x128xf32, #tpu.memory_space<hbm>> -> memref<128x128xf32, #tpu.memory_space<hbm>>
        %dma_start3A_291 = arith.constant 0 : i32
        %dma_start3A_292 = tpu.memref_slice %arg17[%mul3A_289, %dma_start3A_291] : memref<4096x128xf32, #tpu.memory_space<vmem_shared>> -> memref<128x128xf32, #tpu.memory_space<vmem_shared>>
        tpu.enqueue_dma source(%dma_start3A_292 : memref<128x128xf32, #tpu.memory_space<vmem_shared>>) target(%dma_start3A_290 : memref<128x128xf32, #tpu.memory_space<hbm>>) target_semaphore(%arg20 : memref<!tpu.dma_semaphore, #tpu.memory_space<semaphore_mem>>)
      } else {
      }
      %add3A_235 = arith.constant 1 : i32
      %add3A_236 = arith.addi %scan3A_181, %add3A_235 : i32
      %mul3A_237 = arith.constant 2 : i32
      %mul3A_238 = arith.muli %add3A_236, %mul3A_237 : i32
      %add3A_239 = arith.constant 0 : i32
      %add3A_240 = arith.addi %mul3A_238, %add3A_239 : i32
      %mul3A_241 = arith.constant 32 : i32
      %mul3A_242 = arith.muli %add3A_240, %mul3A_241 : i32
      %add3A_243 = arith.addi %mul3A_242, %add3A : i32
      %lt3A_244 = arith.constant 640 : i32
      %lt3A_245 = arith.cmpi slt, %add3A_243, %lt3A_244 : i32
      %convert_element_type3A_246 = arith.extui %lt3A_245 : i1 to i32
      %cond3A_247 = arith.constant 0 : i32
      %cond3A_248 = arith.cmpi ne, %convert_element_type3A_246, %cond3A_247 : i32
      scf.if %cond3A_248 {
        %add3A_275 = arith.constant 0 : i32
        %add3A_276 = arith.addi %add3A_275, %add3A_243 : i32
        %mul3A_277 = arith.constant 128 : i32
        %mul3A_278 = arith.muli %add3A_276, %mul3A_277 : i32
        %dma_start3A = tpu.memref_slice %arg2[%mul3A_278] : memref<160000xi32, #tpu.memory_space<hbm>> -> memref<128xi32, #tpu.memory_space<hbm>>
        %dma_start3A_279 = tpu.memref_slice %arg2[%mul3A_278] : memref<160000xi32, #tpu.memory_space<hbm>> -> memref<128xi32, #tpu.memory_space<hbm>>
        tpu.enqueue_dma source(%dma_start3A_279 : memref<128xi32, #tpu.memory_space<hbm>>) target(%arg7 : memref<128xi32, #tpu.memory_space<vmem>>) target_semaphore(%arg18 : memref<!tpu.dma_semaphore, #tpu.memory_space<semaphore_mem>>)
        %dma_start3A_280 = tpu.memref_slice %arg3[%mul3A_278] : memref<160000xi32, #tpu.memory_space<hbm>> -> memref<128xi32, #tpu.memory_space<hbm>>
        %dma_start3A_281 = tpu.memref_slice %arg3[%mul3A_278] : memref<160000xi32, #tpu.memory_space<hbm>> -> memref<128xi32, #tpu.memory_space<hbm>>
        tpu.enqueue_dma source(%dma_start3A_281 : memref<128xi32, #tpu.memory_space<hbm>>) target(%arg8 : memref<128xi32, #tpu.memory_space<vmem>>) target_semaphore(%arg18 : memref<!tpu.dma_semaphore, #tpu.memory_space<semaphore_mem>>)
      } else {
      }
      %mul3A_249 = arith.constant 2 : i32
      %mul3A_250 = arith.muli %scan3A_181, %mul3A_249 : i32
      %add3A_251 = arith.constant 1 : i32
      %add3A_252 = arith.addi %mul3A_250, %add3A_251 : i32
      %mul3A_253 = arith.constant 32 : i32
      %mul3A_254 = arith.muli %add3A_252, %mul3A_253 : i32
      %add3A_255 = arith.addi %mul3A_254, %add3A : i32
      %lt3A_256 = arith.constant 640 : i32
      %lt3A_257 = arith.cmpi slt, %add3A_255, %lt3A_256 : i32
      %convert_element_type3A_258 = arith.extui %lt3A_257 : i1 to i32
      %cond3A_259 = arith.constant 0 : i32
      %cond3A_260 = arith.cmpi ne, %convert_element_type3A_258, %cond3A_259 : i32
      scf.if %cond3A_260 {
        %mul3A_275 = arith.constant 128 : i32
        %mul3A_276 = arith.muli %add3A_255, %mul3A_275 : i32
        %dma_wait3A = arith.constant 0 : i32
        %dma_wait3A_277 = arith.constant 0 : i32
        %dma_wait3A_278 = tpu.memref_slice %arg4[%dma_wait3A, %dma_wait3A_277] : memref<50000x128xf32, #tpu.memory_space<hbm>> -> memref<50000x128xf32, #tpu.memory_space<hbm>>
        tpu.wait_indirect_dma semaphore(%arg22 : memref<!tpu.dma_semaphore, #tpu.memory_space<semaphore_mem>>) src(%dma_wait3A_278 : memref<50000x128xf32, #tpu.memory_space<hbm>>) dst(%arg14 : memref<128x128xf32, #tpu.memory_space<vmem>>)
        %dma_wait3A_279 = arith.constant 0 : i32
        %dma_wait3A_280 = arith.constant 0 : i32
        %dma_wait3A_281 = tpu.memref_slice %arg5[%dma_wait3A_279, %dma_wait3A_280] : memref<10000x128xf32, #tpu.memory_space<hbm>> -> memref<10000x128xf32, #tpu.memory_space<hbm>>
        tpu.wait_indirect_dma semaphore(%arg22 : memref<!tpu.dma_semaphore, #tpu.memory_space<semaphore_mem>>) src(%dma_wait3A_281 : memref<10000x128xf32, #tpu.memory_space<hbm>>) dst(%arg15 : memref<128x128xf32, #tpu.memory_space<vmem>>)
        %add3A_282 = arith.constant 16 : i32
        %add3A_283 = arith.addi %add3A_282, %arg1 : i32
        %mul3A_284 = arith.constant 128 : i32
        %mul3A_285 = arith.muli %add3A_283, %mul3A_284 : i32
        "tpu.region"() ({
          %run_scoped3A = tpu.sem_alloc : memref<!tpu.dma_semaphore, #tpu.memory_space<semaphore_mem>>
          %dma_start3A_293 = arith.constant 0 : i32
          %dma_start3A_294 = tpu.memref_slice %arg17[%mul3A_285, %dma_start3A_293] : memref<4096x128xf32, #tpu.memory_space<vmem_shared>> -> memref<128x128xf32, #tpu.memory_space<vmem_shared>>
          %dma_start3A_295 = arith.constant 0 : i32
          %dma_start3A_296 = tpu.memref_slice %arg17[%mul3A_285, %dma_start3A_295] : memref<4096x128xf32, #tpu.memory_space<vmem_shared>> -> memref<128x128xf32, #tpu.memory_space<vmem_shared>>
          tpu.enqueue_dma source(%arg14 : memref<128x128xf32, #tpu.memory_space<vmem>>) target(%dma_start3A_296 : memref<128x128xf32, #tpu.memory_space<vmem_shared>>) target_semaphore(%run_scoped3A : memref<!tpu.dma_semaphore, #tpu.memory_space<semaphore_mem>>)
          %dma_wait3A_297 = arith.constant 0 : i32
          %dma_wait3A_298 = tpu.memref_slice %arg17[%mul3A_285, %dma_wait3A_297] : memref<4096x128xf32, #tpu.memory_space<vmem_shared>> -> memref<128x128xf32, #tpu.memory_space<vmem_shared>>
          %dma_wait3A_299 = arith.constant 0 : i32
          %dma_wait3A_300 = tpu.memref_slice %arg17[%mul3A_285, %dma_wait3A_299] : memref<4096x128xf32, #tpu.memory_space<vmem_shared>> -> memref<128x128xf32, #tpu.memory_space<vmem_shared>>
          tpu.wait_dma2 semaphore(%run_scoped3A : memref<!tpu.dma_semaphore, #tpu.memory_space<semaphore_mem>>) src(%arg14 : memref<128x128xf32, #tpu.memory_space<vmem>>) dst(%dma_wait3A_300 : memref<128x128xf32, #tpu.memory_space<vmem_shared>>)
          tpu.yield
        }) : () -> ()
        "tpu.region"() ({
          %run_scoped3A = tpu.sem_alloc : memref<!tpu.dma_semaphore, #tpu.memory_space<semaphore_mem>>
          %dma_start3A_293 = arith.constant 0 : i32
          %dma_start3A_294 = arith.constant 0 : i32
          %dma_start3A_295 = tpu.memref_slice %arg17[%dma_start3A_293, %dma_start3A_294] : memref<4096x128xf32, #tpu.memory_space<vmem_shared>> -> memref<4096x128xf32, #tpu.memory_space<vmem_shared>>
          tpu.enqueue_indirect_dma source(%arg15 : memref<128x128xf32, #tpu.memory_space<vmem>>) target(%dma_start3A_295 : memref<4096x128xf32, #tpu.memory_space<vmem_shared>>) offsets(%arg16 : memref<128xi32, #tpu.memory_space<vmem>>) semaphore(%run_scoped3A : memref<!tpu.dma_semaphore, #tpu.memory_space<semaphore_mem>>) {add = true}
          %dma_wait3A_296 = arith.constant 0 : i32
          %dma_wait3A_297 = arith.constant 0 : i32
          %dma_wait3A_298 = tpu.memref_slice %arg17[%dma_wait3A_296, %dma_wait3A_297] : memref<4096x128xf32, #tpu.memory_space<vmem_shared>> -> memref<4096x128xf32, #tpu.memory_space<vmem_shared>>
          tpu.wait_indirect_dma semaphore(%run_scoped3A : memref<!tpu.dma_semaphore, #tpu.memory_space<semaphore_mem>>) src(%arg15 : memref<128x128xf32, #tpu.memory_space<vmem>>) dst(%dma_wait3A_298 : memref<4096x128xf32, #tpu.memory_space<vmem_shared>>)
          tpu.yield
        }) : () -> ()
        %add3A_286 = arith.constant 16 : i32
        %add3A_287 = arith.addi %add3A_286, %arg1 : i32
        %mul3A_288 = arith.constant 128 : i32
        %mul3A_289 = arith.muli %add3A_287, %mul3A_288 : i32
        %dma_start3A = arith.constant 0 : i32
        %dma_start3A_290 = tpu.memref_slice %arg6[%mul3A_276, %dma_start3A] : memref<81920x128xf32, #tpu.memory_space<hbm>> -> memref<128x128xf32, #tpu.memory_space<hbm>>
        %dma_start3A_291 = arith.constant 0 : i32
        %dma_start3A_292 = tpu.memref_slice %arg17[%mul3A_289, %dma_start3A_291] : memref<4096x128xf32, #tpu.memory_space<vmem_shared>> -> memref<128x128xf32, #tpu.memory_space<vmem_shared>>
        tpu.enqueue_dma source(%dma_start3A_292 : memref<128x128xf32, #tpu.memory_space<vmem_shared>>) target(%dma_start3A_290 : memref<128x128xf32, #tpu.memory_space<hbm>>) target_semaphore(%arg23 : memref<!tpu.dma_semaphore, #tpu.memory_space<semaphore_mem>>)
      } else {
      }
      %add3A_261 = arith.constant 1 : i32
      %add3A_262 = arith.addi %scan3A_181, %add3A_261 : i32
      %mul3A_263 = arith.constant 2 : i32
      %mul3A_264 = arith.muli %add3A_262, %mul3A_263 : i32
      %add3A_265 = arith.constant 1 : i32
      %add3A_266 = arith.addi %mul3A_264, %add3A_265 : i32
      %mul3A_267 = arith.constant 32 : i32
      %mul3A_268 = arith.muli %add3A_266, %mul3A_267 : i32
      %add3A_269 = arith.addi %mul3A_268, %add3A : i32
      %lt3A_270 = arith.constant 640 : i32
      %lt3A_271 = arith.cmpi slt, %add3A_269, %lt3A_270 : i32
      %convert_element_type3A_272 = arith.extui %lt3A_271 : i1 to i32
      %cond3A_273 = arith.constant 0 : i32
      %cond3A_274 = arith.cmpi ne, %convert_element_type3A_272, %cond3A_273 : i32
      scf.if %cond3A_274 {
        %add3A_275 = arith.constant 0 : i32
        %add3A_276 = arith.addi %add3A_275, %add3A_269 : i32
        %mul3A_277 = arith.constant 128 : i32
        %mul3A_278 = arith.muli %add3A_276, %mul3A_277 : i32
        %dma_start3A = tpu.memref_slice %arg2[%mul3A_278] : memref<160000xi32, #tpu.memory_space<hbm>> -> memref<128xi32, #tpu.memory_space<hbm>>
        %dma_start3A_279 = tpu.memref_slice %arg2[%mul3A_278] : memref<160000xi32, #tpu.memory_space<hbm>> -> memref<128xi32, #tpu.memory_space<hbm>>
        tpu.enqueue_dma source(%dma_start3A_279 : memref<128xi32, #tpu.memory_space<hbm>>) target(%arg12 : memref<128xi32, #tpu.memory_space<vmem>>) target_semaphore(%arg21 : memref<!tpu.dma_semaphore, #tpu.memory_space<semaphore_mem>>)
        %dma_start3A_280 = tpu.memref_slice %arg3[%mul3A_278] : memref<160000xi32, #tpu.memory_space<hbm>> -> memref<128xi32, #tpu.memory_space<hbm>>
        %dma_start3A_281 = tpu.memref_slice %arg3[%mul3A_278] : memref<160000xi32, #tpu.memory_space<hbm>> -> memref<128xi32, #tpu.memory_space<hbm>>
        tpu.enqueue_dma source(%dma_start3A_281 : memref<128xi32, #tpu.memory_space<hbm>>) target(%arg13 : memref<128xi32, #tpu.memory_space<vmem>>) target_semaphore(%arg21 : memref<!tpu.dma_semaphore, #tpu.memory_space<semaphore_mem>>)
      } else {
      }
    }
    %scan3A_166 = arith.constant 10 : i32
    %add3A_167 = arith.constant 576 : i32
    %add3A_168 = arith.addi %add3A_167, %add3A : i32
    %lt3A_169 = arith.constant 640 : i32
    %lt3A_170 = arith.cmpi slt, %add3A_168, %lt3A_169 : i32
    %convert_element_type3A_171 = arith.extui %lt3A_170 : i1 to i32
    %cond3A_172 = arith.constant 0 : i32
    %cond3A_173 = arith.cmpi ne, %convert_element_type3A_171, %cond3A_172 : i32
    scf.if %cond3A_173 {
      %add3A_181 = arith.constant 0 : i32
      %add3A_182 = arith.addi %add3A_181, %arg1 : i32
      %mul3A_183 = arith.constant 128 : i32
      %mul3A_184 = arith.muli %add3A_182, %mul3A_183 : i32
      %dma_wait3A = arith.constant 0 : i32
      %dma_wait3A_185 = arith.constant 0 : i32
      %dma_wait3A_186 = tpu.memref_slice %arg6[%dma_wait3A, %dma_wait3A_185] : memref<81920x128xf32, #tpu.memory_space<hbm>> -> memref<128x128xf32, #tpu.memory_space<hbm>>
      %dma_wait3A_187 = arith.constant 0 : i32
      %dma_wait3A_188 = tpu.memref_slice %arg17[%mul3A_184, %dma_wait3A_187] : memref<4096x128xf32, #tpu.memory_space<vmem_shared>> -> memref<128x128xf32, #tpu.memory_space<vmem_shared>>
      tpu.wait_dma2 semaphore(%arg20 : memref<!tpu.dma_semaphore, #tpu.memory_space<semaphore_mem>>) src(%dma_wait3A_188 : memref<128x128xf32, #tpu.memory_space<vmem_shared>>) dst(%dma_wait3A_186 : memref<128x128xf32, #tpu.memory_space<hbm>>)
    } else {
    }
    %add3A_174 = arith.constant 608 : i32
    %add3A_175 = arith.addi %add3A_174, %add3A : i32
    %lt3A_176 = arith.constant 640 : i32
    %lt3A_177 = arith.cmpi slt, %add3A_175, %lt3A_176 : i32
    %convert_element_type3A_178 = arith.extui %lt3A_177 : i1 to i32
    %cond3A_179 = arith.constant 0 : i32
    %cond3A_180 = arith.cmpi ne, %convert_element_type3A_178, %cond3A_179 : i32
    scf.if %cond3A_180 {
      %add3A_181 = arith.constant 16 : i32
      %add3A_182 = arith.addi %add3A_181, %arg1 : i32
      %mul3A_183 = arith.constant 128 : i32
      %mul3A_184 = arith.muli %add3A_182, %mul3A_183 : i32
      %dma_wait3A = arith.constant 0 : i32
      %dma_wait3A_185 = arith.constant 0 : i32
      %dma_wait3A_186 = tpu.memref_slice %arg6[%dma_wait3A, %dma_wait3A_185] : memref<81920x128xf32, #tpu.memory_space<hbm>> -> memref<128x128xf32, #tpu.memory_space<hbm>>
      %dma_wait3A_187 = arith.constant 0 : i32
      %dma_wait3A_188 = tpu.memref_slice %arg17[%mul3A_184, %dma_wait3A_187] : memref<4096x128xf32, #tpu.memory_space<vmem_shared>> -> memref<128x128xf32, #tpu.memory_space<vmem_shared>>
      tpu.wait_dma2 semaphore(%arg23 : memref<!tpu.dma_semaphore, #tpu.memory_space<semaphore_mem>>) src(%dma_wait3A_188 : memref<128x128xf32, #tpu.memory_space<vmem_shared>>) dst(%dma_wait3A_186 : memref<128x128xf32, #tpu.memory_space<hbm>>)
    } else {
    }
    return
  }
}

#map = affine_map<(d0, d1) -> (0)>
#map1 = affine_map<(d0, d1) -> (0, 0)>
module attributes {stable_mosaic.version = 14 : i64} {
  func.func @_sc_gather_body(%arg0: i32, %arg1: i32, %arg2: memref<160000xi32, #tpu.memory_space<hbm>>, %arg3: memref<160000xi32, #tpu.memory_space<hbm>>, %arg4: memref<50000x128xf32, #tpu.memory_space<hbm>>, %arg5: memref<10000x128xf32, #tpu.memory_space<hbm>>, %arg6: memref<78080x128xf32, #tpu.memory_space<hbm>>, %arg7: memref<128xi32, #tpu.memory_space<vmem>>, %arg8: memref<128xi32, #tpu.memory_space<vmem>>, %arg9: memref<128x128xf32, #tpu.memory_space<vmem>>, %arg10: memref<128x128xf32, #tpu.memory_space<vmem>>, %arg11: memref<128xi32, #tpu.memory_space<vmem>>, %arg12: memref<128xi32, #tpu.memory_space<vmem>>, %arg13: memref<128xi32, #tpu.memory_space<vmem>>, %arg14: memref<128x128xf32, #tpu.memory_space<vmem>>, %arg15: memref<128x128xf32, #tpu.memory_space<vmem>>, %arg16: memref<128xi32, #tpu.memory_space<vmem>>, %arg17: memref<4096x128xf32, #tpu.memory_space<vmem_shared>>, %arg18: memref<!tpu.dma_semaphore, #tpu.memory_space<semaphore_mem>>, %arg19: memref<!tpu.dma_semaphore, #tpu.memory_space<semaphore_mem>>, %arg20: memref<!tpu.dma_semaphore, #tpu.memory_space<semaphore_mem>>, %arg21: memref<!tpu.dma_semaphore, #tpu.memory_space<semaphore_mem>>, %arg22: memref<!tpu.dma_semaphore, #tpu.memory_space<semaphore_mem>>, %arg23: memref<!tpu.dma_semaphore, #tpu.memory_space<semaphore_mem>>) attributes {dimension_semantics = [#tpu.dimension_semantics<core_parallel>, #tpu.dimension_semantics<subcore_parallel>], iteration_bounds = array<i64: 2, 16>, scalar_prefetch = 0 : i64, scratch_operands = 17 : i64, tpu.core_type = #tpu.core_type<sc_vector_subcore>, window_params = [{transform_indices = #map}, {transform_indices = #map}, {transform_indices = #map1}, {transform_indices = #map1}, {transform_indices = #map1}]} {
    %mul3A = arith.constant 2 : i32
    %mul3A_0 = arith.muli %arg1, %mul3A : i32
    %add3A = arith.addi %mul3A_0, %arg0 : i32
    %add3A_1 = arith.constant 0 : i32
    %add3A_2 = arith.addi %add3A_1, %arg1 : i32
    %mul3A_3 = arith.constant 128 : i32
    %mul3A_4 = arith.muli %add3A_2, %mul3A_3 : i32
    %iota3A = tpu.iota {dimensions = array<i32: 0>} : vector<16xi32>
    %add3A_5 = arith.constant 0 : i32
    %add3A_6 = arith.addi %mul3A_4, %add3A_5 : i32
    %add3A_7 = vector.broadcast %add3A_6 : i32 to vector<16xi32>
    %add3A_8 = arith.addi %iota3A, %add3A_7 : vector<16xi32>
    %swap3A = arith.constant 0 : index
    %swap3A_9 = tpu.vector_load %arg11[%swap3A] {strides = array<i32>} : memref<128xi32, #tpu.memory_space<vmem>>, vector<16xi32>,
    %swap3A_10 = vector.shape_cast %swap3A_9 : vector<16xi32> to vector<16xi32>
    %swap3A_11 = vector.shape_cast %add3A_8 : vector<16xi32> to vector<16xi32>
    tpu.vector_store %arg11[%swap3A], %swap3A_11 {strides = array<i32>} : memref<128xi32, #tpu.memory_space<vmem>>, vector<16xi32>,
    %iota3A_12 = tpu.iota {dimensions = array<i32: 0>} : vector<16xi32>
    %add3A_13 = arith.constant 16 : i32
    %add3A_14 = arith.addi %mul3A_4, %add3A_13 : i32
    %add3A_15 = vector.broadcast %add3A_14 : i32 to vector<16xi32>
    %add3A_16 = arith.addi %iota3A_12, %add3A_15 : vector<16xi32>
    %swap3A_17 = arith.constant 16 : index
    %swap3A_18 = tpu.vector_load %arg11[%swap3A_17] {strides = array<i32>} : memref<128xi32, #tpu.memory_space<vmem>>, vector<16xi32>,
    %swap3A_19 = vector.shape_cast %swap3A_18 : vector<16xi32> to vector<16xi32>
    %swap3A_20 = vector.shape_cast %add3A_16 : vector<16xi32> to vector<16xi32>
    tpu.vector_store %arg11[%swap3A_17], %swap3A_20 {strides = array<i32>} : memref<128xi32, #tpu.memory_space<vmem>>, vector<16xi32>,
    %iota3A_21 = tpu.iota {dimensions = array<i32: 0>} : vector<16xi32>
    %add3A_22 = arith.constant 32 : i32
    %add3A_23 = arith.addi %mul3A_4, %add3A_22 : i32
    %add3A_24 = vector.broadcast %add3A_23 : i32 to vector<16xi32>
    %add3A_25 = arith.addi %iota3A_21, %add3A_24 : vector<16xi32>
    %swap3A_26 = arith.constant 32 : index
    %swap3A_27 = tpu.vector_load %arg11[%swap3A_26] {strides = array<i32>} : memref<128xi32, #tpu.memory_space<vmem>>, vector<16xi32>,
    %swap3A_28 = vector.shape_cast %swap3A_27 : vector<16xi32> to vector<16xi32>
    %swap3A_29 = vector.shape_cast %add3A_25 : vector<16xi32> to vector<16xi32>
    tpu.vector_store %arg11[%swap3A_26], %swap3A_29 {strides = array<i32>} : memref<128xi32, #tpu.memory_space<vmem>>, vector<16xi32>,
    %iota3A_30 = tpu.iota {dimensions = array<i32: 0>} : vector<16xi32>
    %add3A_31 = arith.constant 48 : i32
    %add3A_32 = arith.addi %mul3A_4, %add3A_31 : i32
    %add3A_33 = vector.broadcast %add3A_32 : i32 to vector<16xi32>
    %add3A_34 = arith.addi %iota3A_30, %add3A_33 : vector<16xi32>
    %swap3A_35 = arith.constant 48 : index
    %swap3A_36 = tpu.vector_load %arg11[%swap3A_35] {strides = array<i32>} : memref<128xi32, #tpu.memory_space<vmem>>, vector<16xi32>,
    %swap3A_37 = vector.shape_cast %swap3A_36 : vector<16xi32> to vector<16xi32>
    %swap3A_38 = vector.shape_cast %add3A_34 : vector<16xi32> to vector<16xi32>
    tpu.vector_store %arg11[%swap3A_35], %swap3A_38 {strides = array<i32>} : memref<128xi32, #tpu.memory_space<vmem>>, vector<16xi32>,
    %iota3A_39 = tpu.iota {dimensions = array<i32: 0>} : vector<16xi32>
    %add3A_40 = arith.constant 64 : i32
    %add3A_41 = arith.addi %mul3A_4, %add3A_40 : i32
    %add3A_42 = vector.broadcast %add3A_41 : i32 to vector<16xi32>
    %add3A_43 = arith.addi %iota3A_39, %add3A_42 : vector<16xi32>
    %swap3A_44 = arith.constant 64 : index
    %swap3A_45 = tpu.vector_load %arg11[%swap3A_44] {strides = array<i32>} : memref<128xi32, #tpu.memory_space<vmem>>, vector<16xi32>,
    %swap3A_46 = vector.shape_cast %swap3A_45 : vector<16xi32> to vector<16xi32>
    %swap3A_47 = vector.shape_cast %add3A_43 : vector<16xi32> to vector<16xi32>
    tpu.vector_store %arg11[%swap3A_44], %swap3A_47 {strides = array<i32>} : memref<128xi32, #tpu.memory_space<vmem>>, vector<16xi32>,
    %iota3A_48 = tpu.iota {dimensions = array<i32: 0>} : vector<16xi32>
    %add3A_49 = arith.constant 80 : i32
    %add3A_50 = arith.addi %mul3A_4, %add3A_49 : i32
    %add3A_51 = vector.broadcast %add3A_50 : i32 to vector<16xi32>
    %add3A_52 = arith.addi %iota3A_48, %add3A_51 : vector<16xi32>
    %swap3A_53 = arith.constant 80 : index
    %swap3A_54 = tpu.vector_load %arg11[%swap3A_53] {strides = array<i32>} : memref<128xi32, #tpu.memory_space<vmem>>, vector<16xi32>,
    %swap3A_55 = vector.shape_cast %swap3A_54 : vector<16xi32> to vector<16xi32>
    %swap3A_56 = vector.shape_cast %add3A_52 : vector<16xi32> to vector<16xi32>
    tpu.vector_store %arg11[%swap3A_53], %swap3A_56 {strides = array<i32>} : memref<128xi32, #tpu.memory_space<vmem>>, vector<16xi32>,
    %iota3A_57 = tpu.iota {dimensions = array<i32: 0>} : vector<16xi32>
    %add3A_58 = arith.constant 96 : i32
    %add3A_59 = arith.addi %mul3A_4, %add3A_58 : i32
    %add3A_60 = vector.broadcast %add3A_59 : i32 to vector<16xi32>
    %add3A_61 = arith.addi %iota3A_57, %add3A_60 : vector<16xi32>
    %swap3A_62 = arith.constant 96 : index
    %swap3A_63 = tpu.vector_load %arg11[%swap3A_62] {strides = array<i32>} : memref<128xi32, #tpu.memory_space<vmem>>, vector<16xi32>,
    %swap3A_64 = vector.shape_cast %swap3A_63 : vector<16xi32> to vector<16xi32>
    %swap3A_65 = vector.shape_cast %add3A_61 : vector<16xi32> to vector<16xi32>
    tpu.vector_store %arg11[%swap3A_62], %swap3A_65 {strides = array<i32>} : memref<128xi32, #tpu.memory_space<vmem>>, vector<16xi32>,
    %iota3A_66 = tpu.iota {dimensions = array<i32: 0>} : vector<16xi32>
    %add3A_67 = arith.constant 112 : i32
    %add3A_68 = arith.addi %mul3A_4, %add3A_67 : i32
    %add3A_69 = vector.broadcast %add3A_68 : i32 to vector<16xi32>
    %add3A_70 = arith.addi %iota3A_66, %add3A_69 : vector<16xi32>
    %swap3A_71 = arith.constant 112 : index
    %swap3A_72 = tpu.vector_load %arg11[%swap3A_71] {strides = array<i32>} : memref<128xi32, #tpu.memory_space<vmem>>, vector<16xi32>,
    %swap3A_73 = vector.shape_cast %swap3A_72 : vector<16xi32> to vector<16xi32>
    %swap3A_74 = vector.shape_cast %add3A_70 : vector<16xi32> to vector<16xi32>
    tpu.vector_store %arg11[%swap3A_71], %swap3A_74 {strides = array<i32>} : memref<128xi32, #tpu.memory_space<vmem>>, vector<16xi32>,
    %add3A_75 = arith.constant 16 : i32
    %add3A_76 = arith.addi %add3A_75, %arg1 : i32
    %mul3A_77 = arith.constant 128 : i32
    %mul3A_78 = arith.muli %add3A_76, %mul3A_77 : i32
    %iota3A_79 = tpu.iota {dimensions = array<i32: 0>} : vector<16xi32>
    %add3A_80 = arith.constant 0 : i32
    %add3A_81 = arith.addi %mul3A_78, %add3A_80 : i32
    %add3A_82 = vector.broadcast %add3A_81 : i32 to vector<16xi32>
    %add3A_83 = arith.addi %iota3A_79, %add3A_82 : vector<16xi32>
    %swap3A_84 = arith.constant 0 : index
    %swap3A_85 = tpu.vector_load %arg16[%swap3A_84] {strides = array<i32>} : memref<128xi32, #tpu.memory_space<vmem>>, vector<16xi32>,
    %swap3A_86 = vector.shape_cast %swap3A_85 : vector<16xi32> to vector<16xi32>
    %swap3A_87 = vector.shape_cast %add3A_83 : vector<16xi32> to vector<16xi32>
    tpu.vector_store %arg16[%swap3A_84], %swap3A_87 {strides = array<i32>} : memref<128xi32, #tpu.memory_space<vmem>>, vector<16xi32>,
    %iota3A_88 = tpu.iota {dimensions = array<i32: 0>} : vector<16xi32>
    %add3A_89 = arith.constant 16 : i32
    %add3A_90 = arith.addi %mul3A_78, %add3A_89 : i32
    %add3A_91 = vector.broadcast %add3A_90 : i32 to vector<16xi32>
    %add3A_92 = arith.addi %iota3A_88, %add3A_91 : vector<16xi32>
    %swap3A_93 = arith.constant 16 : index
    %swap3A_94 = tpu.vector_load %arg16[%swap3A_93] {strides = array<i32>} : memref<128xi32, #tpu.memory_space<vmem>>, vector<16xi32>,
    %swap3A_95 = vector.shape_cast %swap3A_94 : vector<16xi32> to vector<16xi32>
    %swap3A_96 = vector.shape_cast %add3A_92 : vector<16xi32> to vector<16xi32>
    tpu.vector_store %arg16[%swap3A_93], %swap3A_96 {strides = array<i32>} : memref<128xi32, #tpu.memory_space<vmem>>, vector<16xi32>,
    %iota3A_97 = tpu.iota {dimensions = array<i32: 0>} : vector<16xi32>
    %add3A_98 = arith.constant 32 : i32
    %add3A_99 = arith.addi %mul3A_78, %add3A_98 : i32
    %add3A_100 = vector.broadcast %add3A_99 : i32 to vector<16xi32>
    %add3A_101 = arith.addi %iota3A_97, %add3A_100 : vector<16xi32>
    %swap3A_102 = arith.constant 32 : index
    %swap3A_103 = tpu.vector_load %arg16[%swap3A_102] {strides = array<i32>} : memref<128xi32, #tpu.memory_space<vmem>>, vector<16xi32>,
    %swap3A_104 = vector.shape_cast %swap3A_103 : vector<16xi32> to vector<16xi32>
    %swap3A_105 = vector.shape_cast %add3A_101 : vector<16xi32> to vector<16xi32>
    tpu.vector_store %arg16[%swap3A_102], %swap3A_105 {strides = array<i32>} : memref<128xi32, #tpu.memory_space<vmem>>, vector<16xi32>,
    %iota3A_106 = tpu.iota {dimensions = array<i32: 0>} : vector<16xi32>
    %add3A_107 = arith.constant 48 : i32
    %add3A_108 = arith.addi %mul3A_78, %add3A_107 : i32
    %add3A_109 = vector.broadcast %add3A_108 : i32 to vector<16xi32>
    %add3A_110 = arith.addi %iota3A_106, %add3A_109 : vector<16xi32>
    %swap3A_111 = arith.constant 48 : index
    %swap3A_112 = tpu.vector_load %arg16[%swap3A_111] {strides = array<i32>} : memref<128xi32, #tpu.memory_space<vmem>>, vector<16xi32>,
    %swap3A_113 = vector.shape_cast %swap3A_112 : vector<16xi32> to vector<16xi32>
    %swap3A_114 = vector.shape_cast %add3A_110 : vector<16xi32> to vector<16xi32>
    tpu.vector_store %arg16[%swap3A_111], %swap3A_114 {strides = array<i32>} : memref<128xi32, #tpu.memory_space<vmem>>, vector<16xi32>,
    %iota3A_115 = tpu.iota {dimensions = array<i32: 0>} : vector<16xi32>
    %add3A_116 = arith.constant 64 : i32
    %add3A_117 = arith.addi %mul3A_78, %add3A_116 : i32
    %add3A_118 = vector.broadcast %add3A_117 : i32 to vector<16xi32>
    %add3A_119 = arith.addi %iota3A_115, %add3A_118 : vector<16xi32>
    %swap3A_120 = arith.constant 64 : index
    %swap3A_121 = tpu.vector_load %arg16[%swap3A_120] {strides = array<i32>} : memref<128xi32, #tpu.memory_space<vmem>>, vector<16xi32>,
    %swap3A_122 = vector.shape_cast %swap3A_121 : vector<16xi32> to vector<16xi32>
    %swap3A_123 = vector.shape_cast %add3A_119 : vector<16xi32> to vector<16xi32>
    tpu.vector_store %arg16[%swap3A_120], %swap3A_123 {strides = array<i32>} : memref<128xi32, #tpu.memory_space<vmem>>, vector<16xi32>,
    %iota3A_124 = tpu.iota {dimensions = array<i32: 0>} : vector<16xi32>
    %add3A_125 = arith.constant 80 : i32
    %add3A_126 = arith.addi %mul3A_78, %add3A_125 : i32
    %add3A_127 = vector.broadcast %add3A_126 : i32 to vector<16xi32>
    %add3A_128 = arith.addi %iota3A_124, %add3A_127 : vector<16xi32>
    %swap3A_129 = arith.constant 80 : index
    %swap3A_130 = tpu.vector_load %arg16[%swap3A_129] {strides = array<i32>} : memref<128xi32, #tpu.memory_space<vmem>>, vector<16xi32>,
    %swap3A_131 = vector.shape_cast %swap3A_130 : vector<16xi32> to vector<16xi32>
    %swap3A_132 = vector.shape_cast %add3A_128 : vector<16xi32> to vector<16xi32>
    tpu.vector_store %arg16[%swap3A_129], %swap3A_132 {strides = array<i32>} : memref<128xi32, #tpu.memory_space<vmem>>, vector<16xi32>,
    %iota3A_133 = tpu.iota {dimensions = array<i32: 0>} : vector<16xi32>
    %add3A_134 = arith.constant 96 : i32
    %add3A_135 = arith.addi %mul3A_78, %add3A_134 : i32
    %add3A_136 = vector.broadcast %add3A_135 : i32 to vector<16xi32>
    %add3A_137 = arith.addi %iota3A_133, %add3A_136 : vector<16xi32>
    %swap3A_138 = arith.constant 96 : index
    %swap3A_139 = tpu.vector_load %arg16[%swap3A_138] {strides = array<i32>} : memref<128xi32, #tpu.memory_space<vmem>>, vector<16xi32>,
    %swap3A_140 = vector.shape_cast %swap3A_139 : vector<16xi32> to vector<16xi32>
    %swap3A_141 = vector.shape_cast %add3A_137 : vector<16xi32> to vector<16xi32>
    tpu.vector_store %arg16[%swap3A_138], %swap3A_141 {strides = array<i32>} : memref<128xi32, #tpu.memory_space<vmem>>, vector<16xi32>,
    %iota3A_142 = tpu.iota {dimensions = array<i32: 0>} : vector<16xi32>
    %add3A_143 = arith.constant 112 : i32
    %add3A_144 = arith.addi %mul3A_78, %add3A_143 : i32
    %add3A_145 = vector.broadcast %add3A_144 : i32 to vector<16xi32>
    %add3A_146 = arith.addi %iota3A_142, %add3A_145 : vector<16xi32>
    %swap3A_147 = arith.constant 112 : index
    %swap3A_148 = tpu.vector_load %arg16[%swap3A_147] {strides = array<i32>} : memref<128xi32, #tpu.memory_space<vmem>>, vector<16xi32>,
    %swap3A_149 = vector.shape_cast %swap3A_148 : vector<16xi32> to vector<16xi32>
    %swap3A_150 = vector.shape_cast %add3A_146 : vector<16xi32> to vector<16xi32>
    tpu.vector_store %arg16[%swap3A_147], %swap3A_150 {strides = array<i32>} : memref<128xi32, #tpu.memory_space<vmem>>, vector<16xi32>,
    %add3A_151 = arith.constant 0 : i32
    %add3A_152 = arith.addi %add3A_151, %add3A : i32
    %lt3A = arith.constant 610 : i32
    %lt3A_153 = arith.cmpi slt, %add3A_152, %lt3A : i32
    %convert_element_type3A = arith.extui %lt3A_153 : i1 to i32
    %cond3A = arith.constant 0 : i32
    %cond3A_154 = arith.cmpi ne, %convert_element_type3A, %cond3A : i32
    scf.if %cond3A_154 {
      %add3A_181 = arith.constant 640 : i32
      %add3A_182 = arith.addi %add3A_181, %add3A_152 : i32
      %mul3A_183 = arith.constant 128 : i32
      %mul3A_184 = arith.muli %add3A_182, %mul3A_183 : i32
      %dma_start3A = tpu.memref_slice %arg2[%mul3A_184] : memref<160000xi32, #tpu.memory_space<hbm>> -> memref<128xi32, #tpu.memory_space<hbm>>
      %dma_start3A_185 = tpu.memref_slice %arg2[%mul3A_184] : memref<160000xi32, #tpu.memory_space<hbm>> -> memref<128xi32, #tpu.memory_space<hbm>>
      tpu.enqueue_dma source(%dma_start3A_185 : memref<128xi32, #tpu.memory_space<hbm>>) target(%arg7 : memref<128xi32, #tpu.memory_space<vmem>>) target_semaphore(%arg18 : memref<!tpu.dma_semaphore, #tpu.memory_space<semaphore_mem>>)
      %dma_start3A_186 = tpu.memref_slice %arg3[%mul3A_184] : memref<160000xi32, #tpu.memory_space<hbm>> -> memref<128xi32, #tpu.memory_space<hbm>>
      %dma_start3A_187 = tpu.memref_slice %arg3[%mul3A_184] : memref<160000xi32, #tpu.memory_space<hbm>> -> memref<128xi32, #tpu.memory_space<hbm>>
      tpu.enqueue_dma source(%dma_start3A_187 : memref<128xi32, #tpu.memory_space<hbm>>) target(%arg8 : memref<128xi32, #tpu.memory_space<vmem>>) target_semaphore(%arg18 : memref<!tpu.dma_semaphore, #tpu.memory_space<semaphore_mem>>)
    } else {
    }
    %add3A_155 = arith.constant 32 : i32
    %add3A_156 = arith.addi %add3A_155, %add3A : i32
    %lt3A_157 = arith.constant 610 : i32
    %lt3A_158 = arith.cmpi slt, %add3A_156, %lt3A_157 : i32
    %convert_element_type3A_159 = arith.extui %lt3A_158 : i1 to i32
    %cond3A_160 = arith.constant 0 : i32
    %cond3A_161 = arith.cmpi ne, %convert_element_type3A_159, %cond3A_160 : i32
    scf.if %cond3A_161 {
      %add3A_181 = arith.constant 640 : i32
      %add3A_182 = arith.addi %add3A_181, %add3A_156 : i32
      %mul3A_183 = arith.constant 128 : i32
      %mul3A_184 = arith.muli %add3A_182, %mul3A_183 : i32
      %dma_start3A = tpu.memref_slice %arg2[%mul3A_184] : memref<160000xi32, #tpu.memory_space<hbm>> -> memref<128xi32, #tpu.memory_space<hbm>>
      %dma_start3A_185 = tpu.memref_slice %arg2[%mul3A_184] : memref<160000xi32, #tpu.memory_space<hbm>> -> memref<128xi32, #tpu.memory_space<hbm>>
      tpu.enqueue_dma source(%dma_start3A_185 : memref<128xi32, #tpu.memory_space<hbm>>) target(%arg12 : memref<128xi32, #tpu.memory_space<vmem>>) target_semaphore(%arg21 : memref<!tpu.dma_semaphore, #tpu.memory_space<semaphore_mem>>)
      %dma_start3A_186 = tpu.memref_slice %arg3[%mul3A_184] : memref<160000xi32, #tpu.memory_space<hbm>> -> memref<128xi32, #tpu.memory_space<hbm>>
      %dma_start3A_187 = tpu.memref_slice %arg3[%mul3A_184] : memref<160000xi32, #tpu.memory_space<hbm>> -> memref<128xi32, #tpu.memory_space<hbm>>
      tpu.enqueue_dma source(%dma_start3A_187 : memref<128xi32, #tpu.memory_space<hbm>>) target(%arg13 : memref<128xi32, #tpu.memory_space<vmem>>) target_semaphore(%arg21 : memref<!tpu.dma_semaphore, #tpu.memory_space<semaphore_mem>>)
    } else {
    }
    %scan3A = arith.constant 0 : i32
    %scan3A_162 = arith.constant 0 : i32
    %scan3A_163 = arith.constant 10 : i32
    %scan3A_164 = arith.addi %scan3A_162, %scan3A_163 : i32
    %scan3A_165 = arith.constant 1 : i32
    scf.for %scan3A_181 = %scan3A_162 to %scan3A_164 step %scan3A_165  : i32 {
      %mul3A_182 = arith.constant 2 : i32
      %mul3A_183 = arith.muli %scan3A_181, %mul3A_182 : i32
      %add3A_184 = arith.constant 0 : i32
      %add3A_185 = arith.addi %mul3A_183, %add3A_184 : i32
      %mul3A_186 = arith.constant 32 : i32
      %mul3A_187 = arith.muli %add3A_185, %mul3A_186 : i32
      %add3A_188 = arith.addi %mul3A_187, %add3A : i32
      %sub3A = arith.constant 64 : i32
      %sub3A_189 = arith.subi %add3A_188, %sub3A : i32
      %ge3A = arith.constant 0 : i32
      %ge3A_190 = arith.cmpi sge, %sub3A_189, %ge3A : i32
      %lt3A_191 = arith.constant 610 : i32
      %lt3A_192 = arith.cmpi slt, %sub3A_189, %lt3A_191 : i32
      %and3A = arith.andi %ge3A_190, %lt3A_192 : i1
      %convert_element_type3A_193 = arith.extui %and3A : i1 to i32
      %cond3A_194 = arith.constant 0 : i32
      %cond3A_195 = arith.cmpi ne, %convert_element_type3A_193, %cond3A_194 : i32
      scf.if %cond3A_195 {
        %add3A_275 = arith.constant 0 : i32
        %add3A_276 = arith.addi %add3A_275, %arg1 : i32
        %mul3A_277 = arith.constant 128 : i32
        %mul3A_278 = arith.muli %add3A_276, %mul3A_277 : i32
        %dma_wait3A = arith.constant 0 : i32
        %dma_wait3A_279 = arith.constant 0 : i32
        %dma_wait3A_280 = tpu.memref_slice %arg6[%dma_wait3A, %dma_wait3A_279] : memref<78080x128xf32, #tpu.memory_space<hbm>> -> memref<128x128xf32, #tpu.memory_space<hbm>>
        %dma_wait3A_281 = arith.constant 0 : i32
        %dma_wait3A_282 = tpu.memref_slice %arg17[%mul3A_278, %dma_wait3A_281] : memref<4096x128xf32, #tpu.memory_space<vmem_shared>> -> memref<128x128xf32, #tpu.memory_space<vmem_shared>>
        tpu.wait_dma2 semaphore(%arg20 : memref<!tpu.dma_semaphore, #tpu.memory_space<semaphore_mem>>) src(%dma_wait3A_282 : memref<128x128xf32, #tpu.memory_space<vmem_shared>>) dst(%dma_wait3A_280 : memref<128x128xf32, #tpu.memory_space<hbm>>)
      } else {
      }
      %lt3A_196 = arith.constant 610 : i32
      %lt3A_197 = arith.cmpi slt, %add3A_188, %lt3A_196 : i32
      %convert_element_type3A_198 = arith.extui %lt3A_197 : i1 to i32
      %cond3A_199 = arith.constant 0 : i32
      %cond3A_200 = arith.cmpi ne, %convert_element_type3A_198, %cond3A_199 : i32
      scf.if %cond3A_200 {
        %dma_wait3A = arith.constant 0 : i32
        %dma_wait3A_275 = tpu.memref_slice %arg2[%dma_wait3A] : memref<160000xi32, #tpu.memory_space<hbm>> -> memref<128xi32, #tpu.memory_space<hbm>>
        %dma_wait3A_276 = arith.constant 0 : i32
        %dma_wait3A_277 = tpu.memref_slice %arg2[%dma_wait3A_276] : memref<160000xi32, #tpu.memory_space<hbm>> -> memref<128xi32, #tpu.memory_space<hbm>>
        tpu.wait_dma2 semaphore(%arg18 : memref<!tpu.dma_semaphore, #tpu.memory_space<semaphore_mem>>) src(%dma_wait3A_277 : memref<128xi32, #tpu.memory_space<hbm>>) dst(%arg7 : memref<128xi32, #tpu.memory_space<vmem>>)
        %dma_wait3A_278 = arith.constant 0 : i32
        %dma_wait3A_279 = tpu.memref_slice %arg3[%dma_wait3A_278] : memref<160000xi32, #tpu.memory_space<hbm>> -> memref<128xi32, #tpu.memory_space<hbm>>
        %dma_wait3A_280 = arith.constant 0 : i32
        %dma_wait3A_281 = tpu.memref_slice %arg3[%dma_wait3A_280] : memref<160000xi32, #tpu.memory_space<hbm>> -> memref<128xi32, #tpu.memory_space<hbm>>
        tpu.wait_dma2 semaphore(%arg18 : memref<!tpu.dma_semaphore, #tpu.memory_space<semaphore_mem>>) src(%dma_wait3A_281 : memref<128xi32, #tpu.memory_space<hbm>>) dst(%arg8 : memref<128xi32, #tpu.memory_space<vmem>>)
        %dma_start3A = arith.constant 0 : i32
        %dma_start3A_282 = arith.constant 0 : i32
        %dma_start3A_283 = tpu.memref_slice %arg4[%dma_start3A, %dma_start3A_282] : memref<50000x128xf32, #tpu.memory_space<hbm>> -> memref<50000x128xf32, #tpu.memory_space<hbm>>
        tpu.enqueue_indirect_dma source(%dma_start3A_283 : memref<50000x128xf32, #tpu.memory_space<hbm>>) target(%arg9 : memref<128x128xf32, #tpu.memory_space<vmem>>) offsets(%arg7 : memref<128xi32, #tpu.memory_space<vmem>>) semaphore(%arg19 : memref<!tpu.dma_semaphore, #tpu.memory_space<semaphore_mem>>)
        %dma_start3A_284 = arith.constant 0 : i32
        %dma_start3A_285 = arith.constant 0 : i32
        %dma_start3A_286 = tpu.memref_slice %arg5[%dma_start3A_284, %dma_start3A_285] : memref<10000x128xf32, #tpu.memory_space<hbm>> -> memref<10000x128xf32, #tpu.memory_space<hbm>>
        tpu.enqueue_indirect_dma source(%dma_start3A_286 : memref<10000x128xf32, #tpu.memory_space<hbm>>) target(%arg10 : memref<128x128xf32, #tpu.memory_space<vmem>>) offsets(%arg8 : memref<128xi32, #tpu.memory_space<vmem>>) semaphore(%arg19 : memref<!tpu.dma_semaphore, #tpu.memory_space<semaphore_mem>>)
      } else {
      }
      %mul3A_201 = arith.constant 2 : i32
      %mul3A_202 = arith.muli %scan3A_181, %mul3A_201 : i32
      %add3A_203 = arith.constant 1 : i32
      %add3A_204 = arith.addi %mul3A_202, %add3A_203 : i32
      %mul3A_205 = arith.constant 32 : i32
      %mul3A_206 = arith.muli %add3A_204, %mul3A_205 : i32
      %add3A_207 = arith.addi %mul3A_206, %add3A : i32
      %sub3A_208 = arith.constant 64 : i32
      %sub3A_209 = arith.subi %add3A_207, %sub3A_208 : i32
      %ge3A_210 = arith.constant 0 : i32
      %ge3A_211 = arith.cmpi sge, %sub3A_209, %ge3A_210 : i32
      %lt3A_212 = arith.constant 610 : i32
      %lt3A_213 = arith.cmpi slt, %sub3A_209, %lt3A_212 : i32
      %and3A_214 = arith.andi %ge3A_211, %lt3A_213 : i1
      %convert_element_type3A_215 = arith.extui %and3A_214 : i1 to i32
      %cond3A_216 = arith.constant 0 : i32
      %cond3A_217 = arith.cmpi ne, %convert_element_type3A_215, %cond3A_216 : i32
      scf.if %cond3A_217 {
        %add3A_275 = arith.constant 16 : i32
        %add3A_276 = arith.addi %add3A_275, %arg1 : i32
        %mul3A_277 = arith.constant 128 : i32
        %mul3A_278 = arith.muli %add3A_276, %mul3A_277 : i32
        %dma_wait3A = arith.constant 0 : i32
        %dma_wait3A_279 = arith.constant 0 : i32
        %dma_wait3A_280 = tpu.memref_slice %arg6[%dma_wait3A, %dma_wait3A_279] : memref<78080x128xf32, #tpu.memory_space<hbm>> -> memref<128x128xf32, #tpu.memory_space<hbm>>
        %dma_wait3A_281 = arith.constant 0 : i32
        %dma_wait3A_282 = tpu.memref_slice %arg17[%mul3A_278, %dma_wait3A_281] : memref<4096x128xf32, #tpu.memory_space<vmem_shared>> -> memref<128x128xf32, #tpu.memory_space<vmem_shared>>
        tpu.wait_dma2 semaphore(%arg23 : memref<!tpu.dma_semaphore, #tpu.memory_space<semaphore_mem>>) src(%dma_wait3A_282 : memref<128x128xf32, #tpu.memory_space<vmem_shared>>) dst(%dma_wait3A_280 : memref<128x128xf32, #tpu.memory_space<hbm>>)
      } else {
      }
      %lt3A_218 = arith.constant 610 : i32
      %lt3A_219 = arith.cmpi slt, %add3A_207, %lt3A_218 : i32
      %convert_element_type3A_220 = arith.extui %lt3A_219 : i1 to i32
      %cond3A_221 = arith.constant 0 : i32
      %cond3A_222 = arith.cmpi ne, %convert_element_type3A_220, %cond3A_221 : i32
      scf.if %cond3A_222 {
        %dma_wait3A = arith.constant 0 : i32
        %dma_wait3A_275 = tpu.memref_slice %arg2[%dma_wait3A] : memref<160000xi32, #tpu.memory_space<hbm>> -> memref<128xi32, #tpu.memory_space<hbm>>
        %dma_wait3A_276 = arith.constant 0 : i32
        %dma_wait3A_277 = tpu.memref_slice %arg2[%dma_wait3A_276] : memref<160000xi32, #tpu.memory_space<hbm>> -> memref<128xi32, #tpu.memory_space<hbm>>
        tpu.wait_dma2 semaphore(%arg21 : memref<!tpu.dma_semaphore, #tpu.memory_space<semaphore_mem>>) src(%dma_wait3A_277 : memref<128xi32, #tpu.memory_space<hbm>>) dst(%arg12 : memref<128xi32, #tpu.memory_space<vmem>>)
        %dma_wait3A_278 = arith.constant 0 : i32
        %dma_wait3A_279 = tpu.memref_slice %arg3[%dma_wait3A_278] : memref<160000xi32, #tpu.memory_space<hbm>> -> memref<128xi32, #tpu.memory_space<hbm>>
        %dma_wait3A_280 = arith.constant 0 : i32
        %dma_wait3A_281 = tpu.memref_slice %arg3[%dma_wait3A_280] : memref<160000xi32, #tpu.memory_space<hbm>> -> memref<128xi32, #tpu.memory_space<hbm>>
        tpu.wait_dma2 semaphore(%arg21 : memref<!tpu.dma_semaphore, #tpu.memory_space<semaphore_mem>>) src(%dma_wait3A_281 : memref<128xi32, #tpu.memory_space<hbm>>) dst(%arg13 : memref<128xi32, #tpu.memory_space<vmem>>)
        %dma_start3A = arith.constant 0 : i32
        %dma_start3A_282 = arith.constant 0 : i32
        %dma_start3A_283 = tpu.memref_slice %arg4[%dma_start3A, %dma_start3A_282] : memref<50000x128xf32, #tpu.memory_space<hbm>> -> memref<50000x128xf32, #tpu.memory_space<hbm>>
        tpu.enqueue_indirect_dma source(%dma_start3A_283 : memref<50000x128xf32, #tpu.memory_space<hbm>>) target(%arg14 : memref<128x128xf32, #tpu.memory_space<vmem>>) offsets(%arg12 : memref<128xi32, #tpu.memory_space<vmem>>) semaphore(%arg22 : memref<!tpu.dma_semaphore, #tpu.memory_space<semaphore_mem>>)
        %dma_start3A_284 = arith.constant 0 : i32
        %dma_start3A_285 = arith.constant 0 : i32
        %dma_start3A_286 = tpu.memref_slice %arg5[%dma_start3A_284, %dma_start3A_285] : memref<10000x128xf32, #tpu.memory_space<hbm>> -> memref<10000x128xf32, #tpu.memory_space<hbm>>
        tpu.enqueue_indirect_dma source(%dma_start3A_286 : memref<10000x128xf32, #tpu.memory_space<hbm>>) target(%arg15 : memref<128x128xf32, #tpu.memory_space<vmem>>) offsets(%arg13 : memref<128xi32, #tpu.memory_space<vmem>>) semaphore(%arg22 : memref<!tpu.dma_semaphore, #tpu.memory_space<semaphore_mem>>)
      } else {
      }
      %mul3A_223 = arith.constant 2 : i32
      %mul3A_224 = arith.muli %scan3A_181, %mul3A_223 : i32
      %add3A_225 = arith.constant 0 : i32
      %add3A_226 = arith.addi %mul3A_224, %add3A_225 : i32
      %mul3A_227 = arith.constant 32 : i32
      %mul3A_228 = arith.muli %add3A_226, %mul3A_227 : i32
      %add3A_229 = arith.addi %mul3A_228, %add3A : i32
      %lt3A_230 = arith.constant 610 : i32
      %lt3A_231 = arith.cmpi slt, %add3A_229, %lt3A_230 : i32
      %convert_element_type3A_232 = arith.extui %lt3A_231 : i1 to i32
      %cond3A_233 = arith.constant 0 : i32
      %cond3A_234 = arith.cmpi ne, %convert_element_type3A_232, %cond3A_233 : i32
      scf.if %cond3A_234 {
        %mul3A_275 = arith.constant 128 : i32
        %mul3A_276 = arith.muli %add3A_229, %mul3A_275 : i32
        %dma_wait3A = arith.constant 0 : i32
        %dma_wait3A_277 = arith.constant 0 : i32
        %dma_wait3A_278 = tpu.memref_slice %arg4[%dma_wait3A, %dma_wait3A_277] : memref<50000x128xf32, #tpu.memory_space<hbm>> -> memref<50000x128xf32, #tpu.memory_space<hbm>>
        tpu.wait_indirect_dma semaphore(%arg19 : memref<!tpu.dma_semaphore, #tpu.memory_space<semaphore_mem>>) src(%dma_wait3A_278 : memref<50000x128xf32, #tpu.memory_space<hbm>>) dst(%arg9 : memref<128x128xf32, #tpu.memory_space<vmem>>)
        %dma_wait3A_279 = arith.constant 0 : i32
        %dma_wait3A_280 = arith.constant 0 : i32
        %dma_wait3A_281 = tpu.memref_slice %arg5[%dma_wait3A_279, %dma_wait3A_280] : memref<10000x128xf32, #tpu.memory_space<hbm>> -> memref<10000x128xf32, #tpu.memory_space<hbm>>
        tpu.wait_indirect_dma semaphore(%arg19 : memref<!tpu.dma_semaphore, #tpu.memory_space<semaphore_mem>>) src(%dma_wait3A_281 : memref<10000x128xf32, #tpu.memory_space<hbm>>) dst(%arg10 : memref<128x128xf32, #tpu.memory_space<vmem>>)
        %add3A_282 = arith.constant 0 : i32
        %add3A_283 = arith.addi %add3A_282, %arg1 : i32
        %mul3A_284 = arith.constant 128 : i32
        %mul3A_285 = arith.muli %add3A_283, %mul3A_284 : i32
        "tpu.region"() ({
          %run_scoped3A = tpu.sem_alloc : memref<!tpu.dma_semaphore, #tpu.memory_space<semaphore_mem>>
          %dma_start3A_293 = arith.constant 0 : i32
          %dma_start3A_294 = tpu.memref_slice %arg17[%mul3A_285, %dma_start3A_293] : memref<4096x128xf32, #tpu.memory_space<vmem_shared>> -> memref<128x128xf32, #tpu.memory_space<vmem_shared>>
          %dma_start3A_295 = arith.constant 0 : i32
          %dma_start3A_296 = tpu.memref_slice %arg17[%mul3A_285, %dma_start3A_295] : memref<4096x128xf32, #tpu.memory_space<vmem_shared>> -> memref<128x128xf32, #tpu.memory_space<vmem_shared>>
          tpu.enqueue_dma source(%arg9 : memref<128x128xf32, #tpu.memory_space<vmem>>) target(%dma_start3A_296 : memref<128x128xf32, #tpu.memory_space<vmem_shared>>) target_semaphore(%run_scoped3A : memref<!tpu.dma_semaphore, #tpu.memory_space<semaphore_mem>>)
          %dma_wait3A_297 = arith.constant 0 : i32
          %dma_wait3A_298 = tpu.memref_slice %arg17[%mul3A_285, %dma_wait3A_297] : memref<4096x128xf32, #tpu.memory_space<vmem_shared>> -> memref<128x128xf32, #tpu.memory_space<vmem_shared>>
          %dma_wait3A_299 = arith.constant 0 : i32
          %dma_wait3A_300 = tpu.memref_slice %arg17[%mul3A_285, %dma_wait3A_299] : memref<4096x128xf32, #tpu.memory_space<vmem_shared>> -> memref<128x128xf32, #tpu.memory_space<vmem_shared>>
          tpu.wait_dma2 semaphore(%run_scoped3A : memref<!tpu.dma_semaphore, #tpu.memory_space<semaphore_mem>>) src(%arg9 : memref<128x128xf32, #tpu.memory_space<vmem>>) dst(%dma_wait3A_300 : memref<128x128xf32, #tpu.memory_space<vmem_shared>>)
          tpu.yield
        }) : () -> ()
        "tpu.region"() ({
          %run_scoped3A = tpu.sem_alloc : memref<!tpu.dma_semaphore, #tpu.memory_space<semaphore_mem>>
          %dma_start3A_293 = arith.constant 0 : i32
          %dma_start3A_294 = arith.constant 0 : i32
          %dma_start3A_295 = tpu.memref_slice %arg17[%dma_start3A_293, %dma_start3A_294] : memref<4096x128xf32, #tpu.memory_space<vmem_shared>> -> memref<4096x128xf32, #tpu.memory_space<vmem_shared>>
          tpu.enqueue_indirect_dma source(%arg10 : memref<128x128xf32, #tpu.memory_space<vmem>>) target(%dma_start3A_295 : memref<4096x128xf32, #tpu.memory_space<vmem_shared>>) offsets(%arg11 : memref<128xi32, #tpu.memory_space<vmem>>) semaphore(%run_scoped3A : memref<!tpu.dma_semaphore, #tpu.memory_space<semaphore_mem>>) {add = true}
          %dma_wait3A_296 = arith.constant 0 : i32
          %dma_wait3A_297 = arith.constant 0 : i32
          %dma_wait3A_298 = tpu.memref_slice %arg17[%dma_wait3A_296, %dma_wait3A_297] : memref<4096x128xf32, #tpu.memory_space<vmem_shared>> -> memref<4096x128xf32, #tpu.memory_space<vmem_shared>>
          tpu.wait_indirect_dma semaphore(%run_scoped3A : memref<!tpu.dma_semaphore, #tpu.memory_space<semaphore_mem>>) src(%arg10 : memref<128x128xf32, #tpu.memory_space<vmem>>) dst(%dma_wait3A_298 : memref<4096x128xf32, #tpu.memory_space<vmem_shared>>)
          tpu.yield
        }) : () -> ()
        %add3A_286 = arith.constant 0 : i32
        %add3A_287 = arith.addi %add3A_286, %arg1 : i32
        %mul3A_288 = arith.constant 128 : i32
        %mul3A_289 = arith.muli %add3A_287, %mul3A_288 : i32
        %dma_start3A = arith.constant 0 : i32
        %dma_start3A_290 = tpu.memref_slice %arg6[%mul3A_276, %dma_start3A] : memref<78080x128xf32, #tpu.memory_space<hbm>> -> memref<128x128xf32, #tpu.memory_space<hbm>>
        %dma_start3A_291 = arith.constant 0 : i32
        %dma_start3A_292 = tpu.memref_slice %arg17[%mul3A_289, %dma_start3A_291] : memref<4096x128xf32, #tpu.memory_space<vmem_shared>> -> memref<128x128xf32, #tpu.memory_space<vmem_shared>>
        tpu.enqueue_dma source(%dma_start3A_292 : memref<128x128xf32, #tpu.memory_space<vmem_shared>>) target(%dma_start3A_290 : memref<128x128xf32, #tpu.memory_space<hbm>>) target_semaphore(%arg20 : memref<!tpu.dma_semaphore, #tpu.memory_space<semaphore_mem>>)
      } else {
      }
      %add3A_235 = arith.constant 1 : i32
      %add3A_236 = arith.addi %scan3A_181, %add3A_235 : i32
      %mul3A_237 = arith.constant 2 : i32
      %mul3A_238 = arith.muli %add3A_236, %mul3A_237 : i32
      %add3A_239 = arith.constant 0 : i32
      %add3A_240 = arith.addi %mul3A_238, %add3A_239 : i32
      %mul3A_241 = arith.constant 32 : i32
      %mul3A_242 = arith.muli %add3A_240, %mul3A_241 : i32
      %add3A_243 = arith.addi %mul3A_242, %add3A : i32
      %lt3A_244 = arith.constant 610 : i32
      %lt3A_245 = arith.cmpi slt, %add3A_243, %lt3A_244 : i32
      %convert_element_type3A_246 = arith.extui %lt3A_245 : i1 to i32
      %cond3A_247 = arith.constant 0 : i32
      %cond3A_248 = arith.cmpi ne, %convert_element_type3A_246, %cond3A_247 : i32
      scf.if %cond3A_248 {
        %add3A_275 = arith.constant 640 : i32
        %add3A_276 = arith.addi %add3A_275, %add3A_243 : i32
        %mul3A_277 = arith.constant 128 : i32
        %mul3A_278 = arith.muli %add3A_276, %mul3A_277 : i32
        %dma_start3A = tpu.memref_slice %arg2[%mul3A_278] : memref<160000xi32, #tpu.memory_space<hbm>> -> memref<128xi32, #tpu.memory_space<hbm>>
        %dma_start3A_279 = tpu.memref_slice %arg2[%mul3A_278] : memref<160000xi32, #tpu.memory_space<hbm>> -> memref<128xi32, #tpu.memory_space<hbm>>
        tpu.enqueue_dma source(%dma_start3A_279 : memref<128xi32, #tpu.memory_space<hbm>>) target(%arg7 : memref<128xi32, #tpu.memory_space<vmem>>) target_semaphore(%arg18 : memref<!tpu.dma_semaphore, #tpu.memory_space<semaphore_mem>>)
        %dma_start3A_280 = tpu.memref_slice %arg3[%mul3A_278] : memref<160000xi32, #tpu.memory_space<hbm>> -> memref<128xi32, #tpu.memory_space<hbm>>
        %dma_start3A_281 = tpu.memref_slice %arg3[%mul3A_278] : memref<160000xi32, #tpu.memory_space<hbm>> -> memref<128xi32, #tpu.memory_space<hbm>>
        tpu.enqueue_dma source(%dma_start3A_281 : memref<128xi32, #tpu.memory_space<hbm>>) target(%arg8 : memref<128xi32, #tpu.memory_space<vmem>>) target_semaphore(%arg18 : memref<!tpu.dma_semaphore, #tpu.memory_space<semaphore_mem>>)
      } else {
      }
      %mul3A_249 = arith.constant 2 : i32
      %mul3A_250 = arith.muli %scan3A_181, %mul3A_249 : i32
      %add3A_251 = arith.constant 1 : i32
      %add3A_252 = arith.addi %mul3A_250, %add3A_251 : i32
      %mul3A_253 = arith.constant 32 : i32
      %mul3A_254 = arith.muli %add3A_252, %mul3A_253 : i32
      %add3A_255 = arith.addi %mul3A_254, %add3A : i32
      %lt3A_256 = arith.constant 610 : i32
      %lt3A_257 = arith.cmpi slt, %add3A_255, %lt3A_256 : i32
      %convert_element_type3A_258 = arith.extui %lt3A_257 : i1 to i32
      %cond3A_259 = arith.constant 0 : i32
      %cond3A_260 = arith.cmpi ne, %convert_element_type3A_258, %cond3A_259 : i32
      scf.if %cond3A_260 {
        %mul3A_275 = arith.constant 128 : i32
        %mul3A_276 = arith.muli %add3A_255, %mul3A_275 : i32
        %dma_wait3A = arith.constant 0 : i32
        %dma_wait3A_277 = arith.constant 0 : i32
        %dma_wait3A_278 = tpu.memref_slice %arg4[%dma_wait3A, %dma_wait3A_277] : memref<50000x128xf32, #tpu.memory_space<hbm>> -> memref<50000x128xf32, #tpu.memory_space<hbm>>
        tpu.wait_indirect_dma semaphore(%arg22 : memref<!tpu.dma_semaphore, #tpu.memory_space<semaphore_mem>>) src(%dma_wait3A_278 : memref<50000x128xf32, #tpu.memory_space<hbm>>) dst(%arg14 : memref<128x128xf32, #tpu.memory_space<vmem>>)
        %dma_wait3A_279 = arith.constant 0 : i32
        %dma_wait3A_280 = arith.constant 0 : i32
        %dma_wait3A_281 = tpu.memref_slice %arg5[%dma_wait3A_279, %dma_wait3A_280] : memref<10000x128xf32, #tpu.memory_space<hbm>> -> memref<10000x128xf32, #tpu.memory_space<hbm>>
        tpu.wait_indirect_dma semaphore(%arg22 : memref<!tpu.dma_semaphore, #tpu.memory_space<semaphore_mem>>) src(%dma_wait3A_281 : memref<10000x128xf32, #tpu.memory_space<hbm>>) dst(%arg15 : memref<128x128xf32, #tpu.memory_space<vmem>>)
        %add3A_282 = arith.constant 16 : i32
        %add3A_283 = arith.addi %add3A_282, %arg1 : i32
        %mul3A_284 = arith.constant 128 : i32
        %mul3A_285 = arith.muli %add3A_283, %mul3A_284 : i32
        "tpu.region"() ({
          %run_scoped3A = tpu.sem_alloc : memref<!tpu.dma_semaphore, #tpu.memory_space<semaphore_mem>>
          %dma_start3A_293 = arith.constant 0 : i32
          %dma_start3A_294 = tpu.memref_slice %arg17[%mul3A_285, %dma_start3A_293] : memref<4096x128xf32, #tpu.memory_space<vmem_shared>> -> memref<128x128xf32, #tpu.memory_space<vmem_shared>>
          %dma_start3A_295 = arith.constant 0 : i32
          %dma_start3A_296 = tpu.memref_slice %arg17[%mul3A_285, %dma_start3A_295] : memref<4096x128xf32, #tpu.memory_space<vmem_shared>> -> memref<128x128xf32, #tpu.memory_space<vmem_shared>>
          tpu.enqueue_dma source(%arg14 : memref<128x128xf32, #tpu.memory_space<vmem>>) target(%dma_start3A_296 : memref<128x128xf32, #tpu.memory_space<vmem_shared>>) target_semaphore(%run_scoped3A : memref<!tpu.dma_semaphore, #tpu.memory_space<semaphore_mem>>)
          %dma_wait3A_297 = arith.constant 0 : i32
          %dma_wait3A_298 = tpu.memref_slice %arg17[%mul3A_285, %dma_wait3A_297] : memref<4096x128xf32, #tpu.memory_space<vmem_shared>> -> memref<128x128xf32, #tpu.memory_space<vmem_shared>>
          %dma_wait3A_299 = arith.constant 0 : i32
          %dma_wait3A_300 = tpu.memref_slice %arg17[%mul3A_285, %dma_wait3A_299] : memref<4096x128xf32, #tpu.memory_space<vmem_shared>> -> memref<128x128xf32, #tpu.memory_space<vmem_shared>>
          tpu.wait_dma2 semaphore(%run_scoped3A : memref<!tpu.dma_semaphore, #tpu.memory_space<semaphore_mem>>) src(%arg14 : memref<128x128xf32, #tpu.memory_space<vmem>>) dst(%dma_wait3A_300 : memref<128x128xf32, #tpu.memory_space<vmem_shared>>)
          tpu.yield
        }) : () -> ()
        "tpu.region"() ({
          %run_scoped3A = tpu.sem_alloc : memref<!tpu.dma_semaphore, #tpu.memory_space<semaphore_mem>>
          %dma_start3A_293 = arith.constant 0 : i32
          %dma_start3A_294 = arith.constant 0 : i32
          %dma_start3A_295 = tpu.memref_slice %arg17[%dma_start3A_293, %dma_start3A_294] : memref<4096x128xf32, #tpu.memory_space<vmem_shared>> -> memref<4096x128xf32, #tpu.memory_space<vmem_shared>>
          tpu.enqueue_indirect_dma source(%arg15 : memref<128x128xf32, #tpu.memory_space<vmem>>) target(%dma_start3A_295 : memref<4096x128xf32, #tpu.memory_space<vmem_shared>>) offsets(%arg16 : memref<128xi32, #tpu.memory_space<vmem>>) semaphore(%run_scoped3A : memref<!tpu.dma_semaphore, #tpu.memory_space<semaphore_mem>>) {add = true}
          %dma_wait3A_296 = arith.constant 0 : i32
          %dma_wait3A_297 = arith.constant 0 : i32
          %dma_wait3A_298 = tpu.memref_slice %arg17[%dma_wait3A_296, %dma_wait3A_297] : memref<4096x128xf32, #tpu.memory_space<vmem_shared>> -> memref<4096x128xf32, #tpu.memory_space<vmem_shared>>
          tpu.wait_indirect_dma semaphore(%run_scoped3A : memref<!tpu.dma_semaphore, #tpu.memory_space<semaphore_mem>>) src(%arg15 : memref<128x128xf32, #tpu.memory_space<vmem>>) dst(%dma_wait3A_298 : memref<4096x128xf32, #tpu.memory_space<vmem_shared>>)
          tpu.yield
        }) : () -> ()
        %add3A_286 = arith.constant 16 : i32
        %add3A_287 = arith.addi %add3A_286, %arg1 : i32
        %mul3A_288 = arith.constant 128 : i32
        %mul3A_289 = arith.muli %add3A_287, %mul3A_288 : i32
        %dma_start3A = arith.constant 0 : i32
        %dma_start3A_290 = tpu.memref_slice %arg6[%mul3A_276, %dma_start3A] : memref<78080x128xf32, #tpu.memory_space<hbm>> -> memref<128x128xf32, #tpu.memory_space<hbm>>
        %dma_start3A_291 = arith.constant 0 : i32
        %dma_start3A_292 = tpu.memref_slice %arg17[%mul3A_289, %dma_start3A_291] : memref<4096x128xf32, #tpu.memory_space<vmem_shared>> -> memref<128x128xf32, #tpu.memory_space<vmem_shared>>
        tpu.enqueue_dma source(%dma_start3A_292 : memref<128x128xf32, #tpu.memory_space<vmem_shared>>) target(%dma_start3A_290 : memref<128x128xf32, #tpu.memory_space<hbm>>) target_semaphore(%arg23 : memref<!tpu.dma_semaphore, #tpu.memory_space<semaphore_mem>>)
      } else {
      }
      %add3A_261 = arith.constant 1 : i32
      %add3A_262 = arith.addi %scan3A_181, %add3A_261 : i32
      %mul3A_263 = arith.constant 2 : i32
      %mul3A_264 = arith.muli %add3A_262, %mul3A_263 : i32
      %add3A_265 = arith.constant 1 : i32
      %add3A_266 = arith.addi %mul3A_264, %add3A_265 : i32
      %mul3A_267 = arith.constant 32 : i32
      %mul3A_268 = arith.muli %add3A_266, %mul3A_267 : i32
      %add3A_269 = arith.addi %mul3A_268, %add3A : i32
      %lt3A_270 = arith.constant 610 : i32
      %lt3A_271 = arith.cmpi slt, %add3A_269, %lt3A_270 : i32
      %convert_element_type3A_272 = arith.extui %lt3A_271 : i1 to i32
      %cond3A_273 = arith.constant 0 : i32
      %cond3A_274 = arith.cmpi ne, %convert_element_type3A_272, %cond3A_273 : i32
      scf.if %cond3A_274 {
        %add3A_275 = arith.constant 640 : i32
        %add3A_276 = arith.addi %add3A_275, %add3A_269 : i32
        %mul3A_277 = arith.constant 128 : i32
        %mul3A_278 = arith.muli %add3A_276, %mul3A_277 : i32
        %dma_start3A = tpu.memref_slice %arg2[%mul3A_278] : memref<160000xi32, #tpu.memory_space<hbm>> -> memref<128xi32, #tpu.memory_space<hbm>>
        %dma_start3A_279 = tpu.memref_slice %arg2[%mul3A_278] : memref<160000xi32, #tpu.memory_space<hbm>> -> memref<128xi32, #tpu.memory_space<hbm>>
        tpu.enqueue_dma source(%dma_start3A_279 : memref<128xi32, #tpu.memory_space<hbm>>) target(%arg12 : memref<128xi32, #tpu.memory_space<vmem>>) target_semaphore(%arg21 : memref<!tpu.dma_semaphore, #tpu.memory_space<semaphore_mem>>)
        %dma_start3A_280 = tpu.memref_slice %arg3[%mul3A_278] : memref<160000xi32, #tpu.memory_space<hbm>> -> memref<128xi32, #tpu.memory_space<hbm>>
        %dma_start3A_281 = tpu.memref_slice %arg3[%mul3A_278] : memref<160000xi32, #tpu.memory_space<hbm>> -> memref<128xi32, #tpu.memory_space<hbm>>
        tpu.enqueue_dma source(%dma_start3A_281 : memref<128xi32, #tpu.memory_space<hbm>>) target(%arg13 : memref<128xi32, #tpu.memory_space<vmem>>) target_semaphore(%arg21 : memref<!tpu.dma_semaphore, #tpu.memory_space<semaphore_mem>>)
      } else {
      }
    }
    %scan3A_166 = arith.constant 10 : i32
    %add3A_167 = arith.constant 576 : i32
    %add3A_168 = arith.addi %add3A_167, %add3A : i32
    %lt3A_169 = arith.constant 610 : i32
    %lt3A_170 = arith.cmpi slt, %add3A_168, %lt3A_169 : i32
    %convert_element_type3A_171 = arith.extui %lt3A_170 : i1 to i32
    %cond3A_172 = arith.constant 0 : i32
    %cond3A_173 = arith.cmpi ne, %convert_element_type3A_171, %cond3A_172 : i32
    scf.if %cond3A_173 {
      %add3A_181 = arith.constant 0 : i32
      %add3A_182 = arith.addi %add3A_181, %arg1 : i32
      %mul3A_183 = arith.constant 128 : i32
      %mul3A_184 = arith.muli %add3A_182, %mul3A_183 : i32
      %dma_wait3A = arith.constant 0 : i32
      %dma_wait3A_185 = arith.constant 0 : i32
      %dma_wait3A_186 = tpu.memref_slice %arg6[%dma_wait3A, %dma_wait3A_185] : memref<78080x128xf32, #tpu.memory_space<hbm>> -> memref<128x128xf32, #tpu.memory_space<hbm>>
      %dma_wait3A_187 = arith.constant 0 : i32
      %dma_wait3A_188 = tpu.memref_slice %arg17[%mul3A_184, %dma_wait3A_187] : memref<4096x128xf32, #tpu.memory_space<vmem_shared>> -> memref<128x128xf32, #tpu.memory_space<vmem_shared>>
      tpu.wait_dma2 semaphore(%arg20 : memref<!tpu.dma_semaphore, #tpu.memory_space<semaphore_mem>>) src(%dma_wait3A_188 : memref<128x128xf32, #tpu.memory_space<vmem_shared>>) dst(%dma_wait3A_186 : memref<128x128xf32, #tpu.memory_space<hbm>>)
    } else {
    }
    %add3A_174 = arith.constant 608 : i32
    %add3A_175 = arith.addi %add3A_174, %add3A : i32
    %lt3A_176 = arith.constant 610 : i32
    %lt3A_177 = arith.cmpi slt, %add3A_175, %lt3A_176 : i32
    %convert_element_type3A_178 = arith.extui %lt3A_177 : i1 to i32
    %cond3A_179 = arith.constant 0 : i32
    %cond3A_180 = arith.cmpi ne, %convert_element_type3A_178, %cond3A_179 : i32
    scf.if %cond3A_180 {
      %add3A_181 = arith.constant 16 : i32
      %add3A_182 = arith.addi %add3A_181, %arg1 : i32
      %mul3A_183 = arith.constant 128 : i32
      %mul3A_184 = arith.muli %add3A_182, %mul3A_183 : i32
      %dma_wait3A = arith.constant 0 : i32
      %dma_wait3A_185 = arith.constant 0 : i32
      %dma_wait3A_186 = tpu.memref_slice %arg6[%dma_wait3A, %dma_wait3A_185] : memref<78080x128xf32, #tpu.memory_space<hbm>> -> memref<128x128xf32, #tpu.memory_space<hbm>>
      %dma_wait3A_187 = arith.constant 0 : i32
      %dma_wait3A_188 = tpu.memref_slice %arg17[%mul3A_184, %dma_wait3A_187] : memref<4096x128xf32, #tpu.memory_space<vmem_shared>> -> memref<128x128xf32, #tpu.memory_space<vmem_shared>>
      tpu.wait_dma2 semaphore(%arg23 : memref<!tpu.dma_semaphore, #tpu.memory_space<semaphore_mem>>) src(%dma_wait3A_188 : memref<128x128xf32, #tpu.memory_space<vmem_shared>>) dst(%dma_wait3A_186 : memref<128x128xf32, #tpu.memory_space<hbm>>)
    } else {
    }
    return
  }
}

#map = affine_map<(d0, d1) -> (0)>
#map1 = affine_map<(d0, d1) -> (0, 0)>
#map2 = affine_map<(d0, d1) -> (0, 0, 0)>
module attributes {stable_mosaic.version = 14 : i64} {
  func.func @_sc_scatter_body(%arg0: i32, %arg1: i32, %arg2: memref<160000xi32, #tpu.memory_space<hbm>>, %arg3: memref<78080x128xf32, #tpu.memory_space<hbm>>, %arg4: memref<2x10000x128xf32, #tpu.memory_space<hbm>>, %arg5: memref<128xi32, #tpu.memory_space<vmem>>, %arg6: memref<128x128xf32, #tpu.memory_space<vmem>>, %arg7: memref<128xi32, #tpu.memory_space<vmem>>, %arg8: memref<128x128xf32, #tpu.memory_space<vmem>>, %arg9: memref<80x128xf32, #tpu.memory_space<vmem>>, %arg10: memref<10000x128xf32, #tpu.memory_space<vmem_shared>>, %arg11: memref<!tpu.dma_semaphore, #tpu.memory_space<semaphore_mem>>, %arg12: memref<!tpu.dma_semaphore, #tpu.memory_space<semaphore_mem>>) attributes {dimension_semantics = [#tpu.dimension_semantics<core_parallel>, #tpu.dimension_semantics<subcore_parallel>], iteration_bounds = array<i64: 2, 16>, scalar_prefetch = 0 : i64, scratch_operands = 8 : i64, tpu.core_type = #tpu.core_type<sc_vector_subcore>, window_params = [{transform_indices = #map}, {transform_indices = #map1}, {transform_indices = #map2}]} {
    %broadcast_in_dim3A = arith.constant 0.000000e+00 : f32
    %broadcast_in_dim3A_0 = vector.broadcast %broadcast_in_dim3A : f32 to vector<16xf32>
    %scan3A = arith.constant 0 : i32
    %scan3A_1 = arith.constant 0 : i32
    %scan3A_2 = arith.constant 80 : i32
    %scan3A_3 = arith.addi %scan3A_1, %scan3A_2 : i32
    %scan3A_4 = arith.constant 1 : i32
    scf.for %scan3A_35 = %scan3A_1 to %scan3A_3 step %scan3A_4  : i32 {
      %swap3A = arith.index_cast %scan3A_35 : i32 to index
      %swap3A_36 = arith.constant 0 : index
      %swap3A_37 = tpu.vector_load %arg9[%swap3A, %swap3A_36] {strides = array<i32>} : memref<80x128xf32, #tpu.memory_space<vmem>>, vector<1x16xf32>,
      %swap3A_38 = vector.shape_cast %swap3A_37 : vector<1x16xf32> to vector<16xf32>
      %swap3A_39 = vector.shape_cast %broadcast_in_dim3A_0 : vector<16xf32> to vector<1x16xf32>
      tpu.vector_store %arg9[%swap3A, %swap3A_36], %swap3A_39 {strides = array<i32>} : memref<80x128xf32, #tpu.memory_space<vmem>>, vector<1x16xf32>,
      %swap3A_40 = arith.index_cast %scan3A_35 : i32 to index
      %swap3A_41 = arith.constant 16 : index
      %swap3A_42 = tpu.vector_load %arg9[%swap3A_40, %swap3A_41] {strides = array<i32>} : memref<80x128xf32, #tpu.memory_space<vmem>>, vector<1x16xf32>,
      %swap3A_43 = vector.shape_cast %swap3A_42 : vector<1x16xf32> to vector<16xf32>
      %swap3A_44 = vector.shape_cast %broadcast_in_dim3A_0 : vector<16xf32> to vector<1x16xf32>
      tpu.vector_store %arg9[%swap3A_40, %swap3A_41], %swap3A_44 {strides = array<i32>} : memref<80x128xf32, #tpu.memory_space<vmem>>, vector<1x16xf32>,
      %swap3A_45 = arith.index_cast %scan3A_35 : i32 to index
      %swap3A_46 = arith.constant 32 : index
      %swap3A_47 = tpu.vector_load %arg9[%swap3A_45, %swap3A_46] {strides = array<i32>} : memref<80x128xf32, #tpu.memory_space<vmem>>, vector<1x16xf32>,
      %swap3A_48 = vector.shape_cast %swap3A_47 : vector<1x16xf32> to vector<16xf32>
      %swap3A_49 = vector.shape_cast %broadcast_in_dim3A_0 : vector<16xf32> to vector<1x16xf32>
      tpu.vector_store %arg9[%swap3A_45, %swap3A_46], %swap3A_49 {strides = array<i32>} : memref<80x128xf32, #tpu.memory_space<vmem>>, vector<1x16xf32>,
      %swap3A_50 = arith.index_cast %scan3A_35 : i32 to index
      %swap3A_51 = arith.constant 48 : index
      %swap3A_52 = tpu.vector_load %arg9[%swap3A_50, %swap3A_51] {strides = array<i32>} : memref<80x128xf32, #tpu.memory_space<vmem>>, vector<1x16xf32>,
      %swap3A_53 = vector.shape_cast %swap3A_52 : vector<1x16xf32> to vector<16xf32>
      %swap3A_54 = vector.shape_cast %broadcast_in_dim3A_0 : vector<16xf32> to vector<1x16xf32>
      tpu.vector_store %arg9[%swap3A_50, %swap3A_51], %swap3A_54 {strides = array<i32>} : memref<80x128xf32, #tpu.memory_space<vmem>>, vector<1x16xf32>,
      %swap3A_55 = arith.index_cast %scan3A_35 : i32 to index
      %swap3A_56 = arith.constant 64 : index
      %swap3A_57 = tpu.vector_load %arg9[%swap3A_55, %swap3A_56] {strides = array<i32>} : memref<80x128xf32, #tpu.memory_space<vmem>>, vector<1x16xf32>,
      %swap3A_58 = vector.shape_cast %swap3A_57 : vector<1x16xf32> to vector<16xf32>
      %swap3A_59 = vector.shape_cast %broadcast_in_dim3A_0 : vector<16xf32> to vector<1x16xf32>
      tpu.vector_store %arg9[%swap3A_55, %swap3A_56], %swap3A_59 {strides = array<i32>} : memref<80x128xf32, #tpu.memory_space<vmem>>, vector<1x16xf32>,
      %swap3A_60 = arith.index_cast %scan3A_35 : i32 to index
      %swap3A_61 = arith.constant 80 : index
      %swap3A_62 = tpu.vector_load %arg9[%swap3A_60, %swap3A_61] {strides = array<i32>} : memref<80x128xf32, #tpu.memory_space<vmem>>, vector<1x16xf32>,
      %swap3A_63 = vector.shape_cast %swap3A_62 : vector<1x16xf32> to vector<16xf32>
      %swap3A_64 = vector.shape_cast %broadcast_in_dim3A_0 : vector<16xf32> to vector<1x16xf32>
      tpu.vector_store %arg9[%swap3A_60, %swap3A_61], %swap3A_64 {strides = array<i32>} : memref<80x128xf32, #tpu.memory_space<vmem>>, vector<1x16xf32>,
      %swap3A_65 = arith.index_cast %scan3A_35 : i32 to index
      %swap3A_66 = arith.constant 96 : index
      %swap3A_67 = tpu.vector_load %arg9[%swap3A_65, %swap3A_66] {strides = array<i32>} : memref<80x128xf32, #tpu.memory_space<vmem>>, vector<1x16xf32>,
      %swap3A_68 = vector.shape_cast %swap3A_67 : vector<1x16xf32> to vector<16xf32>
      %swap3A_69 = vector.shape_cast %broadcast_in_dim3A_0 : vector<16xf32> to vector<1x16xf32>
      tpu.vector_store %arg9[%swap3A_65, %swap3A_66], %swap3A_69 {strides = array<i32>} : memref<80x128xf32, #tpu.memory_space<vmem>>, vector<1x16xf32>,
      %swap3A_70 = arith.index_cast %scan3A_35 : i32 to index
      %swap3A_71 = arith.constant 112 : index
      %swap3A_72 = tpu.vector_load %arg9[%swap3A_70, %swap3A_71] {strides = array<i32>} : memref<80x128xf32, #tpu.memory_space<vmem>>, vector<1x16xf32>,
      %swap3A_73 = vector.shape_cast %swap3A_72 : vector<1x16xf32> to vector<16xf32>
      %swap3A_74 = vector.shape_cast %broadcast_in_dim3A_0 : vector<16xf32> to vector<1x16xf32>
      tpu.vector_store %arg9[%swap3A_70, %swap3A_71], %swap3A_74 {strides = array<i32>} : memref<80x128xf32, #tpu.memory_space<vmem>>, vector<1x16xf32>,
    }
    %scan3A_5 = arith.constant 80 : i32
    %scan3A_6 = arith.constant 0 : i32
    %scan3A_7 = arith.constant 0 : i32
    %scan3A_8 = arith.constant 8 : i32
    %scan3A_9 = arith.addi %scan3A_7, %scan3A_8 : i32
    %scan3A_10 = arith.constant 1 : i32
    scf.for %scan3A_35 = %scan3A_7 to %scan3A_9 step %scan3A_10  : i32 {
      %mul3A = arith.constant 16 : i32
      %mul3A_36 = arith.muli %scan3A_35, %mul3A : i32
      %add3A_37 = arith.addi %mul3A_36, %arg1 : i32
      %lt3A_38 = arith.constant 125 : i32
      %lt3A_39 = arith.cmpi slt, %add3A_37, %lt3A_38 : i32
      %convert_element_type3A_40 = arith.extui %lt3A_39 : i1 to i32
      %cond3A_41 = arith.constant 0 : i32
      %cond3A_42 = arith.cmpi ne, %convert_element_type3A_40, %cond3A_41 : i32
      scf.if %cond3A_42 {
        %mul3A_43 = arith.constant 80 : i32
        %mul3A_44 = arith.muli %add3A_37, %mul3A_43 : i32
        "tpu.region"() ({
          %run_scoped3A = tpu.sem_alloc : memref<!tpu.dma_semaphore, #tpu.memory_space<semaphore_mem>>
          %dma_start3A = arith.constant 0 : i32
          %dma_start3A_45 = tpu.memref_slice %arg10[%mul3A_44, %dma_start3A] : memref<10000x128xf32, #tpu.memory_space<vmem_shared>> -> memref<80x128xf32, #tpu.memory_space<vmem_shared>>
          %dma_start3A_46 = arith.constant 0 : i32
          %dma_start3A_47 = tpu.memref_slice %arg10[%mul3A_44, %dma_start3A_46] : memref<10000x128xf32, #tpu.memory_space<vmem_shared>> -> memref<80x128xf32, #tpu.memory_space<vmem_shared>>
          tpu.enqueue_dma source(%arg9 : memref<80x128xf32, #tpu.memory_space<vmem>>) target(%dma_start3A_47 : memref<80x128xf32, #tpu.memory_space<vmem_shared>>) target_semaphore(%run_scoped3A : memref<!tpu.dma_semaphore, #tpu.memory_space<semaphore_mem>>)
          %dma_wait3A = arith.constant 0 : i32
          %dma_wait3A_48 = tpu.memref_slice %arg10[%mul3A_44, %dma_wait3A] : memref<10000x128xf32, #tpu.memory_space<vmem_shared>> -> memref<80x128xf32, #tpu.memory_space<vmem_shared>>
          %dma_wait3A_49 = arith.constant 0 : i32
          %dma_wait3A_50 = tpu.memref_slice %arg10[%mul3A_44, %dma_wait3A_49] : memref<10000x128xf32, #tpu.memory_space<vmem_shared>> -> memref<80x128xf32, #tpu.memory_space<vmem_shared>>
          tpu.wait_dma2 semaphore(%run_scoped3A : memref<!tpu.dma_semaphore, #tpu.memory_space<semaphore_mem>>) src(%arg9 : memref<80x128xf32, #tpu.memory_space<vmem>>) dst(%dma_wait3A_50 : memref<80x128xf32, #tpu.memory_space<vmem_shared>>)
          tpu.yield
        }) : () -> ()
      } else {
      }
    }
    %scan3A_11 = arith.constant 8 : i32
    %barrier3A = arith.constant 0 : index
    tpu.barrier barrier_id(%barrier3A)
    %add3A = arith.constant 0 : i32
    %add3A_12 = arith.addi %add3A, %arg1 : i32
    %lt3A = arith.constant 305 : i32
    %lt3A_13 = arith.cmpi slt, %add3A_12, %lt3A : i32
    %convert_element_type3A = arith.extui %lt3A_13 : i1 to i32
    %cond3A = arith.constant 0 : i32
    %cond3A_14 = arith.cmpi ne, %convert_element_type3A, %cond3A : i32
    scf.if %cond3A_14 {
      %mul3A = arith.constant 305 : i32
      %mul3A_35 = arith.muli %arg0, %mul3A : i32
      %add3A_36 = arith.addi %mul3A_35, %add3A_12 : i32
      %add3A_37 = arith.constant 640 : i32
      %add3A_38 = arith.addi %add3A_37, %add3A_36 : i32
      %mul3A_39 = arith.constant 128 : i32
      %mul3A_40 = arith.muli %add3A_38, %mul3A_39 : i32
      %dma_start3A = tpu.memref_slice %arg2[%mul3A_40] : memref<160000xi32, #tpu.memory_space<hbm>> -> memref<128xi32, #tpu.memory_space<hbm>>
      %dma_start3A_41 = tpu.memref_slice %arg2[%mul3A_40] : memref<160000xi32, #tpu.memory_space<hbm>> -> memref<128xi32, #tpu.memory_space<hbm>>
      tpu.enqueue_dma source(%dma_start3A_41 : memref<128xi32, #tpu.memory_space<hbm>>) target(%arg5 : memref<128xi32, #tpu.memory_space<vmem>>) target_semaphore(%arg11 : memref<!tpu.dma_semaphore, #tpu.memory_space<semaphore_mem>>)
      %mul3A_42 = arith.constant 128 : i32
      %mul3A_43 = arith.muli %add3A_36, %mul3A_42 : i32
      %dma_start3A_44 = arith.constant 0 : i32
      %dma_start3A_45 = tpu.memref_slice %arg3[%mul3A_43, %dma_start3A_44] : memref<78080x128xf32, #tpu.memory_space<hbm>> -> memref<128x128xf32, #tpu.memory_space<hbm>>
      %dma_start3A_46 = arith.constant 0 : i32
      %dma_start3A_47 = tpu.memref_slice %arg3[%mul3A_43, %dma_start3A_46] : memref<78080x128xf32, #tpu.memory_space<hbm>> -> memref<128x128xf32, #tpu.memory_space<hbm>>
      tpu.enqueue_dma source(%dma_start3A_47 : memref<128x128xf32, #tpu.memory_space<hbm>>) target(%arg6 : memref<128x128xf32, #tpu.memory_space<vmem>>) target_semaphore(%arg11 : memref<!tpu.dma_semaphore, #tpu.memory_space<semaphore_mem>>)
    } else {
    }
    %add3A_15 = arith.constant 16 : i32
    %add3A_16 = arith.addi %add3A_15, %arg1 : i32
    %lt3A_17 = arith.constant 305 : i32
    %lt3A_18 = arith.cmpi slt, %add3A_16, %lt3A_17 : i32
    %convert_element_type3A_19 = arith.extui %lt3A_18 : i1 to i32
    %cond3A_20 = arith.constant 0 : i32
    %cond3A_21 = arith.cmpi ne, %convert_element_type3A_19, %cond3A_20 : i32
    scf.if %cond3A_21 {
      %mul3A = arith.constant 305 : i32
      %mul3A_35 = arith.muli %arg0, %mul3A : i32
      %add3A_36 = arith.addi %mul3A_35, %add3A_16 : i32
      %add3A_37 = arith.constant 640 : i32
      %add3A_38 = arith.addi %add3A_37, %add3A_36 : i32
      %mul3A_39 = arith.constant 128 : i32
      %mul3A_40 = arith.muli %add3A_38, %mul3A_39 : i32
      %dma_start3A = tpu.memref_slice %arg2[%mul3A_40] : memref<160000xi32, #tpu.memory_space<hbm>> -> memref<128xi32, #tpu.memory_space<hbm>>
      %dma_start3A_41 = tpu.memref_slice %arg2[%mul3A_40] : memref<160000xi32, #tpu.memory_space<hbm>> -> memref<128xi32, #tpu.memory_space<hbm>>
      tpu.enqueue_dma source(%dma_start3A_41 : memref<128xi32, #tpu.memory_space<hbm>>) target(%arg7 : memref<128xi32, #tpu.memory_space<vmem>>) target_semaphore(%arg12 : memref<!tpu.dma_semaphore, #tpu.memory_space<semaphore_mem>>)
      %mul3A_42 = arith.constant 128 : i32
      %mul3A_43 = arith.muli %add3A_36, %mul3A_42 : i32
      %dma_start3A_44 = arith.constant 0 : i32
      %dma_start3A_45 = tpu.memref_slice %arg3[%mul3A_43, %dma_start3A_44] : memref<78080x128xf32, #tpu.memory_space<hbm>> -> memref<128x128xf32, #tpu.memory_space<hbm>>
      %dma_start3A_46 = arith.constant 0 : i32
      %dma_start3A_47 = tpu.memref_slice %arg3[%mul3A_43, %dma_start3A_46] : memref<78080x128xf32, #tpu.memory_space<hbm>> -> memref<128x128xf32, #tpu.memory_space<hbm>>
      tpu.enqueue_dma source(%dma_start3A_47 : memref<128x128xf32, #tpu.memory_space<hbm>>) target(%arg8 : memref<128x128xf32, #tpu.memory_space<vmem>>) target_semaphore(%arg12 : memref<!tpu.dma_semaphore, #tpu.memory_space<semaphore_mem>>)
    } else {
    }
    %scan3A_22 = arith.constant 0 : i32
    %scan3A_23 = arith.constant 0 : i32
    %scan3A_24 = arith.constant 10 : i32
    %scan3A_25 = arith.addi %scan3A_23, %scan3A_24 : i32
    %scan3A_26 = arith.constant 1 : i32
    scf.for %scan3A_35 = %scan3A_23 to %scan3A_25 step %scan3A_26  : i32 {
      %mul3A = arith.constant 2 : i32
      %mul3A_36 = arith.muli %scan3A_35, %mul3A : i32
      %add3A_37 = arith.constant 0 : i32
      %add3A_38 = arith.addi %mul3A_36, %add3A_37 : i32
      %mul3A_39 = arith.constant 16 : i32
      %mul3A_40 = arith.muli %add3A_38, %mul3A_39 : i32
      %add3A_41 = arith.addi %mul3A_40, %arg1 : i32
      %lt3A_42 = arith.constant 305 : i32
      %lt3A_43 = arith.cmpi slt, %add3A_41, %lt3A_42 : i32
      %convert_element_type3A_44 = arith.extui %lt3A_43 : i1 to i32
      %cond3A_45 = arith.constant 0 : i32
      %cond3A_46 = arith.cmpi ne, %convert_element_type3A_44, %cond3A_45 : i32
      scf.if %cond3A_46 {
        %dma_wait3A = arith.constant 0 : i32
        %dma_wait3A_87 = tpu.memref_slice %arg2[%dma_wait3A] : memref<160000xi32, #tpu.memory_space<hbm>> -> memref<128xi32, #tpu.memory_space<hbm>>
        %dma_wait3A_88 = arith.constant 0 : i32
        %dma_wait3A_89 = tpu.memref_slice %arg2[%dma_wait3A_88] : memref<160000xi32, #tpu.memory_space<hbm>> -> memref<128xi32, #tpu.memory_space<hbm>>
        tpu.wait_dma2 semaphore(%arg11 : memref<!tpu.dma_semaphore, #tpu.memory_space<semaphore_mem>>) src(%dma_wait3A_89 : memref<128xi32, #tpu.memory_space<hbm>>) dst(%arg5 : memref<128xi32, #tpu.memory_space<vmem>>)
        %dma_wait3A_90 = arith.constant 0 : i32
        %dma_wait3A_91 = arith.constant 0 : i32
        %dma_wait3A_92 = tpu.memref_slice %arg3[%dma_wait3A_90, %dma_wait3A_91] : memref<78080x128xf32, #tpu.memory_space<hbm>> -> memref<128x128xf32, #tpu.memory_space<hbm>>
        %dma_wait3A_93 = arith.constant 0 : i32
        %dma_wait3A_94 = arith.constant 0 : i32
        %dma_wait3A_95 = tpu.memref_slice %arg3[%dma_wait3A_93, %dma_wait3A_94] : memref<78080x128xf32, #tpu.memory_space<hbm>> -> memref<128x128xf32, #tpu.memory_space<hbm>>
        tpu.wait_dma2 semaphore(%arg11 : memref<!tpu.dma_semaphore, #tpu.memory_space<semaphore_mem>>) src(%dma_wait3A_95 : memref<128x128xf32, #tpu.memory_space<hbm>>) dst(%arg6 : memref<128x128xf32, #tpu.memory_space<vmem>>)
        "tpu.region"() ({
          %run_scoped3A = tpu.sem_alloc : memref<!tpu.dma_semaphore, #tpu.memory_space<semaphore_mem>>
          %dma_start3A = arith.constant 0 : i32
          %dma_start3A_96 = arith.constant 0 : i32
          %dma_start3A_97 = tpu.memref_slice %arg10[%dma_start3A, %dma_start3A_96] : memref<10000x128xf32, #tpu.memory_space<vmem_shared>> -> memref<10000x128xf32, #tpu.memory_space<vmem_shared>>
          tpu.enqueue_indirect_dma source(%arg6 : memref<128x128xf32, #tpu.memory_space<vmem>>) target(%dma_start3A_97 : memref<10000x128xf32, #tpu.memory_space<vmem_shared>>) offsets(%arg5 : memref<128xi32, #tpu.memory_space<vmem>>) semaphore(%run_scoped3A : memref<!tpu.dma_semaphore, #tpu.memory_space<semaphore_mem>>) {add = true}
          %dma_wait3A_98 = arith.constant 0 : i32
          %dma_wait3A_99 = arith.constant 0 : i32
          %dma_wait3A_100 = tpu.memref_slice %arg10[%dma_wait3A_98, %dma_wait3A_99] : memref<10000x128xf32, #tpu.memory_space<vmem_shared>> -> memref<10000x128xf32, #tpu.memory_space<vmem_shared>>
          tpu.wait_indirect_dma semaphore(%run_scoped3A : memref<!tpu.dma_semaphore, #tpu.memory_space<semaphore_mem>>) src(%arg6 : memref<128x128xf32, #tpu.memory_space<vmem>>) dst(%dma_wait3A_100 : memref<10000x128xf32, #tpu.memory_space<vmem_shared>>)
          tpu.yield
        }) : () -> ()
      } else {
      }
      %add3A_47 = arith.constant 1 : i32
      %add3A_48 = arith.addi %scan3A_35, %add3A_47 : i32
      %mul3A_49 = arith.constant 2 : i32
      %mul3A_50 = arith.muli %add3A_48, %mul3A_49 : i32
      %add3A_51 = arith.constant 0 : i32
      %add3A_52 = arith.addi %mul3A_50, %add3A_51 : i32
      %mul3A_53 = arith.constant 16 : i32
      %mul3A_54 = arith.muli %add3A_52, %mul3A_53 : i32
      %add3A_55 = arith.addi %mul3A_54, %arg1 : i32
      %lt3A_56 = arith.constant 305 : i32
      %lt3A_57 = arith.cmpi slt, %add3A_55, %lt3A_56 : i32
      %convert_element_type3A_58 = arith.extui %lt3A_57 : i1 to i32
      %cond3A_59 = arith.constant 0 : i32
      %cond3A_60 = arith.cmpi ne, %convert_element_type3A_58, %cond3A_59 : i32
      scf.if %cond3A_60 {
        %mul3A_87 = arith.constant 305 : i32
        %mul3A_88 = arith.muli %arg0, %mul3A_87 : i32
        %add3A_89 = arith.addi %mul3A_88, %add3A_55 : i32
        %add3A_90 = arith.constant 640 : i32
        %add3A_91 = arith.addi %add3A_90, %add3A_89 : i32
        %mul3A_92 = arith.constant 128 : i32
        %mul3A_93 = arith.muli %add3A_91, %mul3A_92 : i32
        %dma_start3A = tpu.memref_slice %arg2[%mul3A_93] : memref<160000xi32, #tpu.memory_space<hbm>> -> memref<128xi32, #tpu.memory_space<hbm>>
        %dma_start3A_94 = tpu.memref_slice %arg2[%mul3A_93] : memref<160000xi32, #tpu.memory_space<hbm>> -> memref<128xi32, #tpu.memory_space<hbm>>
        tpu.enqueue_dma source(%dma_start3A_94 : memref<128xi32, #tpu.memory_space<hbm>>) target(%arg5 : memref<128xi32, #tpu.memory_space<vmem>>) target_semaphore(%arg11 : memref<!tpu.dma_semaphore, #tpu.memory_space<semaphore_mem>>)
        %mul3A_95 = arith.constant 128 : i32
        %mul3A_96 = arith.muli %add3A_89, %mul3A_95 : i32
        %dma_start3A_97 = arith.constant 0 : i32
        %dma_start3A_98 = tpu.memref_slice %arg3[%mul3A_96, %dma_start3A_97] : memref<78080x128xf32, #tpu.memory_space<hbm>> -> memref<128x128xf32, #tpu.memory_space<hbm>>
        %dma_start3A_99 = arith.constant 0 : i32
        %dma_start3A_100 = tpu.memref_slice %arg3[%mul3A_96, %dma_start3A_99] : memref<78080x128xf32, #tpu.memory_space<hbm>> -> memref<128x128xf32, #tpu.memory_space<hbm>>
        tpu.enqueue_dma source(%dma_start3A_100 : memref<128x128xf32, #tpu.memory_space<hbm>>) target(%arg6 : memref<128x128xf32, #tpu.memory_space<vmem>>) target_semaphore(%arg11 : memref<!tpu.dma_semaphore, #tpu.memory_space<semaphore_mem>>)
      } else {
      }
      %mul3A_61 = arith.constant 2 : i32
      %mul3A_62 = arith.muli %scan3A_35, %mul3A_61 : i32
      %add3A_63 = arith.constant 1 : i32
      %add3A_64 = arith.addi %mul3A_62, %add3A_63 : i32
      %mul3A_65 = arith.constant 16 : i32
      %mul3A_66 = arith.muli %add3A_64, %mul3A_65 : i32
      %add3A_67 = arith.addi %mul3A_66, %arg1 : i32
      %lt3A_68 = arith.constant 305 : i32
      %lt3A_69 = arith.cmpi slt, %add3A_67, %lt3A_68 : i32
      %convert_element_type3A_70 = arith.extui %lt3A_69 : i1 to i32
      %cond3A_71 = arith.constant 0 : i32
      %cond3A_72 = arith.cmpi ne, %convert_element_type3A_70, %cond3A_71 : i32
      scf.if %cond3A_72 {
        %dma_wait3A = arith.constant 0 : i32
        %dma_wait3A_87 = tpu.memref_slice %arg2[%dma_wait3A] : memref<160000xi32, #tpu.memory_space<hbm>> -> memref<128xi32, #tpu.memory_space<hbm>>
        %dma_wait3A_88 = arith.constant 0 : i32
        %dma_wait3A_89 = tpu.memref_slice %arg2[%dma_wait3A_88] : memref<160000xi32, #tpu.memory_space<hbm>> -> memref<128xi32, #tpu.memory_space<hbm>>
        tpu.wait_dma2 semaphore(%arg12 : memref<!tpu.dma_semaphore, #tpu.memory_space<semaphore_mem>>) src(%dma_wait3A_89 : memref<128xi32, #tpu.memory_space<hbm>>) dst(%arg7 : memref<128xi32, #tpu.memory_space<vmem>>)
        %dma_wait3A_90 = arith.constant 0 : i32
        %dma_wait3A_91 = arith.constant 0 : i32
        %dma_wait3A_92 = tpu.memref_slice %arg3[%dma_wait3A_90, %dma_wait3A_91] : memref<78080x128xf32, #tpu.memory_space<hbm>> -> memref<128x128xf32, #tpu.memory_space<hbm>>
        %dma_wait3A_93 = arith.constant 0 : i32
        %dma_wait3A_94 = arith.constant 0 : i32
        %dma_wait3A_95 = tpu.memref_slice %arg3[%dma_wait3A_93, %dma_wait3A_94] : memref<78080x128xf32, #tpu.memory_space<hbm>> -> memref<128x128xf32, #tpu.memory_space<hbm>>
        tpu.wait_dma2 semaphore(%arg12 : memref<!tpu.dma_semaphore, #tpu.memory_space<semaphore_mem>>) src(%dma_wait3A_95 : memref<128x128xf32, #tpu.memory_space<hbm>>) dst(%arg8 : memref<128x128xf32, #tpu.memory_space<vmem>>)
        "tpu.region"() ({
          %run_scoped3A = tpu.sem_alloc : memref<!tpu.dma_semaphore, #tpu.memory_space<semaphore_mem>>
          %dma_start3A = arith.constant 0 : i32
          %dma_start3A_96 = arith.constant 0 : i32
          %dma_start3A_97 = tpu.memref_slice %arg10[%dma_start3A, %dma_start3A_96] : memref<10000x128xf32, #tpu.memory_space<vmem_shared>> -> memref<10000x128xf32, #tpu.memory_space<vmem_shared>>
          tpu.enqueue_indirect_dma source(%arg8 : memref<128x128xf32, #tpu.memory_space<vmem>>) target(%dma_start3A_97 : memref<10000x128xf32, #tpu.memory_space<vmem_shared>>) offsets(%arg7 : memref<128xi32, #tpu.memory_space<vmem>>) semaphore(%run_scoped3A : memref<!tpu.dma_semaphore, #tpu.memory_space<semaphore_mem>>) {add = true}
          %dma_wait3A_98 = arith.constant 0 : i32
          %dma_wait3A_99 = arith.constant 0 : i32
          %dma_wait3A_100 = tpu.memref_slice %arg10[%dma_wait3A_98, %dma_wait3A_99] : memref<10000x128xf32, #tpu.memory_space<vmem_shared>> -> memref<10000x128xf32, #tpu.memory_space<vmem_shared>>
          tpu.wait_indirect_dma semaphore(%run_scoped3A : memref<!tpu.dma_semaphore, #tpu.memory_space<semaphore_mem>>) src(%arg8 : memref<128x128xf32, #tpu.memory_space<vmem>>) dst(%dma_wait3A_100 : memref<10000x128xf32, #tpu.memory_space<vmem_shared>>)
          tpu.yield
        }) : () -> ()
      } else {
      }
      %add3A_73 = arith.constant 1 : i32
      %add3A_74 = arith.addi %scan3A_35, %add3A_73 : i32
      %mul3A_75 = arith.constant 2 : i32
      %mul3A_76 = arith.muli %add3A_74, %mul3A_75 : i32
      %add3A_77 = arith.constant 1 : i32
      %add3A_78 = arith.addi %mul3A_76, %add3A_77 : i32
      %mul3A_79 = arith.constant 16 : i32
      %mul3A_80 = arith.muli %add3A_78, %mul3A_79 : i32
      %add3A_81 = arith.addi %mul3A_80, %arg1 : i32
      %lt3A_82 = arith.constant 305 : i32
      %lt3A_83 = arith.cmpi slt, %add3A_81, %lt3A_82 : i32
      %convert_element_type3A_84 = arith.extui %lt3A_83 : i1 to i32
      %cond3A_85 = arith.constant 0 : i32
      %cond3A_86 = arith.cmpi ne, %convert_element_type3A_84, %cond3A_85 : i32
      scf.if %cond3A_86 {
        %mul3A_87 = arith.constant 305 : i32
        %mul3A_88 = arith.muli %arg0, %mul3A_87 : i32
        %add3A_89 = arith.addi %mul3A_88, %add3A_81 : i32
        %add3A_90 = arith.constant 640 : i32
        %add3A_91 = arith.addi %add3A_90, %add3A_89 : i32
        %mul3A_92 = arith.constant 128 : i32
        %mul3A_93 = arith.muli %add3A_91, %mul3A_92 : i32
        %dma_start3A = tpu.memref_slice %arg2[%mul3A_93] : memref<160000xi32, #tpu.memory_space<hbm>> -> memref<128xi32, #tpu.memory_space<hbm>>
        %dma_start3A_94 = tpu.memref_slice %arg2[%mul3A_93] : memref<160000xi32, #tpu.memory_space<hbm>> -> memref<128xi32, #tpu.memory_space<hbm>>
        tpu.enqueue_dma source(%dma_start3A_94 : memref<128xi32, #tpu.memory_space<hbm>>) target(%arg7 : memref<128xi32, #tpu.memory_space<vmem>>) target_semaphore(%arg12 : memref<!tpu.dma_semaphore, #tpu.memory_space<semaphore_mem>>)
        %mul3A_95 = arith.constant 128 : i32
        %mul3A_96 = arith.muli %add3A_89, %mul3A_95 : i32
        %dma_start3A_97 = arith.constant 0 : i32
        %dma_start3A_98 = tpu.memref_slice %arg3[%mul3A_96, %dma_start3A_97] : memref<78080x128xf32, #tpu.memory_space<hbm>> -> memref<128x128xf32, #tpu.memory_space<hbm>>
        %dma_start3A_99 = arith.constant 0 : i32
        %dma_start3A_100 = tpu.memref_slice %arg3[%mul3A_96, %dma_start3A_99] : memref<78080x128xf32, #tpu.memory_space<hbm>> -> memref<128x128xf32, #tpu.memory_space<hbm>>
        tpu.enqueue_dma source(%dma_start3A_100 : memref<128x128xf32, #tpu.memory_space<hbm>>) target(%arg8 : memref<128x128xf32, #tpu.memory_space<vmem>>) target_semaphore(%arg12 : memref<!tpu.dma_semaphore, #tpu.memory_space<semaphore_mem>>)
      } else {
      }
    }
    %scan3A_27 = arith.constant 10 : i32
    %barrier3A_28 = arith.constant 0 : index
    tpu.barrier barrier_id(%barrier3A_28)
    %scan3A_29 = arith.constant 0 : i32
    %scan3A_30 = arith.constant 0 : i32
    %scan3A_31 = arith.constant 8 : i32
    %scan3A_32 = arith.addi %scan3A_30, %scan3A_31 : i32
    %scan3A_33 = arith.constant 1 : i32
    scf.for %scan3A_35 = %scan3A_30 to %scan3A_32 step %scan3A_33  : i32 {
      %mul3A = arith.constant 16 : i32
      %mul3A_36 = arith.muli %scan3A_35, %mul3A : i32
      %add3A_37 = arith.addi %mul3A_36, %arg1 : i32
      %lt3A_38 = arith.constant 125 : i32
      %lt3A_39 = arith.cmpi slt, %add3A_37, %lt3A_38 : i32
      %convert_element_type3A_40 = arith.extui %lt3A_39 : i1 to i32
      %cond3A_41 = arith.constant 0 : i32
      %cond3A_42 = arith.cmpi ne, %convert_element_type3A_40, %cond3A_41 : i32
      scf.if %cond3A_42 {
        %mul3A_43 = arith.constant 80 : i32
        %mul3A_44 = arith.muli %add3A_37, %mul3A_43 : i32
        %mul3A_45 = arith.constant 80 : i32
        %mul3A_46 = arith.muli %add3A_37, %mul3A_45 : i32
        "tpu.region"() ({
          %run_scoped3A = tpu.sem_alloc : memref<!tpu.dma_semaphore, #tpu.memory_space<semaphore_mem>>
          %dma_start3A = arith.constant 0 : i32
          %dma_start3A_47 = arith.constant 0 : i32
          %dma_start3A_48 = tpu.memref_slice %arg4[%arg0, %dma_start3A, %dma_start3A_47] : memref<2x10000x128xf32, #tpu.memory_space<hbm>> -> memref<1x10000x128xf32, #tpu.memory_space<hbm>>
          %dma_start3A_49 = tpu.memref_squeeze %dma_start3A_48 : memref<1x10000x128xf32, #tpu.memory_space<hbm>> -> memref<10000x128xf32, #tpu.memory_space<hbm>>
          %dma_start3A_50 = arith.constant 0 : i32
          %dma_start3A_51 = tpu.memref_slice %dma_start3A_49[%mul3A_46, %dma_start3A_50] : memref<10000x128xf32, #tpu.memory_space<hbm>> -> memref<80x128xf32, #tpu.memory_space<hbm>>
          %dma_start3A_52 = arith.constant 0 : i32
          %dma_start3A_53 = tpu.memref_slice %arg10[%mul3A_44, %dma_start3A_52] : memref<10000x128xf32, #tpu.memory_space<vmem_shared>> -> memref<80x128xf32, #tpu.memory_space<vmem_shared>>
          tpu.enqueue_dma source(%dma_start3A_53 : memref<80x128xf32, #tpu.memory_space<vmem_shared>>) target(%dma_start3A_51 : memref<80x128xf32, #tpu.memory_space<hbm>>) target_semaphore(%run_scoped3A : memref<!tpu.dma_semaphore, #tpu.memory_space<semaphore_mem>>)
          %dma_wait3A = arith.constant 0 : i32
          %dma_wait3A_54 = arith.constant 0 : i32
          %dma_wait3A_55 = tpu.memref_slice %arg4[%arg0, %dma_wait3A, %dma_wait3A_54] : memref<2x10000x128xf32, #tpu.memory_space<hbm>> -> memref<1x10000x128xf32, #tpu.memory_space<hbm>>
          %dma_wait3A_56 = tpu.memref_squeeze %dma_wait3A_55 : memref<1x10000x128xf32, #tpu.memory_space<hbm>> -> memref<10000x128xf32, #tpu.memory_space<hbm>>
          %dma_wait3A_57 = arith.constant 0 : i32
          %dma_wait3A_58 = tpu.memref_slice %dma_wait3A_56[%mul3A_46, %dma_wait3A_57] : memref<10000x128xf32, #tpu.memory_space<hbm>> -> memref<80x128xf32, #tpu.memory_space<hbm>>
          %dma_wait3A_59 = arith.constant 0 : i32
          %dma_wait3A_60 = tpu.memref_slice %arg10[%mul3A_44, %dma_wait3A_59] : memref<10000x128xf32, #tpu.memory_space<vmem_shared>> -> memref<80x128xf32, #tpu.memory_space<vmem_shared>>
          tpu.wait_dma2 semaphore(%run_scoped3A : memref<!tpu.dma_semaphore, #tpu.memory_space<semaphore_mem>>) src(%dma_wait3A_60 : memref<80x128xf32, #tpu.memory_space<vmem_shared>>) dst(%dma_wait3A_58 : memref<80x128xf32, #tpu.memory_space<hbm>>)
          tpu.yield
        }) : () -> ()
      } else {
      }
    }
    %scan3A_34 = arith.constant 8 : i32
    return
  }
}

#map = affine_map<(d0, d1) -> (0)>
#map1 = affine_map<(d0, d1) -> (0, 0)>
#map2 = affine_map<(d0, d1) -> (0, 0, 0)>
module attributes {stable_mosaic.version = 14 : i64} {
  func.func @_sc_scatter_body(%arg0: i32, %arg1: i32, %arg2: memref<160000xi32, #tpu.memory_space<hbm>>, %arg3: memref<81920x128xf32, #tpu.memory_space<hbm>>, %arg4: memref<2x10000x128xf32, #tpu.memory_space<hbm>>, %arg5: memref<128xi32, #tpu.memory_space<vmem>>, %arg6: memref<128x128xf32, #tpu.memory_space<vmem>>, %arg7: memref<128xi32, #tpu.memory_space<vmem>>, %arg8: memref<128x128xf32, #tpu.memory_space<vmem>>, %arg9: memref<80x128xf32, #tpu.memory_space<vmem>>, %arg10: memref<10000x128xf32, #tpu.memory_space<vmem_shared>>, %arg11: memref<!tpu.dma_semaphore, #tpu.memory_space<semaphore_mem>>, %arg12: memref<!tpu.dma_semaphore, #tpu.memory_space<semaphore_mem>>) attributes {dimension_semantics = [#tpu.dimension_semantics<core_parallel>, #tpu.dimension_semantics<subcore_parallel>], iteration_bounds = array<i64: 2, 16>, scalar_prefetch = 0 : i64, scratch_operands = 8 : i64, tpu.core_type = #tpu.core_type<sc_vector_subcore>, window_params = [{transform_indices = #map}, {transform_indices = #map1}, {transform_indices = #map2}]} {
    %broadcast_in_dim3A = arith.constant 0.000000e+00 : f32
    %broadcast_in_dim3A_0 = vector.broadcast %broadcast_in_dim3A : f32 to vector<16xf32>
    %scan3A = arith.constant 0 : i32
    %scan3A_1 = arith.constant 0 : i32
    %scan3A_2 = arith.constant 80 : i32
    %scan3A_3 = arith.addi %scan3A_1, %scan3A_2 : i32
    %scan3A_4 = arith.constant 1 : i32
    scf.for %scan3A_35 = %scan3A_1 to %scan3A_3 step %scan3A_4  : i32 {
      %swap3A = arith.index_cast %scan3A_35 : i32 to index
      %swap3A_36 = arith.constant 0 : index
      %swap3A_37 = tpu.vector_load %arg9[%swap3A, %swap3A_36] {strides = array<i32>} : memref<80x128xf32, #tpu.memory_space<vmem>>, vector<1x16xf32>,
      %swap3A_38 = vector.shape_cast %swap3A_37 : vector<1x16xf32> to vector<16xf32>
      %swap3A_39 = vector.shape_cast %broadcast_in_dim3A_0 : vector<16xf32> to vector<1x16xf32>
      tpu.vector_store %arg9[%swap3A, %swap3A_36], %swap3A_39 {strides = array<i32>} : memref<80x128xf32, #tpu.memory_space<vmem>>, vector<1x16xf32>,
      %swap3A_40 = arith.index_cast %scan3A_35 : i32 to index
      %swap3A_41 = arith.constant 16 : index
      %swap3A_42 = tpu.vector_load %arg9[%swap3A_40, %swap3A_41] {strides = array<i32>} : memref<80x128xf32, #tpu.memory_space<vmem>>, vector<1x16xf32>,
      %swap3A_43 = vector.shape_cast %swap3A_42 : vector<1x16xf32> to vector<16xf32>
      %swap3A_44 = vector.shape_cast %broadcast_in_dim3A_0 : vector<16xf32> to vector<1x16xf32>
      tpu.vector_store %arg9[%swap3A_40, %swap3A_41], %swap3A_44 {strides = array<i32>} : memref<80x128xf32, #tpu.memory_space<vmem>>, vector<1x16xf32>,
      %swap3A_45 = arith.index_cast %scan3A_35 : i32 to index
      %swap3A_46 = arith.constant 32 : index
      %swap3A_47 = tpu.vector_load %arg9[%swap3A_45, %swap3A_46] {strides = array<i32>} : memref<80x128xf32, #tpu.memory_space<vmem>>, vector<1x16xf32>,
      %swap3A_48 = vector.shape_cast %swap3A_47 : vector<1x16xf32> to vector<16xf32>
      %swap3A_49 = vector.shape_cast %broadcast_in_dim3A_0 : vector<16xf32> to vector<1x16xf32>
      tpu.vector_store %arg9[%swap3A_45, %swap3A_46], %swap3A_49 {strides = array<i32>} : memref<80x128xf32, #tpu.memory_space<vmem>>, vector<1x16xf32>,
      %swap3A_50 = arith.index_cast %scan3A_35 : i32 to index
      %swap3A_51 = arith.constant 48 : index
      %swap3A_52 = tpu.vector_load %arg9[%swap3A_50, %swap3A_51] {strides = array<i32>} : memref<80x128xf32, #tpu.memory_space<vmem>>, vector<1x16xf32>,
      %swap3A_53 = vector.shape_cast %swap3A_52 : vector<1x16xf32> to vector<16xf32>
      %swap3A_54 = vector.shape_cast %broadcast_in_dim3A_0 : vector<16xf32> to vector<1x16xf32>
      tpu.vector_store %arg9[%swap3A_50, %swap3A_51], %swap3A_54 {strides = array<i32>} : memref<80x128xf32, #tpu.memory_space<vmem>>, vector<1x16xf32>,
      %swap3A_55 = arith.index_cast %scan3A_35 : i32 to index
      %swap3A_56 = arith.constant 64 : index
      %swap3A_57 = tpu.vector_load %arg9[%swap3A_55, %swap3A_56] {strides = array<i32>} : memref<80x128xf32, #tpu.memory_space<vmem>>, vector<1x16xf32>,
      %swap3A_58 = vector.shape_cast %swap3A_57 : vector<1x16xf32> to vector<16xf32>
      %swap3A_59 = vector.shape_cast %broadcast_in_dim3A_0 : vector<16xf32> to vector<1x16xf32>
      tpu.vector_store %arg9[%swap3A_55, %swap3A_56], %swap3A_59 {strides = array<i32>} : memref<80x128xf32, #tpu.memory_space<vmem>>, vector<1x16xf32>,
      %swap3A_60 = arith.index_cast %scan3A_35 : i32 to index
      %swap3A_61 = arith.constant 80 : index
      %swap3A_62 = tpu.vector_load %arg9[%swap3A_60, %swap3A_61] {strides = array<i32>} : memref<80x128xf32, #tpu.memory_space<vmem>>, vector<1x16xf32>,
      %swap3A_63 = vector.shape_cast %swap3A_62 : vector<1x16xf32> to vector<16xf32>
      %swap3A_64 = vector.shape_cast %broadcast_in_dim3A_0 : vector<16xf32> to vector<1x16xf32>
      tpu.vector_store %arg9[%swap3A_60, %swap3A_61], %swap3A_64 {strides = array<i32>} : memref<80x128xf32, #tpu.memory_space<vmem>>, vector<1x16xf32>,
      %swap3A_65 = arith.index_cast %scan3A_35 : i32 to index
      %swap3A_66 = arith.constant 96 : index
      %swap3A_67 = tpu.vector_load %arg9[%swap3A_65, %swap3A_66] {strides = array<i32>} : memref<80x128xf32, #tpu.memory_space<vmem>>, vector<1x16xf32>,
      %swap3A_68 = vector.shape_cast %swap3A_67 : vector<1x16xf32> to vector<16xf32>
      %swap3A_69 = vector.shape_cast %broadcast_in_dim3A_0 : vector<16xf32> to vector<1x16xf32>
      tpu.vector_store %arg9[%swap3A_65, %swap3A_66], %swap3A_69 {strides = array<i32>} : memref<80x128xf32, #tpu.memory_space<vmem>>, vector<1x16xf32>,
      %swap3A_70 = arith.index_cast %scan3A_35 : i32 to index
      %swap3A_71 = arith.constant 112 : index
      %swap3A_72 = tpu.vector_load %arg9[%swap3A_70, %swap3A_71] {strides = array<i32>} : memref<80x128xf32, #tpu.memory_space<vmem>>, vector<1x16xf32>,
      %swap3A_73 = vector.shape_cast %swap3A_72 : vector<1x16xf32> to vector<16xf32>
      %swap3A_74 = vector.shape_cast %broadcast_in_dim3A_0 : vector<16xf32> to vector<1x16xf32>
      tpu.vector_store %arg9[%swap3A_70, %swap3A_71], %swap3A_74 {strides = array<i32>} : memref<80x128xf32, #tpu.memory_space<vmem>>, vector<1x16xf32>,
    }
    %scan3A_5 = arith.constant 80 : i32
    %scan3A_6 = arith.constant 0 : i32
    %scan3A_7 = arith.constant 0 : i32
    %scan3A_8 = arith.constant 8 : i32
    %scan3A_9 = arith.addi %scan3A_7, %scan3A_8 : i32
    %scan3A_10 = arith.constant 1 : i32
    scf.for %scan3A_35 = %scan3A_7 to %scan3A_9 step %scan3A_10  : i32 {
      %mul3A = arith.constant 16 : i32
      %mul3A_36 = arith.muli %scan3A_35, %mul3A : i32
      %add3A_37 = arith.addi %mul3A_36, %arg1 : i32
      %lt3A_38 = arith.constant 125 : i32
      %lt3A_39 = arith.cmpi slt, %add3A_37, %lt3A_38 : i32
      %convert_element_type3A_40 = arith.extui %lt3A_39 : i1 to i32
      %cond3A_41 = arith.constant 0 : i32
      %cond3A_42 = arith.cmpi ne, %convert_element_type3A_40, %cond3A_41 : i32
      scf.if %cond3A_42 {
        %mul3A_43 = arith.constant 80 : i32
        %mul3A_44 = arith.muli %add3A_37, %mul3A_43 : i32
        "tpu.region"() ({
          %run_scoped3A = tpu.sem_alloc : memref<!tpu.dma_semaphore, #tpu.memory_space<semaphore_mem>>
          %dma_start3A = arith.constant 0 : i32
          %dma_start3A_45 = tpu.memref_slice %arg10[%mul3A_44, %dma_start3A] : memref<10000x128xf32, #tpu.memory_space<vmem_shared>> -> memref<80x128xf32, #tpu.memory_space<vmem_shared>>
          %dma_start3A_46 = arith.constant 0 : i32
          %dma_start3A_47 = tpu.memref_slice %arg10[%mul3A_44, %dma_start3A_46] : memref<10000x128xf32, #tpu.memory_space<vmem_shared>> -> memref<80x128xf32, #tpu.memory_space<vmem_shared>>
          tpu.enqueue_dma source(%arg9 : memref<80x128xf32, #tpu.memory_space<vmem>>) target(%dma_start3A_47 : memref<80x128xf32, #tpu.memory_space<vmem_shared>>) target_semaphore(%run_scoped3A : memref<!tpu.dma_semaphore, #tpu.memory_space<semaphore_mem>>)
          %dma_wait3A = arith.constant 0 : i32
          %dma_wait3A_48 = tpu.memref_slice %arg10[%mul3A_44, %dma_wait3A] : memref<10000x128xf32, #tpu.memory_space<vmem_shared>> -> memref<80x128xf32, #tpu.memory_space<vmem_shared>>
          %dma_wait3A_49 = arith.constant 0 : i32
          %dma_wait3A_50 = tpu.memref_slice %arg10[%mul3A_44, %dma_wait3A_49] : memref<10000x128xf32, #tpu.memory_space<vmem_shared>> -> memref<80x128xf32, #tpu.memory_space<vmem_shared>>
          tpu.wait_dma2 semaphore(%run_scoped3A : memref<!tpu.dma_semaphore, #tpu.memory_space<semaphore_mem>>) src(%arg9 : memref<80x128xf32, #tpu.memory_space<vmem>>) dst(%dma_wait3A_50 : memref<80x128xf32, #tpu.memory_space<vmem_shared>>)
          tpu.yield
        }) : () -> ()
      } else {
      }
    }
    %scan3A_11 = arith.constant 8 : i32
    %barrier3A = arith.constant 0 : index
    tpu.barrier barrier_id(%barrier3A)
    %add3A = arith.constant 0 : i32
    %add3A_12 = arith.addi %add3A, %arg1 : i32
    %lt3A = arith.constant 320 : i32
    %lt3A_13 = arith.cmpi slt, %add3A_12, %lt3A : i32
    %convert_element_type3A = arith.extui %lt3A_13 : i1 to i32
    %cond3A = arith.constant 0 : i32
    %cond3A_14 = arith.cmpi ne, %convert_element_type3A, %cond3A : i32
    scf.if %cond3A_14 {
      %mul3A = arith.constant 320 : i32
      %mul3A_35 = arith.muli %arg0, %mul3A : i32
      %add3A_36 = arith.addi %mul3A_35, %add3A_12 : i32
      %add3A_37 = arith.constant 0 : i32
      %add3A_38 = arith.addi %add3A_37, %add3A_36 : i32
      %mul3A_39 = arith.constant 128 : i32
      %mul3A_40 = arith.muli %add3A_38, %mul3A_39 : i32
      %dma_start3A = tpu.memref_slice %arg2[%mul3A_40] : memref<160000xi32, #tpu.memory_space<hbm>> -> memref<128xi32, #tpu.memory_space<hbm>>
      %dma_start3A_41 = tpu.memref_slice %arg2[%mul3A_40] : memref<160000xi32, #tpu.memory_space<hbm>> -> memref<128xi32, #tpu.memory_space<hbm>>
      tpu.enqueue_dma source(%dma_start3A_41 : memref<128xi32, #tpu.memory_space<hbm>>) target(%arg5 : memref<128xi32, #tpu.memory_space<vmem>>) target_semaphore(%arg11 : memref<!tpu.dma_semaphore, #tpu.memory_space<semaphore_mem>>)
      %mul3A_42 = arith.constant 128 : i32
      %mul3A_43 = arith.muli %add3A_36, %mul3A_42 : i32
      %dma_start3A_44 = arith.constant 0 : i32
      %dma_start3A_45 = tpu.memref_slice %arg3[%mul3A_43, %dma_start3A_44] : memref<81920x128xf32, #tpu.memory_space<hbm>> -> memref<128x128xf32, #tpu.memory_space<hbm>>
      %dma_start3A_46 = arith.constant 0 : i32
      %dma_start3A_47 = tpu.memref_slice %arg3[%mul3A_43, %dma_start3A_46] : memref<81920x128xf32, #tpu.memory_space<hbm>> -> memref<128x128xf32, #tpu.memory_space<hbm>>
      tpu.enqueue_dma source(%dma_start3A_47 : memref<128x128xf32, #tpu.memory_space<hbm>>) target(%arg6 : memref<128x128xf32, #tpu.memory_space<vmem>>) target_semaphore(%arg11 : memref<!tpu.dma_semaphore, #tpu.memory_space<semaphore_mem>>)
    } else {
    }
    %add3A_15 = arith.constant 16 : i32
    %add3A_16 = arith.addi %add3A_15, %arg1 : i32
    %lt3A_17 = arith.constant 320 : i32
    %lt3A_18 = arith.cmpi slt, %add3A_16, %lt3A_17 : i32
    %convert_element_type3A_19 = arith.extui %lt3A_18 : i1 to i32
    %cond3A_20 = arith.constant 0 : i32
    %cond3A_21 = arith.cmpi ne, %convert_element_type3A_19, %cond3A_20 : i32
    scf.if %cond3A_21 {
      %mul3A = arith.constant 320 : i32
      %mul3A_35 = arith.muli %arg0, %mul3A : i32
      %add3A_36 = arith.addi %mul3A_35, %add3A_16 : i32
      %add3A_37 = arith.constant 0 : i32
      %add3A_38 = arith.addi %add3A_37, %add3A_36 : i32
      %mul3A_39 = arith.constant 128 : i32
      %mul3A_40 = arith.muli %add3A_38, %mul3A_39 : i32
      %dma_start3A = tpu.memref_slice %arg2[%mul3A_40] : memref<160000xi32, #tpu.memory_space<hbm>> -> memref<128xi32, #tpu.memory_space<hbm>>
      %dma_start3A_41 = tpu.memref_slice %arg2[%mul3A_40] : memref<160000xi32, #tpu.memory_space<hbm>> -> memref<128xi32, #tpu.memory_space<hbm>>
      tpu.enqueue_dma source(%dma_start3A_41 : memref<128xi32, #tpu.memory_space<hbm>>) target(%arg7 : memref<128xi32, #tpu.memory_space<vmem>>) target_semaphore(%arg12 : memref<!tpu.dma_semaphore, #tpu.memory_space<semaphore_mem>>)
      %mul3A_42 = arith.constant 128 : i32
      %mul3A_43 = arith.muli %add3A_36, %mul3A_42 : i32
      %dma_start3A_44 = arith.constant 0 : i32
      %dma_start3A_45 = tpu.memref_slice %arg3[%mul3A_43, %dma_start3A_44] : memref<81920x128xf32, #tpu.memory_space<hbm>> -> memref<128x128xf32, #tpu.memory_space<hbm>>
      %dma_start3A_46 = arith.constant 0 : i32
      %dma_start3A_47 = tpu.memref_slice %arg3[%mul3A_43, %dma_start3A_46] : memref<81920x128xf32, #tpu.memory_space<hbm>> -> memref<128x128xf32, #tpu.memory_space<hbm>>
      tpu.enqueue_dma source(%dma_start3A_47 : memref<128x128xf32, #tpu.memory_space<hbm>>) target(%arg8 : memref<128x128xf32, #tpu.memory_space<vmem>>) target_semaphore(%arg12 : memref<!tpu.dma_semaphore, #tpu.memory_space<semaphore_mem>>)
    } else {
    }
    %scan3A_22 = arith.constant 0 : i32
    %scan3A_23 = arith.constant 0 : i32
    %scan3A_24 = arith.constant 10 : i32
    %scan3A_25 = arith.addi %scan3A_23, %scan3A_24 : i32
    %scan3A_26 = arith.constant 1 : i32
    scf.for %scan3A_35 = %scan3A_23 to %scan3A_25 step %scan3A_26  : i32 {
      %mul3A = arith.constant 2 : i32
      %mul3A_36 = arith.muli %scan3A_35, %mul3A : i32
      %add3A_37 = arith.constant 0 : i32
      %add3A_38 = arith.addi %mul3A_36, %add3A_37 : i32
      %mul3A_39 = arith.constant 16 : i32
      %mul3A_40 = arith.muli %add3A_38, %mul3A_39 : i32
      %add3A_41 = arith.addi %mul3A_40, %arg1 : i32
      %lt3A_42 = arith.constant 320 : i32
      %lt3A_43 = arith.cmpi slt, %add3A_41, %lt3A_42 : i32
      %convert_element_type3A_44 = arith.extui %lt3A_43 : i1 to i32
      %cond3A_45 = arith.constant 0 : i32
      %cond3A_46 = arith.cmpi ne, %convert_element_type3A_44, %cond3A_45 : i32
      scf.if %cond3A_46 {
        %dma_wait3A = arith.constant 0 : i32
        %dma_wait3A_87 = tpu.memref_slice %arg2[%dma_wait3A] : memref<160000xi32, #tpu.memory_space<hbm>> -> memref<128xi32, #tpu.memory_space<hbm>>
        %dma_wait3A_88 = arith.constant 0 : i32
        %dma_wait3A_89 = tpu.memref_slice %arg2[%dma_wait3A_88] : memref<160000xi32, #tpu.memory_space<hbm>> -> memref<128xi32, #tpu.memory_space<hbm>>
        tpu.wait_dma2 semaphore(%arg11 : memref<!tpu.dma_semaphore, #tpu.memory_space<semaphore_mem>>) src(%dma_wait3A_89 : memref<128xi32, #tpu.memory_space<hbm>>) dst(%arg5 : memref<128xi32, #tpu.memory_space<vmem>>)
        %dma_wait3A_90 = arith.constant 0 : i32
        %dma_wait3A_91 = arith.constant 0 : i32
        %dma_wait3A_92 = tpu.memref_slice %arg3[%dma_wait3A_90, %dma_wait3A_91] : memref<81920x128xf32, #tpu.memory_space<hbm>> -> memref<128x128xf32, #tpu.memory_space<hbm>>
        %dma_wait3A_93 = arith.constant 0 : i32
        %dma_wait3A_94 = arith.constant 0 : i32
        %dma_wait3A_95 = tpu.memref_slice %arg3[%dma_wait3A_93, %dma_wait3A_94] : memref<81920x128xf32, #tpu.memory_space<hbm>> -> memref<128x128xf32, #tpu.memory_space<hbm>>
        tpu.wait_dma2 semaphore(%arg11 : memref<!tpu.dma_semaphore, #tpu.memory_space<semaphore_mem>>) src(%dma_wait3A_95 : memref<128x128xf32, #tpu.memory_space<hbm>>) dst(%arg6 : memref<128x128xf32, #tpu.memory_space<vmem>>)
        "tpu.region"() ({
          %run_scoped3A = tpu.sem_alloc : memref<!tpu.dma_semaphore, #tpu.memory_space<semaphore_mem>>
          %dma_start3A = arith.constant 0 : i32
          %dma_start3A_96 = arith.constant 0 : i32
          %dma_start3A_97 = tpu.memref_slice %arg10[%dma_start3A, %dma_start3A_96] : memref<10000x128xf32, #tpu.memory_space<vmem_shared>> -> memref<10000x128xf32, #tpu.memory_space<vmem_shared>>
          tpu.enqueue_indirect_dma source(%arg6 : memref<128x128xf32, #tpu.memory_space<vmem>>) target(%dma_start3A_97 : memref<10000x128xf32, #tpu.memory_space<vmem_shared>>) offsets(%arg5 : memref<128xi32, #tpu.memory_space<vmem>>) semaphore(%run_scoped3A : memref<!tpu.dma_semaphore, #tpu.memory_space<semaphore_mem>>) {add = true}
          %dma_wait3A_98 = arith.constant 0 : i32
          %dma_wait3A_99 = arith.constant 0 : i32
          %dma_wait3A_100 = tpu.memref_slice %arg10[%dma_wait3A_98, %dma_wait3A_99] : memref<10000x128xf32, #tpu.memory_space<vmem_shared>> -> memref<10000x128xf32, #tpu.memory_space<vmem_shared>>
          tpu.wait_indirect_dma semaphore(%run_scoped3A : memref<!tpu.dma_semaphore, #tpu.memory_space<semaphore_mem>>) src(%arg6 : memref<128x128xf32, #tpu.memory_space<vmem>>) dst(%dma_wait3A_100 : memref<10000x128xf32, #tpu.memory_space<vmem_shared>>)
          tpu.yield
        }) : () -> ()
      } else {
      }
      %add3A_47 = arith.constant 1 : i32
      %add3A_48 = arith.addi %scan3A_35, %add3A_47 : i32
      %mul3A_49 = arith.constant 2 : i32
      %mul3A_50 = arith.muli %add3A_48, %mul3A_49 : i32
      %add3A_51 = arith.constant 0 : i32
      %add3A_52 = arith.addi %mul3A_50, %add3A_51 : i32
      %mul3A_53 = arith.constant 16 : i32
      %mul3A_54 = arith.muli %add3A_52, %mul3A_53 : i32
      %add3A_55 = arith.addi %mul3A_54, %arg1 : i32
      %lt3A_56 = arith.constant 320 : i32
      %lt3A_57 = arith.cmpi slt, %add3A_55, %lt3A_56 : i32
      %convert_element_type3A_58 = arith.extui %lt3A_57 : i1 to i32
      %cond3A_59 = arith.constant 0 : i32
      %cond3A_60 = arith.cmpi ne, %convert_element_type3A_58, %cond3A_59 : i32
      scf.if %cond3A_60 {
        %mul3A_87 = arith.constant 320 : i32
        %mul3A_88 = arith.muli %arg0, %mul3A_87 : i32
        %add3A_89 = arith.addi %mul3A_88, %add3A_55 : i32
        %add3A_90 = arith.constant 0 : i32
        %add3A_91 = arith.addi %add3A_90, %add3A_89 : i32
        %mul3A_92 = arith.constant 128 : i32
        %mul3A_93 = arith.muli %add3A_91, %mul3A_92 : i32
        %dma_start3A = tpu.memref_slice %arg2[%mul3A_93] : memref<160000xi32, #tpu.memory_space<hbm>> -> memref<128xi32, #tpu.memory_space<hbm>>
        %dma_start3A_94 = tpu.memref_slice %arg2[%mul3A_93] : memref<160000xi32, #tpu.memory_space<hbm>> -> memref<128xi32, #tpu.memory_space<hbm>>
        tpu.enqueue_dma source(%dma_start3A_94 : memref<128xi32, #tpu.memory_space<hbm>>) target(%arg5 : memref<128xi32, #tpu.memory_space<vmem>>) target_semaphore(%arg11 : memref<!tpu.dma_semaphore, #tpu.memory_space<semaphore_mem>>)
        %mul3A_95 = arith.constant 128 : i32
        %mul3A_96 = arith.muli %add3A_89, %mul3A_95 : i32
        %dma_start3A_97 = arith.constant 0 : i32
        %dma_start3A_98 = tpu.memref_slice %arg3[%mul3A_96, %dma_start3A_97] : memref<81920x128xf32, #tpu.memory_space<hbm>> -> memref<128x128xf32, #tpu.memory_space<hbm>>
        %dma_start3A_99 = arith.constant 0 : i32
        %dma_start3A_100 = tpu.memref_slice %arg3[%mul3A_96, %dma_start3A_99] : memref<81920x128xf32, #tpu.memory_space<hbm>> -> memref<128x128xf32, #tpu.memory_space<hbm>>
        tpu.enqueue_dma source(%dma_start3A_100 : memref<128x128xf32, #tpu.memory_space<hbm>>) target(%arg6 : memref<128x128xf32, #tpu.memory_space<vmem>>) target_semaphore(%arg11 : memref<!tpu.dma_semaphore, #tpu.memory_space<semaphore_mem>>)
      } else {
      }
      %mul3A_61 = arith.constant 2 : i32
      %mul3A_62 = arith.muli %scan3A_35, %mul3A_61 : i32
      %add3A_63 = arith.constant 1 : i32
      %add3A_64 = arith.addi %mul3A_62, %add3A_63 : i32
      %mul3A_65 = arith.constant 16 : i32
      %mul3A_66 = arith.muli %add3A_64, %mul3A_65 : i32
      %add3A_67 = arith.addi %mul3A_66, %arg1 : i32
      %lt3A_68 = arith.constant 320 : i32
      %lt3A_69 = arith.cmpi slt, %add3A_67, %lt3A_68 : i32
      %convert_element_type3A_70 = arith.extui %lt3A_69 : i1 to i32
      %cond3A_71 = arith.constant 0 : i32
      %cond3A_72 = arith.cmpi ne, %convert_element_type3A_70, %cond3A_71 : i32
      scf.if %cond3A_72 {
        %dma_wait3A = arith.constant 0 : i32
        %dma_wait3A_87 = tpu.memref_slice %arg2[%dma_wait3A] : memref<160000xi32, #tpu.memory_space<hbm>> -> memref<128xi32, #tpu.memory_space<hbm>>
        %dma_wait3A_88 = arith.constant 0 : i32
        %dma_wait3A_89 = tpu.memref_slice %arg2[%dma_wait3A_88] : memref<160000xi32, #tpu.memory_space<hbm>> -> memref<128xi32, #tpu.memory_space<hbm>>
        tpu.wait_dma2 semaphore(%arg12 : memref<!tpu.dma_semaphore, #tpu.memory_space<semaphore_mem>>) src(%dma_wait3A_89 : memref<128xi32, #tpu.memory_space<hbm>>) dst(%arg7 : memref<128xi32, #tpu.memory_space<vmem>>)
        %dma_wait3A_90 = arith.constant 0 : i32
        %dma_wait3A_91 = arith.constant 0 : i32
        %dma_wait3A_92 = tpu.memref_slice %arg3[%dma_wait3A_90, %dma_wait3A_91] : memref<81920x128xf32, #tpu.memory_space<hbm>> -> memref<128x128xf32, #tpu.memory_space<hbm>>
        %dma_wait3A_93 = arith.constant 0 : i32
        %dma_wait3A_94 = arith.constant 0 : i32
        %dma_wait3A_95 = tpu.memref_slice %arg3[%dma_wait3A_93, %dma_wait3A_94] : memref<81920x128xf32, #tpu.memory_space<hbm>> -> memref<128x128xf32, #tpu.memory_space<hbm>>
        tpu.wait_dma2 semaphore(%arg12 : memref<!tpu.dma_semaphore, #tpu.memory_space<semaphore_mem>>) src(%dma_wait3A_95 : memref<128x128xf32, #tpu.memory_space<hbm>>) dst(%arg8 : memref<128x128xf32, #tpu.memory_space<vmem>>)
        "tpu.region"() ({
          %run_scoped3A = tpu.sem_alloc : memref<!tpu.dma_semaphore, #tpu.memory_space<semaphore_mem>>
          %dma_start3A = arith.constant 0 : i32
          %dma_start3A_96 = arith.constant 0 : i32
          %dma_start3A_97 = tpu.memref_slice %arg10[%dma_start3A, %dma_start3A_96] : memref<10000x128xf32, #tpu.memory_space<vmem_shared>> -> memref<10000x128xf32, #tpu.memory_space<vmem_shared>>
          tpu.enqueue_indirect_dma source(%arg8 : memref<128x128xf32, #tpu.memory_space<vmem>>) target(%dma_start3A_97 : memref<10000x128xf32, #tpu.memory_space<vmem_shared>>) offsets(%arg7 : memref<128xi32, #tpu.memory_space<vmem>>) semaphore(%run_scoped3A : memref<!tpu.dma_semaphore, #tpu.memory_space<semaphore_mem>>) {add = true}
          %dma_wait3A_98 = arith.constant 0 : i32
          %dma_wait3A_99 = arith.constant 0 : i32
          %dma_wait3A_100 = tpu.memref_slice %arg10[%dma_wait3A_98, %dma_wait3A_99] : memref<10000x128xf32, #tpu.memory_space<vmem_shared>> -> memref<10000x128xf32, #tpu.memory_space<vmem_shared>>
          tpu.wait_indirect_dma semaphore(%run_scoped3A : memref<!tpu.dma_semaphore, #tpu.memory_space<semaphore_mem>>) src(%arg8 : memref<128x128xf32, #tpu.memory_space<vmem>>) dst(%dma_wait3A_100 : memref<10000x128xf32, #tpu.memory_space<vmem_shared>>)
          tpu.yield
        }) : () -> ()
      } else {
      }
      %add3A_73 = arith.constant 1 : i32
      %add3A_74 = arith.addi %scan3A_35, %add3A_73 : i32
      %mul3A_75 = arith.constant 2 : i32
      %mul3A_76 = arith.muli %add3A_74, %mul3A_75 : i32
      %add3A_77 = arith.constant 1 : i32
      %add3A_78 = arith.addi %mul3A_76, %add3A_77 : i32
      %mul3A_79 = arith.constant 16 : i32
      %mul3A_80 = arith.muli %add3A_78, %mul3A_79 : i32
      %add3A_81 = arith.addi %mul3A_80, %arg1 : i32
      %lt3A_82 = arith.constant 320 : i32
      %lt3A_83 = arith.cmpi slt, %add3A_81, %lt3A_82 : i32
      %convert_element_type3A_84 = arith.extui %lt3A_83 : i1 to i32
      %cond3A_85 = arith.constant 0 : i32
      %cond3A_86 = arith.cmpi ne, %convert_element_type3A_84, %cond3A_85 : i32
      scf.if %cond3A_86 {
        %mul3A_87 = arith.constant 320 : i32
        %mul3A_88 = arith.muli %arg0, %mul3A_87 : i32
        %add3A_89 = arith.addi %mul3A_88, %add3A_81 : i32
        %add3A_90 = arith.constant 0 : i32
        %add3A_91 = arith.addi %add3A_90, %add3A_89 : i32
        %mul3A_92 = arith.constant 128 : i32
        %mul3A_93 = arith.muli %add3A_91, %mul3A_92 : i32
        %dma_start3A = tpu.memref_slice %arg2[%mul3A_93] : memref<160000xi32, #tpu.memory_space<hbm>> -> memref<128xi32, #tpu.memory_space<hbm>>
        %dma_start3A_94 = tpu.memref_slice %arg2[%mul3A_93] : memref<160000xi32, #tpu.memory_space<hbm>> -> memref<128xi32, #tpu.memory_space<hbm>>
        tpu.enqueue_dma source(%dma_start3A_94 : memref<128xi32, #tpu.memory_space<hbm>>) target(%arg7 : memref<128xi32, #tpu.memory_space<vmem>>) target_semaphore(%arg12 : memref<!tpu.dma_semaphore, #tpu.memory_space<semaphore_mem>>)
        %mul3A_95 = arith.constant 128 : i32
        %mul3A_96 = arith.muli %add3A_89, %mul3A_95 : i32
        %dma_start3A_97 = arith.constant 0 : i32
        %dma_start3A_98 = tpu.memref_slice %arg3[%mul3A_96, %dma_start3A_97] : memref<81920x128xf32, #tpu.memory_space<hbm>> -> memref<128x128xf32, #tpu.memory_space<hbm>>
        %dma_start3A_99 = arith.constant 0 : i32
        %dma_start3A_100 = tpu.memref_slice %arg3[%mul3A_96, %dma_start3A_99] : memref<81920x128xf32, #tpu.memory_space<hbm>> -> memref<128x128xf32, #tpu.memory_space<hbm>>
        tpu.enqueue_dma source(%dma_start3A_100 : memref<128x128xf32, #tpu.memory_space<hbm>>) target(%arg8 : memref<128x128xf32, #tpu.memory_space<vmem>>) target_semaphore(%arg12 : memref<!tpu.dma_semaphore, #tpu.memory_space<semaphore_mem>>)
      } else {
      }
    }
    %scan3A_27 = arith.constant 10 : i32
    %barrier3A_28 = arith.constant 0 : index
    tpu.barrier barrier_id(%barrier3A_28)
    %scan3A_29 = arith.constant 0 : i32
    %scan3A_30 = arith.constant 0 : i32
    %scan3A_31 = arith.constant 8 : i32
    %scan3A_32 = arith.addi %scan3A_30, %scan3A_31 : i32
    %scan3A_33 = arith.constant 1 : i32
    scf.for %scan3A_35 = %scan3A_30 to %scan3A_32 step %scan3A_33  : i32 {
      %mul3A = arith.constant 16 : i32
      %mul3A_36 = arith.muli %scan3A_35, %mul3A : i32
      %add3A_37 = arith.addi %mul3A_36, %arg1 : i32
      %lt3A_38 = arith.constant 125 : i32
      %lt3A_39 = arith.cmpi slt, %add3A_37, %lt3A_38 : i32
      %convert_element_type3A_40 = arith.extui %lt3A_39 : i1 to i32
      %cond3A_41 = arith.constant 0 : i32
      %cond3A_42 = arith.cmpi ne, %convert_element_type3A_40, %cond3A_41 : i32
      scf.if %cond3A_42 {
        %mul3A_43 = arith.constant 80 : i32
        %mul3A_44 = arith.muli %add3A_37, %mul3A_43 : i32
        %mul3A_45 = arith.constant 80 : i32
        %mul3A_46 = arith.muli %add3A_37, %mul3A_45 : i32
        "tpu.region"() ({
          %run_scoped3A = tpu.sem_alloc : memref<!tpu.dma_semaphore, #tpu.memory_space<semaphore_mem>>
          %dma_start3A = arith.constant 0 : i32
          %dma_start3A_47 = arith.constant 0 : i32
          %dma_start3A_48 = tpu.memref_slice %arg4[%arg0, %dma_start3A, %dma_start3A_47] : memref<2x10000x128xf32, #tpu.memory_space<hbm>> -> memref<1x10000x128xf32, #tpu.memory_space<hbm>>
          %dma_start3A_49 = tpu.memref_squeeze %dma_start3A_48 : memref<1x10000x128xf32, #tpu.memory_space<hbm>> -> memref<10000x128xf32, #tpu.memory_space<hbm>>
          %dma_start3A_50 = arith.constant 0 : i32
          %dma_start3A_51 = tpu.memref_slice %dma_start3A_49[%mul3A_46, %dma_start3A_50] : memref<10000x128xf32, #tpu.memory_space<hbm>> -> memref<80x128xf32, #tpu.memory_space<hbm>>
          %dma_start3A_52 = arith.constant 0 : i32
          %dma_start3A_53 = tpu.memref_slice %arg10[%mul3A_44, %dma_start3A_52] : memref<10000x128xf32, #tpu.memory_space<vmem_shared>> -> memref<80x128xf32, #tpu.memory_space<vmem_shared>>
          tpu.enqueue_dma source(%dma_start3A_53 : memref<80x128xf32, #tpu.memory_space<vmem_shared>>) target(%dma_start3A_51 : memref<80x128xf32, #tpu.memory_space<hbm>>) target_semaphore(%run_scoped3A : memref<!tpu.dma_semaphore, #tpu.memory_space<semaphore_mem>>)
          %dma_wait3A = arith.constant 0 : i32
          %dma_wait3A_54 = arith.constant 0 : i32
          %dma_wait3A_55 = tpu.memref_slice %arg4[%arg0, %dma_wait3A, %dma_wait3A_54] : memref<2x10000x128xf32, #tpu.memory_space<hbm>> -> memref<1x10000x128xf32, #tpu.memory_space<hbm>>
          %dma_wait3A_56 = tpu.memref_squeeze %dma_wait3A_55 : memref<1x10000x128xf32, #tpu.memory_space<hbm>> -> memref<10000x128xf32, #tpu.memory_space<hbm>>
          %dma_wait3A_57 = arith.constant 0 : i32
          %dma_wait3A_58 = tpu.memref_slice %dma_wait3A_56[%mul3A_46, %dma_wait3A_57] : memref<10000x128xf32, #tpu.memory_space<hbm>> -> memref<80x128xf32, #tpu.memory_space<hbm>>
          %dma_wait3A_59 = arith.constant 0 : i32
          %dma_wait3A_60 = tpu.memref_slice %arg10[%mul3A_44, %dma_wait3A_59] : memref<10000x128xf32, #tpu.memory_space<vmem_shared>> -> memref<80x128xf32, #tpu.memory_space<vmem_shared>>
          tpu.wait_dma2 semaphore(%run_scoped3A : memref<!tpu.dma_semaphore, #tpu.memory_space<semaphore_mem>>) src(%dma_wait3A_60 : memref<80x128xf32, #tpu.memory_space<vmem_shared>>) dst(%dma_wait3A_58 : memref<80x128xf32, #tpu.memory_space<hbm>>)
          tpu.yield
        }) : () -> ()
      } else {
      }
    }
    %scan3A_34 = arith.constant 8 : i32
    return
  }
}

module attributes {stable_mosaic.version = 14 : i64} {
  func.func @_edge_body(%arg0: i32, %arg1: memref<1280x128xf32, #tpu.memory_space<vmem>>, %arg2: memref<1280x128xf32, #tpu.memory_space<vmem>>, %arg3: memref<128x128xf32, #tpu.memory_space<vmem>>, %arg4: memref<1x128xf32, #tpu.memory_space<vmem>>, %arg5: memref<128x128xf32, #tpu.memory_space<vmem>>, %arg6: memref<1x128xf32, #tpu.memory_space<vmem>>, %arg7: memref<1x128xf32, #tpu.memory_space<vmem>>, %arg8: memref<1x128xf32, #tpu.memory_space<vmem>>, %arg9: memref<1280x128xf32, #tpu.memory_space<vmem>>) attributes {dimension_semantics = [#tpu.dimension_semantics<arbitrary>], iteration_bounds = array<i64: 64>, scalar_prefetch = 0 : i64, scratch_operands = 0 : i64, tpu.core_type = #tpu.core_type<tc>, window_params = [{transform_indices = @transform_0, window_bounds = array<i64: 1280, 128>}, {transform_indices = @transform_1, window_bounds = array<i64: 1280, 128>}, {pipeline_mode = #tpu.pipeline_mode<synchronous>, transform_indices = @transform_2, window_bounds = array<i64: 128, 128>}, {pipeline_mode = #tpu.pipeline_mode<synchronous>, transform_indices = @transform_3, window_bounds = array<i64: 1, 128>}, {pipeline_mode = #tpu.pipeline_mode<synchronous>, transform_indices = @transform_4, window_bounds = array<i64: 128, 128>}, {pipeline_mode = #tpu.pipeline_mode<synchronous>, transform_indices = @transform_5, window_bounds = array<i64: 1, 128>}, {pipeline_mode = #tpu.pipeline_mode<synchronous>, transform_indices = @transform_6, window_bounds = array<i64: 1, 128>}, {pipeline_mode = #tpu.pipeline_mode<synchronous>, transform_indices = @transform_7, window_bounds = array<i64: 1, 128>}, {transform_indices = @transform_8, window_bounds = array<i64: 1280, 128>}]} {
    %get3A = arith.constant 0 : index
    %get3A_0 = arith.constant 0 : index
    %get3A_1 = vector.load %arg1[%get3A, %get3A_0] : memref<1280x128xf32, #tpu.memory_space<vmem>>, vector<1280x128xf32>
    %get3A_2 = arith.constant 0 : index
    %get3A_3 = arith.constant 0 : index
    %get3A_4 = vector.load %arg3[%get3A_2, %get3A_3] : memref<128x128xf32, #tpu.memory_space<vmem>>, vector<128x128xf32>
    %dot_general3A = arith.constant dense<0.000000e+00> : vector<1280x128xf32>
    %dot_general3A_5 = tpu.matmul %get3A_1, %get3A_4, %dot_general3A {dimension_numbers = #tpu.dot_dimension_numbers<[1], [0], [0], [1], [0, 0, 1, 1], [], []>, transpose_lhs_hint = false} : vector<1280x128xf32>, vector<128x128xf32>, vector<1280x128xf32> -> vector<1280x128xf32>
    %get3A_6 = arith.constant 0 : index
    %get3A_7 = arith.constant 0 : index
    %get3A_8 = vector.load %arg2[%get3A_6, %get3A_7] : memref<1280x128xf32, #tpu.memory_space<vmem>>, vector<1280x128xf32>
    %add3A = arith.addf %dot_general3A_5, %get3A_8 : vector<1280x128xf32>
    %get3A_9 = arith.constant 0 : index
    %get3A_10 = arith.constant 0 : index
    %get3A_11 = vector.load %arg4[%get3A_9, %get3A_10] : memref<1x128xf32, #tpu.memory_space<vmem>>, vector<1x128xf32>
    %add3A_12 = vector.broadcast %get3A_11 : vector<1x128xf32> to vector<1280x128xf32>
    %add3A_13 = arith.addf %add3A, %add3A_12 : vector<1280x128xf32>
    %logistic3A = arith.negf %add3A_13 : vector<1280x128xf32>
    %logistic3A_14 = math.exp %logistic3A : vector<1280x128xf32>
    %logistic3A_15 = arith.constant 1.000000e+00 : f32
    %logistic3A_16 = vector.broadcast %logistic3A_15 : f32 to vector<1280x128xf32>
    %logistic3A_17 = arith.addf %logistic3A_16, %logistic3A_14 : vector<1280x128xf32>
    %logistic3A_18 = arith.divf %logistic3A_16, %logistic3A_17 : vector<1280x128xf32>
    %mul3A = arith.mulf %add3A_13, %logistic3A_18 : vector<1280x128xf32>
    %get3A_19 = arith.constant 0 : index
    %get3A_20 = arith.constant 0 : index
    %get3A_21 = vector.load %arg5[%get3A_19, %get3A_20] : memref<128x128xf32, #tpu.memory_space<vmem>>, vector<128x128xf32>
    %dot_general3A_22 = arith.constant dense<0.000000e+00> : vector<1280x128xf32>
    %dot_general3A_23 = tpu.matmul %mul3A, %get3A_21, %dot_general3A_22 {dimension_numbers = #tpu.dot_dimension_numbers<[1], [0], [0], [1], [0, 0, 1, 1], [], []>, transpose_lhs_hint = false} : vector<1280x128xf32>, vector<128x128xf32>, vector<1280x128xf32> -> vector<1280x128xf32>
    %get3A_24 = arith.constant 0 : index
    %get3A_25 = arith.constant 0 : index
    %get3A_26 = vector.load %arg6[%get3A_24, %get3A_25] : memref<1x128xf32, #tpu.memory_space<vmem>>, vector<1x128xf32>
    %add3A_27 = vector.broadcast %get3A_26 : vector<1x128xf32> to vector<1280x128xf32>
    %add3A_28 = arith.addf %dot_general3A_23, %add3A_27 : vector<1280x128xf32>
    %get3A_29 = arith.constant 0 : index
    %get3A_30 = arith.constant 0 : index
    %get3A_31 = vector.load %arg7[%get3A_29, %get3A_30] : memref<1x128xf32, #tpu.memory_space<vmem>>, vector<1x128xf32>
    %get3A_32 = arith.constant 0 : index
    %get3A_33 = arith.constant 0 : index
    %get3A_34 = vector.load %arg8[%get3A_32, %get3A_33] : memref<1x128xf32, #tpu.memory_space<vmem>>, vector<1x128xf32>
    %reduce_sum3A = arith.constant dense<0.000000e+00> : vector<1280xf32>
    %reduce_sum3A_35 = vector.multi_reduction <add>, %add3A_28, %reduce_sum3A [1] : vector<1280x128xf32> to vector<1280xf32>
    %broadcast_in_dim3A = vector.shape_cast %reduce_sum3A_35 : vector<1280xf32> to vector<1280x1xf32>
    %div3A = arith.constant 1.280000e+02 : f32
    %div3A_36 = vector.broadcast %div3A : f32 to vector<1280x1xf32>
    %div3A_37 = arith.divf %broadcast_in_dim3A, %div3A_36 : vector<1280x1xf32>
    %jit3A = arith.constant 0 : i32
    %reduce_sum3A_38 = arith.constant dense<0.000000e+00> : vector<1280xf32>
    %reduce_sum3A_39 = vector.multi_reduction <add>, %add3A_28, %reduce_sum3A_38 [1] : vector<1280x128xf32> to vector<1280xf32>
    %broadcast_in_dim3A_40 = vector.shape_cast %reduce_sum3A_39 : vector<1280xf32> to vector<1280x1xf32>
    %div3A_41 = arith.constant 1.280000e+02 : f32
    %div3A_42 = vector.broadcast %div3A_41 : f32 to vector<1280x1xf32>
    %div3A_43 = arith.divf %broadcast_in_dim3A_40, %div3A_42 : vector<1280x1xf32>
    %sub3A = vector.broadcast %div3A_43 : vector<1280x1xf32> to vector<1280x128xf32>
    %sub3A_44 = arith.subf %add3A_28, %sub3A : vector<1280x128xf32>
    %square3A = arith.mulf %sub3A_44, %sub3A_44 : vector<1280x128xf32>
    %convert_element_type3A = arith.sitofp %jit3A : i32 to f32
    %sub3A_45 = arith.constant 1.280000e+02 : f32
    %sub3A_46 = arith.subf %sub3A_45, %convert_element_type3A : f32
    %reduce_sum3A_47 = arith.constant dense<0.000000e+00> : vector<1280xf32>
    %reduce_sum3A_48 = vector.multi_reduction <add>, %square3A, %reduce_sum3A_47 [1] : vector<1280x128xf32> to vector<1280xf32>
    %broadcast_in_dim3A_49 = vector.shape_cast %reduce_sum3A_48 : vector<1280xf32> to vector<1280x1xf32>
    %div3A_50 = vector.broadcast %sub3A_46 : f32 to vector<1280x1xf32>
    %div3A_51 = arith.divf %broadcast_in_dim3A_49, %div3A_50 : vector<1280x1xf32>
    %gt3A = arith.constant 0.000000e+00 : f32
    %gt3A_52 = arith.cmpf ogt, %sub3A_46, %gt3A : f32
    %jit3A_53 = arith.constant 0x7FC00000 : f32
    %broadcast_in_dim3A_54 = vector.broadcast %jit3A_53 : f32 to vector<1280x1xf32>
    %select_n3A = arith.select %gt3A_52, %div3A_51, %broadcast_in_dim3A_54 : vector<1280x1xf32>
    %sub3A_55 = vector.broadcast %div3A_37 : vector<1280x1xf32> to vector<1280x128xf32>
    %sub3A_56 = arith.subf %add3A_28, %sub3A_55 : vector<1280x128xf32>
    %add3A_57 = arith.constant 9.99999974E-6 : f32
    %add3A_58 = vector.broadcast %add3A_57 : f32 to vector<1280x1xf32>
    %add3A_59 = arith.addf %select_n3A, %add3A_58 : vector<1280x1xf32>
    %sqrt3A = math.sqrt %add3A_59 : vector<1280x1xf32>
    %div3A_60 = vector.broadcast %sqrt3A : vector<1280x1xf32> to vector<1280x128xf32>
    %div3A_61 = arith.divf %sub3A_56, %div3A_60 : vector<1280x128xf32>
    %mul3A_62 = vector.broadcast %get3A_31 : vector<1x128xf32> to vector<1280x128xf32>
    %mul3A_63 = arith.mulf %div3A_61, %mul3A_62 : vector<1280x128xf32>
    %add3A_64 = vector.broadcast %get3A_34 : vector<1x128xf32> to vector<1280x128xf32>
    %add3A_65 = arith.addf %mul3A_63, %add3A_64 : vector<1280x128xf32>
    %swap3A = arith.constant 0 : index
    %swap3A_66 = arith.constant 0 : index
    %swap3A_67 = vector.load %arg9[%swap3A, %swap3A_66] : memref<1280x128xf32, #tpu.memory_space<vmem>>, vector<1280x128xf32>
    tpu.vector_store %arg9[%swap3A, %swap3A_66], %add3A_65 {strides = array<i32>} : memref<1280x128xf32, #tpu.memory_space<vmem>>, vector<1280x128xf32>,
    return
  }
  func.func @transform_0(%arg0: i32) -> (i32, i32) {
    %add3A = arith.constant 0 : i32
    %add3A_0 = arith.addi %arg0, %add3A : i32
    %c0_i32 = arith.constant 0 : i32
    %c0_i32_1 = arith.constant 0 : i32
    return %add3A_0, %c0_i32 : i32, i32
  }
  func.func @transform_1(%arg0: i32) -> (i32, i32) {
    %c0_i32 = arith.constant 0 : i32
    %c0_i32_0 = arith.constant 0 : i32
    return %arg0, %c0_i32 : i32, i32
  }
  func.func @transform_2(%arg0: i32) -> (i32, i32) {
    %c0_i32 = arith.constant 0 : i32
    %c0_i32_0 = arith.constant 0 : i32
    %c0_i32_1 = arith.constant 0 : i32
    return %c0_i32, %c0_i32_0 : i32, i32
  }
  func.func @transform_3(%arg0: i32) -> (i32, i32) {
    %c0_i32 = arith.constant 0 : i32
    %c0_i32_0 = arith.constant 0 : i32
    %c0_i32_1 = arith.constant 0 : i32
    return %c0_i32, %c0_i32_0 : i32, i32
  }
  func.func @transform_4(%arg0: i32) -> (i32, i32) {
    %c0_i32 = arith.constant 0 : i32
    %c0_i32_0 = arith.constant 0 : i32
    %c0_i32_1 = arith.constant 0 : i32
    return %c0_i32, %c0_i32_0 : i32, i32
  }
  func.func @transform_5(%arg0: i32) -> (i32, i32) {
    %c0_i32 = arith.constant 0 : i32
    %c0_i32_0 = arith.constant 0 : i32
    %c0_i32_1 = arith.constant 0 : i32
    return %c0_i32, %c0_i32_0 : i32, i32
  }
  func.func @transform_6(%arg0: i32) -> (i32, i32) {
    %c0_i32 = arith.constant 0 : i32
    %c0_i32_0 = arith.constant 0 : i32
    %c0_i32_1 = arith.constant 0 : i32
    return %c0_i32, %c0_i32_0 : i32, i32
  }
  func.func @transform_7(%arg0: i32) -> (i32, i32) {
    %c0_i32 = arith.constant 0 : i32
    %c0_i32_0 = arith.constant 0 : i32
    %c0_i32_1 = arith.constant 0 : i32
    return %c0_i32, %c0_i32_0 : i32, i32
  }
  func.func @transform_8(%arg0: i32) -> (i32, i32) {
    %c0_i32 = arith.constant 0 : i32
    %c0_i32_0 = arith.constant 0 : i32
    return %arg0, %c0_i32 : i32, i32
  }
}

module attributes {stable_mosaic.version = 14 : i64} {
  func.func @_meshproj_body(%arg0: i32, %arg1: memref<2000x128xf32, #tpu.memory_space<vmem>>, %arg2: memref<128x128xf32, #tpu.memory_space<vmem>>, %arg3: memref<2000x128xf32, #tpu.memory_space<vmem>>) attributes {dimension_semantics = [#tpu.dimension_semantics<arbitrary>], iteration_bounds = array<i64: 25>, scalar_prefetch = 0 : i64, scratch_operands = 0 : i64, tpu.core_type = #tpu.core_type<tc>, window_params = [{transform_indices = @transform_0, window_bounds = array<i64: 2000, 128>}, {pipeline_mode = #tpu.pipeline_mode<synchronous>, transform_indices = @transform_1, window_bounds = array<i64: 128, 128>}, {transform_indices = @transform_2, window_bounds = array<i64: 2000, 128>}]} {
    %get3A = arith.constant 0 : index
    %get3A_0 = arith.constant 0 : index
    %get3A_1 = vector.load %arg1[%get3A, %get3A_0] : memref<2000x128xf32, #tpu.memory_space<vmem>>, vector<2000x128xf32>
    %get3A_2 = arith.constant 0 : index
    %get3A_3 = arith.constant 0 : index
    %get3A_4 = vector.load %arg2[%get3A_2, %get3A_3] : memref<128x128xf32, #tpu.memory_space<vmem>>, vector<128x128xf32>
    %dot_general3A = arith.constant dense<0.000000e+00> : vector<2000x128xf32>
    %dot_general3A_5 = tpu.matmul %get3A_1, %get3A_4, %dot_general3A {dimension_numbers = #tpu.dot_dimension_numbers<[1], [0], [0], [1], [0, 0, 1, 1], [], []>, transpose_lhs_hint = false} : vector<2000x128xf32>, vector<128x128xf32>, vector<2000x128xf32> -> vector<2000x128xf32>
    %swap3A = arith.constant 0 : index
    %swap3A_6 = arith.constant 0 : index
    %swap3A_7 = vector.load %arg3[%swap3A, %swap3A_6] : memref<2000x128xf32, #tpu.memory_space<vmem>>, vector<2000x128xf32>
    tpu.vector_store %arg3[%swap3A, %swap3A_6], %dot_general3A_5 {strides = array<i32>} : memref<2000x128xf32, #tpu.memory_space<vmem>>, vector<2000x128xf32>,
    return
  }
  func.func @transform_0(%arg0: i32) -> (i32, i32) {
    %c0_i32 = arith.constant 0 : i32
    %c0_i32_0 = arith.constant 0 : i32
    return %arg0, %c0_i32 : i32, i32
  }
  func.func @transform_1(%arg0: i32) -> (i32, i32) {
    %c0_i32 = arith.constant 0 : i32
    %c0_i32_0 = arith.constant 0 : i32
    %c0_i32_1 = arith.constant 0 : i32
    return %c0_i32, %c0_i32_0 : i32, i32
  }
  func.func @transform_2(%arg0: i32) -> (i32, i32) {
    %c0_i32 = arith.constant 0 : i32
    %c0_i32_0 = arith.constant 0 : i32
    return %arg0, %c0_i32 : i32, i32
  }
}

module attributes {stable_mosaic.version = 14 : i64} {
  func.func @_meshproj_body(%arg0: i32, %arg1: memref<1000x128xf32, #tpu.memory_space<vmem>>, %arg2: memref<128x128xf32, #tpu.memory_space<vmem>>, %arg3: memref<1000x128xf32, #tpu.memory_space<vmem>>) attributes {dimension_semantics = [#tpu.dimension_semantics<arbitrary>], iteration_bounds = array<i64: 10>, scalar_prefetch = 0 : i64, scratch_operands = 0 : i64, tpu.core_type = #tpu.core_type<tc>, window_params = [{transform_indices = @transform_0, window_bounds = array<i64: 1000, 128>}, {pipeline_mode = #tpu.pipeline_mode<synchronous>, transform_indices = @transform_1, window_bounds = array<i64: 128, 128>}, {transform_indices = @transform_2, window_bounds = array<i64: 1000, 128>}]} {
    %get3A = arith.constant 0 : index
    %get3A_0 = arith.constant 0 : index
    %get3A_1 = vector.load %arg1[%get3A, %get3A_0] : memref<1000x128xf32, #tpu.memory_space<vmem>>, vector<1000x128xf32>
    %get3A_2 = arith.constant 0 : index
    %get3A_3 = arith.constant 0 : index
    %get3A_4 = vector.load %arg2[%get3A_2, %get3A_3] : memref<128x128xf32, #tpu.memory_space<vmem>>, vector<128x128xf32>
    %dot_general3A = arith.constant dense<0.000000e+00> : vector<1000x128xf32>
    %dot_general3A_5 = tpu.matmul %get3A_1, %get3A_4, %dot_general3A {dimension_numbers = #tpu.dot_dimension_numbers<[1], [0], [0], [1], [0, 0, 1, 1], [], []>, transpose_lhs_hint = false} : vector<1000x128xf32>, vector<128x128xf32>, vector<1000x128xf32> -> vector<1000x128xf32>
    %swap3A = arith.constant 0 : index
    %swap3A_6 = arith.constant 0 : index
    %swap3A_7 = vector.load %arg3[%swap3A, %swap3A_6] : memref<1000x128xf32, #tpu.memory_space<vmem>>, vector<1000x128xf32>
    tpu.vector_store %arg3[%swap3A, %swap3A_6], %dot_general3A_5 {strides = array<i32>} : memref<1000x128xf32, #tpu.memory_space<vmem>>, vector<1000x128xf32>,
    return
  }
  func.func @transform_0(%arg0: i32) -> (i32, i32) {
    %c0_i32 = arith.constant 0 : i32
    %c0_i32_0 = arith.constant 0 : i32
    return %arg0, %c0_i32 : i32, i32
  }
  func.func @transform_1(%arg0: i32) -> (i32, i32) {
    %c0_i32 = arith.constant 0 : i32
    %c0_i32_0 = arith.constant 0 : i32
    %c0_i32_1 = arith.constant 0 : i32
    return %c0_i32, %c0_i32_0 : i32, i32
  }
  func.func @transform_2(%arg0: i32) -> (i32, i32) {
    %c0_i32 = arith.constant 0 : i32
    %c0_i32_0 = arith.constant 0 : i32
    return %arg0, %c0_i32 : i32, i32
  }
}

module attributes {stable_mosaic.version = 14 : i64} {
  func.func @_edge_body(%arg0: i32, %arg1: memref<1280x128xf32, #tpu.memory_space<vmem>>, %arg2: memref<1280x128xf32, #tpu.memory_space<vmem>>, %arg3: memref<128x128xf32, #tpu.memory_space<vmem>>, %arg4: memref<1x128xf32, #tpu.memory_space<vmem>>, %arg5: memref<128x128xf32, #tpu.memory_space<vmem>>, %arg6: memref<1x128xf32, #tpu.memory_space<vmem>>, %arg7: memref<1x128xf32, #tpu.memory_space<vmem>>, %arg8: memref<1x128xf32, #tpu.memory_space<vmem>>, %arg9: memref<1280x128xf32, #tpu.memory_space<vmem>>) attributes {dimension_semantics = [#tpu.dimension_semantics<arbitrary>], iteration_bounds = array<i64: 61>, scalar_prefetch = 0 : i64, scratch_operands = 0 : i64, tpu.core_type = #tpu.core_type<tc>, window_params = [{transform_indices = @transform_0, window_bounds = array<i64: 1280, 128>}, {transform_indices = @transform_1, window_bounds = array<i64: 1280, 128>}, {pipeline_mode = #tpu.pipeline_mode<synchronous>, transform_indices = @transform_2, window_bounds = array<i64: 128, 128>}, {pipeline_mode = #tpu.pipeline_mode<synchronous>, transform_indices = @transform_3, window_bounds = array<i64: 1, 128>}, {pipeline_mode = #tpu.pipeline_mode<synchronous>, transform_indices = @transform_4, window_bounds = array<i64: 128, 128>}, {pipeline_mode = #tpu.pipeline_mode<synchronous>, transform_indices = @transform_5, window_bounds = array<i64: 1, 128>}, {pipeline_mode = #tpu.pipeline_mode<synchronous>, transform_indices = @transform_6, window_bounds = array<i64: 1, 128>}, {pipeline_mode = #tpu.pipeline_mode<synchronous>, transform_indices = @transform_7, window_bounds = array<i64: 1, 128>}, {transform_indices = @transform_8, window_bounds = array<i64: 1280, 128>}]} {
    %get3A = arith.constant 0 : index
    %get3A_0 = arith.constant 0 : index
    %get3A_1 = vector.load %arg1[%get3A, %get3A_0] : memref<1280x128xf32, #tpu.memory_space<vmem>>, vector<1280x128xf32>
    %get3A_2 = arith.constant 0 : index
    %get3A_3 = arith.constant 0 : index
    %get3A_4 = vector.load %arg3[%get3A_2, %get3A_3] : memref<128x128xf32, #tpu.memory_space<vmem>>, vector<128x128xf32>
    %dot_general3A = arith.constant dense<0.000000e+00> : vector<1280x128xf32>
    %dot_general3A_5 = tpu.matmul %get3A_1, %get3A_4, %dot_general3A {dimension_numbers = #tpu.dot_dimension_numbers<[1], [0], [0], [1], [0, 0, 1, 1], [], []>, transpose_lhs_hint = false} : vector<1280x128xf32>, vector<128x128xf32>, vector<1280x128xf32> -> vector<1280x128xf32>
    %get3A_6 = arith.constant 0 : index
    %get3A_7 = arith.constant 0 : index
    %get3A_8 = vector.load %arg2[%get3A_6, %get3A_7] : memref<1280x128xf32, #tpu.memory_space<vmem>>, vector<1280x128xf32>
    %add3A = arith.addf %dot_general3A_5, %get3A_8 : vector<1280x128xf32>
    %get3A_9 = arith.constant 0 : index
    %get3A_10 = arith.constant 0 : index
    %get3A_11 = vector.load %arg4[%get3A_9, %get3A_10] : memref<1x128xf32, #tpu.memory_space<vmem>>, vector<1x128xf32>
    %add3A_12 = vector.broadcast %get3A_11 : vector<1x128xf32> to vector<1280x128xf32>
    %add3A_13 = arith.addf %add3A, %add3A_12 : vector<1280x128xf32>
    %logistic3A = arith.negf %add3A_13 : vector<1280x128xf32>
    %logistic3A_14 = math.exp %logistic3A : vector<1280x128xf32>
    %logistic3A_15 = arith.constant 1.000000e+00 : f32
    %logistic3A_16 = vector.broadcast %logistic3A_15 : f32 to vector<1280x128xf32>
    %logistic3A_17 = arith.addf %logistic3A_16, %logistic3A_14 : vector<1280x128xf32>
    %logistic3A_18 = arith.divf %logistic3A_16, %logistic3A_17 : vector<1280x128xf32>
    %mul3A = arith.mulf %add3A_13, %logistic3A_18 : vector<1280x128xf32>
    %get3A_19 = arith.constant 0 : index
    %get3A_20 = arith.constant 0 : index
    %get3A_21 = vector.load %arg5[%get3A_19, %get3A_20] : memref<128x128xf32, #tpu.memory_space<vmem>>, vector<128x128xf32>
    %dot_general3A_22 = arith.constant dense<0.000000e+00> : vector<1280x128xf32>
    %dot_general3A_23 = tpu.matmul %mul3A, %get3A_21, %dot_general3A_22 {dimension_numbers = #tpu.dot_dimension_numbers<[1], [0], [0], [1], [0, 0, 1, 1], [], []>, transpose_lhs_hint = false} : vector<1280x128xf32>, vector<128x128xf32>, vector<1280x128xf32> -> vector<1280x128xf32>
    %get3A_24 = arith.constant 0 : index
    %get3A_25 = arith.constant 0 : index
    %get3A_26 = vector.load %arg6[%get3A_24, %get3A_25] : memref<1x128xf32, #tpu.memory_space<vmem>>, vector<1x128xf32>
    %add3A_27 = vector.broadcast %get3A_26 : vector<1x128xf32> to vector<1280x128xf32>
    %add3A_28 = arith.addf %dot_general3A_23, %add3A_27 : vector<1280x128xf32>
    %get3A_29 = arith.constant 0 : index
    %get3A_30 = arith.constant 0 : index
    %get3A_31 = vector.load %arg7[%get3A_29, %get3A_30] : memref<1x128xf32, #tpu.memory_space<vmem>>, vector<1x128xf32>
    %get3A_32 = arith.constant 0 : index
    %get3A_33 = arith.constant 0 : index
    %get3A_34 = vector.load %arg8[%get3A_32, %get3A_33] : memref<1x128xf32, #tpu.memory_space<vmem>>, vector<1x128xf32>
    %reduce_sum3A = arith.constant dense<0.000000e+00> : vector<1280xf32>
    %reduce_sum3A_35 = vector.multi_reduction <add>, %add3A_28, %reduce_sum3A [1] : vector<1280x128xf32> to vector<1280xf32>
    %broadcast_in_dim3A = vector.shape_cast %reduce_sum3A_35 : vector<1280xf32> to vector<1280x1xf32>
    %div3A = arith.constant 1.280000e+02 : f32
    %div3A_36 = vector.broadcast %div3A : f32 to vector<1280x1xf32>
    %div3A_37 = arith.divf %broadcast_in_dim3A, %div3A_36 : vector<1280x1xf32>
    %jit3A = arith.constant 0 : i32
    %reduce_sum3A_38 = arith.constant dense<0.000000e+00> : vector<1280xf32>
    %reduce_sum3A_39 = vector.multi_reduction <add>, %add3A_28, %reduce_sum3A_38 [1] : vector<1280x128xf32> to vector<1280xf32>
    %broadcast_in_dim3A_40 = vector.shape_cast %reduce_sum3A_39 : vector<1280xf32> to vector<1280x1xf32>
    %div3A_41 = arith.constant 1.280000e+02 : f32
    %div3A_42 = vector.broadcast %div3A_41 : f32 to vector<1280x1xf32>
    %div3A_43 = arith.divf %broadcast_in_dim3A_40, %div3A_42 : vector<1280x1xf32>
    %sub3A = vector.broadcast %div3A_43 : vector<1280x1xf32> to vector<1280x128xf32>
    %sub3A_44 = arith.subf %add3A_28, %sub3A : vector<1280x128xf32>
    %square3A = arith.mulf %sub3A_44, %sub3A_44 : vector<1280x128xf32>
    %convert_element_type3A = arith.sitofp %jit3A : i32 to f32
    %sub3A_45 = arith.constant 1.280000e+02 : f32
    %sub3A_46 = arith.subf %sub3A_45, %convert_element_type3A : f32
    %reduce_sum3A_47 = arith.constant dense<0.000000e+00> : vector<1280xf32>
    %reduce_sum3A_48 = vector.multi_reduction <add>, %square3A, %reduce_sum3A_47 [1] : vector<1280x128xf32> to vector<1280xf32>
    %broadcast_in_dim3A_49 = vector.shape_cast %reduce_sum3A_48 : vector<1280xf32> to vector<1280x1xf32>
    %div3A_50 = vector.broadcast %sub3A_46 : f32 to vector<1280x1xf32>
    %div3A_51 = arith.divf %broadcast_in_dim3A_49, %div3A_50 : vector<1280x1xf32>
    %gt3A = arith.constant 0.000000e+00 : f32
    %gt3A_52 = arith.cmpf ogt, %sub3A_46, %gt3A : f32
    %jit3A_53 = arith.constant 0x7FC00000 : f32
    %broadcast_in_dim3A_54 = vector.broadcast %jit3A_53 : f32 to vector<1280x1xf32>
    %select_n3A = arith.select %gt3A_52, %div3A_51, %broadcast_in_dim3A_54 : vector<1280x1xf32>
    %sub3A_55 = vector.broadcast %div3A_37 : vector<1280x1xf32> to vector<1280x128xf32>
    %sub3A_56 = arith.subf %add3A_28, %sub3A_55 : vector<1280x128xf32>
    %add3A_57 = arith.constant 9.99999974E-6 : f32
    %add3A_58 = vector.broadcast %add3A_57 : f32 to vector<1280x1xf32>
    %add3A_59 = arith.addf %select_n3A, %add3A_58 : vector<1280x1xf32>
    %sqrt3A = math.sqrt %add3A_59 : vector<1280x1xf32>
    %div3A_60 = vector.broadcast %sqrt3A : vector<1280x1xf32> to vector<1280x128xf32>
    %div3A_61 = arith.divf %sub3A_56, %div3A_60 : vector<1280x128xf32>
    %mul3A_62 = vector.broadcast %get3A_31 : vector<1x128xf32> to vector<1280x128xf32>
    %mul3A_63 = arith.mulf %div3A_61, %mul3A_62 : vector<1280x128xf32>
    %add3A_64 = vector.broadcast %get3A_34 : vector<1x128xf32> to vector<1280x128xf32>
    %add3A_65 = arith.addf %mul3A_63, %add3A_64 : vector<1280x128xf32>
    %swap3A = arith.constant 0 : index
    %swap3A_66 = arith.constant 0 : index
    %swap3A_67 = vector.load %arg9[%swap3A, %swap3A_66] : memref<1280x128xf32, #tpu.memory_space<vmem>>, vector<1280x128xf32>
    tpu.vector_store %arg9[%swap3A, %swap3A_66], %add3A_65 {strides = array<i32>} : memref<1280x128xf32, #tpu.memory_space<vmem>>, vector<1280x128xf32>,
    return
  }
  func.func @transform_0(%arg0: i32) -> (i32, i32) {
    %add3A = arith.constant 64 : i32
    %add3A_0 = arith.addi %arg0, %add3A : i32
    %c0_i32 = arith.constant 0 : i32
    %c0_i32_1 = arith.constant 0 : i32
    return %add3A_0, %c0_i32 : i32, i32
  }
  func.func @transform_1(%arg0: i32) -> (i32, i32) {
    %c0_i32 = arith.constant 0 : i32
    %c0_i32_0 = arith.constant 0 : i32
    return %arg0, %c0_i32 : i32, i32
  }
  func.func @transform_2(%arg0: i32) -> (i32, i32) {
    %c0_i32 = arith.constant 0 : i32
    %c0_i32_0 = arith.constant 0 : i32
    %c0_i32_1 = arith.constant 0 : i32
    return %c0_i32, %c0_i32_0 : i32, i32
  }
  func.func @transform_3(%arg0: i32) -> (i32, i32) {
    %c0_i32 = arith.constant 0 : i32
    %c0_i32_0 = arith.constant 0 : i32
    %c0_i32_1 = arith.constant 0 : i32
    return %c0_i32, %c0_i32_0 : i32, i32
  }
  func.func @transform_4(%arg0: i32) -> (i32, i32) {
    %c0_i32 = arith.constant 0 : i32
    %c0_i32_0 = arith.constant 0 : i32
    %c0_i32_1 = arith.constant 0 : i32
    return %c0_i32, %c0_i32_0 : i32, i32
  }
  func.func @transform_5(%arg0: i32) -> (i32, i32) {
    %c0_i32 = arith.constant 0 : i32
    %c0_i32_0 = arith.constant 0 : i32
    %c0_i32_1 = arith.constant 0 : i32
    return %c0_i32, %c0_i32_0 : i32, i32
  }
  func.func @transform_6(%arg0: i32) -> (i32, i32) {
    %c0_i32 = arith.constant 0 : i32
    %c0_i32_0 = arith.constant 0 : i32
    %c0_i32_1 = arith.constant 0 : i32
    return %c0_i32, %c0_i32_0 : i32, i32
  }
  func.func @transform_7(%arg0: i32) -> (i32, i32) {
    %c0_i32 = arith.constant 0 : i32
    %c0_i32_0 = arith.constant 0 : i32
    %c0_i32_1 = arith.constant 0 : i32
    return %c0_i32, %c0_i32_0 : i32, i32
  }
  func.func @transform_8(%arg0: i32) -> (i32, i32) {
    %c0_i32 = arith.constant 0 : i32
    %c0_i32_0 = arith.constant 0 : i32
    return %arg0, %c0_i32 : i32, i32
  }
}

module attributes {stable_mosaic.version = 14 : i64} {
  func.func @_srcmlp_body(%arg0: i32, %arg1: memref<2000x128xf32, #tpu.memory_space<vmem>>, %arg2: memref<128x128xf32, #tpu.memory_space<vmem>>, %arg3: memref<1x128xf32, #tpu.memory_space<vmem>>, %arg4: memref<128x128xf32, #tpu.memory_space<vmem>>, %arg5: memref<1x128xf32, #tpu.memory_space<vmem>>, %arg6: memref<1x128xf32, #tpu.memory_space<vmem>>, %arg7: memref<1x128xf32, #tpu.memory_space<vmem>>, %arg8: memref<2000x128xf32, #tpu.memory_space<vmem>>) attributes {dimension_semantics = [#tpu.dimension_semantics<arbitrary>], iteration_bounds = array<i64: 25>, scalar_prefetch = 0 : i64, scratch_operands = 0 : i64, tpu.core_type = #tpu.core_type<tc>, window_params = [{transform_indices = @transform_0, window_bounds = array<i64: 2000, 128>}, {pipeline_mode = #tpu.pipeline_mode<synchronous>, transform_indices = @transform_1, window_bounds = array<i64: 128, 128>}, {pipeline_mode = #tpu.pipeline_mode<synchronous>, transform_indices = @transform_2, window_bounds = array<i64: 1, 128>}, {pipeline_mode = #tpu.pipeline_mode<synchronous>, transform_indices = @transform_3, window_bounds = array<i64: 128, 128>}, {pipeline_mode = #tpu.pipeline_mode<synchronous>, transform_indices = @transform_4, window_bounds = array<i64: 1, 128>}, {pipeline_mode = #tpu.pipeline_mode<synchronous>, transform_indices = @transform_5, window_bounds = array<i64: 1, 128>}, {pipeline_mode = #tpu.pipeline_mode<synchronous>, transform_indices = @transform_6, window_bounds = array<i64: 1, 128>}, {transform_indices = @transform_7, window_bounds = array<i64: 2000, 128>}]} {
    %get3A = arith.constant 0 : index
    %get3A_0 = arith.constant 0 : index
    %get3A_1 = vector.load %arg1[%get3A, %get3A_0] : memref<2000x128xf32, #tpu.memory_space<vmem>>, vector<2000x128xf32>
    %get3A_2 = arith.constant 0 : index
    %get3A_3 = arith.constant 0 : index
    %get3A_4 = vector.load %arg2[%get3A_2, %get3A_3] : memref<128x128xf32, #tpu.memory_space<vmem>>, vector<128x128xf32>
    %dot_general3A = arith.constant dense<0.000000e+00> : vector<2000x128xf32>
    %dot_general3A_5 = tpu.matmul %get3A_1, %get3A_4, %dot_general3A {dimension_numbers = #tpu.dot_dimension_numbers<[1], [0], [0], [1], [0, 0, 1, 1], [], []>, transpose_lhs_hint = false} : vector<2000x128xf32>, vector<128x128xf32>, vector<2000x128xf32> -> vector<2000x128xf32>
    %get3A_6 = arith.constant 0 : index
    %get3A_7 = arith.constant 0 : index
    %get3A_8 = vector.load %arg3[%get3A_6, %get3A_7] : memref<1x128xf32, #tpu.memory_space<vmem>>, vector<1x128xf32>
    %add3A = vector.broadcast %get3A_8 : vector<1x128xf32> to vector<2000x128xf32>
    %add3A_9 = arith.addf %dot_general3A_5, %add3A : vector<2000x128xf32>
    %logistic3A = arith.negf %add3A_9 : vector<2000x128xf32>
    %logistic3A_10 = math.exp %logistic3A : vector<2000x128xf32>
    %logistic3A_11 = arith.constant 1.000000e+00 : f32
    %logistic3A_12 = vector.broadcast %logistic3A_11 : f32 to vector<2000x128xf32>
    %logistic3A_13 = arith.addf %logistic3A_12, %logistic3A_10 : vector<2000x128xf32>
    %logistic3A_14 = arith.divf %logistic3A_12, %logistic3A_13 : vector<2000x128xf32>
    %mul3A = arith.mulf %add3A_9, %logistic3A_14 : vector<2000x128xf32>
    %get3A_15 = arith.constant 0 : index
    %get3A_16 = arith.constant 0 : index
    %get3A_17 = vector.load %arg4[%get3A_15, %get3A_16] : memref<128x128xf32, #tpu.memory_space<vmem>>, vector<128x128xf32>
    %dot_general3A_18 = arith.constant dense<0.000000e+00> : vector<2000x128xf32>
    %dot_general3A_19 = tpu.matmul %mul3A, %get3A_17, %dot_general3A_18 {dimension_numbers = #tpu.dot_dimension_numbers<[1], [0], [0], [1], [0, 0, 1, 1], [], []>, transpose_lhs_hint = false} : vector<2000x128xf32>, vector<128x128xf32>, vector<2000x128xf32> -> vector<2000x128xf32>
    %get3A_20 = arith.constant 0 : index
    %get3A_21 = arith.constant 0 : index
    %get3A_22 = vector.load %arg5[%get3A_20, %get3A_21] : memref<1x128xf32, #tpu.memory_space<vmem>>, vector<1x128xf32>
    %add3A_23 = vector.broadcast %get3A_22 : vector<1x128xf32> to vector<2000x128xf32>
    %add3A_24 = arith.addf %dot_general3A_19, %add3A_23 : vector<2000x128xf32>
    %get3A_25 = arith.constant 0 : index
    %get3A_26 = arith.constant 0 : index
    %get3A_27 = vector.load %arg6[%get3A_25, %get3A_26] : memref<1x128xf32, #tpu.memory_space<vmem>>, vector<1x128xf32>
    %get3A_28 = arith.constant 0 : index
    %get3A_29 = arith.constant 0 : index
    %get3A_30 = vector.load %arg7[%get3A_28, %get3A_29] : memref<1x128xf32, #tpu.memory_space<vmem>>, vector<1x128xf32>
    %reduce_sum3A = arith.constant dense<0.000000e+00> : vector<2000xf32>
    %reduce_sum3A_31 = vector.multi_reduction <add>, %add3A_24, %reduce_sum3A [1] : vector<2000x128xf32> to vector<2000xf32>
    %broadcast_in_dim3A = vector.shape_cast %reduce_sum3A_31 : vector<2000xf32> to vector<2000x1xf32>
    %div3A = arith.constant 1.280000e+02 : f32
    %div3A_32 = vector.broadcast %div3A : f32 to vector<2000x1xf32>
    %div3A_33 = arith.divf %broadcast_in_dim3A, %div3A_32 : vector<2000x1xf32>
    %jit3A = arith.constant 0 : i32
    %reduce_sum3A_34 = arith.constant dense<0.000000e+00> : vector<2000xf32>
    %reduce_sum3A_35 = vector.multi_reduction <add>, %add3A_24, %reduce_sum3A_34 [1] : vector<2000x128xf32> to vector<2000xf32>
    %broadcast_in_dim3A_36 = vector.shape_cast %reduce_sum3A_35 : vector<2000xf32> to vector<2000x1xf32>
    %div3A_37 = arith.constant 1.280000e+02 : f32
    %div3A_38 = vector.broadcast %div3A_37 : f32 to vector<2000x1xf32>
    %div3A_39 = arith.divf %broadcast_in_dim3A_36, %div3A_38 : vector<2000x1xf32>
    %sub3A = vector.broadcast %div3A_39 : vector<2000x1xf32> to vector<2000x128xf32>
    %sub3A_40 = arith.subf %add3A_24, %sub3A : vector<2000x128xf32>
    %square3A = arith.mulf %sub3A_40, %sub3A_40 : vector<2000x128xf32>
    %convert_element_type3A = arith.sitofp %jit3A : i32 to f32
    %sub3A_41 = arith.constant 1.280000e+02 : f32
    %sub3A_42 = arith.subf %sub3A_41, %convert_element_type3A : f32
    %reduce_sum3A_43 = arith.constant dense<0.000000e+00> : vector<2000xf32>
    %reduce_sum3A_44 = vector.multi_reduction <add>, %square3A, %reduce_sum3A_43 [1] : vector<2000x128xf32> to vector<2000xf32>
    %broadcast_in_dim3A_45 = vector.shape_cast %reduce_sum3A_44 : vector<2000xf32> to vector<2000x1xf32>
    %div3A_46 = vector.broadcast %sub3A_42 : f32 to vector<2000x1xf32>
    %div3A_47 = arith.divf %broadcast_in_dim3A_45, %div3A_46 : vector<2000x1xf32>
    %gt3A = arith.constant 0.000000e+00 : f32
    %gt3A_48 = arith.cmpf ogt, %sub3A_42, %gt3A : f32
    %jit3A_49 = arith.constant 0x7FC00000 : f32
    %broadcast_in_dim3A_50 = vector.broadcast %jit3A_49 : f32 to vector<2000x1xf32>
    %select_n3A = arith.select %gt3A_48, %div3A_47, %broadcast_in_dim3A_50 : vector<2000x1xf32>
    %sub3A_51 = vector.broadcast %div3A_33 : vector<2000x1xf32> to vector<2000x128xf32>
    %sub3A_52 = arith.subf %add3A_24, %sub3A_51 : vector<2000x128xf32>
    %add3A_53 = arith.constant 9.99999974E-6 : f32
    %add3A_54 = vector.broadcast %add3A_53 : f32 to vector<2000x1xf32>
    %add3A_55 = arith.addf %select_n3A, %add3A_54 : vector<2000x1xf32>
    %sqrt3A = math.sqrt %add3A_55 : vector<2000x1xf32>
    %div3A_56 = vector.broadcast %sqrt3A : vector<2000x1xf32> to vector<2000x128xf32>
    %div3A_57 = arith.divf %sub3A_52, %div3A_56 : vector<2000x128xf32>
    %mul3A_58 = vector.broadcast %get3A_27 : vector<1x128xf32> to vector<2000x128xf32>
    %mul3A_59 = arith.mulf %div3A_57, %mul3A_58 : vector<2000x128xf32>
    %add3A_60 = vector.broadcast %get3A_30 : vector<1x128xf32> to vector<2000x128xf32>
    %add3A_61 = arith.addf %mul3A_59, %add3A_60 : vector<2000x128xf32>
    %add3A_62 = arith.addf %get3A_1, %add3A_61 : vector<2000x128xf32>
    %swap3A = arith.constant 0 : index
    %swap3A_63 = arith.constant 0 : index
    %swap3A_64 = vector.load %arg8[%swap3A, %swap3A_63] : memref<2000x128xf32, #tpu.memory_space<vmem>>, vector<2000x128xf32>
    tpu.vector_store %arg8[%swap3A, %swap3A_63], %add3A_62 {strides = array<i32>} : memref<2000x128xf32, #tpu.memory_space<vmem>>, vector<2000x128xf32>,
    return
  }
  func.func @transform_0(%arg0: i32) -> (i32, i32) {
    %c0_i32 = arith.constant 0 : i32
    %c0_i32_0 = arith.constant 0 : i32
    return %arg0, %c0_i32 : i32, i32
  }
  func.func @transform_1(%arg0: i32) -> (i32, i32) {
    %c0_i32 = arith.constant 0 : i32
    %c0_i32_0 = arith.constant 0 : i32
    %c0_i32_1 = arith.constant 0 : i32
    return %c0_i32, %c0_i32_0 : i32, i32
  }
  func.func @transform_2(%arg0: i32) -> (i32, i32) {
    %c0_i32 = arith.constant 0 : i32
    %c0_i32_0 = arith.constant 0 : i32
    %c0_i32_1 = arith.constant 0 : i32
    return %c0_i32, %c0_i32_0 : i32, i32
  }
  func.func @transform_3(%arg0: i32) -> (i32, i32) {
    %c0_i32 = arith.constant 0 : i32
    %c0_i32_0 = arith.constant 0 : i32
    %c0_i32_1 = arith.constant 0 : i32
    return %c0_i32, %c0_i32_0 : i32, i32
  }
  func.func @transform_4(%arg0: i32) -> (i32, i32) {
    %c0_i32 = arith.constant 0 : i32
    %c0_i32_0 = arith.constant 0 : i32
    %c0_i32_1 = arith.constant 0 : i32
    return %c0_i32, %c0_i32_0 : i32, i32
  }
  func.func @transform_5(%arg0: i32) -> (i32, i32) {
    %c0_i32 = arith.constant 0 : i32
    %c0_i32_0 = arith.constant 0 : i32
    %c0_i32_1 = arith.constant 0 : i32
    return %c0_i32, %c0_i32_0 : i32, i32
  }
  func.func @transform_6(%arg0: i32) -> (i32, i32) {
    %c0_i32 = arith.constant 0 : i32
    %c0_i32_0 = arith.constant 0 : i32
    %c0_i32_1 = arith.constant 0 : i32
    return %c0_i32, %c0_i32_0 : i32, i32
  }
  func.func @transform_7(%arg0: i32) -> (i32, i32) {
    %c0_i32 = arith.constant 0 : i32
    %c0_i32_0 = arith.constant 0 : i32
    return %arg0, %c0_i32 : i32, i32
  }
}

module attributes {stable_mosaic.version = 14 : i64} {
  func.func @_dst_body(%arg0: i32, %arg1: memref<2x1000x128xf32, #tpu.memory_space<vmem>>, %arg2: memref<2x1000x128xf32, #tpu.memory_space<vmem>>, %arg3: memref<1000x128xf32, #tpu.memory_space<vmem>>, %arg4: memref<128x128xf32, #tpu.memory_space<vmem>>, %arg5: memref<128x128xf32, #tpu.memory_space<vmem>>, %arg6: memref<1x128xf32, #tpu.memory_space<vmem>>, %arg7: memref<128x128xf32, #tpu.memory_space<vmem>>, %arg8: memref<1x128xf32, #tpu.memory_space<vmem>>, %arg9: memref<1x128xf32, #tpu.memory_space<vmem>>, %arg10: memref<1x128xf32, #tpu.memory_space<vmem>>, %arg11: memref<1000x128xf32, #tpu.memory_space<vmem>>) attributes {dimension_semantics = [#tpu.dimension_semantics<arbitrary>], iteration_bounds = array<i64: 10>, scalar_prefetch = 0 : i64, scratch_operands = 0 : i64, tpu.core_type = #tpu.core_type<tc>, window_params = [{transform_indices = @transform_0, window_bounds = array<i64: 2, 1000, 128>}, {transform_indices = @transform_1, window_bounds = array<i64: 2, 1000, 128>}, {transform_indices = @transform_2, window_bounds = array<i64: 1000, 128>}, {pipeline_mode = #tpu.pipeline_mode<synchronous>, transform_indices = @transform_3, window_bounds = array<i64: 128, 128>}, {pipeline_mode = #tpu.pipeline_mode<synchronous>, transform_indices = @transform_4, window_bounds = array<i64: 128, 128>}, {pipeline_mode = #tpu.pipeline_mode<synchronous>, transform_indices = @transform_5, window_bounds = array<i64: 1, 128>}, {pipeline_mode = #tpu.pipeline_mode<synchronous>, transform_indices = @transform_6, window_bounds = array<i64: 128, 128>}, {pipeline_mode = #tpu.pipeline_mode<synchronous>, transform_indices = @transform_7, window_bounds = array<i64: 1, 128>}, {pipeline_mode = #tpu.pipeline_mode<synchronous>, transform_indices = @transform_8, window_bounds = array<i64: 1, 128>}, {pipeline_mode = #tpu.pipeline_mode<synchronous>, transform_indices = @transform_9, window_bounds = array<i64: 1, 128>}, {transform_indices = @transform_10, window_bounds = array<i64: 1000, 128>}]} {
    %get3A = arith.constant 0 : index
    %get3A_0 = arith.constant 0 : index
    %get3A_1 = arith.constant 0 : index
    %get3A_2 = vector.load %arg1[%get3A, %get3A_0, %get3A_1] : memref<2x1000x128xf32, #tpu.memory_space<vmem>>, vector<2x1000x128xf32>
    %get3A_3 = arith.constant 0 : index
    %get3A_4 = arith.constant 0 : index
    %get3A_5 = arith.constant 0 : index
    %get3A_6 = vector.load %arg2[%get3A_3, %get3A_4, %get3A_5] : memref<2x1000x128xf32, #tpu.memory_space<vmem>>, vector<2x1000x128xf32>
    %slice3A = vector.extract_strided_slice %get3A_2 {offsets = [0, 0, 0], sizes = [1, 1000, 128], strides = [1, 1, 1]} : vector<2x1000x128xf32> to vector<1x1000x128xf32>
    %squeeze3A = vector.shape_cast %slice3A : vector<1x1000x128xf32> to vector<1000x128xf32>
    %slice3A_7 = vector.extract_strided_slice %get3A_2 {offsets = [1, 0, 0], sizes = [1, 1000, 128], strides = [1, 1, 1]} : vector<2x1000x128xf32> to vector<1x1000x128xf32>
    %squeeze3A_8 = vector.shape_cast %slice3A_7 : vector<1x1000x128xf32> to vector<1000x128xf32>
    %add3A = arith.addf %squeeze3A, %squeeze3A_8 : vector<1000x128xf32>
    %slice3A_9 = vector.extract_strided_slice %get3A_6 {offsets = [0, 0, 0], sizes = [1, 1000, 128], strides = [1, 1, 1]} : vector<2x1000x128xf32> to vector<1x1000x128xf32>
    %squeeze3A_10 = vector.shape_cast %slice3A_9 : vector<1x1000x128xf32> to vector<1000x128xf32>
    %add3A_11 = arith.addf %add3A, %squeeze3A_10 : vector<1000x128xf32>
    %slice3A_12 = vector.extract_strided_slice %get3A_6 {offsets = [1, 0, 0], sizes = [1, 1000, 128], strides = [1, 1, 1]} : vector<2x1000x128xf32> to vector<1x1000x128xf32>
    %squeeze3A_13 = vector.shape_cast %slice3A_12 : vector<1x1000x128xf32> to vector<1000x128xf32>
    %add3A_14 = arith.addf %add3A_11, %squeeze3A_13 : vector<1000x128xf32>
    %get3A_15 = arith.constant 0 : index
    %get3A_16 = arith.constant 0 : index
    %get3A_17 = vector.load %arg3[%get3A_15, %get3A_16] : memref<1000x128xf32, #tpu.memory_space<vmem>>, vector<1000x128xf32>
    %get3A_18 = arith.constant 0 : index
    %get3A_19 = arith.constant 0 : index
    %get3A_20 = vector.load %arg4[%get3A_18, %get3A_19] : memref<128x128xf32, #tpu.memory_space<vmem>>, vector<128x128xf32>
    %dot_general3A = arith.constant dense<0.000000e+00> : vector<1000x128xf32>
    %dot_general3A_21 = tpu.matmul %add3A_14, %get3A_20, %dot_general3A {dimension_numbers = #tpu.dot_dimension_numbers<[1], [0], [0], [1], [0, 0, 1, 1], [], []>, transpose_lhs_hint = false} : vector<1000x128xf32>, vector<128x128xf32>, vector<1000x128xf32> -> vector<1000x128xf32>
    %get3A_22 = arith.constant 0 : index
    %get3A_23 = arith.constant 0 : index
    %get3A_24 = vector.load %arg5[%get3A_22, %get3A_23] : memref<128x128xf32, #tpu.memory_space<vmem>>, vector<128x128xf32>
    %dot_general3A_25 = arith.constant dense<0.000000e+00> : vector<1000x128xf32>
    %dot_general3A_26 = tpu.matmul %get3A_17, %get3A_24, %dot_general3A_25 {dimension_numbers = #tpu.dot_dimension_numbers<[1], [0], [0], [1], [0, 0, 1, 1], [], []>, transpose_lhs_hint = false} : vector<1000x128xf32>, vector<128x128xf32>, vector<1000x128xf32> -> vector<1000x128xf32>
    %add3A_27 = arith.addf %dot_general3A_21, %dot_general3A_26 : vector<1000x128xf32>
    %get3A_28 = arith.constant 0 : index
    %get3A_29 = arith.constant 0 : index
    %get3A_30 = vector.load %arg6[%get3A_28, %get3A_29] : memref<1x128xf32, #tpu.memory_space<vmem>>, vector<1x128xf32>
    %add3A_31 = vector.broadcast %get3A_30 : vector<1x128xf32> to vector<1000x128xf32>
    %add3A_32 = arith.addf %add3A_27, %add3A_31 : vector<1000x128xf32>
    %logistic3A = arith.negf %add3A_32 : vector<1000x128xf32>
    %logistic3A_33 = math.exp %logistic3A : vector<1000x128xf32>
    %logistic3A_34 = arith.constant 1.000000e+00 : f32
    %logistic3A_35 = vector.broadcast %logistic3A_34 : f32 to vector<1000x128xf32>
    %logistic3A_36 = arith.addf %logistic3A_35, %logistic3A_33 : vector<1000x128xf32>
    %logistic3A_37 = arith.divf %logistic3A_35, %logistic3A_36 : vector<1000x128xf32>
    %mul3A = arith.mulf %add3A_32, %logistic3A_37 : vector<1000x128xf32>
    %get3A_38 = arith.constant 0 : index
    %get3A_39 = arith.constant 0 : index
    %get3A_40 = vector.load %arg7[%get3A_38, %get3A_39] : memref<128x128xf32, #tpu.memory_space<vmem>>, vector<128x128xf32>
    %dot_general3A_41 = arith.constant dense<0.000000e+00> : vector<1000x128xf32>
    %dot_general3A_42 = tpu.matmul %mul3A, %get3A_40, %dot_general3A_41 {dimension_numbers = #tpu.dot_dimension_numbers<[1], [0], [0], [1], [0, 0, 1, 1], [], []>, transpose_lhs_hint = false} : vector<1000x128xf32>, vector<128x128xf32>, vector<1000x128xf32> -> vector<1000x128xf32>
    %get3A_43 = arith.constant 0 : index
    %get3A_44 = arith.constant 0 : index
    %get3A_45 = vector.load %arg8[%get3A_43, %get3A_44] : memref<1x128xf32, #tpu.memory_space<vmem>>, vector<1x128xf32>
    %add3A_46 = vector.broadcast %get3A_45 : vector<1x128xf32> to vector<1000x128xf32>
    %add3A_47 = arith.addf %dot_general3A_42, %add3A_46 : vector<1000x128xf32>
    %get3A_48 = arith.constant 0 : index
    %get3A_49 = arith.constant 0 : index
    %get3A_50 = vector.load %arg9[%get3A_48, %get3A_49] : memref<1x128xf32, #tpu.memory_space<vmem>>, vector<1x128xf32>
    %get3A_51 = arith.constant 0 : index
    %get3A_52 = arith.constant 0 : index
    %get3A_53 = vector.load %arg10[%get3A_51, %get3A_52] : memref<1x128xf32, #tpu.memory_space<vmem>>, vector<1x128xf32>
    %reduce_sum3A = arith.constant dense<0.000000e+00> : vector<1000xf32>
    %reduce_sum3A_54 = vector.multi_reduction <add>, %add3A_47, %reduce_sum3A [1] : vector<1000x128xf32> to vector<1000xf32>
    %broadcast_in_dim3A = vector.shape_cast %reduce_sum3A_54 : vector<1000xf32> to vector<1000x1xf32>
    %div3A = arith.constant 1.280000e+02 : f32
    %div3A_55 = vector.broadcast %div3A : f32 to vector<1000x1xf32>
    %div3A_56 = arith.divf %broadcast_in_dim3A, %div3A_55 : vector<1000x1xf32>
    %jit3A = arith.constant 0 : i32
    %reduce_sum3A_57 = arith.constant dense<0.000000e+00> : vector<1000xf32>
    %reduce_sum3A_58 = vector.multi_reduction <add>, %add3A_47, %reduce_sum3A_57 [1] : vector<1000x128xf32> to vector<1000xf32>
    %broadcast_in_dim3A_59 = vector.shape_cast %reduce_sum3A_58 : vector<1000xf32> to vector<1000x1xf32>
    %div3A_60 = arith.constant 1.280000e+02 : f32
    %div3A_61 = vector.broadcast %div3A_60 : f32 to vector<1000x1xf32>
    %div3A_62 = arith.divf %broadcast_in_dim3A_59, %div3A_61 : vector<1000x1xf32>
    %sub3A = vector.broadcast %div3A_62 : vector<1000x1xf32> to vector<1000x128xf32>
    %sub3A_63 = arith.subf %add3A_47, %sub3A : vector<1000x128xf32>
    %square3A = arith.mulf %sub3A_63, %sub3A_63 : vector<1000x128xf32>
    %convert_element_type3A = arith.sitofp %jit3A : i32 to f32
    %sub3A_64 = arith.constant 1.280000e+02 : f32
    %sub3A_65 = arith.subf %sub3A_64, %convert_element_type3A : f32
    %reduce_sum3A_66 = arith.constant dense<0.000000e+00> : vector<1000xf32>
    %reduce_sum3A_67 = vector.multi_reduction <add>, %square3A, %reduce_sum3A_66 [1] : vector<1000x128xf32> to vector<1000xf32>
    %broadcast_in_dim3A_68 = vector.shape_cast %reduce_sum3A_67 : vector<1000xf32> to vector<1000x1xf32>
    %div3A_69 = vector.broadcast %sub3A_65 : f32 to vector<1000x1xf32>
    %div3A_70 = arith.divf %broadcast_in_dim3A_68, %div3A_69 : vector<1000x1xf32>
    %gt3A = arith.constant 0.000000e+00 : f32
    %gt3A_71 = arith.cmpf ogt, %sub3A_65, %gt3A : f32
    %jit3A_72 = arith.constant 0x7FC00000 : f32
    %broadcast_in_dim3A_73 = vector.broadcast %jit3A_72 : f32 to vector<1000x1xf32>
    %select_n3A = arith.select %gt3A_71, %div3A_70, %broadcast_in_dim3A_73 : vector<1000x1xf32>
    %sub3A_74 = vector.broadcast %div3A_56 : vector<1000x1xf32> to vector<1000x128xf32>
    %sub3A_75 = arith.subf %add3A_47, %sub3A_74 : vector<1000x128xf32>
    %add3A_76 = arith.constant 9.99999974E-6 : f32
    %add3A_77 = vector.broadcast %add3A_76 : f32 to vector<1000x1xf32>
    %add3A_78 = arith.addf %select_n3A, %add3A_77 : vector<1000x1xf32>
    %sqrt3A = math.sqrt %add3A_78 : vector<1000x1xf32>
    %div3A_79 = vector.broadcast %sqrt3A : vector<1000x1xf32> to vector<1000x128xf32>
    %div3A_80 = arith.divf %sub3A_75, %div3A_79 : vector<1000x128xf32>
    %mul3A_81 = vector.broadcast %get3A_50 : vector<1x128xf32> to vector<1000x128xf32>
    %mul3A_82 = arith.mulf %div3A_80, %mul3A_81 : vector<1000x128xf32>
    %add3A_83 = vector.broadcast %get3A_53 : vector<1x128xf32> to vector<1000x128xf32>
    %add3A_84 = arith.addf %mul3A_82, %add3A_83 : vector<1000x128xf32>
    %add3A_85 = arith.addf %get3A_17, %add3A_84 : vector<1000x128xf32>
    %swap3A = arith.constant 0 : index
    %swap3A_86 = arith.constant 0 : index
    %swap3A_87 = vector.load %arg11[%swap3A, %swap3A_86] : memref<1000x128xf32, #tpu.memory_space<vmem>>, vector<1000x128xf32>
    tpu.vector_store %arg11[%swap3A, %swap3A_86], %add3A_85 {strides = array<i32>} : memref<1000x128xf32, #tpu.memory_space<vmem>>, vector<1000x128xf32>,
    return
  }
  func.func @transform_0(%arg0: i32) -> (i32, i32, i32) {
    %c0_i32 = arith.constant 0 : i32
    %c0_i32_0 = arith.constant 0 : i32
    %c0_i32_1 = arith.constant 0 : i32
    return %c0_i32, %arg0, %c0_i32_0 : i32, i32, i32
  }
  func.func @transform_1(%arg0: i32) -> (i32, i32, i32) {
    %c0_i32 = arith.constant 0 : i32
    %c0_i32_0 = arith.constant 0 : i32
    %c0_i32_1 = arith.constant 0 : i32
    return %c0_i32, %arg0, %c0_i32_0 : i32, i32, i32
  }
  func.func @transform_2(%arg0: i32) -> (i32, i32) {
    %c0_i32 = arith.constant 0 : i32
    %c0_i32_0 = arith.constant 0 : i32
    return %arg0, %c0_i32 : i32, i32
  }
  func.func @transform_3(%arg0: i32) -> (i32, i32) {
    %c0_i32 = arith.constant 0 : i32
    %c0_i32_0 = arith.constant 0 : i32
    %c0_i32_1 = arith.constant 0 : i32
    return %c0_i32, %c0_i32_0 : i32, i32
  }
  func.func @transform_4(%arg0: i32) -> (i32, i32) {
    %c0_i32 = arith.constant 0 : i32
    %c0_i32_0 = arith.constant 0 : i32
    %c0_i32_1 = arith.constant 0 : i32
    return %c0_i32, %c0_i32_0 : i32, i32
  }
  func.func @transform_5(%arg0: i32) -> (i32, i32) {
    %c0_i32 = arith.constant 0 : i32
    %c0_i32_0 = arith.constant 0 : i32
    %c0_i32_1 = arith.constant 0 : i32
    return %c0_i32, %c0_i32_0 : i32, i32
  }
  func.func @transform_6(%arg0: i32) -> (i32, i32) {
    %c0_i32 = arith.constant 0 : i32
    %c0_i32_0 = arith.constant 0 : i32
    %c0_i32_1 = arith.constant 0 : i32
    return %c0_i32, %c0_i32_0 : i32, i32
  }
  func.func @transform_7(%arg0: i32) -> (i32, i32) {
    %c0_i32 = arith.constant 0 : i32
    %c0_i32_0 = arith.constant 0 : i32
    %c0_i32_1 = arith.constant 0 : i32
    return %c0_i32, %c0_i32_0 : i32, i32
  }
  func.func @transform_8(%arg0: i32) -> (i32, i32) {
    %c0_i32 = arith.constant 0 : i32
    %c0_i32_0 = arith.constant 0 : i32
    %c0_i32_1 = arith.constant 0 : i32
    return %c0_i32, %c0_i32_0 : i32, i32
  }
  func.func @transform_9(%arg0: i32) -> (i32, i32) {
    %c0_i32 = arith.constant 0 : i32
    %c0_i32_0 = arith.constant 0 : i32
    %c0_i32_1 = arith.constant 0 : i32
    return %c0_i32, %c0_i32_0 : i32, i32
  }
  func.func @transform_10(%arg0: i32) -> (i32, i32) {
    %c0_i32 = arith.constant 0 : i32
    %c0_i32_0 = arith.constant 0 : i32
    return %arg0, %c0_i32 : i32, i32
  }
}

</mosaic_0001>

<sc_bundles>
// kernel: kernel.12.cloned.1.call-start
scs
__scs_entry_jumppad:
0x0: {  	(pc) =	sbr.rel $0x88, $3  }
0x1: {  	(tag) =	ssettag $0x0;
	lr =	simm.s32 $0x1  }
0x2: {  	[smem:$0x3F8A] =	sst lr;
	_ =	strace $0xD0000000  }
0x3: {  	_ = 	snop  }
0x4: {  	_ = 	snop  }
0x5: {  	_ = 	snop  }
0x6: {  	_ = 	snop  }
0x7: {  	_ = 	snop  }
__scs_overlays_trampoline_lowered:
0x8: {  	[smem:$0x3F99] =	sst s0  }
0x9: {  	[smem:$0x3F9A] =	sst s1  }
0xa: {  	[smem:$0x3F9B] =	sst s2  }
0xb: {  	[smem:$0x3F9C] =	sst s3  }
0xc: {  	[smem:$0x3F9D] =	sst s4  }
0xd: {  	[smem:$0x3F9E] =	sst s5  }
0xe: {  	[smem:$0x3F9F] =	sst s6  }
0xf: {  	[smem:$0x3FA0] =	sst s7  }
0x10: {  	[smem:$0x3FA1] =	sst s8  }
0x11: {  	[smem:$0x3FA2] =	sst s9;
	s0 =	simm.s32 @!p0 $0x0  }
0x12: {  	s1 =	sld [smem:$0x3F88];
	s0 =	simm.s32 @p0 $0x1  }
0x13: {  	[smem:$0x3FA3] =	sst s0;
	s0 =	simm.s32 @!p1 $0x0  }
0x14: {  	s2 =	sld [smem:$0x3F87];
	s0 =	simm.s32 @p1 $0x1  }
0x15: {  	[smem:$0x3FA4] =	sst s0;
	s0 =	simm.s32 @!p2 $0x0  }
0x16: {  	s3 =	sld [smem:$0x3FDB];
	s0 =	simm.s32 @p2 $0x1  }
0x17: {  	s4 =	simm.s32 $0x1BF5;
	[smem:$0x3FA6] =	sst s0  }
0x18: {  	s0 =	sld [smem:$0x3F89];
	_ =	swait.ge [sflag:s4], $0x0  }
0x19: {  	s7 =	sld [smem:$0x3F8A]  }
0x1a: {  	s8 =	sadd.s32 $0xFFFFE003, lr  }
0x1b: {  	s9 =	sadd.s32 $0xFFFFFEF7, lr;
	s5 =	simm.s32 $0xFFFFFFFF;
	p2 =	slt.u32 s8, $0xFFFFF086  }
0x1c: {  	p1 =	slt.u32 s9, $0xF7A;
	s5 =	simm.s32 @!p2 $0x0  }
0x1d: {  	s5 =	simm.s32 @p1 $0x1;
	p0 =	seq.s32 s7, s2  }
0x1e: {  	s7 =	smul.u32 @!p0 $0xF7A, s2;
	p2 =	seq.s32 @!p0 s5, $0x0  }
0x1f: {  	s9 =	smul.u32 $0xF7A, s1;
	s8 =	simm.s32 @!p0 $0x1BF5;
	p2 =	por !p2, p0  }
0x20: {  	[sflag:s8] =	ssyncset.s32 @!p0 $0xFFFFF086;
	s6 =	sadd.s32 @!p0 s3, s7;
	s7 =	simm.s32 @!p0 $0x108  }
0x21: {  	s3 =	sadd.s32 s3, s9;
	s6 =	sadd.s32 @!p0 $0x88, s6;
	s7 =	simm.s32 @p2 $0x1082  }
0x22: {  	[simem:s7], [sflag:s8] =	dma.local @!p0 [hbm:s6], $0xF7A  }
0x23: {  	s9 =	sor.u32 $0xD0000000, s2;
	s6 =	simm.s32 $0x108;
	_ =	swait.ge @!p0 [sflag:s8], $0x0  }
0x24: {  	s3 =	sadd.s32 $0x88, s3;
	s6 =	simm.s32 @!p1 $0x1082;
	[sflag:s4] =	ssyncset.s32 $0xFFFFF086  }
0x25: {  	[simem:s6], [sflag:s4] =	dma.local [hbm:s3], $0xF7A  }
0x26: {  	[smem:$0x3F8A] =	sst s1;
	(tag) =	ssettag s2;
	_ =	strace s9  }
0x27: {  	s1 =	sld [smem:$0x3F9A]  }
0x28: {  	s2 =	sld [smem:$0x3F9B]  }
0x29: {  	s4 =	sld [smem:$0x3F9D]  }
0x2a: {  	p0 =	seq.s32 s5, $0x0;
	s5 =	sld [smem:$0x3F9E]  }
0x2b: {  	s6 =	sld [smem:$0x3F9F]  }
0x2c: {  	s7 =	sld [smem:$0x3FA0]  }
0x2d: {  	s3 =	simm.s32 $0x108;
	s8 =	sld [smem:$0x3FA1]  }
0x2e: {  	s3 =	simm.s32 @!p0 $0x1082;
	s9 =	sld [smem:$0x3FA2]  }
0x2f: {  	lr =	sadd.s32 s0, s3;
	s0 =	sld [smem:$0x3F99]  }
0x30: {  	s3 =	sld [smem:$0x3F9C]  }
0x31: {  	[smem:$0x3FA5] =	sst s10  }
0x32: {  	s10 =	sld [smem:$0x3FA3];
	_ =	sdelay $0x3  }
0x33: {  	p0 =	seq.s32 s10, $0x1;
	s10 =	sld [smem:$0x3FA5];
	_ =	sdelay $0x3  }
0x34: {  	[smem:$0x3FA5] =	sst s10  }
0x35: {  	s10 =	sld [smem:$0x3FA4];
	_ =	sdelay $0x3  }
0x36: {  	p1 =	seq.s32 s10, $0x1;
	s10 =	sld [smem:$0x3FA5];
	_ =	sdelay $0x3  }
0x37: {  	[smem:$0x3FA5] =	sst s10  }
0x38: {  	s10 =	sld [smem:$0x3FA6]  }
0x39: {  	_ = 	snop;
	(pc) =	sbr.ind lr, $3  }
0x3a: {  	_ = 	snop  }
0x3b: {  	_ = 	snop  }
0x3c: {  	p2 =	seq.s32 s10, $0x1;
	s10 =	sld [smem:$0x3FA5]  }
0x3d: {  	_ =	shalt  }
0x3e: {  	_ =	shalt  }
0x3f: {  	_ =	shalt  }
0x40: {  	_ =	shalt  }
0x41: {  	_ =	shalt  }
0x42: {  	_ =	shalt  }
0x43: {  	_ =	shalt  }
0x44: {  	_ =	shalt  }
0x45: {  	_ =	shalt  }
0x46: {  	_ =	shalt  }
0x47: {  	_ =	shalt  }
0x48: {  	_ =	shalt  }
0x49: {  	_ =	shalt  }
0x4a: {  	_ =	shalt  }
0x4b: {  	_ =	shalt  }
0x4c: {  	_ =	shalt  }
0x4d: {  	_ =	shalt  }
0x4e: {  	_ =	shalt  }
0x4f: {  	_ =	shalt  }
0x50: {  	_ =	shalt  }
0x51: {  	_ =	shalt  }
0x52: {  	_ =	shalt  }
0x53: {  	_ =	shalt  }
0x54: {  	_ =	shalt  }
0x55: {  	_ =	shalt  }
0x56: {  	_ =	shalt  }
0x57: {  	_ =	shalt  }
0x58: {  	_ =	shalt  }
0x59: {  	_ =	shalt  }
0x5a: {  	_ =	shalt  }
0x5b: {  	_ =	shalt  }
0x5c: {  	_ =	shalt  }
0x5d: {  	_ =	shalt  }
0x5e: {  	_ =	shalt  }
0x5f: {  	_ =	shalt  }
0x60: {  	_ =	shalt  }
0x61: {  	_ =	shalt  }
0x62: {  	_ =	shalt  }
0x63: {  	_ =	shalt  }
0x64: {  	_ =	shalt  }
0x65: {  	_ =	shalt  }
0x66: {  	_ =	shalt  }
0x67: {  	_ =	shalt  }
0x68: {  	_ =	shalt  }
0x69: {  	_ =	shalt  }
0x6a: {  	_ =	shalt  }
0x6b: {  	_ =	shalt  }
0x6c: {  	_ =	shalt  }
0x6d: {  	_ =	shalt  }
0x6e: {  	_ =	shalt  }
0x6f: {  	_ =	shalt  }
0x70: {  	_ =	shalt  }
0x71: {  	_ =	shalt  }
0x72: {  	_ =	shalt  }
0x73: {  	_ =	shalt  }
0x74: {  	_ =	shalt  }
0x75: {  	_ =	shalt  }
0x76: {  	_ =	shalt  }
0x77: {  	_ =	shalt  }
0x78: {  	_ =	shalt  }
0x79: {  	_ =	shalt  }
0x7a: {  	_ =	shalt  }
0x7b: {  	_ =	shalt  }
0x7c: {  	_ =	shalt  }
0x7d: {  	_ =	shalt  }
0x7e: {  	_ =	shalt  }
0x7f: {  	_ =	shalt  }
0x80: {  	_ =	shalt  }
0x81: {  	_ =	shalt  }
0x82: {  	_ =	shalt  }
0x83: {  	_ =	shalt  }
0x84: {  	_ =	shalt  }
0x85: {  	_ =	shalt  }
0x86: {  	_ =	shalt  }
0x87: {  	_ =	shalt  }
.Lfunc_end0:
.L_simem_size_0:
called_computation_lowered:
.L_overlay_start_0:
0x88: {  	s2 =	sld [smem:$0x3FD9]  }
0x89: {  	s3 =	sld [smem:$0x3FFE];
	_ =	sdelay $0x1  }
0x8a: {  	s1 =	srdreg.scid  }
0x8b: {  	s0 =	sand.u32 $0x1, s1  }
0x8c: {  	s14 =	sshll.u32 s0, $0xA;
	s2 =	sadd.s32 s3, s2  }
0x8d: {  	s2 =	sadd.s32 s2, s14  }
0x8e: {  	[smem:$0x3FB1] =	sst s2  }
0x8f: {  	_ = 	snop  }
0x90: {  	s2 =	sld [smem:$0x3FD0];
	_ =	sdelay $0x1  }
0x91: {  	s15 =	sld [smem:$0x3FC6]  }
0x92: {  	s5 =	simm.s32 $0xB;
	s6 =	simm.s32 $0x10;
	s4 =	sld [smem:$0x3FC5]  }
0x93: {  	[smem:s6], [sflag:s5] =	dma.local [hbm:s2], $0x1  }
0x94: {  	_ =	swait.eq [sflag:s5], $0x1  }
0x95: {  	[sflag:s5] =	ssyncset.done $0x0  }
0x96: {  	s16 =	sld [smem:$0x10];
	[sflag:s5] =	ssyncadd.s32 $0xFFFFFFFF  }
0x97: {  	s17 =	sld [smem:$0x11];
	(tm) =	ssettm $0x1  }
0x98: {  	s18 =	sld [smem:$0x3FFB];
	_ =	sdelay $0x3  }
0x99: {  	_ =	strace s18  }
0x9a: {  	s6 =	sld [smem:$0x3FFC];
	_ =	sdelay $0x3  }
0x9b: {  	_ =	strace s6  }
0x9c: {  	s6 =	sld [smem:$0x3FFD];
	_ =	sdelay $0x3  }
0x9d: {  	_ =	strace s6  }
0x9e: {  	_ =	strace $0x8FFFFFFF  }
0x9f: {  	s19 =	sld [smem:$0x3FDB];
	_ =	sdelay $0x1  }
0xa0: {  	s7 =	simm.s32 $_scs_section_size  }
0xa1: {  	s8 =	simm.s32 $_size__tile_overlayer_lowered;
	s9 =	simm.s32 $_tile_overlayer_lowered  }
0xa2: {  	s22 =	simm.s32 $0x1BFF;
	s21 =	sshll.u32 s9, $0x1;
	s6 =	sadd.s32 s7, s19  }
0xa3: {  	s10 =	simm.s32 $0x0;
	s20 =	sshll.u32 s8, $0x1;
	s8 =	sadd.s32 s21, s6  }
0xa4: {  	[timem:s10], [sflag:s22] =	dma.local [hbm:s8], s20  }
0xa5: {  	_ =	swait.ge [sflag:s22], s20  }
0xa6: {  	s7 =	ssub.s32 $0x0, s20;
	[sflag:s22] =	ssyncset.done $0x0  }
0xa7: {  	[sflag:s22] =	ssyncadd.s32 s7;
	_ =	sdelay $0x1  }
0xa8: {  	s23 =	simm.s32 $0x1B8B  }
0xa9: {  	_ =	swait.ge [sflag:s23], $0x1  }
0xaa: {  	[sflag:s23] =	ssyncset.done $0x0  }
0xab: {  	s25 =	simm.s32 $0x1B8E;
	s24 =	sld [smem:$0x3FFE];
	[sflag:s23] =	ssyncadd.s32 $0xFFFFFFFF  }
0xac: {  	s26 =	simm.s32 $execute0_lowered;
	[smem:$0x3FD2] =	sst s25  }
0xad: {  	s8 =	sshll.u32 s26, $0x1;
	_ =	strace $0x80000046;
	[dreg:$0x1] =	wrdreg $0xFFFFFFFF  }
0xae: {  	s28 =	simm.s32 $_size_execute0_lowered;
	s6 =	sadd.s32 s6, s8;
	[dreg:$0x0] =	wrdreg $0x0  }
0xaf: {  	s8 =	sshll.u32 s28, $0x1;
	[dreg:$0x2] =	wrdreg s6  }
0xb0: {  	[dreg:$0x3] =	wrdreg s8  }
0xb1: {  	[dreg:$0x4] =	wrdreg $0xC0  }
0xb2: {  	_ =	task [dreg:s10], $0x5FFFF  }
0xb3: {  	[dreg:$0x1] =	wrdreg $0xFFFFFFFF  }
0xb4: {  	[dreg:$0x0] =	wrdreg $0x60  }
0xb5: {  	[dreg:$0x2] =	wrdreg s15  }
0xb6: {  	[dreg:$0x3] =	wrdreg s4  }
0xb7: {  	[dreg:$0x4] =	wrdreg s16  }
0xb8: {  	[dreg:$0x5] =	wrdreg s17  }
0xb9: {  	[dreg:$0x6] =	wrdreg s24  }
0xba: {  	[dreg:$0x7] =	wrdreg $0x103000  }
0xbb: {  	[dreg:$0x8] =	wrdreg $0xA  }
0xbc: {  	_ =	task.clear_ibuf [dreg:s10], $0x9FFFF;
	_ =	strace $0x90000046  }
0xbd: {  	s29 =	simm.s32 $0xA;
	_ =	strace $0x80000048  }
0xbe: {  	_ =	swait.ge [sflag:s29], $0x1  }
0xbf: {  	[sflag:s29] =	ssyncadd.s32 $0xFFFFFFFF  }
0xc0: {  	_ =	strace $0x90000048  }
0xc1: {  	_ =	sfence  }
0xc2: {  	s30 =	sld [smem:$0x0];
	_ =	sdelay $0x2  }
0xc3: {  	s31 =	sshll.u32 s1, $0xD;
	s1 =	sshrl.u32 s1, $0x2  }
0xc4: {  	s3 =	sand.u32 $0x4000, s31;
	s1 =	sadd.s32 s1, s30  }
0xc5: {  	s0 =	sor.u32 s3, s0;
	s1 =	sshll.u32 s1, $0x11  }
0xc6: {  	s0 =	sor.u32 s1, s0  }
0xc7: {  	s0 =	sadd.s32 $0x8F2B, s0  }
0xc8: {  	[sflag:s0] =	ssyncadd.remote.s32 $0x1  }
0xc9: {  	_ =	sfence.sel $0xFFFF  }
0xca: {  	[dreg:$0x0] =	wrdreg $0xFFFFFFFF;
	(pc) =	sbr.abs _section_cstart, $3  }
0xcb: {  	[dreg:$0x1] =	wrdreg $0xFFFFFFFF  }
0xcc: {  	_ =	task.clear_ibuf [dreg:s10], $0x2FFFF;
	_ =	strace $0x9FFFFFFF  }
0xcd: {  	(tm) =	ssettm $0x7FFFFFFF  }
tec
execute0_lowered:
.L_overlay_start_1:
0x0: {  	(tag) =	ssettag $0x1  }
0x1: {  	s0 =	rddreg [dreg:$0x0]  }
0x2: {  	s6 =	rddreg [dreg:$0x1]  }
0x3: {  	s1 =	rddreg [dreg:$0x2]  }
0x4: {  	s2 =	rddreg [dreg:$0x3]  }
0x5: {  	s7 =	rddreg [dreg:$0x4]  }
0x6: {  	s3 =	rddreg [dreg:$0x5];
	s4 =	srdreg.scid  }
0x7: {  	s5 =	simm.s32 $0x0;
	s29 =	simm.s32 $0x10280;
	s8 =	sand.u32 $0x1, s4  }
0x8: {  	[smem:$0x7FF] =	sst s5;
	s4 =	stileid.u32;
	s9 =	ssub.s32 $0x2, s8  }
0x9: {  	_ =	strace $0x80000047;
	s10 =	sshll.u32 s4, $0xC;
	s15 =	sshll.u32 s4, $0x7  }
0xa: {  	s30 =	sshll.u32 s4, $0x5;
	s11 =	sshrl.u32 s9, $0x1;
	s7 =	sadd.s32 s10, s7  }
0xb: {  	s17 =	sor.u32 $0x10, s15;
	s18 =	sor.u32 $0x20, s15;
	s19 =	sor.u32 $0x30, s15  }
0xc: {  	s20 =	sor.u32 $0x40, s15;
	s21 =	sor.u32 $0x50, s15;
	s22 =	sor.u32 $0x60, s15  }
0xd: {  	s23 =	sor.u32 $0x70, s15;
	s24 =	sor.u32 $0x800, s15;
	s28 =	sor.u32 $0x840, s15  }
0xe: {  	v15 =	vlaneseq.u32;
	s14 =	ssub.s32 s9, s11;
	s11 =	sshll.u32 s8, $0x4;
	s5 =	sshll.u32 s24, $0x7  }
0xf: {  	s9 =	sor.u32 $0x870, s15;
	v1 =	vor.u32 s17, v15;
	v2 =	vor.u32 s18, v15;
	s17 =	simm.s32 $0x8180;
	s18 =	simm.s32 $0x8200  }
0x10: {  	v3 =	vor.u32 s19, v15;
	s19 =	simm.s32 $0x4;
	v4 =	vor.u32 s20, v15;
	v5 =	vor.u32 s21, v15;
	s20 =	simm.s32 $0x8280;
	s21 =	simm.s32 $0xC280  }
0x11: {  	v6 =	vor.u32 s22, v15;
	s22 =	simm.s32 $0x2;
	v7 =	vor.u32 s23, v15;
	s23 =	simm.s32 $0x100;
	s31 =	sor.u32 s11, s30  }
0x12: {  	v8 =	vor.u32 s24, v15;
	s24 =	simm.s32 $0x7;
	v12 =	vor.u32 s28, v15;
	s28 =	simm.s32 $0x5;
	s13 =	sadd.s32 s0, s31  }
0x13: {  	s12 =	sor.u32 $0x200, s31;
	s16 =	sadd.s32 s6, s31;
	[dreg:$0x7] =	wrdreg s13  }
0x14: {  	s31 =	sshll.u32 s8, $0xB;
	s8 =	sor.u32 $0x810, s15;
	[dreg:$0x8] =	wrdreg s16  }
0x15: {  	s25 =	sadd.s32 s0, s12;
	s26 =	sadd.s32 s6, s12;
	s0 =	sadd.s32 s30, s0  }
0x16: {  	s6 =	sadd.s32 s30, s6;
	s30 =	sshll.u32 s4, $0xE;
	[dreg:$0x9] =	wrdreg s25  }
0x17: {  	s13 =	sadd.s32 s5, s3;
	s16 =	simm.s32 $0x80;
	[dreg:$0xa] =	wrdreg s26  }
0x18: {  	s10 =	sadd.s32 s11, s0;
	s11 =	sadd.s32 s11, s6;
	s0 =	sadd.s32 s31, s7  }
0x19: {  	s12 =	sadd.s32 s30, s3;
	s7 =	sor.u32 $0x820, s15;
	s26 =	sor.u32 $0x830, s15  }
0x1a: {  	v0 =	vor.u32 s15, v15;
	s30 =	sor.u32 $0x850, s15;
	s31 =	sor.u32 $0x860, s15;
	s25 =	smax.u32 s14, $0x1  }
0x1b: {  	v9 =	vor.u32 s8, v15;
	[dreg:$0xb] =	wrdreg s25;
	s0 =	sadd.s32 $0x14E00, s0;
	s25 =	simm.s32 $0x8100;
	v10 =	vor.u32 s7, v15;
	v11 =	vor.u32 s26, v15  }
0x1c: {  	s26 =	simm.s32 $0x4100;
	v13 =	vor.u32 s30, v15;
	v14 =	vor.u32 s31, v15;
	v15 =	vor.u32 s9, v15;
	[dreg:$0xc] =	wrdreg s0;
	s0 =	simm.s32 $0x0  }
.LBB2_1:
0x1d: {  	[tilespmem:$0x8100] =	vst v0  }
0x1e: {  	[tilespmem:$0x8110] =	vst v1  }
0x1f: {  	[tilespmem:$0x8120] =	vst v2  }
0x20: {  	[tilespmem:$0x8130] =	vst v3  }
0x21: {  	[tilespmem:$0x8140] =	vst v4  }
0x22: {  	[tilespmem:$0x8150] =	vst v5  }
0x23: {  	[tilespmem:$0x8160] =	vst v6  }
0x24: {  	[tilespmem:$0x8170] =	vst v7  }
0x25: {  	[tilespmem:$0x10280] =	vst v8  }
0x26: {  	[tilespmem:$0x10290] =	vst v9  }
0x27: {  	[tilespmem:$0x102A0] =	vst v10  }
0x28: {  	[tilespmem:$0x102B0] =	vst v11  }
0x29: {  	[tilespmem:$0x102C0] =	vst v12  }
0x2a: {  	[tilespmem:$0x102D0] =	vst v13  }
0x2b: {  	[tilespmem:$0x102E0] =	vst v14;
	s6 =	rddreg [dreg:$0x7]  }
0x2c: {  	[tilespmem:$0x102F0] =	vst v15;
	s5 =	simm.s32 $0x0;
	s15 =	rddreg [dreg:$0x8]  }
0x2d: {  	[tilespmem:s5], [sflag:$0x1] =	stream.linear.gather [hbm4b:s6+s5], $0x80, $0x38;
	[tilespmem:$0x18300] =	vst v63  }
0x2e: {  	s30 =	rddreg [dreg:$0x9]  }
0x2f: {  	[tilespmem:s16], [sflag:$0x1] =	stream.linear.gather [hbm4b:s15+s5], $0x80, $0x38;
	[tilespmem:$0x18300] =	vst v63  }
0x30: {  	s31 =	rddreg [dreg:$0xa]  }
0x31: {  	[tilespmem:s17], [sflag:$0x4] =	stream.linear.gather [hbm4b:s30+s5], $0x80, $0x38;
	[tilespmem:$0x18300] =	vst v63  }
0x32: {  	s8 =	simm.s32 $0x0;
	s6 =	simm.s32 $0xFFFFFFC0;
	s15 =	rddreg [dreg:$0xc]  }
0x33: {  	[tilespmem:s18], [sflag:$0x4] =	stream.linear.gather [hbm4b:s31+s5], $0x80, $0x38;
	[tilespmem:$0x18300] =	vst v63  }
.LBB2_2:
0x34: {  	p0 =	sgt.u32 s6, $0x27F  }
0x35: {  	s9 =	simm.s32 @p0 $0x1  }
0x36: {  	_ =	swait.ge @p0 [sflag:s9], $0x80  }
0x37: {  	[sflag:s9] =	ssyncset.done @p0 $0x0  }
0x38: {  	[sflag:s9] =	ssyncadd.s32 @p0 $0xFFFFFF80  }
0x39: {  	_ =	swait.ge @p0 [sflag:s9], $0x80  }
0x3a: {  	s14 =	simm.s32 @p0 $0x0;
	[sflag:s9] =	ssyncset.done @p0 $0x0  }
0x3b: {  	s7 =	simm.s32 @p0 $0x100;
	[sflag:s9] =	ssyncadd.s32 @p0 $0xFFFFFF80;
	s9 =	simm.s32 @p0 $0x80  }
0x3c: {  	[tilespmem:s7], [sflag:$0x2] =	stream.indirect.gather @p0 [hbm4b:s1+s9], $0x80, s14, s9, $0xb8;
	[tilespmem:$0x18300] =	vst v63  }
0x3d: {  	s7 =	simm.s32 @p0 $0x4100  }
0x3e: {  	[tilespmem:s7], [sflag:$0x2] =	stream.indirect.gather @p0 [hbm4b:s2+s9], $0x80, s9, s9, $0xb8;
	[tilespmem:$0x18300] =	vst v63  }
0x3f: {  	s7 =	simm.s32 @!p0 $0x3  }
0x40: {  	_ =	swait.ge @!p0 [sflag:s7], $0x800  }
0x41: {  	[sflag:s7] =	ssyncset.done @!p0 $0x0  }
0x42: {  	[sflag:s7] =	ssyncadd.s32 @!p0 $0xFFFFF800;
	s7 =	simm.s32 @!p0 $0x1  }
0x43: {  	_ =	swait.ge @!p0 [sflag:s7], $0x80  }
0x44: {  	[sflag:s7] =	ssyncset.done @!p0 $0x0  }
0x45: {  	[sflag:s7] =	ssyncadd.s32 @!p0 $0xFFFFFF80  }
0x46: {  	_ =	swait.ge @!p0 [sflag:s7], $0x80  }
0x47: {  	s14 =	simm.s32 @!p0 $0x100;
	[sflag:s7] =	ssyncset.done @!p0 $0x0  }
0x48: {  	s9 =	simm.s32 @!p0 $0x0;
	[sflag:s7] =	ssyncadd.s32 @!p0 $0xFFFFFF80;
	s7 =	simm.s32 @!p0 $0x80  }
0x49: {  	[tilespmem:s14], [sflag:$0x2] =	stream.indirect.gather @!p0 [hbm4b:s1+s7], $0x80, s9, s7, $0xb8;
	[tilespmem:$0x18300] =	vst v63  }
0x4a: {  	s9 =	simm.s32 @!p0 $0x4100  }
0x4b: {  	[tilespmem:s9], [sflag:$0x2] =	stream.indirect.gather @!p0 [hbm4b:s2+s7], $0x80, s7, s7, $0xb8;
	[tilespmem:$0x18300] =	vst v63  }
0x4c: {  	s7 =	simm.s32 @!p0 $0x6  }
0x4d: {  	_ =	swait.ge @!p0 [sflag:s7], $0x800  }
0x4e: {  	[sflag:s7] =	ssyncset.done @!p0 $0x0  }
0x4f: {  	[sflag:s7] =	ssyncadd.s32 @!p0 $0xFFFFF800  }
0x50: {  	_ =	swait.ge [sflag:s19], $0x80  }
0x51: {  	[sflag:s19] =	ssyncset.done $0x0  }
0x52: {  	[sflag:s19] =	ssyncadd.s32 $0xFFFFFF80  }
0x53: {  	_ =	swait.ge [sflag:s19], $0x80  }
0x54: {  	[sflag:s19] =	ssyncset.done $0x0  }
0x55: {  	[sflag:s19] =	ssyncadd.s32 $0xFFFFFF80  }
0x56: {  	[tilespmem:s20], [sflag:$0x5] =	stream.indirect.gather [hbm4b:s1+s16], $0x80, s17, s16, $0xb8;
	[tilespmem:$0x18300] =	vst v63  }
0x57: {  	_ = 	snop  }
0x58: {  	[tilespmem:s21], [sflag:$0x5] =	stream.indirect.gather [hbm4b:s2+s16], $0x80, s18, s16, $0xb8;
	[tilespmem:$0x18300] =	vst v63  }
0x59: {  	_ =	swait.ge [sflag:s22], $0x4000  }
0x5a: {  	[sflag:s22] =	ssyncset.done $0x0  }
0x5b: {  	[sflag:s22] =	ssyncadd.s32 $0xFFFFC000  }
0x5c: {  	_ =	swait.ge [sflag:s22], $0x4000  }
0x5d: {  	[sflag:s22] =	ssyncset.done $0x0  }
0x5e: {  	[sflag:s22] =	ssyncadd.s32 $0xFFFFC000  }
0x5f: {  	[spmem:s12] =	stream.linear.scatter [tilespmem:s23], [sflag:$0x7], $0x4000, $0x38;
	[tilespmem:$0x18300] =	vst v63  }
0x60: {  	_ =	swait.ge [sflag:s24], $0x4000  }
0x61: {  	[sflag:s24] =	ssyncset.done $0x0  }
0x62: {  	[sflag:s24] =	ssyncadd.s32 $0xFFFFC000  }
0x63: {  	[spmem:s3] =	stream.indirect.scatter.add.f32 [tilespmem:s26], [sflag:$0x7], $0x80, s25, s16, $0xb8;
	[tilespmem:$0x18300] =	vst v63  }
0x64: {  	s5 =	sshrl.u32 s12, $0x3;
	_ =	swait.ge [sflag:s24], $0x4000  }
0x65: {  	s14 =	sadd.s32 $0xFFFF0000, s15;
	s7 =	sshll.u32 s4, $0x6;
	[sflag:s24] =	ssyncset.done $0x0  }
0x66: {  	p0 =	seq.s32 s8, $0x2400;
	s30 =	sor.u32 $0x1C03, s7;
	[sflag:s24] =	ssyncadd.s32 $0xFFFFC000  }
0x67: {  	[hbm:s14], [sflag:s30] =	dma.local [spmem:s5], $0x800  }
0x68: {  	s5 =	sadd.s32 @!p0 s8, s10  }
0x69: {  	s14 =	simm.s32 @!p0 $0x0;
	s9 =	sadd.s32 @!p0 $0x400, s5  }
0x6a: {  	[tilespmem:s14], [sflag:$0x1] =	stream.linear.gather @!p0 [hbm4b:s9+s14], $0x80, $0x38;
	[tilespmem:$0x18300] =	vst v63  }
0x6b: {  	s9 =	sadd.s32 @!p0 s8, s11  }
0x6c: {  	s31 =	simm.s32 @!p0 $0x80;
	s30 =	sadd.s32 @!p0 $0x400, s9  }
0x6d: {  	[tilespmem:s31], [sflag:$0x1] =	stream.linear.gather @!p0 [hbm4b:s30+s14], $0x80, $0x38;
	[tilespmem:$0x18300] =	vst v63  }
0x6e: {  	_ =	swait.ge [sflag:s28], $0x4000  }
0x6f: {  	[sflag:s28] =	ssyncset.done $0x0  }
0x70: {  	[sflag:s28] =	ssyncadd.s32 $0xFFFFC000  }
0x71: {  	_ =	swait.ge [sflag:s28], $0x4000  }
0x72: {  	[sflag:s28] =	ssyncset.done $0x0  }
0x73: {  	[sflag:s28] =	ssyncadd.s32 $0xFFFFC000  }
0x74: {  	[spmem:s13] =	stream.linear.scatter [tilespmem:s20], [sflag:$0x7], $0x4000, $0x38;
	[tilespmem:$0x18300] =	vst v63  }
0x75: {  	_ =	swait.ge [sflag:s24], $0x4000  }
0x76: {  	[sflag:s24] =	ssyncset.done $0x0  }
0x77: {  	[sflag:s24] =	ssyncadd.s32 $0xFFFFC000  }
0x78: {  	[spmem:s3] =	stream.indirect.scatter.add.f32 [tilespmem:s21], [sflag:$0x7], $0x80, s29, s16, $0xb8;
	[tilespmem:$0x18300] =	vst v63  }
0x79: {  	s8 =	sadd.s32 @!p0 $0x400, s8;
	_ =	swait.ge [sflag:s24], $0x4000  }
0x7a: {  	s7 =	sor.u32 $0x1C06, s7;
	p1 =	sne.s32 @!p0 s8, $0x2800;
	[sflag:s24] =	ssyncset.done $0x0  }
0x7b: {  	s31 =	sshrl.u32 s13, $0x3;
	p1 =	por p0, !p1;
	[sflag:s24] =	ssyncadd.s32 $0xFFFFC000  }
0x7c: {  	[hbm:s15], [sflag:s7] =	dma.local [spmem:s31], $0x800  }
.Ltmp0:
0x7d: {  	_ = 	snop;
	(pc) =	sbr.rel @!p1 .LBB2_2-.Ltmp0, $4  }
0x7e: {  	s6 =	sadd.s32 @!p0 $0x40, s6;
	s5 =	sadd.s32 @!p0 $0x600, s5;
	s7 =	simm.s32 @!p0 $0x8180  }
0x7f: {  	[tilespmem:s7], [sflag:$0x4] =	stream.linear.gather @!p0 [hbm4b:s5+s14], $0x80, $0x38;
	[tilespmem:$0x18300] =	vst v63  }
0x80: {  	s15 =	sadd.s32 @!p0 $0x20000, s15;
	s5 =	sadd.s32 @!p0 $0x600, s9;
	s7 =	simm.s32 @!p0 $0x8200  }
0x81: {  	[tilespmem:s7], [sflag:$0x4] =	stream.linear.gather @!p0 [hbm4b:s5+s14], $0x80, $0x38;
	[tilespmem:$0x18300] =	vst v63  }
0x82: {  	s5 =	simm.s32 $0x3  }
0x83: {  	_ =	swait.ge [sflag:s5], $0x800  }
0x84: {  	[sflag:s5] =	ssyncset.done $0x0  }
0x85: {  	s6 =	simm.s32 $0x6;
	[sflag:s5] =	ssyncadd.s32 $0xFFFFF800  }
0x86: {  	_ =	swait.ge [sflag:s6], $0x800  }
0x87: {  	s0 =	sadd.s32 $0x1, s0;
	s31 =	rddreg [dreg:$0xb]  }
0x88: {  	p0 =	sne.s32 s0, s31  }
.Ltmp1:
0x89: {  	_ = 	snop;
	(pc) =	sbr.rel @p0 .LBB2_1-.Ltmp1, $3  }
0x8a: {  	_ =	sdelay $0x1  }
0x8b: {  	[sflag:s6] =	ssyncset.done $0x0  }
0x8c: {  	[sflag:s6] =	ssyncadd.s32 $0xFFFFF800  }
0x8d: {  	_ =	sfence.sel $0x180000  }
0x8e: {  	[bflag:$0x0] =	sbarrier.arrive $0xFFFF  }
0x8f: {  	_ =	strace $0x90000047  }
0x90: {  	[bflag:$0x2] =	sbarrier.arrive $0xFFFF  }
0x91: {  	p0 =	sne.s32 s4, $0x0;
	s0 =	rddreg [dreg:$0x6]  }
0x92: {  	s0 =	sadd.s32 @!p0 $0x100000, s0  }
0x93: {  	[sflag:s0] =	ssyncadd.tile.s32 @!p0 $0x1;
	_ =	shalt  }
.Lfunc_end2:
_tile_overlayer_lowered:
.L_overlay_start_2:
0x94: {  	(tag) =	ssettag $0x2  }
0x95: {  	s0 =	rddreg [dreg:$0x0];
	s2 =	stileid.u32  }
0x96: {  	s1 =	rddreg [dreg:$0x1];
	p0 =	sne.s32 s2, $0x0  }
0x97: {  	s3 =	rddreg [dreg:$0x2];
	[bflag:$0x3] =	sbarrier.arrive $0xFFFF;
	s2 =	simm.s32 @!p0 $0x1C07  }
0x98: {  	[timem:s3], [sflag:s2] =	dma.local @!p0 [hbm:s0], s1  }
0x99: {  	s0 =	simm.s32 @!p0 $0x7  }
0x9a: {  	_ =	swait.ge @!p0 [sflag:s0], s1  }
0x9b: {  	s1 =	ssub.s32 @!p0 $0x0, s1;
	[sflag:s0] =	ssyncset.done @!p0 $0x0  }
0x9c: {  	[sflag:s0] =	ssyncadd.s32 @!p0 s1  }
0x9d: {  	[bflag:$0x3] =	sbarrier.arrive $0xFFFF  }
0x9e: {  	_ =	shalt  }

// kernel: kernel.15.cloned.1.call-start
scs
__scs_entry_jumppad:
0x0: {  	(pc) =	sbr.rel $0x88, $3  }
0x1: {  	(tag) =	ssettag $0x0;
	lr =	simm.s32 $0x1  }
0x2: {  	[smem:$0x3F8A] =	sst lr;
	_ =	strace $0xD0000000  }
0x3: {  	_ = 	snop  }
0x4: {  	_ = 	snop  }
0x5: {  	_ = 	snop  }
0x6: {  	_ = 	snop  }
0x7: {  	_ = 	snop  }
__scs_overlays_trampoline_lowered:
0x8: {  	[smem:$0x3F99] =	sst s0  }
0x9: {  	[smem:$0x3F9A] =	sst s1  }
0xa: {  	[smem:$0x3F9B] =	sst s2  }
0xb: {  	[smem:$0x3F9C] =	sst s3  }
0xc: {  	[smem:$0x3F9D] =	sst s4  }
0xd: {  	[smem:$0x3F9E] =	sst s5  }
0xe: {  	[smem:$0x3F9F] =	sst s6  }
0xf: {  	[smem:$0x3FA0] =	sst s7  }
0x10: {  	[smem:$0x3FA1] =	sst s8  }
0x11: {  	[smem:$0x3FA2] =	sst s9;
	s0 =	simm.s32 @!p0 $0x0  }
0x12: {  	s1 =	sld [smem:$0x3F88];
	s0 =	simm.s32 @p0 $0x1  }
0x13: {  	[smem:$0x3FA3] =	sst s0;
	s0 =	simm.s32 @!p1 $0x0  }
0x14: {  	s2 =	sld [smem:$0x3F87];
	s0 =	simm.s32 @p1 $0x1  }
0x15: {  	[smem:$0x3FA4] =	sst s0;
	s0 =	simm.s32 @!p2 $0x0  }
0x16: {  	s3 =	sld [smem:$0x3FDB];
	s0 =	simm.s32 @p2 $0x1  }
0x17: {  	s4 =	simm.s32 $0x1BF5;
	[smem:$0x3FA6] =	sst s0  }
0x18: {  	s0 =	sld [smem:$0x3F89];
	_ =	swait.ge [sflag:s4], $0x0  }
0x19: {  	s7 =	sld [smem:$0x3F8A]  }
0x1a: {  	s8 =	sadd.s32 $0xFFFFE003, lr  }
0x1b: {  	s9 =	sadd.s32 $0xFFFFFEF7, lr;
	s5 =	simm.s32 $0xFFFFFFFF;
	p2 =	slt.u32 s8, $0xFFFFF086  }
0x1c: {  	p1 =	slt.u32 s9, $0xF7A;
	s5 =	simm.s32 @!p2 $0x0  }
0x1d: {  	s5 =	simm.s32 @p1 $0x1;
	p0 =	seq.s32 s7, s2  }
0x1e: {  	s7 =	smul.u32 @!p0 $0xF7A, s2;
	p2 =	seq.s32 @!p0 s5, $0x0  }
0x1f: {  	s9 =	smul.u32 $0xF7A, s1;
	s8 =	simm.s32 @!p0 $0x1BF5;
	p2 =	por !p2, p0  }
0x20: {  	[sflag:s8] =	ssyncset.s32 @!p0 $0xFFFFF086;
	s6 =	sadd.s32 @!p0 s3, s7;
	s7 =	simm.s32 @!p0 $0x108  }
0x21: {  	s3 =	sadd.s32 s3, s9;
	s6 =	sadd.s32 @!p0 $0x88, s6;
	s7 =	simm.s32 @p2 $0x1082  }
0x22: {  	[simem:s7], [sflag:s8] =	dma.local @!p0 [hbm:s6], $0xF7A  }
0x23: {  	s9 =	sor.u32 $0xD0000000, s2;
	s6 =	simm.s32 $0x108;
	_ =	swait.ge @!p0 [sflag:s8], $0x0  }
0x24: {  	s3 =	sadd.s32 $0x88, s3;
	s6 =	simm.s32 @!p1 $0x1082;
	[sflag:s4] =	ssyncset.s32 $0xFFFFF086  }
0x25: {  	[simem:s6], [sflag:s4] =	dma.local [hbm:s3], $0xF7A  }
0x26: {  	[smem:$0x3F8A] =	sst s1;
	(tag) =	ssettag s2;
	_ =	strace s9  }
0x27: {  	s1 =	sld [smem:$0x3F9A]  }
0x28: {  	s2 =	sld [smem:$0x3F9B]  }
0x29: {  	s4 =	sld [smem:$0x3F9D]  }
0x2a: {  	p0 =	seq.s32 s5, $0x0;
	s5 =	sld [smem:$0x3F9E]  }
0x2b: {  	s6 =	sld [smem:$0x3F9F]  }
0x2c: {  	s7 =	sld [smem:$0x3FA0]  }
0x2d: {  	s3 =	simm.s32 $0x108;
	s8 =	sld [smem:$0x3FA1]  }
0x2e: {  	s3 =	simm.s32 @!p0 $0x1082;
	s9 =	sld [smem:$0x3FA2]  }
0x2f: {  	lr =	sadd.s32 s0, s3;
	s0 =	sld [smem:$0x3F99]  }
0x30: {  	s3 =	sld [smem:$0x3F9C]  }
0x31: {  	[smem:$0x3FA5] =	sst s10  }
0x32: {  	s10 =	sld [smem:$0x3FA3];
	_ =	sdelay $0x3  }
0x33: {  	p0 =	seq.s32 s10, $0x1;
	s10 =	sld [smem:$0x3FA5];
	_ =	sdelay $0x3  }
0x34: {  	[smem:$0x3FA5] =	sst s10  }
0x35: {  	s10 =	sld [smem:$0x3FA4];
	_ =	sdelay $0x3  }
0x36: {  	p1 =	seq.s32 s10, $0x1;
	s10 =	sld [smem:$0x3FA5];
	_ =	sdelay $0x3  }
0x37: {  	[smem:$0x3FA5] =	sst s10  }
0x38: {  	s10 =	sld [smem:$0x3FA6]  }
0x39: {  	_ = 	snop;
	(pc) =	sbr.ind lr, $3  }
0x3a: {  	_ = 	snop  }
0x3b: {  	_ = 	snop  }
0x3c: {  	p2 =	seq.s32 s10, $0x1;
	s10 =	sld [smem:$0x3FA5]  }
0x3d: {  	_ =	shalt  }
0x3e: {  	_ =	shalt  }
0x3f: {  	_ =	shalt  }
0x40: {  	_ =	shalt  }
0x41: {  	_ =	shalt  }
0x42: {  	_ =	shalt  }
0x43: {  	_ =	shalt  }
0x44: {  	_ =	shalt  }
0x45: {  	_ =	shalt  }
0x46: {  	_ =	shalt  }
0x47: {  	_ =	shalt  }
0x48: {  	_ =	shalt  }
0x49: {  	_ =	shalt  }
0x4a: {  	_ =	shalt  }
0x4b: {  	_ =	shalt  }
0x4c: {  	_ =	shalt  }
0x4d: {  	_ =	shalt  }
0x4e: {  	_ =	shalt  }
0x4f: {  	_ =	shalt  }
0x50: {  	_ =	shalt  }
0x51: {  	_ =	shalt  }
0x52: {  	_ =	shalt  }
0x53: {  	_ =	shalt  }
0x54: {  	_ =	shalt  }
0x55: {  	_ =	shalt  }
0x56: {  	_ =	shalt  }
0x57: {  	_ =	shalt  }
0x58: {  	_ =	shalt  }
0x59: {  	_ =	shalt  }
0x5a: {  	_ =	shalt  }
0x5b: {  	_ =	shalt  }
0x5c: {  	_ =	shalt  }
0x5d: {  	_ =	shalt  }
0x5e: {  	_ =	shalt  }
0x5f: {  	_ =	shalt  }
0x60: {  	_ =	shalt  }
0x61: {  	_ =	shalt  }
0x62: {  	_ =	shalt  }
0x63: {  	_ =	shalt  }
0x64: {  	_ =	shalt  }
0x65: {  	_ =	shalt  }
0x66: {  	_ =	shalt  }
0x67: {  	_ =	shalt  }
0x68: {  	_ =	shalt  }
0x69: {  	_ =	shalt  }
0x6a: {  	_ =	shalt  }
0x6b: {  	_ =	shalt  }
0x6c: {  	_ =	shalt  }
0x6d: {  	_ =	shalt  }
0x6e: {  	_ =	shalt  }
0x6f: {  	_ =	shalt  }
0x70: {  	_ =	shalt  }
0x71: {  	_ =	shalt  }
0x72: {  	_ =	shalt  }
0x73: {  	_ =	shalt  }
0x74: {  	_ =	shalt  }
0x75: {  	_ =	shalt  }
0x76: {  	_ =	shalt  }
0x77: {  	_ =	shalt  }
0x78: {  	_ =	shalt  }
0x79: {  	_ =	shalt  }
0x7a: {  	_ =	shalt  }
0x7b: {  	_ =	shalt  }
0x7c: {  	_ =	shalt  }
0x7d: {  	_ =	shalt  }
0x7e: {  	_ =	shalt  }
0x7f: {  	_ =	shalt  }
0x80: {  	_ =	shalt  }
0x81: {  	_ =	shalt  }
0x82: {  	_ =	shalt  }
0x83: {  	_ =	shalt  }
0x84: {  	_ =	shalt  }
0x85: {  	_ =	shalt  }
0x86: {  	_ =	shalt  }
0x87: {  	_ =	shalt  }
.Lfunc_end0:
.L_simem_size_0:
called_computation.1_lowered:
.L_overlay_start_0:
0x88: {  	s2 =	sld [smem:$0x3FD9]  }
0x89: {  	s3 =	sld [smem:$0x3FFE];
	_ =	sdelay $0x1  }
0x8a: {  	s1 =	srdreg.scid  }
0x8b: {  	s0 =	sand.u32 $0x1, s1  }
0x8c: {  	s15 =	sshll.u32 s0, $0xA;
	s2 =	sadd.s32 s3, s2  }
0x8d: {  	s2 =	sadd.s32 s2, s15  }
0x8e: {  	[smem:$0x3FB1] =	sst s2  }
0x8f: {  	_ = 	snop  }
0x90: {  	s2 =	sld [smem:$0x3FD0];
	_ =	sdelay $0x1  }
0x91: {  	s16 =	sld [smem:$0x3FC6]  }
0x92: {  	s6 =	simm.s32 $0xB;
	s5 =	simm.s32 $0x10;
	s4 =	sld [smem:$0x3FC5]  }
0x93: {  	[smem:s5], [sflag:s6] =	dma.local [hbm:s2], $0x1  }
0x94: {  	_ =	swait.eq [sflag:s6], $0x1  }
0x95: {  	[sflag:s6] =	ssyncset.done $0x0  }
0x96: {  	s17 =	sld [smem:$0x10];
	[sflag:s6] =	ssyncadd.s32 $0xFFFFFFFF  }
0x97: {  	s18 =	sld [smem:$0x11];
	(tm) =	ssettm $0x1  }
0x98: {  	s19 =	sld [smem:$0x3FFB];
	_ =	sdelay $0x3  }
0x99: {  	_ =	strace s19  }
0x9a: {  	s2 =	sld [smem:$0x3FFC];
	_ =	sdelay $0x3  }
0x9b: {  	_ =	strace s2  }
0x9c: {  	s2 =	sld [smem:$0x3FFD];
	_ =	sdelay $0x3  }
0x9d: {  	_ =	strace s2  }
0x9e: {  	_ =	strace $0x8FFFFFFF  }
0x9f: {  	s20 =	sld [smem:$0x3FDB];
	_ =	sdelay $0x1  }
0xa0: {  	s7 =	simm.s32 $_scs_section_size  }
0xa1: {  	s8 =	simm.s32 $_size__tile_overlayer_lowered;
	s9 =	simm.s32 $_tile_overlayer_lowered  }
0xa2: {  	s10 =	simm.s32 $0x1BFF;
	s21 =	sshll.u32 s9, $0x1;
	s7 =	sadd.s32 s7, s20  }
0xa3: {  	s22 =	simm.s32 $0x0;
	s8 =	sshll.u32 s8, $0x1;
	s9 =	sadd.s32 s21, s7  }
0xa4: {  	[timem:s22], [sflag:s10] =	dma.local [hbm:s9], s8  }
0xa5: {  	_ =	swait.ge [sflag:s10], s8  }
0xa6: {  	s8 =	ssub.s32 $0x0, s8;
	[sflag:s10] =	ssyncset.done $0x0  }
0xa7: {  	[sflag:s10] =	ssyncadd.s32 s8;
	_ =	sdelay $0x1  }
0xa8: {  	s23 =	simm.s32 $0x1B8B  }
0xa9: {  	_ =	swait.ge [sflag:s23], $0x1  }
0xaa: {  	[sflag:s23] =	ssyncset.done $0x0  }
0xab: {  	[sflag:s23] =	ssyncadd.s32 $0xFFFFFFFF  }
0xac: {  	s8 =	sld [smem:$0x0]  }
0xad: {  	s9 =	sand.u32 $0xFFFFFFFE, s1  }
0xae: {  	p0 =	sne.s32 s1, s9  }
0xaf: {  	s9 =	sshll.u32 @p0 s9, $0xE  }
0xb0: {  	s9 =	sadd.s32 @p0 $0x11B8D, s9;
	s10 =	sshll.u32 @p0 s8, $0x11  }
0xb1: {  	s9 =	sor.u32 @p0 s10, s9  }
0xb2: {  	[sflag:s9] =	ssyncadd.remote.s32 @p0 $0x1;
	_ =	sdelay $0x1  }
0xb3: {  	s9 =	simm.s32 @p0 $0x1B8D  }
0xb4: {  	_ =	swait.eq @p0 [sflag:s9], $0x1  }
0xb5: {  	[sflag:s9] =	ssyncadd.s32 @p0 $0xFFFFFFFF  }
0xb6: {  	s10 =	sshll.u32 @!p0 s1, $0xE  }
0xb7: {  	s10 =	sor.u32 @!p0 $0x4000, s10;
	s9 =	simm.s32 @!p0 $0x1B8D  }
0xb8: {  	s8 =	sshll.u32 @!p0 s8, $0x11;
	s10 =	sadd.s32 @!p0 $0x11B8D, s10;
	_ =	swait.eq @!p0 [sflag:s9], $0x1  }
0xb9: {  	s8 =	sor.u32 @!p0 s8, s10;
	[sflag:s9] =	ssyncadd.s32 @!p0 $0xFFFFFFFF  }
0xba: {  	s25 =	simm.s32 $0x1B8E;
	s24 =	sld [smem:$0x3FFE];
	[sflag:s8] =	ssyncadd.remote.s32 @!p0 $0x1  }
0xbb: {  	s26 =	simm.s32 $execute0_lowered;
	[smem:$0x3FD2] =	sst s25  }
0xbc: {  	s9 =	sshll.u32 s26, $0x1;
	_ =	strace $0x80000049;
	[dreg:$0x1] =	wrdreg $0xFFFFFFFF  }
0xbd: {  	s28 =	simm.s32 $_size_execute0_lowered;
	s7 =	sadd.s32 s7, s9;
	[dreg:$0x0] =	wrdreg $0x0  }
0xbe: {  	s9 =	sshll.u32 s28, $0x1;
	[dreg:$0x2] =	wrdreg s7  }
0xbf: {  	[dreg:$0x3] =	wrdreg s9  }
0xc0: {  	[dreg:$0x4] =	wrdreg $0xC0  }
0xc1: {  	_ =	task [dreg:s22], $0x5FFFF  }
0xc2: {  	[dreg:$0x1] =	wrdreg $0xFFFFFFFF  }
0xc3: {  	[dreg:$0x0] =	wrdreg $0x60  }
0xc4: {  	[dreg:$0x2] =	wrdreg s16  }
0xc5: {  	[dreg:$0x3] =	wrdreg s4  }
0xc6: {  	[dreg:$0x4] =	wrdreg s17  }
0xc7: {  	[dreg:$0x5] =	wrdreg s18  }
0xc8: {  	[dreg:$0x6] =	wrdreg s24  }
0xc9: {  	[dreg:$0x7] =	wrdreg $0x103000  }
0xca: {  	[dreg:$0x8] =	wrdreg $0x9  }
0xcb: {  	_ =	task.clear_ibuf [dreg:s22], $0x9FFFF;
	_ =	strace $0x90000049  }
0xcc: {  	s29 =	simm.s32 $0x9;
	_ =	strace $0x8000004B  }
0xcd: {  	_ =	swait.ge [sflag:s29], $0x1  }
0xce: {  	[sflag:s29] =	ssyncadd.s32 $0xFFFFFFFF  }
0xcf: {  	_ =	strace $0x9000004B  }
0xd0: {  	_ =	sfence  }
0xd1: {  	s30 =	sld [smem:$0x0];
	_ =	sdelay $0x2  }
0xd2: {  	s31 =	sshll.u32 s1, $0xD;
	s1 =	sshrl.u32 s1, $0x2  }
0xd3: {  	s4 =	sand.u32 $0x4000, s31;
	s1 =	sadd.s32 s1, s30  }
0xd4: {  	s0 =	sor.u32 s4, s0;
	s1 =	sshll.u32 s1, $0x11  }
0xd5: {  	s0 =	sor.u32 s1, s0  }
0xd6: {  	s0 =	sadd.s32 $0x8F2B, s0  }
0xd7: {  	[sflag:s0] =	ssyncadd.remote.s32 $0x1  }
0xd8: {  	_ =	sfence.sel $0xFFFF  }
0xd9: {  	[dreg:$0x0] =	wrdreg $0xFFFFFFFF;
	(pc) =	sbr.abs _section_cstart, $3  }
0xda: {  	[dreg:$0x1] =	wrdreg $0xFFFFFFFF  }
0xdb: {  	_ =	task.clear_ibuf [dreg:s22], $0x2FFFF;
	_ =	strace $0x9FFFFFFF  }
0xdc: {  	(tm) =	ssettm $0x7FFFFFFF  }
0xdd: {  	_ =	shalt  }
tec
execute0_lowered:
.L_overlay_start_1:
0x0: {  	(tag) =	ssettag $0x1  }
0x1: {  	s0 =	rddreg [dreg:$0x0]  }
0x2: {  	s1 =	rddreg [dreg:$0x1]  }
0x3: {  	s2 =	rddreg [dreg:$0x4]  }
0x4: {  	s16 =	rddreg [dreg:$0x5];
	s3 =	srdreg.scid  }
0x5: {  	s4 =	simm.s32 $0x0;
	s22 =	stileid.u32;
	s24 =	simm.s32 $0x8100  }
0x6: {  	s3 =	sand.u32 $0x1, s3;
	[smem:$0x7FF] =	sst s4;
	s17 =	sshll.u32 s22, $0xC  }
0x7: {  	s19 =	sshll.u32 s22, $0x1;
	s6 =	sshll.u32 s22, $0x7;
	s21 =	sshll.u32 s22, $0x5  }
0x8: {  	s30 =	sshll.u32 s22, $0xE;
	p0 =	sne.s32 s22, $0x0;
	s5 =	ssub.s32 $0x2, s3  }
0x9: {  	_ =	strace $0x8000004A;
	s2 =	sadd.s32 s17, s2;
	s7 =	sor.u32 $0x20, s6  }
0xa: {  	s8 =	sor.u32 $0x30, s6;
	s9 =	sor.u32 $0x40, s6;
	s11 =	sor.u32 $0x50, s6  }
0xb: {  	s12 =	sor.u32 $0x60, s6;
	s15 =	sor.u32 $0x70, s6;
	s23 =	sshll.u32 s3, $0xB  }
0xc: {  	s25 =	sor.u32 $0x800, s6;
	[dreg:$0x7] =	wrdreg s24;
	s18 =	sshrl.u32 s5, $0x1  }
0xd: {  	s26 =	sor.u32 $0x810, s6;
	s4 =	ssub.s32 s5, s18;
	s18 =	sor.u32 s3, s19  }
0xe: {  	s28 =	sor.u32 $0x820, s6;
	s29 =	sor.u32 $0x830, s6;
	s10 =	sshll.u32 s18, $0x4  }
0xf: {  	s17 =	sor.u32 $0x840, s6;
	s4 =	smax.u32 s4, $0x1;
	s13 =	sor.u32 $0x2800, s10  }
0x10: {  	s24 =	simm.s32 $0x2;
	[dreg:$0xf] =	wrdreg s4;
	s14 =	sadd.s32 s0, s13  }
0x11: {  	s10 =	sor.u32 $0x2A00, s10;
	s13 =	sadd.s32 s1, s13;
	[dreg:$0x9] =	wrdreg s14  }
0x12: {  	v15 =	vlaneseq.u32;
	s31 =	sshll.u32 s25, $0x7;
	s20 =	sadd.s32 s0, s10;
	[dreg:$0xa] =	wrdreg s13  }
0x13: {  	v8 =	vor.u32 s25, v15;
	s25 =	simm.s32 $0x7;
	s10 =	sadd.s32 s1, s10;
	[dreg:$0xb] =	wrdreg s20  }
0x14: {  	s5 =	sor.u32 $0x10, s6;
	s0 =	sadd.s32 s21, s0;
	[dreg:$0xc] =	wrdreg s10  }
0x15: {  	v0 =	vor.u32 s6, v15;
	v2 =	vor.u32 s7, v15;
	v3 =	vor.u32 s8, v15;
	s19 =	sor.u32 $0x850, s6;
	s1 =	sadd.s32 s21, s1;
	[dreg:$0xd] =	wrdreg s0  }
0x16: {  	v4 =	vor.u32 s9, v15;
	v5 =	vor.u32 s11, v15;
	v6 =	vor.u32 s12, v15;
	s21 =	simm.s32 $0x1;
	[dreg:$0xe] =	wrdreg s1;
	s0 =	sadd.s32 s23, s2  }
0x17: {  	v7 =	vor.u32 s15, v15;
	v9 =	vor.u32 s26, v15;
	v10 =	vor.u32 s28, v15;
	s20 =	sor.u32 $0x860, s6;
	s6 =	sor.u32 $0x870, s6;
	s14 =	sadd.s32 s30, s16  }
0x18: {  	v11 =	vor.u32 s29, v15;
	v12 =	vor.u32 s17, v15;
	v1 =	vor.u32 s5, v15;
	s2 =	simm.s32 $0x0;
	[dreg:$0x8] =	wrdreg s14;
	s0 =	sadd.s32 $0x144E00, s0  }
0x19: {  	v13 =	vor.u32 s19, v15;
	s14 =	sadd.s32 s31, s16;
	s16 =	sshll.u32 s3, $0x4;
	v14 =	vor.u32 s20, v15;
	v15 =	vor.u32 s6, v15;
	[dreg:$0x10] =	wrdreg s0  }
.LBB2_1:
0x1a: {  	[tilespmem:$0x8100] =	vst v0  }
0x1b: {  	[tilespmem:$0x8110] =	vst v1  }
0x1c: {  	[tilespmem:$0x8120] =	vst v2  }
0x1d: {  	[tilespmem:$0x8130] =	vst v3  }
0x1e: {  	[tilespmem:$0x8140] =	vst v4  }
0x1f: {  	[tilespmem:$0x8150] =	vst v5  }
0x20: {  	[tilespmem:$0x8160] =	vst v6  }
0x21: {  	[tilespmem:$0x8170] =	vst v7  }
0x22: {  	[tilespmem:$0x10280] =	vst v8  }
0x23: {  	[tilespmem:$0x10290] =	vst v9  }
0x24: {  	[tilespmem:$0x102A0] =	vst v10  }
0x25: {  	[tilespmem:$0x102B0] =	vst v11  }
0x26: {  	[tilespmem:$0x102C0] =	vst v12  }
0x27: {  	[tilespmem:$0x102D0] =	vst v13  }
0x28: {  	[dreg:$0x11] =	wrdreg s2;
	[tilespmem:$0x102E0] =	vst v14  }
0x29: {  	[tilespmem:$0x102F0] =	vst v15;
	s8 =	simm.s32 $0x0;
	s0 =	rddreg [dreg:$0x9];
	s13 =	sadd.s32 $0x0, s18  }
0x2a: {  	[tilespmem:s8], [sflag:$0x1] =	stream.linear.gather [hbm4b:s0+s8], $0x80, $0x38;
	[tilespmem:$0x18300] =	vst v63  }
0x2b: {  	s9 =	rddreg [dreg:$0xa];
	s7 =	simm.s32 $0x80;
	s15 =	sadd.s32 $0xFFFFFFC0, s13  }
0x2c: {  	[tilespmem:s7], [sflag:$0x1] =	stream.linear.gather [hbm4b:s9+s8], $0x80, $0x38;
	[tilespmem:$0x18300] =	vst v63  }
0x2d: {  	s10 =	rddreg [dreg:$0xb];
	s1 =	simm.s32 $0x8180;
	p1 =	sgt.u32 s15, $0x261  }
0x2e: {  	[tilespmem:s1], [sflag:$0x4] =	stream.linear.gather [hbm4b:s10+s8], $0x80, $0x38;
	[tilespmem:$0x18300] =	vst v63  }
0x2f: {  	s11 =	rddreg [dreg:$0xc];
	s12 =	simm.s32 $0x8200;
	s0 =	simm.s32 @!p1 $0x3  }
0x30: {  	[tilespmem:s12], [sflag:$0x4] =	stream.linear.gather [hbm4b:s11+s8], $0x80, $0x38;
	[tilespmem:$0x18300] =	vst v63  }
0x31: {  	_ =	swait.ge @!p1 [sflag:s0], $0x800  }
0x32: {  	[sflag:s0] =	ssyncset.done @!p1 $0x0  }
0x33: {  	[sflag:s0] =	ssyncadd.s32 @!p1 $0xFFFFF800  }
0x34: {  	_ =	swait.ge [sflag:s21], $0x80  }
0x35: {  	[sflag:s21] =	ssyncset.done $0x0  }
0x36: {  	[sflag:s21] =	ssyncadd.s32 $0xFFFFFF80  }
0x37: {  	_ =	swait.ge [sflag:s21], $0x80  }
0x38: {  	[sflag:s21] =	ssyncset.done $0x0  }
0x39: {  	s17 =	sadd.s32 $0xFFFFFFE0, s13;
	[sflag:s21] =	ssyncadd.s32 $0xFFFFFF80  }
0x3a: {  	p2 =	sgt.u32 s17, $0x261;
	s9 =	simm.s32 $0x100;
	s4 =	rddreg [dreg:$0x2]  }
0x3b: {  	[tilespmem:s9], [sflag:$0x2] =	stream.indirect.gather [hbm4b:s4+s7], $0x80, s8, s7, $0xb8;
	[tilespmem:$0x18300] =	vst v63  }
0x3c: {  	s10 =	simm.s32 $0x4100;
	s0 =	simm.s32 @!p2 $0x6;
	s5 =	rddreg [dreg:$0x3]  }
0x3d: {  	[tilespmem:s10], [sflag:$0x2] =	stream.indirect.gather [hbm4b:s5+s7], $0x80, s7, s7, $0xb8;
	[tilespmem:$0x18300] =	vst v63  }
0x3e: {  	s19 =	sadd.s32 $0x20, s13;
	_ =	swait.ge @!p2 [sflag:s0], $0x800  }
0x3f: {  	p1 =	sgt.u32 s19, $0x261;
	[sflag:s0] =	ssyncset.done @!p2 $0x0  }
0x40: {  	s2 =	simm.s32 @!p1 $0x4;
	[sflag:s0] =	ssyncadd.s32 @!p2 $0xFFFFF800  }
0x41: {  	_ =	swait.ge @!p1 [sflag:s2], $0x80  }
0x42: {  	[sflag:s2] =	ssyncset.done @!p1 $0x0  }
0x43: {  	[sflag:s2] =	ssyncadd.s32 @!p1 $0xFFFFFF80  }
0x44: {  	_ =	swait.ge @!p1 [sflag:s2], $0x80  }
0x45: {  	s3 =	simm.s32 @!p1 $0x8280;
	[sflag:s2] =	ssyncset.done @!p1 $0x0  }
0x46: {  	s8 =	simm.s32 @!p1 $0x80;
	s0 =	simm.s32 @!p1 $0x8180;
	[sflag:s2] =	ssyncadd.s32 @!p1 $0xFFFFFF80  }
0x47: {  	[tilespmem:s3], [sflag:$0x5] =	stream.indirect.gather @!p1 [hbm4b:s4+s8], $0x80, s0, s8, $0xb8;
	[tilespmem:$0x18300] =	vst v63  }
0x48: {  	s15 =	simm.s32 @!p1 $0xC280;
	s0 =	simm.s32 @!p1 $0x8200  }
0x49: {  	[tilespmem:s15], [sflag:$0x5] =	stream.indirect.gather @!p1 [hbm4b:s5+s8], $0x80, s0, s8, $0xb8;
	[tilespmem:$0x18300] =	vst v63  }
0x4a: {  	_ =	swait.ge [sflag:s24], $0x4000  }
0x4b: {  	[sflag:s24] =	ssyncset.done $0x0  }
0x4c: {  	[sflag:s24] =	ssyncadd.s32 $0xFFFFC000  }
0x4d: {  	_ =	swait.ge [sflag:s24], $0x4000  }
0x4e: {  	[sflag:s24] =	ssyncset.done $0x0  }
0x4f: {  	s6 =	rddreg [dreg:$0x8];
	[sflag:s24] =	ssyncadd.s32 $0xFFFFC000  }
0x50: {  	[spmem:s6] =	stream.linear.scatter [tilespmem:s9], [sflag:$0x7], $0x4000, $0x38;
	[tilespmem:$0x18300] =	vst v63  }
0x51: {  	s20 =	sadd.s32 $0x40, s13;
	s1 =	sadd.s32 $0x60, s13;
	_ =	swait.ge [sflag:s25], $0x4000  }
0x52: {  	p4 =	sgt.u32 s1, $0x261;
	s13 =	simm.s32 @!p1 $0x10280;
	s22 =	rddreg [dreg:$0x7]  }
0x53: {  	p2 =	sgt.u32 s20, $0x261;
	[sflag:s25] =	ssyncset.done $0x0;
	s11 =	rddreg [dreg:$0xd]  }
0x54: {  	s5 =	simm.s32 @!p2 $0x0;
	s9 =	rddreg [dreg:$0xe];
	[sflag:s25] =	ssyncadd.s32 $0xFFFFC000  }
0x55: {  	s19 =	sshrl.u32 s6, $0x3;
	s0 =	sadd.s32 @!p2 s11, s16;
	s23 =	rddreg [dreg:$0x5]  }
0x56: {  	[spmem:s23] =	stream.indirect.scatter.add.f32 [tilespmem:s10], [sflag:$0x7], $0x80, s22, s7, $0xb8;
	[tilespmem:$0x18300] =	vst v63  }
0x57: {  	s4 =	sadd.s32 @!p2 s9, s16;
	s7 =	stileid.u32;
	_ =	swait.ge [sflag:s25], $0x4000  }
0x58: {  	s2 =	sadd.s32 @!p2 $0x2C00, s0;
	s26 =	sshll.u32 s7, $0x6;
	[sflag:s25] =	ssyncset.done $0x0  }
0x59: {  	s0 =	sor.u32 $0x1C03, s26;
	s12 =	rddreg [dreg:$0x10];
	[sflag:s25] =	ssyncadd.s32 $0xFFFFC000  }
0x5a: {  	[hbm:s12], [sflag:s0] =	dma.local [spmem:s19], $0x800  }
0x5b: {  	[tilespmem:s5], [sflag:$0x1] =	stream.linear.gather @!p2 [hbm4b:s2+s5], $0x80, $0x38;
	[tilespmem:$0x18300] =	vst v63  }
0x5c: {  	s6 =	simm.s32 @!p1 $0x5;
	s2 =	sadd.s32 @!p2 $0x2C00, s4;
	s4 =	simm.s32 @!p2 $0x80  }
0x5d: {  	[tilespmem:s4], [sflag:$0x1] =	stream.linear.gather @!p2 [hbm4b:s2+s5], $0x80, $0x38;
	[tilespmem:$0x18300] =	vst v63  }
0x5e: {  	s20 =	simm.s32 $0x80;
	s30 =	sadd.s32 $0x400, s11;
	_ =	swait.ge @!p1 [sflag:s6], $0x4000  }
0x5f: {  	s29 =	sadd.s32 $0x400, s9;
	s31 =	sadd.s32 $0x20000, s12;
	[sflag:s6] =	ssyncset.done @!p1 $0x0  }
0x60: {  	s1 =	sadd.s32 @!p1 $0x10000, s12;
	s2 =	sshll.u32 @!p1 s7, $0x6;
	[sflag:s6] =	ssyncadd.s32 @!p1 $0xFFFFC000  }
0x61: {  	s7 =	sadd.s32 $0x40, s18;
	s5 =	sadd.s32 @!p4 s9, s16;
	_ =	swait.ge @!p1 [sflag:s6], $0x4000  }
0x62: {  	s10 =	sor.u32 @!p1 $0x1C06, s2;
	s2 =	simm.s32 @!p1 $0x7;
	[sflag:s6] =	ssyncset.done @!p1 $0x0  }
0x63: {  	s28 =	sadd.s32 $0x20, s7;
	s4 =	sadd.s32 $0x40, s7;
	[sflag:s6] =	ssyncadd.s32 @!p1 $0xFFFFC000  }
0x64: {  	[spmem:s14] =	stream.linear.scatter @!p1 [tilespmem:s3], [sflag:$0x7], $0x4000, $0x38;
	[tilespmem:$0x18300] =	vst v63  }
0x65: {  	s6 =	sshrl.u32 @!p1 s14, $0x3;
	s3 =	simm.s32 @!p4 $0x8180;
	_ =	swait.ge @!p1 [sflag:s2], $0x4000  }
.LBB2_2:
0x66: {  	[sflag:s2] =	ssyncset.done @!p1 $0x0  }
0x67: {  	[sflag:s2] =	ssyncadd.s32 @!p1 $0xFFFFC000  }
0x68: {  	s23 =	rddreg [dreg:$0x5]  }
0x69: {  	[spmem:s23] =	stream.indirect.scatter.add.f32 @!p1 [tilespmem:s15], [sflag:$0x7], $0x80, s13, s8, $0xb8;
	[tilespmem:$0x18300] =	vst v63  }
0x6a: {  	s22 =	sadd.s32 $0xFFFFFFC0, s7;
	p2 =	sgt.u32 s4, $0x261;
	_ =	swait.ge @!p1 [sflag:s2], $0x4000  }
0x6b: {  	p5 =	sgt.u32 s22, $0x261;
	s8 =	sadd.s32 @!p4 s11, s16;
	[sflag:s2] =	ssyncset.done @!p1 $0x0  }
0x6c: {  	[sflag:s2] =	ssyncadd.s32 @!p1 $0xFFFFC000;
	s2 =	sadd.s32 @!p4 $0x2E00, s8;
	s8 =	simm.s32 @!p4 $0x0  }
0x6d: {  	[hbm:s1], [sflag:s10] =	dma.local @!p1 [spmem:s6], $0x800  }
0x6e: {  	[tilespmem:s3], [sflag:$0x4] =	stream.linear.gather @!p4 [hbm4b:s2+s8], $0x80, $0x38;
	[tilespmem:$0x18300] =	vst v63  }
0x6f: {  	s4 =	sadd.s32 @!p4 $0x2E00, s5;
	s1 =	simm.s32 @!p5 $0x3;
	s3 =	simm.s32 @!p4 $0x8200  }
0x70: {  	[tilespmem:s3], [sflag:$0x4] =	stream.linear.gather @!p4 [hbm4b:s4+s8], $0x80, $0x38;
	[tilespmem:$0x18300] =	vst v63  }
0x71: {  	_ =	swait.ge @!p5 [sflag:s1], $0x800  }
0x72: {  	[sflag:s1] =	ssyncset.done @!p5 $0x0  }
0x73: {  	[sflag:s1] =	ssyncadd.s32 @!p5 $0xFFFFF800  }
0x74: {  	_ =	swait.ge [sflag:s21], $0x80  }
0x75: {  	[sflag:s21] =	ssyncset.done $0x0  }
0x76: {  	s12 =	sadd.s32 $0x60, s7;
	[sflag:s21] =	ssyncadd.s32 $0xFFFFFF80  }
0x77: {  	s22 =	simm.s32 $0x100;
	s13 =	simm.s32 $0x80;
	_ =	swait.ge [sflag:s21], $0x80  }
0x78: {  	p1 =	sgt.u32 s28, $0x261;
	s2 =	sadd.s32 @!p2 s29, s16;
	[sflag:s21] =	ssyncset.done $0x0  }
0x79: {  	s4 =	sadd.s32 @!p2 $0x2C00, s2;
	s2 =	sadd.s32 $0xFFFFFFE0, s7;
	[sflag:s21] =	ssyncadd.s32 $0xFFFFFF80  }
0x7a: {  	s3 =	simm.s32 $0x0;
	p4 =	sgt.u32 s2, $0x261;
	s6 =	rddreg [dreg:$0x2]  }
0x7b: {  	[tilespmem:s22], [sflag:$0x2] =	stream.indirect.gather [hbm4b:s6+s13], $0x80, s3, s13, $0xb8;
	[tilespmem:$0x18300] =	vst v63  }
0x7c: {  	s28 =	simm.s32 $0x4100;
	s2 =	simm.s32 @!p4 $0x6;
	s7 =	rddreg [dreg:$0x3]  }
0x7d: {  	[tilespmem:s28], [sflag:$0x2] =	stream.indirect.gather [hbm4b:s7+s13], $0x80, s13, s13, $0xb8;
	[tilespmem:$0x18300] =	vst v63  }
0x7e: {  	_ =	swait.ge @!p4 [sflag:s2], $0x800  }
0x7f: {  	[sflag:s2] =	ssyncset.done @!p4 $0x0  }
0x80: {  	s3 =	simm.s32 @!p1 $0x4;
	[sflag:s2] =	ssyncadd.s32 @!p4 $0xFFFFF800  }
0x81: {  	_ =	swait.ge @!p1 [sflag:s3], $0x80  }
0x82: {  	[sflag:s3] =	ssyncset.done @!p1 $0x0  }
0x83: {  	s1 =	stileid.u32;
	[sflag:s3] =	ssyncadd.s32 @!p1 $0xFFFFFF80  }
0x84: {  	s1 =	sshll.u32 @!p1 s1, $0x6;
	_ =	swait.ge @!p1 [sflag:s3], $0x80  }
0x85: {  	s8 =	simm.s32 @!p1 $0x80;
	s10 =	sor.u32 @!p1 $0x1C06, s1;
	[sflag:s3] =	ssyncset.done @!p1 $0x0  }
0x86: {  	s1 =	simm.s32 @!p1 $0x8280;
	s2 =	simm.s32 @!p1 $0x8180;
	[sflag:s3] =	ssyncadd.s32 @!p1 $0xFFFFFF80  }
0x87: {  	[tilespmem:s1], [sflag:$0x5] =	stream.indirect.gather @!p1 [hbm4b:s6+s8], $0x80, s2, s8, $0xb8;
	[tilespmem:$0x18300] =	vst v63  }
0x88: {  	s15 =	simm.s32 @!p1 $0xC280;
	s2 =	simm.s32 @!p1 $0x8200  }
0x89: {  	[tilespmem:s15], [sflag:$0x5] =	stream.indirect.gather @!p1 [hbm4b:s7+s8], $0x80, s2, s8, $0xb8;
	[tilespmem:$0x18300] =	vst v63  }
0x8a: {  	_ =	swait.ge [sflag:s24], $0x4000  }
0x8b: {  	[sflag:s24] =	ssyncset.done $0x0  }
0x8c: {  	[sflag:s24] =	ssyncadd.s32 $0xFFFFC000  }
0x8d: {  	_ =	swait.ge [sflag:s24], $0x4000  }
0x8e: {  	[sflag:s24] =	ssyncset.done $0x0  }
0x8f: {  	s7 =	rddreg [dreg:$0x8];
	[sflag:s24] =	ssyncadd.s32 $0xFFFFC000  }
0x90: {  	[spmem:s7] =	stream.linear.scatter [tilespmem:s22], [sflag:$0x7], $0x4000, $0x38;
	[tilespmem:$0x18300] =	vst v63  }
0x91: {  	_ =	swait.ge [sflag:s25], $0x4000  }
0x92: {  	s17 =	smov.u32 s20;
	[sflag:s25] =	ssyncset.done $0x0  }
0x93: {  	s9 =	smov.u32 s31;
	s22 =	rddreg [dreg:$0x7];
	[sflag:s25] =	ssyncadd.s32 $0xFFFFC000  }
0x94: {  	[spmem:s23] =	stream.indirect.scatter.add.f32 [tilespmem:s28], [sflag:$0x7], $0x80, s22, s13, $0xb8;
	[tilespmem:$0x18300] =	vst v63  }
0x95: {  	s26 =	smov.u32 s29;
	s20 =	sadd.s32 $0x40, s20;
	_ =	swait.ge [sflag:s25], $0x4000  }
0x96: {  	s5 =	sadd.s32 @!p2 s30, s16;
	p3 =	sne.s32 s20, $0x280;
	[sflag:s25] =	ssyncset.done $0x0  }
0x97: {  	s5 =	sadd.s32 @!p2 $0x2C00, s5;
	s2 =	simm.s32 @!p2 $0x0;
	[sflag:s25] =	ssyncadd.s32 $0xFFFFC000  }
0x98: {  	[hbm:s31], [sflag:s0] =	dma.local [spmem:s19], $0x800  }
0x99: {  	[tilespmem:s2], [sflag:$0x1] =	stream.linear.gather @!p2 [hbm4b:s5+s2], $0x80, $0x38;
	[tilespmem:$0x18300] =	vst v63  }
0x9a: {  	s11 =	smov.u32 s30;
	s3 =	simm.s32 @!p2 $0x80;
	s5 =	simm.s32 @!p1 $0x5  }
0x9b: {  	[tilespmem:s3], [sflag:$0x1] =	stream.linear.gather @!p2 [hbm4b:s4+s2], $0x80, $0x38;
	[tilespmem:$0x18300] =	vst v63  }
0x9c: {  	s30 =	sadd.s32 $0x400, s30;
	s29 =	sadd.s32 $0x400, s29;
	_ =	swait.ge @!p1 [sflag:s5], $0x4000  }
0x9d: {  	p4 =	sgt.u32 s12, $0x261;
	s7 =	sadd.s32 s17, s18;
	[sflag:s5] =	ssyncset.done @!p1 $0x0  }
0x9e: {  	s6 =	sshrl.u32 @!p1 s14, $0x3;
	s28 =	sadd.s32 $0x20, s7;
	[sflag:s5] =	ssyncadd.s32 @!p1 $0xFFFFC000  }
.Ltmp0:
0x9f: {  	s13 =	simm.s32 @!p1 $0x10280;
	_ =	swait.ge @!p1 [sflag:s5], $0x4000;
	(pc) =	sbr.rel @p3 .LBB2_2-.Ltmp0, $4  }
0xa0: {  	s31 =	sadd.s32 $0x20000, s31;
	s2 =	simm.s32 @!p1 $0x7;
	[sflag:s5] =	ssyncset.done @!p1 $0x0  }
0xa1: {  	s4 =	sadd.s32 $0x40, s7;
	s3 =	simm.s32 @!p4 $0x8180;
	[sflag:s5] =	ssyncadd.s32 @!p1 $0xFFFFC000  }
0xa2: {  	[spmem:s14] =	stream.linear.scatter @!p1 [tilespmem:s1], [sflag:$0x7], $0x4000, $0x38;
	[tilespmem:$0x18300] =	vst v63  }
0xa3: {  	s5 =	sadd.s32 @!p4 s26, s16;
	s1 =	sadd.s32 @!p1 $0x10000, s9;
	_ =	swait.ge @!p1 [sflag:s2], $0x4000  }
0xa4: {  	[sflag:s2] =	ssyncset.done @!p1 $0x0  }
0xa5: {  	[sflag:s2] =	ssyncadd.s32 @!p1 $0xFFFFC000  }
0xa6: {  	s9 =	rddreg [dreg:$0x5]  }
0xa7: {  	[spmem:s9] =	stream.indirect.scatter.add.f32 @!p1 [tilespmem:s15], [sflag:$0x7], $0x80, s13, s8, $0xb8;
	[tilespmem:$0x18300] =	vst v63  }
0xa8: {  	_ =	swait.ge @!p1 [sflag:s2], $0x4000  }
0xa9: {  	[sflag:s2] =	ssyncset.done @!p1 $0x0  }
0xaa: {  	[sflag:s2] =	ssyncadd.s32 @!p1 $0xFFFFC000  }
0xab: {  	[hbm:s1], [sflag:s10] =	dma.local @!p1 [spmem:s6], $0x800  }
0xac: {  	s1 =	sadd.s32 @!p4 s11, s16  }
0xad: {  	s13 =	sadd.s32 $0xFFFFFFC0, s7;
	s2 =	simm.s32 @!p4 $0x0;
	s1 =	sadd.s32 @!p4 $0x2E00, s1  }
0xae: {  	[tilespmem:s3], [sflag:$0x4] =	stream.linear.gather @!p4 [hbm4b:s1+s2], $0x80, $0x38;
	[tilespmem:$0x18300] =	vst v63  }
0xaf: {  	p1 =	sgt.u32 s13, $0x261;
	s3 =	sadd.s32 @!p4 $0x2E00, s5;
	s1 =	simm.s32 @!p4 $0x8200  }
0xb0: {  	[tilespmem:s1], [sflag:$0x4] =	stream.linear.gather @!p4 [hbm4b:s3+s2], $0x80, $0x38;
	[tilespmem:$0x18300] =	vst v63  }
0xb1: {  	s1 =	simm.s32 @!p1 $0x3  }
0xb2: {  	_ =	swait.ge @!p1 [sflag:s1], $0x800  }
0xb3: {  	[sflag:s1] =	ssyncset.done @!p1 $0x0  }
0xb4: {  	[sflag:s1] =	ssyncadd.s32 @!p1 $0xFFFFF800  }
0xb5: {  	_ =	swait.ge [sflag:s21], $0x80  }
0xb6: {  	[sflag:s21] =	ssyncset.done $0x0  }
0xb7: {  	[sflag:s21] =	ssyncadd.s32 $0xFFFFFF80  }
0xb8: {  	_ =	swait.ge [sflag:s21], $0x80  }
0xb9: {  	s17 =	simm.s32 $0x0;
	[sflag:s21] =	ssyncset.done $0x0  }
0xba: {  	s20 =	simm.s32 $0x80;
	s15 =	sadd.s32 $0xFFFFFFE0, s7;
	[sflag:s21] =	ssyncadd.s32 $0xFFFFFF80  }
0xbb: {  	s22 =	simm.s32 $0x100;
	p2 =	sgt.u32 s15, $0x261;
	s6 =	rddreg [dreg:$0x2]  }
0xbc: {  	[tilespmem:s22], [sflag:$0x2] =	stream.indirect.gather [hbm4b:s6+s20], $0x80, s17, s20, $0xb8;
	[tilespmem:$0x18300] =	vst v63  }
0xbd: {  	s12 =	simm.s32 $0x4100;
	s1 =	simm.s32 @!p2 $0x6;
	s8 =	rddreg [dreg:$0x3]  }
0xbe: {  	[tilespmem:s12], [sflag:$0x2] =	stream.indirect.gather [hbm4b:s8+s20], $0x80, s20, s20, $0xb8;
	[tilespmem:$0x18300] =	vst v63  }
0xbf: {  	_ =	swait.ge @!p2 [sflag:s1], $0x800  }
0xc0: {  	p1 =	sgt.u32 s28, $0x261;
	[sflag:s1] =	ssyncset.done @!p2 $0x0  }
0xc1: {  	s2 =	simm.s32 @!p1 $0x4;
	[sflag:s1] =	ssyncadd.s32 @!p2 $0xFFFFF800  }
0xc2: {  	_ =	swait.ge @!p1 [sflag:s2], $0x80  }
0xc3: {  	[sflag:s2] =	ssyncset.done @!p1 $0x0  }
0xc4: {  	[sflag:s2] =	ssyncadd.s32 @!p1 $0xFFFFFF80  }
0xc5: {  	_ =	swait.ge @!p1 [sflag:s2], $0x80  }
0xc6: {  	s3 =	simm.s32 @!p1 $0x80;
	[sflag:s2] =	ssyncset.done @!p1 $0x0  }
0xc7: {  	s5 =	simm.s32 @!p1 $0x8180;
	s1 =	simm.s32 @!p1 $0x8280;
	[sflag:s2] =	ssyncadd.s32 @!p1 $0xFFFFFF80  }
0xc8: {  	[tilespmem:s1], [sflag:$0x5] =	stream.indirect.gather @!p1 [hbm4b:s6+s3], $0x80, s5, s3, $0xb8;
	[tilespmem:$0x18300] =	vst v63  }
0xc9: {  	s2 =	simm.s32 @!p1 $0x8200;
	s5 =	simm.s32 @!p1 $0xC280  }
0xca: {  	[tilespmem:s5], [sflag:$0x5] =	stream.indirect.gather @!p1 [hbm4b:s8+s3], $0x80, s2, s3, $0xb8;
	[tilespmem:$0x18300] =	vst v63  }
0xcb: {  	_ =	swait.ge [sflag:s24], $0x4000  }
0xcc: {  	[sflag:s24] =	ssyncset.done $0x0  }
0xcd: {  	[sflag:s24] =	ssyncadd.s32 $0xFFFFC000  }
0xce: {  	_ =	swait.ge [sflag:s24], $0x4000  }
0xcf: {  	[sflag:s24] =	ssyncset.done $0x0  }
0xd0: {  	s23 =	rddreg [dreg:$0x8];
	[sflag:s24] =	ssyncadd.s32 $0xFFFFC000  }
0xd1: {  	[spmem:s23] =	stream.linear.scatter [tilespmem:s22], [sflag:$0x7], $0x4000, $0x38;
	[tilespmem:$0x18300] =	vst v63  }
0xd2: {  	_ =	swait.ge [sflag:s25], $0x4000  }
0xd3: {  	[sflag:s25] =	ssyncset.done $0x0  }
0xd4: {  	s26 =	rddreg [dreg:$0x7];
	[sflag:s25] =	ssyncadd.s32 $0xFFFFC000  }
0xd5: {  	[spmem:s9] =	stream.indirect.scatter.add.f32 [tilespmem:s12], [sflag:$0x7], $0x80, s26, s20, $0xb8;
	[tilespmem:$0x18300] =	vst v63  }
0xd6: {  	_ =	swait.ge [sflag:s25], $0x4000  }
0xd7: {  	p2 =	sgt.u32 s4, $0x261;
	[sflag:s25] =	ssyncset.done $0x0  }
0xd8: {  	s2 =	sadd.s32 @!p2 s30, s16;
	[sflag:s25] =	ssyncadd.s32 $0xFFFFC000  }
0xd9: {  	[hbm:s31], [sflag:s0] =	dma.local [spmem:s19], $0x800  }
0xda: {  	s4 =	simm.s32 @!p2 $0x0;
	s0 =	sadd.s32 @!p2 $0x2C00, s2;
	s2 =	sadd.s32 @!p2 s29, s16  }
0xdb: {  	[tilespmem:s4], [sflag:$0x1] =	stream.linear.gather @!p2 [hbm4b:s0+s4], $0x80, $0x38;
	[tilespmem:$0x18300] =	vst v63  }
0xdc: {  	s0 =	sadd.s32 @!p2 $0x2C00, s2;
	s2 =	simm.s32 @!p2 $0x80  }
0xdd: {  	[tilespmem:s2], [sflag:$0x1] =	stream.linear.gather @!p2 [hbm4b:s0+s4], $0x80, $0x38;
	[tilespmem:$0x18300] =	vst v63  }
0xde: {  	s0 =	simm.s32 @!p1 $0x5  }
0xdf: {  	_ =	swait.ge @!p1 [sflag:s0], $0x4000  }
0xe0: {  	[sflag:s0] =	ssyncset.done @!p1 $0x0  }
0xe1: {  	[sflag:s0] =	ssyncadd.s32 @!p1 $0xFFFFC000  }
0xe2: {  	_ =	swait.ge @!p1 [sflag:s0], $0x4000  }
0xe3: {  	[sflag:s0] =	ssyncset.done @!p1 $0x0  }
0xe4: {  	[sflag:s0] =	ssyncadd.s32 @!p1 $0xFFFFC000;
	s0 =	simm.s32 @!p1 $0x7  }
0xe5: {  	[spmem:s14] =	stream.linear.scatter @!p1 [tilespmem:s1], [sflag:$0x7], $0x4000, $0x38;
	[tilespmem:$0x18300] =	vst v63  }
0xe6: {  	_ =	swait.ge @!p1 [sflag:s0], $0x4000  }
0xe7: {  	[sflag:s0] =	ssyncset.done @!p1 $0x0  }
0xe8: {  	s1 =	simm.s32 @!p1 $0x10280;
	[sflag:s0] =	ssyncadd.s32 @!p1 $0xFFFFC000  }
0xe9: {  	[spmem:s9] =	stream.indirect.scatter.add.f32 @!p1 [tilespmem:s5], [sflag:$0x7], $0x80, s1, s3, $0xb8;
	[tilespmem:$0x18300] =	vst v63  }
0xea: {  	s28 =	sadd.s32 $0x60, s7;
	s1 =	stileid.u32;
	_ =	swait.ge @!p1 [sflag:s0], $0x4000  }
0xeb: {  	s2 =	sadd.s32 @!p1 $0x10000, s31;
	s1 =	sshll.u32 @!p1 s1, $0x6;
	[sflag:s0] =	ssyncset.done @!p1 $0x0  }
0xec: {  	s1 =	sor.u32 @!p1 $0x1C06, s1;
	[sflag:s0] =	ssyncadd.s32 @!p1 $0xFFFFC000;
	s0 =	sshrl.u32 @!p1 s14, $0x3  }
0xed: {  	[hbm:s2], [sflag:s1] =	dma.local @!p1 [spmem:s0], $0x800  }
0xee: {  	p1 =	sgt.u32 s28, $0x261  }
0xef: {  	s0 =	sadd.s32 @!p1 s30, s16  }
0xf0: {  	s1 =	simm.s32 @!p1 $0x8180;
	s2 =	simm.s32 @!p1 $0x0;
	s0 =	sadd.s32 @!p1 $0x2E00, s0  }
0xf1: {  	[tilespmem:s1], [sflag:$0x4] =	stream.linear.gather @!p1 [hbm4b:s0+s2], $0x80, $0x38;
	[tilespmem:$0x18300] =	vst v63  }
0xf2: {  	s0 =	sadd.s32 @!p1 s29, s16  }
0xf3: {  	s1 =	simm.s32 @!p1 $0x8200;
	s29 =	simm.s32 $0x3;
	s0 =	sadd.s32 @!p1 $0x2E00, s0  }
0xf4: {  	[tilespmem:s1], [sflag:$0x4] =	stream.linear.gather @!p1 [hbm4b:s0+s2], $0x80, $0x38;
	[tilespmem:$0x18300] =	vst v63  }
0xf5: {  	_ =	swait.ge [sflag:s29], $0x800  }
0xf6: {  	[sflag:s29] =	ssyncset.done $0x0  }
0xf7: {  	s0 =	simm.s32 @!p0 $0x6;
	[sflag:s29] =	ssyncadd.s32 $0xFFFFF800  }
0xf8: {  	_ =	swait.ge @!p0 [sflag:s0], $0x800  }
0xf9: {  	s30 =	rddreg [dreg:$0x11]  }
0xfa: {  	s31 =	rddreg [dreg:$0xf];
	s2 =	sadd.s32 $0x1, s30  }
0xfb: {  	p1 =	sne.s32 s2, s31  }
.Ltmp1:
0xfc: {  	_ = 	snop;
	(pc) =	sbr.rel @p1 .LBB2_1-.Ltmp1, $3  }
0xfd: {  	_ =	sdelay $0x1  }
0xfe: {  	[sflag:s0] =	ssyncset.done @!p0 $0x0  }
0xff: {  	[sflag:s0] =	ssyncadd.s32 @!p0 $0xFFFFF800  }
0x100: {  	_ =	sfence.sel $0x180000  }
0x101: {  	[bflag:$0x0] =	sbarrier.arrive $0xFFFF  }
0x102: {  	_ =	strace $0x9000004A  }
0x103: {  	[bflag:$0x2] =	sbarrier.arrive $0xFFFF  }
0x104: {  	s0 =	rddreg [dreg:$0x6]  }
0x105: {  	s0 =	sadd.s32 @!p0 $0x100000, s0  }
0x106: {  	[sflag:s0] =	ssyncadd.tile.s32 @!p0 $0x1;
	_ =	shalt  }
.Lfunc_end2:
_tile_overlayer_lowered:
.L_overlay_start_2:
0x107: {  	(tag) =	ssettag $0x2  }
0x108: {  	s0 =	rddreg [dreg:$0x0];
	s2 =	stileid.u32  }
0x109: {  	s1 =	rddreg [dreg:$0x1];
	p0 =	sne.s32 s2, $0x0  }
0x10a: {  	s3 =	rddreg [dreg:$0x2];
	[bflag:$0x3] =	sbarrier.arrive $0xFFFF;
	s2 =	simm.s32 @!p0 $0x1C07  }
0x10b: {  	[timem:s3], [sflag:s2] =	dma.local @!p0 [hbm:s0], s1  }
0x10c: {  	s0 =	simm.s32 @!p0 $0x7  }
0x10d: {  	_ =	swait.ge @!p0 [sflag:s0], s1  }
0x10e: {  	s1 =	ssub.s32 @!p0 $0x0, s1;
	[sflag:s0] =	ssyncset.done @!p0 $0x0  }
0x10f: {  	[sflag:s0] =	ssyncadd.s32 @!p0 s1  }
0x110: {  	[bflag:$0x3] =	sbarrier.arrive $0xFFFF  }
0x111: {  	_ =	shalt  }

// kernel: kernel.18.cloned.1.call-start
scs
__scs_entry_jumppad:
0x0: {  	(pc) =	sbr.rel $0x88, $3  }
0x1: {  	(tag) =	ssettag $0x0;
	lr =	simm.s32 $0x1  }
0x2: {  	[smem:$0x3F8A] =	sst lr;
	_ =	strace $0xD0000000  }
0x3: {  	_ = 	snop  }
0x4: {  	_ = 	snop  }
0x5: {  	_ = 	snop  }
0x6: {  	_ = 	snop  }
0x7: {  	_ = 	snop  }
__scs_overlays_trampoline_lowered:
0x8: {  	[smem:$0x3F99] =	sst s0  }
0x9: {  	[smem:$0x3F9A] =	sst s1  }
0xa: {  	[smem:$0x3F9B] =	sst s2  }
0xb: {  	[smem:$0x3F9C] =	sst s3  }
0xc: {  	[smem:$0x3F9D] =	sst s4  }
0xd: {  	[smem:$0x3F9E] =	sst s5  }
0xe: {  	[smem:$0x3F9F] =	sst s6  }
0xf: {  	[smem:$0x3FA0] =	sst s7  }
0x10: {  	[smem:$0x3FA1] =	sst s8  }
0x11: {  	[smem:$0x3FA2] =	sst s9;
	s0 =	simm.s32 @!p0 $0x0  }
0x12: {  	s1 =	sld [smem:$0x3F88];
	s0 =	simm.s32 @p0 $0x1  }
0x13: {  	[smem:$0x3FA3] =	sst s0;
	s0 =	simm.s32 @!p1 $0x0  }
0x14: {  	s2 =	sld [smem:$0x3F87];
	s0 =	simm.s32 @p1 $0x1  }
0x15: {  	[smem:$0x3FA4] =	sst s0;
	s0 =	simm.s32 @!p2 $0x0  }
0x16: {  	s3 =	sld [smem:$0x3FDB];
	s0 =	simm.s32 @p2 $0x1  }
0x17: {  	s4 =	simm.s32 $0x1BF5;
	[smem:$0x3FA6] =	sst s0  }
0x18: {  	s0 =	sld [smem:$0x3F89];
	_ =	swait.ge [sflag:s4], $0x0  }
0x19: {  	s7 =	sld [smem:$0x3F8A]  }
0x1a: {  	s8 =	sadd.s32 $0xFFFFE003, lr  }
0x1b: {  	s9 =	sadd.s32 $0xFFFFFEF7, lr;
	s5 =	simm.s32 $0xFFFFFFFF;
	p2 =	slt.u32 s8, $0xFFFFF086  }
0x1c: {  	p1 =	slt.u32 s9, $0xF7A;
	s5 =	simm.s32 @!p2 $0x0  }
0x1d: {  	s5 =	simm.s32 @p1 $0x1;
	p0 =	seq.s32 s7, s2  }
0x1e: {  	s7 =	smul.u32 @!p0 $0xF7A, s2;
	p2 =	seq.s32 @!p0 s5, $0x0  }
0x1f: {  	s9 =	smul.u32 $0xF7A, s1;
	s8 =	simm.s32 @!p0 $0x1BF5;
	p2 =	por !p2, p0  }
0x20: {  	[sflag:s8] =	ssyncset.s32 @!p0 $0xFFFFF086;
	s6 =	sadd.s32 @!p0 s3, s7;
	s7 =	simm.s32 @!p0 $0x108  }
0x21: {  	s3 =	sadd.s32 s3, s9;
	s6 =	sadd.s32 @!p0 $0x88, s6;
	s7 =	simm.s32 @p2 $0x1082  }
0x22: {  	[simem:s7], [sflag:s8] =	dma.local @!p0 [hbm:s6], $0xF7A  }
0x23: {  	s9 =	sor.u32 $0xD0000000, s2;
	s6 =	simm.s32 $0x108;
	_ =	swait.ge @!p0 [sflag:s8], $0x0  }
0x24: {  	s3 =	sadd.s32 $0x88, s3;
	s6 =	simm.s32 @!p1 $0x1082;
	[sflag:s4] =	ssyncset.s32 $0xFFFFF086  }
0x25: {  	[simem:s6], [sflag:s4] =	dma.local [hbm:s3], $0xF7A  }
0x26: {  	[smem:$0x3F8A] =	sst s1;
	(tag) =	ssettag s2;
	_ =	strace s9  }
0x27: {  	s1 =	sld [smem:$0x3F9A]  }
0x28: {  	s2 =	sld [smem:$0x3F9B]  }
0x29: {  	s4 =	sld [smem:$0x3F9D]  }
0x2a: {  	p0 =	seq.s32 s5, $0x0;
	s5 =	sld [smem:$0x3F9E]  }
0x2b: {  	s6 =	sld [smem:$0x3F9F]  }
0x2c: {  	s7 =	sld [smem:$0x3FA0]  }
0x2d: {  	s3 =	simm.s32 $0x108;
	s8 =	sld [smem:$0x3FA1]  }
0x2e: {  	s3 =	simm.s32 @!p0 $0x1082;
	s9 =	sld [smem:$0x3FA2]  }
0x2f: {  	lr =	sadd.s32 s0, s3;
	s0 =	sld [smem:$0x3F99]  }
0x30: {  	s3 =	sld [smem:$0x3F9C]  }
0x31: {  	[smem:$0x3FA5] =	sst s10  }
0x32: {  	s10 =	sld [smem:$0x3FA3];
	_ =	sdelay $0x3  }
0x33: {  	p0 =	seq.s32 s10, $0x1;
	s10 =	sld [smem:$0x3FA5];
	_ =	sdelay $0x3  }
0x34: {  	[smem:$0x3FA5] =	sst s10  }
0x35: {  	s10 =	sld [smem:$0x3FA4];
	_ =	sdelay $0x3  }
0x36: {  	p1 =	seq.s32 s10, $0x1;
	s10 =	sld [smem:$0x3FA5];
	_ =	sdelay $0x3  }
0x37: {  	[smem:$0x3FA5] =	sst s10  }
0x38: {  	s10 =	sld [smem:$0x3FA6]  }
0x39: {  	_ = 	snop;
	(pc) =	sbr.ind lr, $3  }
0x3a: {  	_ = 	snop  }
0x3b: {  	_ = 	snop  }
0x3c: {  	p2 =	seq.s32 s10, $0x1;
	s10 =	sld [smem:$0x3FA5]  }
0x3d: {  	_ =	shalt  }
0x3e: {  	_ =	shalt  }
0x3f: {  	_ =	shalt  }
0x40: {  	_ =	shalt  }
0x41: {  	_ =	shalt  }
0x42: {  	_ =	shalt  }
0x43: {  	_ =	shalt  }
0x44: {  	_ =	shalt  }
0x45: {  	_ =	shalt  }
0x46: {  	_ =	shalt  }
0x47: {  	_ =	shalt  }
0x48: {  	_ =	shalt  }
0x49: {  	_ =	shalt  }
0x4a: {  	_ =	shalt  }
0x4b: {  	_ =	shalt  }
0x4c: {  	_ =	shalt  }
0x4d: {  	_ =	shalt  }
0x4e: {  	_ =	shalt  }
0x4f: {  	_ =	shalt  }
0x50: {  	_ =	shalt  }
0x51: {  	_ =	shalt  }
0x52: {  	_ =	shalt  }
0x53: {  	_ =	shalt  }
0x54: {  	_ =	shalt  }
0x55: {  	_ =	shalt  }
0x56: {  	_ =	shalt  }
0x57: {  	_ =	shalt  }
0x58: {  	_ =	shalt  }
0x59: {  	_ =	shalt  }
0x5a: {  	_ =	shalt  }
0x5b: {  	_ =	shalt  }
0x5c: {  	_ =	shalt  }
0x5d: {  	_ =	shalt  }
0x5e: {  	_ =	shalt  }
0x5f: {  	_ =	shalt  }
0x60: {  	_ =	shalt  }
0x61: {  	_ =	shalt  }
0x62: {  	_ =	shalt  }
0x63: {  	_ =	shalt  }
0x64: {  	_ =	shalt  }
0x65: {  	_ =	shalt  }
0x66: {  	_ =	shalt  }
0x67: {  	_ =	shalt  }
0x68: {  	_ =	shalt  }
0x69: {  	_ =	shalt  }
0x6a: {  	_ =	shalt  }
0x6b: {  	_ =	shalt  }
0x6c: {  	_ =	shalt  }
0x6d: {  	_ =	shalt  }
0x6e: {  	_ =	shalt  }
0x6f: {  	_ =	shalt  }
0x70: {  	_ =	shalt  }
0x71: {  	_ =	shalt  }
0x72: {  	_ =	shalt  }
0x73: {  	_ =	shalt  }
0x74: {  	_ =	shalt  }
0x75: {  	_ =	shalt  }
0x76: {  	_ =	shalt  }
0x77: {  	_ =	shalt  }
0x78: {  	_ =	shalt  }
0x79: {  	_ =	shalt  }
0x7a: {  	_ =	shalt  }
0x7b: {  	_ =	shalt  }
0x7c: {  	_ =	shalt  }
0x7d: {  	_ =	shalt  }
0x7e: {  	_ =	shalt  }
0x7f: {  	_ =	shalt  }
0x80: {  	_ =	shalt  }
0x81: {  	_ =	shalt  }
0x82: {  	_ =	shalt  }
0x83: {  	_ =	shalt  }
0x84: {  	_ =	shalt  }
0x85: {  	_ =	shalt  }
0x86: {  	_ =	shalt  }
0x87: {  	_ =	shalt  }
.Lfunc_end0:
.L_simem_size_0:
called_computation.2_lowered:
.L_overlay_start_0:
0x88: {  	s2 =	sld [smem:$0x3FD9]  }
0x89: {  	s3 =	sld [smem:$0x3FFE];
	_ =	sdelay $0x1  }
0x8a: {  	s1 =	srdreg.scid  }
0x8b: {  	s0 =	sand.u32 $0x1, s1  }
0x8c: {  	s17 =	sshll.u32 s0, $0xA;
	s2 =	sadd.s32 s3, s2  }
0x8d: {  	s2 =	sadd.s32 s2, s17  }
0x8e: {  	[smem:$0x3FB1] =	sst s2  }
0x8f: {  	_ = 	snop  }
0x90: {  	s18 =	sld [smem:$0x3FC5];
	(tm) =	ssettm $0x1  }
0x91: {  	s19 =	sld [smem:$0x3FFB];
	_ =	sdelay $0x3  }
0x92: {  	_ =	strace s19  }
0x93: {  	s2 =	sld [smem:$0x3FFC];
	_ =	sdelay $0x3  }
0x94: {  	_ =	strace s2  }
0x95: {  	s2 =	sld [smem:$0x3FFD];
	_ =	sdelay $0x3  }
0x96: {  	_ =	strace s2  }
0x97: {  	_ =	strace $0x8FFFFFFF  }
0x98: {  	s20 =	sld [smem:$0x3FDB];
	_ =	sdelay $0x1  }
0x99: {  	s4 =	simm.s32 $_scs_section_size  }
0x9a: {  	s5 =	simm.s32 $_size__tile_overlayer_lowered;
	s6 =	simm.s32 $_tile_overlayer_lowered  }
0x9b: {  	s7 =	simm.s32 $0x1BFF;
	s21 =	sshll.u32 s6, $0x1;
	s4 =	sadd.s32 s4, s20  }
0x9c: {  	s22 =	simm.s32 $0x0;
	s5 =	sshll.u32 s5, $0x1;
	s6 =	sadd.s32 s21, s4  }
0x9d: {  	[timem:s22], [sflag:s7] =	dma.local [hbm:s6], s5  }
0x9e: {  	_ =	swait.ge [sflag:s7], s5  }
0x9f: {  	s5 =	ssub.s32 $0x0, s5;
	[sflag:s7] =	ssyncset.done $0x0  }
0xa0: {  	[sflag:s7] =	ssyncadd.s32 s5;
	_ =	sdelay $0x1  }
0xa1: {  	s23 =	simm.s32 $0x1B8B  }
0xa2: {  	_ =	swait.ge [sflag:s23], $0x1  }
0xa3: {  	[sflag:s23] =	ssyncset.done $0x0  }
0xa4: {  	[sflag:s23] =	ssyncadd.s32 $0xFFFFFFFF  }
0xa5: {  	s5 =	sld [smem:$0x0]  }
0xa6: {  	s6 =	sand.u32 $0xFFFFFFFE, s1  }
0xa7: {  	p0 =	sne.s32 s1, s6  }
0xa8: {  	s6 =	sshll.u32 @p0 s6, $0xE  }
0xa9: {  	s6 =	sadd.s32 @p0 $0x11B8D, s6;
	s7 =	sshll.u32 @p0 s5, $0x11  }
0xaa: {  	s6 =	sor.u32 @p0 s7, s6  }
0xab: {  	[sflag:s6] =	ssyncadd.remote.s32 @p0 $0x1;
	_ =	sdelay $0x1  }
0xac: {  	s6 =	simm.s32 @p0 $0x1B8D  }
0xad: {  	_ =	swait.eq @p0 [sflag:s6], $0x1  }
0xae: {  	[sflag:s6] =	ssyncadd.s32 @p0 $0xFFFFFFFF  }
0xaf: {  	s7 =	sshll.u32 @!p0 s1, $0xE  }
0xb0: {  	s7 =	sor.u32 @!p0 $0x4000, s7;
	s6 =	simm.s32 @!p0 $0x1B8D  }
0xb1: {  	s5 =	sshll.u32 @!p0 s5, $0x11;
	s7 =	sadd.s32 @!p0 $0x11B8D, s7;
	_ =	swait.eq @!p0 [sflag:s6], $0x1  }
0xb2: {  	s5 =	sor.u32 @!p0 s5, s7;
	[sflag:s6] =	ssyncadd.s32 @!p0 $0xFFFFFFFF  }
0xb3: {  	s25 =	simm.s32 $0x1B8E;
	s24 =	sld [smem:$0x3FFE];
	[sflag:s5] =	ssyncadd.remote.s32 @!p0 $0x1  }
0xb4: {  	s26 =	simm.s32 $execute0_lowered;
	[smem:$0x3FD2] =	sst s25  }
0xb5: {  	s6 =	sshll.u32 s26, $0x1;
	_ =	strace $0x8000004C;
	[dreg:$0x1] =	wrdreg $0xFFFFFFFF  }
0xb6: {  	s28 =	simm.s32 $_size_execute0_lowered;
	s4 =	sadd.s32 s4, s6;
	[dreg:$0x0] =	wrdreg $0x0  }
0xb7: {  	s6 =	sshll.u32 s28, $0x1;
	[dreg:$0x2] =	wrdreg s4  }
0xb8: {  	[dreg:$0x3] =	wrdreg s6  }
0xb9: {  	[dreg:$0x4] =	wrdreg $0xC0  }
0xba: {  	_ =	task [dreg:s22], $0x5FFFF  }
0xbb: {  	[dreg:$0x1] =	wrdreg $0xFFFFFFFF  }
0xbc: {  	[dreg:$0x0] =	wrdreg $0x60  }
0xbd: {  	[dreg:$0x2] =	wrdreg s18  }
0xbe: {  	[dreg:$0x3] =	wrdreg s24  }
0xbf: {  	[dreg:$0x4] =	wrdreg $0xA9000  }
0xc0: {  	[dreg:$0x5] =	wrdreg $0xA  }
0xc1: {  	_ =	task.clear_ibuf [dreg:s22], $0x6FFFF;
	_ =	strace $0x9000004C  }
0xc2: {  	s29 =	simm.s32 $0xA;
	_ =	strace $0x8000004E  }
0xc3: {  	_ =	swait.ge [sflag:s29], $0x1  }
0xc4: {  	[sflag:s29] =	ssyncadd.s32 $0xFFFFFFFF  }
0xc5: {  	_ =	strace $0x9000004E  }
0xc6: {  	_ =	sfence  }
0xc7: {  	s30 =	sld [smem:$0x0];
	_ =	sdelay $0x2  }
0xc8: {  	s31 =	sshll.u32 s1, $0xD;
	s1 =	sshrl.u32 s1, $0x2  }
0xc9: {  	s4 =	sand.u32 $0x4000, s31;
	s1 =	sadd.s32 s1, s30  }
0xca: {  	s0 =	sor.u32 s4, s0;
	s1 =	sshll.u32 s1, $0x11  }
0xcb: {  	s0 =	sor.u32 s1, s0  }
0xcc: {  	s0 =	sadd.s32 $0x8F2B, s0  }
0xcd: {  	[sflag:s0] =	ssyncadd.remote.s32 $0x1  }
0xce: {  	_ =	sfence.sel $0xFFFF  }
0xcf: {  	[dreg:$0x0] =	wrdreg $0xFFFFFFFF;
	(pc) =	sbr.abs _section_cstart, $3  }
0xd0: {  	[dreg:$0x1] =	wrdreg $0xFFFFFFFF  }
0xd1: {  	_ =	task.clear_ibuf [dreg:s22], $0x2FFFF;
	_ =	strace $0x9FFFFFFF  }
0xd2: {  	(tm) =	ssettm $0x7FFFFFFF  }
0xd3: {  	_ =	shalt  }
tec
execute0_lowered:
.L_overlay_start_1:
0x0: {  	(tag) =	ssettag $0x1  }
0x1: {  	s0 =	rddreg [dreg:$0x0]  }
0x2: {  	s3 =	rddreg [dreg:$0x1]  }
0x3: {  	s4 =	srdreg.scid;
	s19 =	stileid.u32  }
0x4: {  	s1 =	rddreg [dreg:$0x2];
	s4 =	sand.u32 $0x1, s4;
	s18 =	smul.u32 $0xA000, s19  }
0x5: {  	s2 =	simm.s32 $0x0;
	s30 =	simm.s32 $0x8100;
	s5 =	smul.u32 $0x27100, s4  }
0x6: {  	[smem:$0x7FF] =	sst s2;
	s12 =	sor.u32 $0x10, s19;
	s6 =	smul.u32 $0x140, s4  }
0x7: {  	s7 =	sadd.s32 $0x275E00, s3;
	s14 =	sor.u32 $0x30, s19;
	s22 =	smul.u32 $0xA000, s12  }
0x8: {  	_ =	strace $0x8000004D;
	s4 =	ssub.s32 $0x2, s4;
	s23 =	smul.u32 $0xA000, s14  }
0x9: {  	s15 =	sshrl.u32 s4, $0x1;
	s3 =	sadd.s32 s5, s3;
	s6 =	sor.u32 s19, s6  }
0xa: {  	s4 =	ssub.s32 s4, s15;
	s16 =	sshll.u32 s6, $0x4;
	s8 =	sshll.u32 s6, $0xB  }
0xb: {  	s17 =	sor.u32 $0x10, s6;
	s4 =	smax.u32 s4, $0x1;
	s20 =	sadd.s32 s0, s16  }
0xc: {  	s21 =	sadd.s32 s7, s8;
	s6 =	sshll.u32 s17, $0x4;
	s5 =	sshll.u32 s17, $0xB  }
0xd: {  	s16 =	sor.u32 $0x50, s19;
	[dreg:$0x6] =	wrdreg s4;
	s4 =	smul.u32 $0x500, s14  }
0xe: {  	s17 =	sor.u32 $0x60, s19;
	s8 =	sshrl.u32 s18, $0x2;
	s24 =	smul.u32 $0xA000, s16  }
0xf: {  	s18 =	sor.u32 $0x70, s19;
	s0 =	sadd.s32 s0, s6;
	s15 =	smul.u32 $0xA000, s17  }
0x10: {  	s6 =	sor.u32 $0x20, s19;
	s9 =	sadd.s32 s8, s1;
	s8 =	smul.u32 $0xA000, s18  }
0x11: {  	s5 =	sadd.s32 s7, s5;
	s7 =	sor.u32 $0x40, s19;
	s19 =	smul.u32 $0x500, s19  }
0x12: {  	s31 =	simm.s32 $0x3;
	s26 =	sshrl.u32 s23, $0x2;
	s11 =	smul.u32 $0xA000, s6  }
0x13: {  	s3 =	sadd.s32 $0x4600, s3;
	p0 =	sgt.u32 s18, $0x7C;
	s13 =	smul.u32 $0xA000, s7  }
0x14: {  	s28 =	sadd.s32 $0x10000, s21;
	[dreg:$0x5] =	wrdreg s5;
	s5 =	smul.u32 $0x500, s12  }
0x15: {  	s29 =	sadd.s32 $0x200, s20;
	[dreg:$0x4] =	wrdreg s0;
	s6 =	smul.u32 $0x500, s6  }
0x16: {  	s0 =	sshrl.u32 s22, $0x2;
	s12 =	sadd.s32 s26, s1;
	s7 =	smul.u32 $0x500, s7  }
0x17: {  	s26 =	smul.u32 $0x500, s16;
	s4 =	sadd.s32 s4, s3;
	s10 =	sadd.s32 s0, s1  }
0x18: {  	s23 =	sshrl.u32 s24, $0x2;
	s24 =	sshrl.u32 s15, $0x2;
	[dreg:$0xa] =	wrdreg s4  }
0x19: {  	s4 =	simm.s32 $0x0;
	s25 =	sshrl.u32 s11, $0x2;
	s22 =	sshrl.u32 s13, $0x2  }
0x1a: {  	s14 =	sadd.s32 s23, s1;
	s15 =	sadd.s32 s24, s1;
	s23 =	sadd.s32 s19, s3  }
0x1b: {  	s5 =	sadd.s32 s5, s3;
	s24 =	sadd.s32 s6, s3;
	s26 =	sadd.s32 s26, s3  }
0x1c: {  	s19 =	sadd.s32 $0x18000, s21;
	s6 =	simm.s32 $0x4100;
	[dreg:$0x7] =	wrdreg s23  }
0x1d: {  	s11 =	sadd.s32 s25, s1;
	s13 =	sadd.s32 s22, s1;
	[dreg:$0x8] =	wrdreg s5  }
0x1e: {  	s25 =	sshrl.u32 s8, $0x2;
	s22 =	smul.u32 $0x500, s17;
	[dreg:$0x9] =	wrdreg s24  }
0x1f: {  	s17 =	smul.u32 $0x500, s18;
	[dreg:$0xc] =	wrdreg s26;
	s26 =	sadd.s32 $0x300, s20  }
0x20: {  	s23 =	smov.u32 s21;
	s16 =	sadd.s32 s25, s1;
	s25 =	sadd.s32 s7, s3  }
0x21: {  	s8 =	simm.s32 $0x2;
	s7 =	simm.s32 $0x1;
	[dreg:$0xb] =	wrdreg s25  }
0x22: {  	s0 =	sadd.s32 s22, s3;
	s24 =	sadd.s32 @!p0 s17, s3;
	s22 =	smov.u32 s20  }
0x23: {  	v0 =	vimm.f32 $0.0e+00;
	s3 =	simm.s32 $0x4080;
	[dreg:$0xd] =	wrdreg s0;
	s0 =	simm.s32 $0x80  }
.LBB2_1:
0x24: {  	s5 =	simm.s32 $0x0;
	s17 =	simm.s32 $0x200  }
.LBB2_2:
0x25: {  	p1 =	sne.s32 s17, $0x9E00;
	[tilespmem:s5+$0x8170] =	vst v0  }
0x26: {  	[tilespmem:s5+$0x8100] =	vst v0  }
0x27: {  	[tilespmem:s5+$0x8110] =	vst v0  }
.Ltmp0:
0x28: {  	[tilespmem:s5+$0x8120] =	vst v0;
	(pc) =	sbr.rel @p1 .LBB2_2-.Ltmp0, $4  }
0x29: {  	[tilespmem:s5+$0x8130] =	vst v0  }
0x2a: {  	[tilespmem:s5+$0x8140] =	vst v0  }
0x2b: {  	[tilespmem:s5+$0x8150] =	vst v0  }
0x2c: {  	[tilespmem:s5+$0x8160] =	vst v0;
	s5 =	sshra.s32 s17, $0x2;
	s17 =	sadd.s32 $0x200, s17  }
0x2d: {  	[tilespmem:s5+$0x8170] =	vst v0  }
0x2e: {  	[tilespmem:s5+$0x8100] =	vst v0  }
0x2f: {  	[tilespmem:s5+$0x8110] =	vst v0  }
0x30: {  	[tilespmem:s5+$0x8120] =	vst v0  }
0x31: {  	[tilespmem:s5+$0x8130] =	vst v0  }
0x32: {  	[tilespmem:s5+$0x8140] =	vst v0  }
0x33: {  	[tilespmem:s5+$0x8150] =	vst v0  }
0x34: {  	[tilespmem:s5+$0x8160] =	vst v0  }
0x35: {  	[spmem:s9] =	stream.linear.scatter [tilespmem:s30], [sflag:$0x3], $0x2800, $0x38;
	[tilespmem:$0x1E180] =	vst v63  }
0x36: {  	_ =	swait.ge [sflag:s31], $0x2800  }
0x37: {  	[sflag:s31] =	ssyncset.done $0x0  }
0x38: {  	[sflag:s31] =	ssyncadd.s32 $0xFFFFD800  }
0x39: {  	[spmem:s10] =	stream.linear.scatter [tilespmem:s30], [sflag:$0x3], $0x2800, $0x38;
	[tilespmem:$0x1E180] =	vst v63  }
0x3a: {  	_ =	swait.ge [sflag:s31], $0x2800  }
0x3b: {  	[sflag:s31] =	ssyncset.done $0x0  }
0x3c: {  	[sflag:s31] =	ssyncadd.s32 $0xFFFFD800  }
0x3d: {  	[spmem:s11] =	stream.linear.scatter [tilespmem:s30], [sflag:$0x3], $0x2800, $0x38;
	[tilespmem:$0x1E180] =	vst v63  }
0x3e: {  	_ =	swait.ge [sflag:s31], $0x2800  }
0x3f: {  	[sflag:s31] =	ssyncset.done $0x0  }
0x40: {  	[sflag:s31] =	ssyncadd.s32 $0xFFFFD800  }
0x41: {  	[spmem:s12] =	stream.linear.scatter [tilespmem:s30], [sflag:$0x3], $0x2800, $0x38;
	[tilespmem:$0x1E180] =	vst v63  }
0x42: {  	_ =	swait.ge [sflag:s31], $0x2800  }
0x43: {  	[sflag:s31] =	ssyncset.done $0x0  }
0x44: {  	[sflag:s31] =	ssyncadd.s32 $0xFFFFD800  }
0x45: {  	[spmem:s13] =	stream.linear.scatter [tilespmem:s30], [sflag:$0x3], $0x2800, $0x38;
	[tilespmem:$0x1E180] =	vst v63  }
0x46: {  	_ =	swait.ge [sflag:s31], $0x2800  }
0x47: {  	[sflag:s31] =	ssyncset.done $0x0  }
0x48: {  	[sflag:s31] =	ssyncadd.s32 $0xFFFFD800  }
0x49: {  	[spmem:s14] =	stream.linear.scatter [tilespmem:s30], [sflag:$0x3], $0x2800, $0x38;
	[tilespmem:$0x1E180] =	vst v63  }
0x4a: {  	_ =	swait.ge [sflag:s31], $0x2800  }
0x4b: {  	[sflag:s31] =	ssyncset.done $0x0  }
0x4c: {  	[sflag:s31] =	ssyncadd.s32 $0xFFFFD800  }
0x4d: {  	[spmem:s15] =	stream.linear.scatter [tilespmem:s30], [sflag:$0x3], $0x2800, $0x38;
	[tilespmem:$0x1E180] =	vst v63  }
0x4e: {  	_ =	swait.ge [sflag:s31], $0x2800  }
0x4f: {  	[sflag:s31] =	ssyncset.done $0x0  }
0x50: {  	s5 =	simm.s32 @!p0 $0x8100;
	[sflag:s31] =	ssyncadd.s32 $0xFFFFD800  }
0x51: {  	[spmem:s16] =	stream.linear.scatter @!p0 [tilespmem:s5], [sflag:$0x3], $0x2800, $0x38;
	[tilespmem:$0x1E180] =	vst v63  }
0x52: {  	s5 =	simm.s32 @!p0 $0x3  }
0x53: {  	_ =	swait.ge @!p0 [sflag:s5], $0x2800  }
0x54: {  	[sflag:s5] =	ssyncset.done @!p0 $0x0  }
0x55: {  	[sflag:s5] =	ssyncadd.s32 @!p0 $0xFFFFD800  }
0x56: {  	s18 =	simm.s32 $0x0;
	[bflag:$0x0] =	sbarrier.arrive $0xFFFF  }
0x57: {  	[tilespmem:s18], [sflag:$0x1] =	stream.linear.gather [hbm4b:s22+s18], $0x80, $0x38;
	[tilespmem:$0x1E180] =	vst v63  }
0x58: {  	_ = 	snop  }
0x59: {  	[tilespmem:s0], [sflag:$0x1] =	stream.linear.gather [hbm4b:s23+s18], $0x4000, $0x38;
	[tilespmem:$0x1E180] =	vst v63  }
0x5a: {  	s17 =	rddreg [dreg:$0x4]  }
0x5b: {  	[tilespmem:s3], [sflag:$0x2] =	stream.linear.gather [hbm4b:s17+s18], $0x80, $0x38;
	[tilespmem:$0x1E180] =	vst v63  }
0x5c: {  	s20 =	rddreg [dreg:$0x5]  }
0x5d: {  	[tilespmem:s6], [sflag:$0x2] =	stream.linear.gather [hbm4b:s20+s18], $0x4000, $0x38;
	[tilespmem:$0x1E180] =	vst v63  }
0x5e: {  	_ =	swait.ge [sflag:s7], $0x80  }
0x5f: {  	[sflag:s7] =	ssyncset.done $0x0  }
0x60: {  	[sflag:s7] =	ssyncadd.s32 $0xFFFFFF80  }
0x61: {  	_ =	swait.ge [sflag:s7], $0x4000  }
0x62: {  	[sflag:s7] =	ssyncset.done $0x0  }
0x63: {  	[sflag:s7] =	ssyncadd.s32 $0xFFFFC000  }
0x64: {  	[spmem:s1] =	stream.indirect.scatter.add.f32 [tilespmem:s0], [sflag:$0x3], $0x80, s2, s0, $0xb8;
	[tilespmem:$0x1E180] =	vst v63  }
0x65: {  	_ =	swait.ge [sflag:s31], $0x4000  }
0x66: {  	[sflag:s31] =	ssyncset.done $0x0  }
0x67: {  	s21 =	sadd.s32 $0x0, s29;
	[sflag:s31] =	ssyncadd.s32 $0xFFFFC000  }
0x68: {  	[tilespmem:s2], [sflag:$0x1] =	stream.linear.gather [hbm4b:s21+s2], $0x80, $0x38;
	[tilespmem:$0x1E180] =	vst v63  }
0x69: {  	_ = 	snop  }
0x6a: {  	[tilespmem:s0], [sflag:$0x1] =	stream.linear.gather [hbm4b:s28+s2], $0x4000, $0x38;
	[tilespmem:$0x1E180] =	vst v63  }
0x6b: {  	_ =	swait.ge [sflag:s8], $0x80  }
0x6c: {  	[sflag:s8] =	ssyncset.done $0x0  }
0x6d: {  	[sflag:s8] =	ssyncadd.s32 $0xFFFFFF80  }
0x6e: {  	_ =	swait.ge [sflag:s8], $0x4000  }
0x6f: {  	[sflag:s8] =	ssyncset.done $0x0  }
0x70: {  	[sflag:s8] =	ssyncadd.s32 $0xFFFFC000  }
0x71: {  	[spmem:s1] =	stream.indirect.scatter.add.f32 [tilespmem:s6], [sflag:$0x3], $0x80, s3, s0, $0xb8;
	[tilespmem:$0x1E180] =	vst v63  }
0x72: {  	_ =	swait.ge [sflag:s31], $0x4000  }
0x73: {  	[sflag:s31] =	ssyncset.done $0x0  }
0x74: {  	s25 =	sadd.s32 $0x0, s26;
	s5 =	simm.s32 $0x200;
	[sflag:s31] =	ssyncadd.s32 $0xFFFFC000  }
0x75: {  	[tilespmem:s3], [sflag:$0x2] =	stream.linear.gather [hbm4b:s25+s2], $0x80, $0x38;
	[tilespmem:$0x1E180] =	vst v63  }
0x76: {  	s17 =	sadd.s32 $0x10000, s19;
	s18 =	sadd.s32 $0x10000, s28;
	s25 =	smov.u32 s19  }
.LBB2_4:
0x77: {  	[tilespmem:s6], [sflag:$0x2] =	stream.linear.gather [hbm4b:s25+s2], $0x4000, $0x38;
	[tilespmem:$0x1E180] =	vst v63  }
0x78: {  	s20 =	smov.u32 s5;
	s25 =	smov.u32 s17  }
0x79: {  	p1 =	sne.s32 s5, $0x1000;
	s5 =	sadd.s32 $0x200, s5;
	_ =	swait.ge [sflag:s7], $0x80  }
0x7a: {  	[sflag:s7] =	ssyncset.done $0x0  }
0x7b: {  	[sflag:s7] =	ssyncadd.s32 $0xFFFFFF80  }
0x7c: {  	_ =	swait.ge [sflag:s7], $0x4000  }
0x7d: {  	[sflag:s7] =	ssyncset.done $0x0  }
0x7e: {  	[sflag:s7] =	ssyncadd.s32 $0xFFFFC000  }
0x7f: {  	[spmem:s1] =	stream.indirect.scatter.add.f32 [tilespmem:s0], [sflag:$0x3], $0x80, s2, s0, $0xb8;
	[tilespmem:$0x1E180] =	vst v63  }
0x80: {  	_ =	swait.ge [sflag:s31], $0x4000  }
0x81: {  	[sflag:s31] =	ssyncset.done $0x0  }
0x82: {  	s21 =	sadd.s32 s20, s29;
	[sflag:s31] =	ssyncadd.s32 $0xFFFFC000  }
0x83: {  	[tilespmem:s2], [sflag:$0x1] =	stream.linear.gather [hbm4b:s21+s2], $0x80, $0x38;
	[tilespmem:$0x1E180] =	vst v63  }
0x84: {  	_ = 	snop  }
0x85: {  	[tilespmem:s0], [sflag:$0x1] =	stream.linear.gather [hbm4b:s18+s2], $0x4000, $0x38;
	[tilespmem:$0x1E180] =	vst v63  }
0x86: {  	_ =	swait.ge [sflag:s8], $0x80  }
0x87: {  	[sflag:s8] =	ssyncset.done $0x0  }
0x88: {  	[sflag:s8] =	ssyncadd.s32 $0xFFFFFF80  }
0x89: {  	_ =	swait.ge [sflag:s8], $0x4000  }
0x8a: {  	[sflag:s8] =	ssyncset.done $0x0  }
0x8b: {  	[sflag:s8] =	ssyncadd.s32 $0xFFFFC000  }
0x8c: {  	[spmem:s1] =	stream.indirect.scatter.add.f32 [tilespmem:s6], [sflag:$0x3], $0x80, s3, s0, $0xb8;
	[tilespmem:$0x1E180] =	vst v63  }
.Ltmp1:
0x8d: {  	_ =	swait.ge [sflag:s31], $0x4000;
	(pc) =	sbr.rel @p1 .LBB2_4-.Ltmp1, $4  }
0x8e: {  	[sflag:s31] =	ssyncset.done $0x0  }
0x8f: {  	s20 =	sadd.s32 s20, s26;
	[sflag:s31] =	ssyncadd.s32 $0xFFFFC000  }
0x90: {  	[tilespmem:s3], [sflag:$0x2] =	stream.linear.gather [hbm4b:s20+s2], $0x80, $0x38;
	[tilespmem:$0x1E180] =	vst v63  }
0x91: {  	s17 =	sadd.s32 $0x10000, s17;
	s18 =	sadd.s32 $0x10000, s18  }
0x92: {  	[tilespmem:s6], [sflag:$0x2] =	stream.linear.gather [hbm4b:s25+s2], $0x4000, $0x38;
	[tilespmem:$0x1E180] =	vst v63  }
0x93: {  	_ =	swait.ge [sflag:s7], $0x80  }
0x94: {  	[sflag:s7] =	ssyncset.done $0x0  }
0x95: {  	[sflag:s7] =	ssyncadd.s32 $0xFFFFFF80  }
0x96: {  	_ =	swait.ge [sflag:s7], $0x4000  }
0x97: {  	[sflag:s7] =	ssyncset.done $0x0  }
0x98: {  	[sflag:s7] =	ssyncadd.s32 $0xFFFFC000  }
0x99: {  	[spmem:s1] =	stream.indirect.scatter.add.f32 [tilespmem:s0], [sflag:$0x3], $0x80, s2, s0, $0xb8;
	[tilespmem:$0x1E180] =	vst v63  }
0x9a: {  	_ =	swait.ge [sflag:s31], $0x4000  }
0x9b: {  	[sflag:s31] =	ssyncset.done $0x0  }
0x9c: {  	[sflag:s31] =	ssyncadd.s32 $0xFFFFC000  }
0x9d: {  	_ =	swait.ge [sflag:s8], $0x80  }
0x9e: {  	[sflag:s8] =	ssyncset.done $0x0  }
0x9f: {  	[sflag:s8] =	ssyncadd.s32 $0xFFFFFF80  }
0xa0: {  	_ =	swait.ge [sflag:s8], $0x4000  }
0xa1: {  	[sflag:s8] =	ssyncset.done $0x0  }
0xa2: {  	[sflag:s8] =	ssyncadd.s32 $0xFFFFC000  }
0xa3: {  	[spmem:s1] =	stream.indirect.scatter.add.f32 [tilespmem:s6], [sflag:$0x3], $0x80, s3, s0, $0xb8;
	[tilespmem:$0x1E180] =	vst v63  }
0xa4: {  	_ =	swait.ge [sflag:s31], $0x4000  }
0xa5: {  	[sflag:s31] =	ssyncset.done $0x0  }
0xa6: {  	s5 =	stileid.u32;
	[sflag:s31] =	ssyncadd.s32 $0xFFFFC000  }
0xa7: {  	s5 =	sshll.u32 s5, $0x6;
	[bflag:$0x0] =	sbarrier.arrive $0xFFFF  }
0xa8: {  	s17 =	sshrl.u32 s9, $0x3;
	s5 =	sor.u32 $0x1C03, s5;
	s18 =	rddreg [dreg:$0x7]  }
0xa9: {  	[hbm:s18], [sflag:s5] =	dma.local [spmem:s17], $0x500  }
0xaa: {  	_ =	swait.ge [sflag:s31], $0x500  }
0xab: {  	[sflag:s31] =	ssyncset.done $0x0  }
0xac: {  	s21 =	sshrl.u32 s10, $0x3;
	s25 =	rddreg [dreg:$0x8];
	[sflag:s31] =	ssyncadd.s32 $0xFFFFFB00  }
0xad: {  	[hbm:s25], [sflag:s5] =	dma.local [spmem:s21], $0x500  }
0xae: {  	_ =	swait.ge [sflag:s31], $0x500  }
0xaf: {  	[sflag:s31] =	ssyncset.done $0x0  }
0xb0: {  	s18 =	sshrl.u32 s11, $0x3;
	s20 =	rddreg [dreg:$0x9];
	[sflag:s31] =	ssyncadd.s32 $0xFFFFFB00  }
0xb1: {  	[hbm:s20], [sflag:s5] =	dma.local [spmem:s18], $0x500  }
0xb2: {  	_ =	swait.ge [sflag:s31], $0x500  }
0xb3: {  	[sflag:s31] =	ssyncset.done $0x0  }
0xb4: {  	s21 =	sshrl.u32 s12, $0x3;
	s25 =	rddreg [dreg:$0xa];
	[sflag:s31] =	ssyncadd.s32 $0xFFFFFB00  }
0xb5: {  	[hbm:s25], [sflag:s5] =	dma.local [spmem:s21], $0x500  }
0xb6: {  	_ =	swait.ge [sflag:s31], $0x500  }
0xb7: {  	[sflag:s31] =	ssyncset.done $0x0  }
0xb8: {  	s18 =	sshrl.u32 s13, $0x3;
	s20 =	rddreg [dreg:$0xb];
	[sflag:s31] =	ssyncadd.s32 $0xFFFFFB00  }
0xb9: {  	[hbm:s20], [sflag:s5] =	dma.local [spmem:s18], $0x500  }
0xba: {  	_ =	swait.ge [sflag:s31], $0x500  }
0xbb: {  	[sflag:s31] =	ssyncset.done $0x0  }
0xbc: {  	s21 =	sshrl.u32 s14, $0x3;
	s25 =	rddreg [dreg:$0xc];
	[sflag:s31] =	ssyncadd.s32 $0xFFFFFB00  }
0xbd: {  	[hbm:s25], [sflag:s5] =	dma.local [spmem:s21], $0x500  }
0xbe: {  	_ =	swait.ge [sflag:s31], $0x500  }
0xbf: {  	[sflag:s31] =	ssyncset.done $0x0  }
0xc0: {  	s20 =	sshrl.u32 s15, $0x3;
	s21 =	rddreg [dreg:$0xd];
	[sflag:s31] =	ssyncadd.s32 $0xFFFFFB00  }
0xc1: {  	[hbm:s21], [sflag:s5] =	dma.local [spmem:s20], $0x500  }
0xc2: {  	_ =	swait.ge [sflag:s31], $0x500  }
0xc3: {  	[sflag:s31] =	ssyncset.done $0x0  }
0xc4: {  	s17 =	sshrl.u32 @!p0 s16, $0x3;
	[sflag:s31] =	ssyncadd.s32 $0xFFFFFB00  }
0xc5: {  	[hbm:s24], [sflag:s5] =	dma.local @!p0 [spmem:s17], $0x500  }
0xc6: {  	s5 =	simm.s32 @!p0 $0x3  }
0xc7: {  	_ =	swait.ge @!p0 [sflag:s5], $0x500  }
0xc8: {  	s4 =	sadd.s32 $0x1, s4;
	s25 =	rddreg [dreg:$0x6]  }
0xc9: {  	p1 =	sne.s32 s4, s25  }
.Ltmp2:
0xca: {  	_ = 	snop;
	(pc) =	sbr.rel @p1 .LBB2_1-.Ltmp2, $3  }
0xcb: {  	_ =	sdelay $0x1  }
0xcc: {  	[sflag:s5] =	ssyncset.done @!p0 $0x0  }
0xcd: {  	[sflag:s5] =	ssyncadd.s32 @!p0 $0xFFFFFB00  }
0xce: {  	_ =	sfence.sel $0x180000  }
0xcf: {  	[bflag:$0x0] =	sbarrier.arrive $0xFFFF  }
0xd0: {  	_ =	strace $0x9000004D  }
0xd1: {  	s0 =	stileid.u32;
	[bflag:$0x2] =	sbarrier.arrive $0xFFFF  }
0xd2: {  	p0 =	sne.s32 s0, $0x0;
	s0 =	rddreg [dreg:$0x3]  }
0xd3: {  	s0 =	sadd.s32 @!p0 $0x100000, s0  }
0xd4: {  	[sflag:s0] =	ssyncadd.tile.s32 @!p0 $0x1;
	_ =	shalt  }
.Lfunc_end2:
_tile_overlayer_lowered:
.L_overlay_start_2:
0xd5: {  	(tag) =	ssettag $0x2  }
0xd6: {  	s0 =	rddreg [dreg:$0x0];
	s2 =	stileid.u32  }
0xd7: {  	s1 =	rddreg [dreg:$0x1];
	p0 =	sne.s32 s2, $0x0  }
0xd8: {  	s3 =	rddreg [dreg:$0x2];
	[bflag:$0x3] =	sbarrier.arrive $0xFFFF;
	s2 =	simm.s32 @!p0 $0x1C03  }
0xd9: {  	[timem:s3], [sflag:s2] =	dma.local @!p0 [hbm:s0], s1  }
0xda: {  	s0 =	simm.s32 @!p0 $0x3  }
0xdb: {  	_ =	swait.ge @!p0 [sflag:s0], s1  }
0xdc: {  	s1 =	ssub.s32 @!p0 $0x0, s1;
	[sflag:s0] =	ssyncset.done @!p0 $0x0  }
0xdd: {  	[sflag:s0] =	ssyncadd.s32 @!p0 s1  }
0xde: {  	[bflag:$0x3] =	sbarrier.arrive $0xFFFF  }
0xdf: {  	_ =	shalt  }

// kernel: kernel.21.cloned.1.call-start
scs
__scs_entry_jumppad:
0x0: {  	(pc) =	sbr.rel $0x88, $3  }
0x1: {  	(tag) =	ssettag $0x0;
	lr =	simm.s32 $0x1  }
0x2: {  	[smem:$0x3F8A] =	sst lr;
	_ =	strace $0xD0000000  }
0x3: {  	_ = 	snop  }
0x4: {  	_ = 	snop  }
0x5: {  	_ = 	snop  }
0x6: {  	_ = 	snop  }
0x7: {  	_ = 	snop  }
__scs_overlays_trampoline_lowered:
0x8: {  	[smem:$0x3F99] =	sst s0  }
0x9: {  	[smem:$0x3F9A] =	sst s1  }
0xa: {  	[smem:$0x3F9B] =	sst s2  }
0xb: {  	[smem:$0x3F9C] =	sst s3  }
0xc: {  	[smem:$0x3F9D] =	sst s4  }
0xd: {  	[smem:$0x3F9E] =	sst s5  }
0xe: {  	[smem:$0x3F9F] =	sst s6  }
0xf: {  	[smem:$0x3FA0] =	sst s7  }
0x10: {  	[smem:$0x3FA1] =	sst s8  }
0x11: {  	[smem:$0x3FA2] =	sst s9;
	s0 =	simm.s32 @!p0 $0x0  }
0x12: {  	s1 =	sld [smem:$0x3F88];
	s0 =	simm.s32 @p0 $0x1  }
0x13: {  	[smem:$0x3FA3] =	sst s0;
	s0 =	simm.s32 @!p1 $0x0  }
0x14: {  	s2 =	sld [smem:$0x3F87];
	s0 =	simm.s32 @p1 $0x1  }
0x15: {  	[smem:$0x3FA4] =	sst s0;
	s0 =	simm.s32 @!p2 $0x0  }
0x16: {  	s3 =	sld [smem:$0x3FDB];
	s0 =	simm.s32 @p2 $0x1  }
0x17: {  	s4 =	simm.s32 $0x1BF5;
	[smem:$0x3FA6] =	sst s0  }
0x18: {  	s0 =	sld [smem:$0x3F89];
	_ =	swait.ge [sflag:s4], $0x0  }
0x19: {  	s7 =	sld [smem:$0x3F8A]  }
0x1a: {  	s8 =	sadd.s32 $0xFFFFE003, lr  }
0x1b: {  	s9 =	sadd.s32 $0xFFFFFEF7, lr;
	s5 =	simm.s32 $0xFFFFFFFF;
	p2 =	slt.u32 s8, $0xFFFFF086  }
0x1c: {  	p1 =	slt.u32 s9, $0xF7A;
	s5 =	simm.s32 @!p2 $0x0  }
0x1d: {  	s5 =	simm.s32 @p1 $0x1;
	p0 =	seq.s32 s7, s2  }
0x1e: {  	s7 =	smul.u32 @!p0 $0xF7A, s2;
	p2 =	seq.s32 @!p0 s5, $0x0  }
0x1f: {  	s9 =	smul.u32 $0xF7A, s1;
	s8 =	simm.s32 @!p0 $0x1BF5;
	p2 =	por !p2, p0  }
0x20: {  	[sflag:s8] =	ssyncset.s32 @!p0 $0xFFFFF086;
	s6 =	sadd.s32 @!p0 s3, s7;
	s7 =	simm.s32 @!p0 $0x108  }
0x21: {  	s3 =	sadd.s32 s3, s9;
	s6 =	sadd.s32 @!p0 $0x88, s6;
	s7 =	simm.s32 @p2 $0x1082  }
0x22: {  	[simem:s7], [sflag:s8] =	dma.local @!p0 [hbm:s6], $0xF7A  }
0x23: {  	s9 =	sor.u32 $0xD0000000, s2;
	s6 =	simm.s32 $0x108;
	_ =	swait.ge @!p0 [sflag:s8], $0x0  }
0x24: {  	s3 =	sadd.s32 $0x88, s3;
	s6 =	simm.s32 @!p1 $0x1082;
	[sflag:s4] =	ssyncset.s32 $0xFFFFF086  }
0x25: {  	[simem:s6], [sflag:s4] =	dma.local [hbm:s3], $0xF7A  }
0x26: {  	[smem:$0x3F8A] =	sst s1;
	(tag) =	ssettag s2;
	_ =	strace s9  }
0x27: {  	s1 =	sld [smem:$0x3F9A]  }
0x28: {  	s2 =	sld [smem:$0x3F9B]  }
0x29: {  	s4 =	sld [smem:$0x3F9D]  }
0x2a: {  	p0 =	seq.s32 s5, $0x0;
	s5 =	sld [smem:$0x3F9E]  }
0x2b: {  	s6 =	sld [smem:$0x3F9F]  }
0x2c: {  	s7 =	sld [smem:$0x3FA0]  }
0x2d: {  	s3 =	simm.s32 $0x108;
	s8 =	sld [smem:$0x3FA1]  }
0x2e: {  	s3 =	simm.s32 @!p0 $0x1082;
	s9 =	sld [smem:$0x3FA2]  }
0x2f: {  	lr =	sadd.s32 s0, s3;
	s0 =	sld [smem:$0x3F99]  }
0x30: {  	s3 =	sld [smem:$0x3F9C]  }
0x31: {  	[smem:$0x3FA5] =	sst s10  }
0x32: {  	s10 =	sld [smem:$0x3FA3];
	_ =	sdelay $0x3  }
0x33: {  	p0 =	seq.s32 s10, $0x1;
	s10 =	sld [smem:$0x3FA5];
	_ =	sdelay $0x3  }
0x34: {  	[smem:$0x3FA5] =	sst s10  }
0x35: {  	s10 =	sld [smem:$0x3FA4];
	_ =	sdelay $0x3  }
0x36: {  	p1 =	seq.s32 s10, $0x1;
	s10 =	sld [smem:$0x3FA5];
	_ =	sdelay $0x3  }
0x37: {  	[smem:$0x3FA5] =	sst s10  }
0x38: {  	s10 =	sld [smem:$0x3FA6]  }
0x39: {  	_ = 	snop;
	(pc) =	sbr.ind lr, $3  }
0x3a: {  	_ = 	snop  }
0x3b: {  	_ = 	snop  }
0x3c: {  	p2 =	seq.s32 s10, $0x1;
	s10 =	sld [smem:$0x3FA5]  }
0x3d: {  	_ =	shalt  }
0x3e: {  	_ =	shalt  }
0x3f: {  	_ =	shalt  }
0x40: {  	_ =	shalt  }
0x41: {  	_ =	shalt  }
0x42: {  	_ =	shalt  }
0x43: {  	_ =	shalt  }
0x44: {  	_ =	shalt  }
0x45: {  	_ =	shalt  }
0x46: {  	_ =	shalt  }
0x47: {  	_ =	shalt  }
0x48: {  	_ =	shalt  }
0x49: {  	_ =	shalt  }
0x4a: {  	_ =	shalt  }
0x4b: {  	_ =	shalt  }
0x4c: {  	_ =	shalt  }
0x4d: {  	_ =	shalt  }
0x4e: {  	_ =	shalt  }
0x4f: {  	_ =	shalt  }
0x50: {  	_ =	shalt  }
0x51: {  	_ =	shalt  }
0x52: {  	_ =	shalt  }
0x53: {  	_ =	shalt  }
0x54: {  	_ =	shalt  }
0x55: {  	_ =	shalt  }
0x56: {  	_ =	shalt  }
0x57: {  	_ =	shalt  }
0x58: {  	_ =	shalt  }
0x59: {  	_ =	shalt  }
0x5a: {  	_ =	shalt  }
0x5b: {  	_ =	shalt  }
0x5c: {  	_ =	shalt  }
0x5d: {  	_ =	shalt  }
0x5e: {  	_ =	shalt  }
0x5f: {  	_ =	shalt  }
0x60: {  	_ =	shalt  }
0x61: {  	_ =	shalt  }
0x62: {  	_ =	shalt  }
0x63: {  	_ =	shalt  }
0x64: {  	_ =	shalt  }
0x65: {  	_ =	shalt  }
0x66: {  	_ =	shalt  }
0x67: {  	_ =	shalt  }
0x68: {  	_ =	shalt  }
0x69: {  	_ =	shalt  }
0x6a: {  	_ =	shalt  }
0x6b: {  	_ =	shalt  }
0x6c: {  	_ =	shalt  }
0x6d: {  	_ =	shalt  }
0x6e: {  	_ =	shalt  }
0x6f: {  	_ =	shalt  }
0x70: {  	_ =	shalt  }
0x71: {  	_ =	shalt  }
0x72: {  	_ =	shalt  }
0x73: {  	_ =	shalt  }
0x74: {  	_ =	shalt  }
0x75: {  	_ =	shalt  }
0x76: {  	_ =	shalt  }
0x77: {  	_ =	shalt  }
0x78: {  	_ =	shalt  }
0x79: {  	_ =	shalt  }
0x7a: {  	_ =	shalt  }
0x7b: {  	_ =	shalt  }
0x7c: {  	_ =	shalt  }
0x7d: {  	_ =	shalt  }
0x7e: {  	_ =	shalt  }
0x7f: {  	_ =	shalt  }
0x80: {  	_ =	shalt  }
0x81: {  	_ =	shalt  }
0x82: {  	_ =	shalt  }
0x83: {  	_ =	shalt  }
0x84: {  	_ =	shalt  }
0x85: {  	_ =	shalt  }
0x86: {  	_ =	shalt  }
0x87: {  	_ =	shalt  }
.Lfunc_end0:
.L_simem_size_0:
called_computation.3_lowered:
.L_overlay_start_0:
0x88: {  	s2 =	sld [smem:$0x3FD9]  }
0x89: {  	s3 =	sld [smem:$0x3FFE];
	_ =	sdelay $0x1  }
0x8a: {  	s1 =	srdreg.scid  }
0x8b: {  	s0 =	sand.u32 $0x1, s1  }
0x8c: {  	s17 =	sshll.u32 s0, $0xA;
	s2 =	sadd.s32 s3, s2  }
0x8d: {  	s2 =	sadd.s32 s2, s17  }
0x8e: {  	[smem:$0x3FB1] =	sst s2  }
0x8f: {  	_ = 	snop  }
0x90: {  	s18 =	sld [smem:$0x3FC5];
	(tm) =	ssettm $0x1  }
0x91: {  	s19 =	sld [smem:$0x3FFB];
	_ =	sdelay $0x3  }
0x92: {  	_ =	strace s19  }
0x93: {  	s2 =	sld [smem:$0x3FFC];
	_ =	sdelay $0x3  }
0x94: {  	_ =	strace s2  }
0x95: {  	s2 =	sld [smem:$0x3FFD];
	_ =	sdelay $0x3  }
0x96: {  	_ =	strace s2  }
0x97: {  	_ =	strace $0x8FFFFFFF  }
0x98: {  	s20 =	sld [smem:$0x3FDB];
	_ =	sdelay $0x1  }
0x99: {  	s4 =	simm.s32 $_scs_section_size  }
0x9a: {  	s5 =	simm.s32 $_size__tile_overlayer_lowered;
	s6 =	simm.s32 $_tile_overlayer_lowered  }
0x9b: {  	s7 =	simm.s32 $0x1BFF;
	s21 =	sshll.u32 s6, $0x1;
	s4 =	sadd.s32 s4, s20  }
0x9c: {  	s22 =	simm.s32 $0x0;
	s5 =	sshll.u32 s5, $0x1;
	s6 =	sadd.s32 s21, s4  }
0x9d: {  	[timem:s22], [sflag:s7] =	dma.local [hbm:s6], s5  }
0x9e: {  	_ =	swait.ge [sflag:s7], s5  }
0x9f: {  	s5 =	ssub.s32 $0x0, s5;
	[sflag:s7] =	ssyncset.done $0x0  }
0xa0: {  	[sflag:s7] =	ssyncadd.s32 s5;
	_ =	sdelay $0x1  }
0xa1: {  	s23 =	simm.s32 $0x1B8B  }
0xa2: {  	_ =	swait.ge [sflag:s23], $0x1  }
0xa3: {  	[sflag:s23] =	ssyncset.done $0x0  }
0xa4: {  	[sflag:s23] =	ssyncadd.s32 $0xFFFFFFFF  }
0xa5: {  	s5 =	sld [smem:$0x0]  }
0xa6: {  	s6 =	sand.u32 $0xFFFFFFFE, s1  }
0xa7: {  	p0 =	sne.s32 s1, s6  }
0xa8: {  	s6 =	sshll.u32 @p0 s6, $0xE  }
0xa9: {  	s6 =	sadd.s32 @p0 $0x11B8D, s6;
	s7 =	sshll.u32 @p0 s5, $0x11  }
0xaa: {  	s6 =	sor.u32 @p0 s7, s6  }
0xab: {  	[sflag:s6] =	ssyncadd.remote.s32 @p0 $0x1;
	_ =	sdelay $0x1  }
0xac: {  	s6 =	simm.s32 @p0 $0x1B8D  }
0xad: {  	_ =	swait.eq @p0 [sflag:s6], $0x1  }
0xae: {  	[sflag:s6] =	ssyncadd.s32 @p0 $0xFFFFFFFF  }
0xaf: {  	s7 =	sshll.u32 @!p0 s1, $0xE  }
0xb0: {  	s7 =	sor.u32 @!p0 $0x4000, s7;
	s6 =	simm.s32 @!p0 $0x1B8D  }
0xb1: {  	s5 =	sshll.u32 @!p0 s5, $0x11;
	s7 =	sadd.s32 @!p0 $0x11B8D, s7;
	_ =	swait.eq @!p0 [sflag:s6], $0x1  }
0xb2: {  	s5 =	sor.u32 @!p0 s5, s7;
	[sflag:s6] =	ssyncadd.s32 @!p0 $0xFFFFFFFF  }
0xb3: {  	s25 =	simm.s32 $0x1B8E;
	s24 =	sld [smem:$0x3FFE];
	[sflag:s5] =	ssyncadd.remote.s32 @!p0 $0x1  }
0xb4: {  	s26 =	simm.s32 $execute0_lowered;
	[smem:$0x3FD2] =	sst s25  }
0xb5: {  	s6 =	sshll.u32 s26, $0x1;
	_ =	strace $0x8000004F;
	[dreg:$0x1] =	wrdreg $0xFFFFFFFF  }
0xb6: {  	s28 =	simm.s32 $_size_execute0_lowered;
	s4 =	sadd.s32 s4, s6;
	[dreg:$0x0] =	wrdreg $0x0  }
0xb7: {  	s6 =	sshll.u32 s28, $0x1;
	[dreg:$0x2] =	wrdreg s4  }
0xb8: {  	[dreg:$0x3] =	wrdreg s6  }
0xb9: {  	[dreg:$0x4] =	wrdreg $0xC0  }
0xba: {  	_ =	task [dreg:s22], $0x5FFFF  }
0xbb: {  	[dreg:$0x1] =	wrdreg $0xFFFFFFFF  }
0xbc: {  	[dreg:$0x0] =	wrdreg $0x60  }
0xbd: {  	[dreg:$0x2] =	wrdreg s18  }
0xbe: {  	[dreg:$0x3] =	wrdreg s24  }
0xbf: {  	[dreg:$0x4] =	wrdreg $0xA9000  }
0xc0: {  	[dreg:$0x5] =	wrdreg $0x9  }
0xc1: {  	_ =	task.clear_ibuf [dreg:s22], $0x6FFFF;
	_ =	strace $0x9000004F  }
0xc2: {  	s29 =	simm.s32 $0x9;
	_ =	strace $0x80000051  }
0xc3: {  	_ =	swait.ge [sflag:s29], $0x1  }
0xc4: {  	[sflag:s29] =	ssyncadd.s32 $0xFFFFFFFF  }
0xc5: {  	_ =	strace $0x90000051  }
0xc6: {  	_ =	sfence  }
0xc7: {  	s30 =	sld [smem:$0x0];
	_ =	sdelay $0x2  }
0xc8: {  	s31 =	sshll.u32 s1, $0xD;
	s1 =	sshrl.u32 s1, $0x2  }
0xc9: {  	s4 =	sand.u32 $0x4000, s31;
	s1 =	sadd.s32 s1, s30  }
0xca: {  	s0 =	sor.u32 s4, s0;
	s1 =	sshll.u32 s1, $0x11  }
0xcb: {  	s0 =	sor.u32 s1, s0  }
0xcc: {  	s0 =	sadd.s32 $0x8F2B, s0  }
0xcd: {  	[sflag:s0] =	ssyncadd.remote.s32 $0x1  }
0xce: {  	_ =	sfence.sel $0xFFFF  }
0xcf: {  	[dreg:$0x0] =	wrdreg $0xFFFFFFFF;
	(pc) =	sbr.abs _section_cstart, $3  }
0xd0: {  	[dreg:$0x1] =	wrdreg $0xFFFFFFFF  }
0xd1: {  	_ =	task.clear_ibuf [dreg:s22], $0x2FFFF;
	_ =	strace $0x9FFFFFFF  }
0xd2: {  	(tm) =	ssettm $0x7FFFFFFF  }
0xd3: {  	_ =	shalt  }
tec
execute0_lowered:
.L_overlay_start_1:
0x0: {  	(tag) =	ssettag $0x1  }
0x1: {  	s2 =	rddreg [dreg:$0x0]  }
0x2: {  	s0 =	srdreg.scid;
	s3 =	rddreg [dreg:$0x1]  }
0x3: {  	s1 =	simm.s32 $0x0;
	s28 =	stileid.u32;
	s29 =	simm.s32 $0x8100  }
0x4: {  	s30 =	simm.s32 $0x3;
	s4 =	sand.u32 $0x1, s0;
	s19 =	smul.u32 $0x500, s28  }
0x5: {  	s31 =	simm.s32 $0x80;
	s0 =	rddreg [dreg:$0x2];
	s5 =	smul.u32 $0x27100, s4  }
0x6: {  	[smem:$0x7FF] =	sst s1;
	s17 =	sor.u32 $0x10, s28;
	s6 =	smul.u32 $0x131, s4  }
0x7: {  	s7 =	sadd.s32 $0x3B5E00, s3;
	s11 =	sadd.s32 $0x2800, s2;
	s12 =	smul.u32 $0xA000, s17  }
0x8: {  	s13 =	sor.u32 $0x20, s28;
	s22 =	sor.u32 $0x60, s28;
	s14 =	smul.u32 $0x500, s17  }
0x9: {  	s24 =	sshll.u32 s28, $0xB;
	s26 =	sshll.u32 s28, $0x4;
	s23 =	smul.u32 $0x98800, s4  }
0xa: {  	p1 =	sne.s32 s28, $0x0;
	s8 =	ssub.s32 $0x2, s4;
	s4 =	smul.u32 $0x1310, s4  }
0xb: {  	s25 =	smul.u32 $0x500, s22;
	s15 =	sshrl.u32 s8, $0x1;
	s3 =	sadd.s32 s5, s3  }
0xc: {  	s9 =	sadd.s32 s28, s6;
	s10 =	ssub.s32 s8, s15;
	s6 =	sadd.s32 s17, s6  }
0xd: {  	s15 =	smul.u32 $0x500, s13;
	s2 =	sadd.s32 s4, s2;
	s16 =	sshll.u32 s9, $0x4  }
0xe: {  	s9 =	sshll.u32 s9, $0xB;
	s20 =	sshll.u32 s6, $0x4;
	s6 =	sshll.u32 s6, $0xB  }
0xf: {  	s3 =	sadd.s32 $0x52800, s3;
	s2 =	sadd.s32 s26, s2;
	s26 =	smul.u32 $0xA000, s13  }
0x10: {  	s13 =	sshrl.u32 s12, $0x2;
	s5 =	sadd.s32 s16, s11;
	s18 =	sadd.s32 s7, s9  }
0x11: {  	s8 =	sadd.s32 s20, s11;
	s6 =	sadd.s32 s7, s6;
	s20 =	sor.u32 $0x50, s28  }
0x12: {  	s7 =	sadd.s32 s23, s7;
	s23 =	sor.u32 $0x70, s28;
	[dreg:$0x4] =	wrdreg s5  }
0x13: {  	s9 =	sadd.s32 s19, s3;
	[dreg:$0x5] =	wrdreg s18;
	s17 =	smul.u32 $0x500, s20  }
0x14: {  	s14 =	sadd.s32 s14, s3;
	[dreg:$0x6] =	wrdreg s8;
	s4 =	smul.u32 $0x500, s23  }
0x15: {  	s5 =	sor.u32 $0x30, s28;
	[dreg:$0x7] =	wrdreg s6;
	s11 =	smul.u32 $0xA000, s20  }
0x16: {  	s6 =	sor.u32 $0x40, s28;
	s18 =	sadd.s32 s15, s3;
	s15 =	smul.u32 $0xA000, s22  }
0x17: {  	s8 =	sadd.s32 s24, s7;
	[dreg:$0x8] =	wrdreg s9;
	s21 =	smul.u32 $0x500, s5  }
0x18: {  	p0 =	sgt.u32 s23, $0x7C;
	[dreg:$0x9] =	wrdreg s14;
	s16 =	smul.u32 $0x500, s6  }
0x19: {  	s20 =	sadd.s32 s13, s0;
	[dreg:$0xa] =	wrdreg s18;
	s6 =	smul.u32 $0xA000, s6  }
0x1a: {  	s18 =	smax.u32 s10, $0x1;
	s14 =	smul.u32 $0xA000, s5;
	s10 =	sadd.s32 $0x2B00, s2  }
0x1b: {  	s2 =	simm.s32 $0x4100;
	s24 =	sadd.s32 s17, s3;
	s17 =	sadd.s32 @!p0 s4, s3  }
0x1c: {  	s4 =	sshrl.u32 s11, $0x2;
	s19 =	sadd.s32 s21, s3;
	s21 =	sadd.s32 s16, s3  }
0x1d: {  	[dreg:$0xd] =	wrdreg s24;
	s16 =	sadd.s32 s25, s3;
	s25 =	smul.u32 $0xA000, s28  }
0x1e: {  	s3 =	sshrl.u32 s26, $0x2;
	s24 =	sshrl.u32 s14, $0x2;
	[dreg:$0xb] =	wrdreg s19  }
0x1f: {  	s6 =	sshrl.u32 s6, $0x2;
	s14 =	simm.s32 $0x4080;
	[dreg:$0xc] =	wrdreg s21  }
0x20: {  	s21 =	sadd.s32 s3, s0;
	s22 =	sadd.s32 s24, s0;
	s24 =	sadd.s32 s4, s0  }
0x21: {  	s3 =	sshrl.u32 s15, $0x2;
	s9 =	sshrl.u32 s25, $0x2;
	s25 =	smul.u32 $0xA000, s23  }
0x22: {  	s4 =	simm.s32 $0x2;
	_ =	strace $0x80000050;
	s23 =	sadd.s32 s6, s0  }
0x23: {  	s6 =	simm.s32 $0x0;
	s19 =	sadd.s32 s9, s0;
	s26 =	sshrl.u32 s25, $0x2  }
0x24: {  	v0 =	vimm.f32 $0.0e+00;
	s25 =	sadd.s32 s3, s0;
	s3 =	simm.s32 $0x1;
	s26 =	sadd.s32 s26, s0  }
.LBB2_1:
0x25: {  	s7 =	simm.s32 $0x0;
	s9 =	simm.s32 $0x200  }
.LBB2_2:
0x26: {  	p2 =	sne.s32 s9, $0x9E00;
	[tilespmem:s7+$0x8170] =	vst v0  }
0x27: {  	[tilespmem:s7+$0x8100] =	vst v0  }
0x28: {  	[tilespmem:s7+$0x8110] =	vst v0  }
.Ltmp0:
0x29: {  	[tilespmem:s7+$0x8120] =	vst v0;
	(pc) =	sbr.rel @p2 .LBB2_2-.Ltmp0, $4  }
0x2a: {  	[tilespmem:s7+$0x8130] =	vst v0  }
0x2b: {  	[tilespmem:s7+$0x8140] =	vst v0  }
0x2c: {  	[tilespmem:s7+$0x8150] =	vst v0  }
0x2d: {  	[tilespmem:s7+$0x8160] =	vst v0;
	s7 =	sshra.s32 s9, $0x2;
	s9 =	sadd.s32 $0x200, s9  }
0x2e: {  	[tilespmem:s7+$0x8170] =	vst v0  }
0x2f: {  	[tilespmem:s7+$0x8100] =	vst v0  }
0x30: {  	[tilespmem:s7+$0x8110] =	vst v0  }
0x31: {  	[tilespmem:s7+$0x8120] =	vst v0  }
0x32: {  	[tilespmem:s7+$0x8130] =	vst v0  }
0x33: {  	[tilespmem:s7+$0x8140] =	vst v0  }
0x34: {  	[tilespmem:s7+$0x8150] =	vst v0  }
0x35: {  	[tilespmem:s7+$0x8160] =	vst v0  }
0x36: {  	[spmem:s19] =	stream.linear.scatter [tilespmem:s29], [sflag:$0x3], $0x2800, $0x38;
	[tilespmem:$0x1E180] =	vst v63  }
0x37: {  	_ =	swait.ge [sflag:s30], $0x2800  }
0x38: {  	[sflag:s30] =	ssyncset.done $0x0  }
0x39: {  	[sflag:s30] =	ssyncadd.s32 $0xFFFFD800  }
0x3a: {  	[spmem:s20] =	stream.linear.scatter [tilespmem:s29], [sflag:$0x3], $0x2800, $0x38;
	[tilespmem:$0x1E180] =	vst v63  }
0x3b: {  	_ =	swait.ge [sflag:s30], $0x2800  }
0x3c: {  	[sflag:s30] =	ssyncset.done $0x0  }
0x3d: {  	[sflag:s30] =	ssyncadd.s32 $0xFFFFD800  }
0x3e: {  	[spmem:s21] =	stream.linear.scatter [tilespmem:s29], [sflag:$0x3], $0x2800, $0x38;
	[tilespmem:$0x1E180] =	vst v63  }
0x3f: {  	_ =	swait.ge [sflag:s30], $0x2800  }
0x40: {  	[sflag:s30] =	ssyncset.done $0x0  }
0x41: {  	[sflag:s30] =	ssyncadd.s32 $0xFFFFD800  }
0x42: {  	[spmem:s22] =	stream.linear.scatter [tilespmem:s29], [sflag:$0x3], $0x2800, $0x38;
	[tilespmem:$0x1E180] =	vst v63  }
0x43: {  	_ =	swait.ge [sflag:s30], $0x2800  }
0x44: {  	[sflag:s30] =	ssyncset.done $0x0  }
0x45: {  	[sflag:s30] =	ssyncadd.s32 $0xFFFFD800  }
0x46: {  	[spmem:s23] =	stream.linear.scatter [tilespmem:s29], [sflag:$0x3], $0x2800, $0x38;
	[tilespmem:$0x1E180] =	vst v63  }
0x47: {  	_ =	swait.ge [sflag:s30], $0x2800  }
0x48: {  	[sflag:s30] =	ssyncset.done $0x0  }
0x49: {  	[sflag:s30] =	ssyncadd.s32 $0xFFFFD800  }
0x4a: {  	[spmem:s24] =	stream.linear.scatter [tilespmem:s29], [sflag:$0x3], $0x2800, $0x38;
	[tilespmem:$0x1E180] =	vst v63  }
0x4b: {  	_ =	swait.ge [sflag:s30], $0x2800  }
0x4c: {  	[sflag:s30] =	ssyncset.done $0x0  }
0x4d: {  	[sflag:s30] =	ssyncadd.s32 $0xFFFFD800  }
0x4e: {  	[spmem:s25] =	stream.linear.scatter [tilespmem:s29], [sflag:$0x3], $0x2800, $0x38;
	[tilespmem:$0x1E180] =	vst v63  }
0x4f: {  	_ =	swait.ge [sflag:s30], $0x2800  }
0x50: {  	[sflag:s30] =	ssyncset.done $0x0  }
0x51: {  	s7 =	simm.s32 @!p0 $0x8100;
	[sflag:s30] =	ssyncadd.s32 $0xFFFFD800  }
0x52: {  	[spmem:s26] =	stream.linear.scatter @!p0 [tilespmem:s7], [sflag:$0x3], $0x2800, $0x38;
	[tilespmem:$0x1E180] =	vst v63  }
0x53: {  	s7 =	simm.s32 @!p0 $0x3  }
0x54: {  	_ =	swait.ge @!p0 [sflag:s7], $0x2800  }
0x55: {  	[sflag:s7] =	ssyncset.done @!p0 $0x0  }
0x56: {  	[sflag:s7] =	ssyncadd.s32 @!p0 $0xFFFFD800  }
0x57: {  	[bflag:$0x0] =	sbarrier.arrive $0xFFFF  }
0x58: {  	s12 =	simm.s32 $0x0;
	s9 =	rddreg [dreg:$0x4]  }
0x59: {  	[tilespmem:s12], [sflag:$0x1] =	stream.linear.gather [hbm4b:s9+s12], $0x80, $0x38;
	[tilespmem:$0x1E180] =	vst v63  }
0x5a: {  	s13 =	rddreg [dreg:$0x5]  }
0x5b: {  	[tilespmem:s31], [sflag:$0x1] =	stream.linear.gather [hbm4b:s13+s12], $0x4000, $0x38;
	[tilespmem:$0x1E180] =	vst v63  }
0x5c: {  	s15 =	rddreg [dreg:$0x6]  }
0x5d: {  	[tilespmem:s14], [sflag:$0x2] =	stream.linear.gather [hbm4b:s15+s12], $0x80, $0x38;
	[tilespmem:$0x1E180] =	vst v63  }
0x5e: {  	s11 =	rddreg [dreg:$0x7]  }
0x5f: {  	[tilespmem:s2], [sflag:$0x2] =	stream.linear.gather [hbm4b:s11+s12], $0x4000, $0x38;
	[tilespmem:$0x1E180] =	vst v63  }
0x60: {  	_ =	swait.ge [sflag:s3], $0x80  }
0x61: {  	[sflag:s3] =	ssyncset.done $0x0  }
0x62: {  	[sflag:s3] =	ssyncadd.s32 $0xFFFFFF80  }
0x63: {  	_ =	swait.ge [sflag:s3], $0x4000  }
0x64: {  	[sflag:s3] =	ssyncset.done $0x0  }
0x65: {  	[sflag:s3] =	ssyncadd.s32 $0xFFFFC000  }
0x66: {  	[spmem:s0] =	stream.indirect.scatter.add.f32 [tilespmem:s31], [sflag:$0x3], $0x80, s1, s31, $0xb8;
	[tilespmem:$0x1E180] =	vst v63  }
0x67: {  	_ =	swait.ge [sflag:s30], $0x4000  }
0x68: {  	[sflag:s30] =	ssyncset.done $0x0  }
0x69: {  	s13 =	sadd.s32 $0x0, s8;
	s12 =	sadd.s32 $0xFFFFFF00, s10;
	[sflag:s30] =	ssyncadd.s32 $0xFFFFC000  }
0x6a: {  	[tilespmem:s1], [sflag:$0x1] =	stream.linear.gather [hbm4b:s12+s1], $0x80, $0x38;
	[tilespmem:$0x1E180] =	vst v63  }
0x6b: {  	s15 =	sadd.s32 $0x10000, s13  }
0x6c: {  	[tilespmem:s31], [sflag:$0x1] =	stream.linear.gather [hbm4b:s15+s1], $0x4000, $0x38;
	[tilespmem:$0x1E180] =	vst v63  }
0x6d: {  	_ =	swait.ge [sflag:s4], $0x80  }
0x6e: {  	[sflag:s4] =	ssyncset.done $0x0  }
0x6f: {  	[sflag:s4] =	ssyncadd.s32 $0xFFFFFF80  }
0x70: {  	_ =	swait.ge [sflag:s4], $0x4000  }
0x71: {  	[sflag:s4] =	ssyncset.done $0x0  }
0x72: {  	[sflag:s4] =	ssyncadd.s32 $0xFFFFC000  }
0x73: {  	[spmem:s0] =	stream.indirect.scatter.add.f32 [tilespmem:s2], [sflag:$0x3], $0x80, s14, s31, $0xb8;
	[tilespmem:$0x1E180] =	vst v63  }
0x74: {  	p3 =	sgt.u32 s5, $0x130;
	_ =	swait.ge [sflag:s30], $0x4000  }
0x75: {  	s28 =	smov.u32 s10;
	s7 =	simm.s32 @!p3 $0x4080;
	[sflag:s30] =	ssyncset.done $0x0  }
0x76: {  	s9 =	sadd.s32 $0x20, s5;
	s11 =	simm.s32 @!p3 $0x0;
	[sflag:s30] =	ssyncadd.s32 $0xFFFFC000  }
0x77: {  	[tilespmem:s7], [sflag:$0x2] =	stream.linear.gather @!p3 [hbm4b:s10+s11], $0x80, $0x38;
	[tilespmem:$0x1E180] =	vst v63  }
0x78: {  	s13 =	sadd.s32 @!p3 $0x0, s8;
	s12 =	simm.s32 @!p3 $0x4100;
	s7 =	simm.s32 $0x10000  }
.LBB2_4:
0x79: {  	s13 =	sadd.s32 @!p3 $0x18000, s13  }
0x7a: {  	s28 =	sadd.s32 $0x200, s28;
	s15 =	smov.u32 s7;
	s7 =	sadd.s32 $0x10000, s7  }
0x7b: {  	[tilespmem:s12], [sflag:$0x2] =	stream.linear.gather @!p3 [hbm4b:s13+s11], $0x4000, $0x38;
	[tilespmem:$0x1E180] =	vst v63  }
0x7c: {  	p2 =	sne.s32 s7, $0x90000;
	_ =	swait.ge [sflag:s3], $0x80  }
0x7d: {  	[sflag:s3] =	ssyncset.done $0x0  }
0x7e: {  	[sflag:s3] =	ssyncadd.s32 $0xFFFFFF80  }
0x7f: {  	_ =	swait.ge [sflag:s3], $0x4000  }
0x80: {  	[sflag:s3] =	ssyncset.done $0x0  }
0x81: {  	[sflag:s3] =	ssyncadd.s32 $0xFFFFC000  }
0x82: {  	[spmem:s0] =	stream.indirect.scatter.add.f32 [tilespmem:s31], [sflag:$0x3], $0x80, s1, s31, $0xb8;
	[tilespmem:$0x1E180] =	vst v63  }
0x83: {  	_ =	swait.ge [sflag:s30], $0x4000  }
0x84: {  	[sflag:s30] =	ssyncset.done $0x0  }
0x85: {  	s11 =	sadd.s32 $0xFFFFFF00, s28;
	s12 =	sadd.s32 s15, s8;
	[sflag:s30] =	ssyncadd.s32 $0xFFFFC000  }
0x86: {  	[tilespmem:s1], [sflag:$0x1] =	stream.linear.gather [hbm4b:s11+s1], $0x80, $0x38;
	[tilespmem:$0x1E180] =	vst v63  }
0x87: {  	s11 =	sadd.s32 $0x10000, s12  }
0x88: {  	[tilespmem:s31], [sflag:$0x1] =	stream.linear.gather [hbm4b:s11+s1], $0x4000, $0x38;
	[tilespmem:$0x1E180] =	vst v63  }
0x89: {  	_ =	swait.ge [sflag:s4], $0x80  }
0x8a: {  	[sflag:s4] =	ssyncset.done $0x0  }
0x8b: {  	[sflag:s4] =	ssyncadd.s32 $0xFFFFFF80  }
0x8c: {  	_ =	swait.ge [sflag:s4], $0x4000  }
0x8d: {  	[sflag:s4] =	ssyncset.done $0x0  }
0x8e: {  	[sflag:s4] =	ssyncadd.s32 $0xFFFFC000  }
0x8f: {  	[spmem:s0] =	stream.indirect.scatter.add.f32 [tilespmem:s2], [sflag:$0x3], $0x80, s14, s31, $0xb8;
	[tilespmem:$0x1E180] =	vst v63  }
.Ltmp1:
0x90: {  	_ =	swait.ge [sflag:s30], $0x4000;
	(pc) =	sbr.rel @p2 .LBB2_4-.Ltmp1, $4  }
0x91: {  	p3 =	sgt.u32 s9, $0x130;
	[sflag:s30] =	ssyncset.done $0x0  }
0x92: {  	s12 =	simm.s32 @!p3 $0x4080;
	s11 =	simm.s32 @!p3 $0x0;
	[sflag:s30] =	ssyncadd.s32 $0xFFFFC000  }
0x93: {  	[tilespmem:s12], [sflag:$0x2] =	stream.linear.gather @!p3 [hbm4b:s28+s11], $0x80, $0x38;
	[tilespmem:$0x1E180] =	vst v63  }
0x94: {  	s9 =	sadd.s32 $0x20, s9;
	s13 =	sadd.s32 @!p3 s15, s8;
	s12 =	simm.s32 @!p3 $0x4100  }
0x95: {  	s7 =	sadd.s32 @!p3 $0x18000, s13  }
0x96: {  	[tilespmem:s12], [sflag:$0x2] =	stream.linear.gather @!p3 [hbm4b:s7+s11], $0x4000, $0x38;
	[tilespmem:$0x1E180] =	vst v63  }
0x97: {  	_ =	swait.ge [sflag:s3], $0x80  }
0x98: {  	[sflag:s3] =	ssyncset.done $0x0  }
0x99: {  	[sflag:s3] =	ssyncadd.s32 $0xFFFFFF80  }
0x9a: {  	_ =	swait.ge [sflag:s3], $0x4000  }
0x9b: {  	[sflag:s3] =	ssyncset.done $0x0  }
0x9c: {  	[sflag:s3] =	ssyncadd.s32 $0xFFFFC000  }
0x9d: {  	[spmem:s0] =	stream.indirect.scatter.add.f32 [tilespmem:s31], [sflag:$0x3], $0x80, s1, s31, $0xb8;
	[tilespmem:$0x1E180] =	vst v63  }
0x9e: {  	_ =	swait.ge [sflag:s30], $0x4000  }
0x9f: {  	[sflag:s30] =	ssyncset.done $0x0  }
0xa0: {  	s7 =	simm.s32 @!p1 $0x2;
	[sflag:s30] =	ssyncadd.s32 $0xFFFFC000  }
0xa1: {  	_ =	swait.ge @!p1 [sflag:s7], $0x80  }
0xa2: {  	[sflag:s7] =	ssyncset.done @!p1 $0x0  }
0xa3: {  	[sflag:s7] =	ssyncadd.s32 @!p1 $0xFFFFFF80  }
0xa4: {  	_ =	swait.ge @!p1 [sflag:s7], $0x4000  }
0xa5: {  	s9 =	simm.s32 @!p1 $0x4080;
	[sflag:s7] =	ssyncset.done @!p1 $0x0  }
0xa6: {  	s11 =	simm.s32 @!p1 $0x4100;
	[sflag:s7] =	ssyncadd.s32 @!p1 $0xFFFFC000;
	s7 =	simm.s32 @!p1 $0x80  }
0xa7: {  	[spmem:s0] =	stream.indirect.scatter.add.f32 @!p1 [tilespmem:s11], [sflag:$0x3], $0x80, s9, s7, $0xb8;
	[tilespmem:$0x1E180] =	vst v63  }
0xa8: {  	s7 =	simm.s32 @!p1 $0x3  }
0xa9: {  	_ =	swait.ge @!p1 [sflag:s7], $0x4000  }
0xaa: {  	[sflag:s7] =	ssyncset.done @!p1 $0x0  }
0xab: {  	s11 =	stileid.u32;
	[sflag:s7] =	ssyncadd.s32 @!p1 $0xFFFFC000  }
0xac: {  	s7 =	sshll.u32 s11, $0x6;
	[bflag:$0x0] =	sbarrier.arrive $0xFFFF  }
0xad: {  	s12 =	sshrl.u32 s19, $0x3;
	s7 =	sor.u32 $0x1C03, s7;
	s13 =	rddreg [dreg:$0x8]  }
0xae: {  	[hbm:s13], [sflag:s7] =	dma.local [spmem:s12], $0x500  }
0xaf: {  	_ =	swait.ge [sflag:s30], $0x500  }
0xb0: {  	[sflag:s30] =	ssyncset.done $0x0  }
0xb1: {  	s15 =	sshrl.u32 s20, $0x3;
	s28 =	rddreg [dreg:$0x9];
	[sflag:s30] =	ssyncadd.s32 $0xFFFFFB00  }
0xb2: {  	[hbm:s28], [sflag:s7] =	dma.local [spmem:s15], $0x500  }
0xb3: {  	_ =	swait.ge [sflag:s30], $0x500  }
0xb4: {  	[sflag:s30] =	ssyncset.done $0x0  }
0xb5: {  	s12 =	sshrl.u32 s21, $0x3;
	s13 =	rddreg [dreg:$0xa];
	[sflag:s30] =	ssyncadd.s32 $0xFFFFFB00  }
0xb6: {  	[hbm:s13], [sflag:s7] =	dma.local [spmem:s12], $0x500  }
0xb7: {  	_ =	swait.ge [sflag:s30], $0x500  }
0xb8: {  	[sflag:s30] =	ssyncset.done $0x0  }
0xb9: {  	s15 =	sshrl.u32 s22, $0x3;
	s28 =	rddreg [dreg:$0xb];
	[sflag:s30] =	ssyncadd.s32 $0xFFFFFB00  }
0xba: {  	[hbm:s28], [sflag:s7] =	dma.local [spmem:s15], $0x500  }
0xbb: {  	_ =	swait.ge [sflag:s30], $0x500  }
0xbc: {  	[sflag:s30] =	ssyncset.done $0x0  }
0xbd: {  	s11 =	sshrl.u32 s23, $0x3;
	s12 =	rddreg [dreg:$0xc];
	[sflag:s30] =	ssyncadd.s32 $0xFFFFFB00  }
0xbe: {  	[hbm:s12], [sflag:s7] =	dma.local [spmem:s11], $0x500  }
0xbf: {  	_ =	swait.ge [sflag:s30], $0x500  }
0xc0: {  	[sflag:s30] =	ssyncset.done $0x0  }
0xc1: {  	s13 =	sshrl.u32 s24, $0x3;
	s15 =	rddreg [dreg:$0xd];
	[sflag:s30] =	ssyncadd.s32 $0xFFFFFB00  }
0xc2: {  	[hbm:s15], [sflag:s7] =	dma.local [spmem:s13], $0x500  }
0xc3: {  	_ =	swait.ge [sflag:s30], $0x500  }
0xc4: {  	[sflag:s30] =	ssyncset.done $0x0  }
0xc5: {  	s28 =	sshrl.u32 s25, $0x3;
	[sflag:s30] =	ssyncadd.s32 $0xFFFFFB00  }
0xc6: {  	[hbm:s16], [sflag:s7] =	dma.local [spmem:s28], $0x500  }
0xc7: {  	_ =	swait.ge [sflag:s30], $0x500  }
0xc8: {  	s6 =	sadd.s32 $0x1, s6;
	[sflag:s30] =	ssyncset.done $0x0  }
0xc9: {  	p2 =	sne.s32 s6, s18;
	s9 =	sshrl.u32 @!p0 s26, $0x3;
	[sflag:s30] =	ssyncadd.s32 $0xFFFFFB00  }
0xca: {  	[hbm:s17], [sflag:s7] =	dma.local @!p0 [spmem:s9], $0x500  }
.Ltmp2:
0xcb: {  	_ = 	snop;
	(pc) =	sbr.rel @p2 .LBB2_1-.Ltmp2, $4  }
0xcc: {  	s7 =	simm.s32 @!p0 $0x3  }
0xcd: {  	_ =	swait.ge @!p0 [sflag:s7], $0x500  }
0xce: {  	[sflag:s7] =	ssyncset.done @!p0 $0x0  }
0xcf: {  	[sflag:s7] =	ssyncadd.s32 @!p0 $0xFFFFFB00  }
0xd0: {  	_ =	sfence.sel $0x180000  }
0xd1: {  	[bflag:$0x0] =	sbarrier.arrive $0xFFFF  }
0xd2: {  	_ =	strace $0x90000050  }
0xd3: {  	[bflag:$0x2] =	sbarrier.arrive $0xFFFF  }
0xd4: {  	s0 =	rddreg [dreg:$0x3]  }
0xd5: {  	s0 =	sadd.s32 @!p1 $0x100000, s0  }
0xd6: {  	[sflag:s0] =	ssyncadd.tile.s32 @!p1 $0x1;
	_ =	shalt  }
.Lfunc_end2:
_tile_overlayer_lowered:
.L_overlay_start_2:
0xd7: {  	(tag) =	ssettag $0x2  }
0xd8: {  	s0 =	rddreg [dreg:$0x0];
	s2 =	stileid.u32  }
0xd9: {  	s1 =	rddreg [dreg:$0x1];
	p0 =	sne.s32 s2, $0x0  }
0xda: {  	s3 =	rddreg [dreg:$0x2];
	[bflag:$0x3] =	sbarrier.arrive $0xFFFF;
	s2 =	simm.s32 @!p0 $0x1C03  }
0xdb: {  	[timem:s3], [sflag:s2] =	dma.local @!p0 [hbm:s0], s1  }
0xdc: {  	s0 =	simm.s32 @!p0 $0x3  }
0xdd: {  	_ =	swait.ge @!p0 [sflag:s0], s1  }
0xde: {  	s1 =	ssub.s32 @!p0 $0x0, s1;
	[sflag:s0] =	ssyncset.done @!p0 $0x0  }
0xdf: {  	[sflag:s0] =	ssyncadd.s32 @!p0 s1  }
0xe0: {  	[bflag:$0x3] =	sbarrier.arrive $0xFFFF  }
0xe1: {  	_ =	shalt  }

</sc_bundles>
